<compile_context>
chip_gen: v7x
topology: tpu7x:2x2x1
jax: 0.10.2.dev20260603
libtpu: 0.0.44.dev20260713+nightly
codegen_flags: <defaults>
</compile_context>

<pallas_src>
import jax
import jax.numpy as jnp
from jax import lax
from jax.experimental import pallas as pl
from jax.experimental.pallas import tpu as pltpu
from jax.experimental.pallas import tpu_sc as plsc

B, N, C = 4, 4096, 96
HEADS, HD = 2, 48
HID = 384
G = 128
NP = G * G
M = B * NP
SCALE = HD ** -0.5
C1 = 1.0 / (1.0 + 1e-6)

_NC, _NS = 2, 16
NW = _NC * _NS
_K = 64
CP = 128


_NB = 4


def _sc_gather(table, idxg, D, m_total):
    m_per_w = m_total // NW
    nchunk = m_per_w // _K

    def body(tab_hbm, idx_hbm, out_hbm, idx_v, rb0, rb1, rb2, rb3,
             g0, g1, g2, g3, w0, w1, w2, w3):
        rbs = (rb0, rb1, rb2, rb3)
        gsems = (g0, g1, g2, g3)
        wsems = (w0, w1, w2, w3)
        wid = lax.axis_index("s") * _NC + lax.axis_index("c")
        base = wid * m_per_w
        pltpu.sync_copy(idx_hbm.at[pl.ds(base, m_per_w)], idx_v)

        def gstart(i, b):
            pltpu.async_copy(tab_hbm.at[idx_v.at[pl.ds(i * _K, _K)]],
                             rbs[b], gsems[b])

        def wstart(i, b):
            pltpu.async_copy(rbs[b], out_hbm.at[pl.ds(base + i * _K, _K)],
                             wsems[b])

        for b in range(_NB):
            gstart(b, b)

        def step(j, carry):
            for b in range(_NB):
                i = j * _NB + b
                pltpu.make_async_copy(tab_hbm.at[pl.ds(0, _K)], rbs[b],
                                      gsems[b]).wait()
                wstart(i, b)
            for b in range(_NB):
                i_next = (j + 1) * _NB + b
                pltpu.make_async_copy(tab_hbm.at[pl.ds(0, _K)], rbs[b],
                                      wsems[b]).wait()

                @pl.when(i_next < nchunk)
                def _():
                    gstart(i_next, b)

            return carry

        lax.fori_loop(0, nchunk // _NB, step, 0)

    mesh = plsc.VectorSubcoreMesh(core_axis_name="c", subcore_axis_name="s")
    return pl.kernel(
        body,
        out_type=jax.ShapeDtypeStruct((m_total, D), jnp.float32),
        mesh=mesh,
        scratch_types=[pltpu.VMEM((m_per_w,), jnp.int32)]
        + [pltpu.VMEM((_K, D), jnp.float32)] * _NB
        + [pltpu.SemaphoreType.DMA] * (2 * _NB),
    )(table, idxg)


def _sc_scatter(s0, s1, s2, idx3, ones_t, zeros_t):
    per_sub = NP // _NS
    nchunk = per_sub // _K
    rows_z = N // _NS

    def body(s0_hbm, s1_hbm, s2_hbm, idx_hbm, ones_hbm, zeros_hbm,
             o0_hbm, o1_hbm, o2_hbm, cnt_hbm,
             idx_v, ones_v, b00, b01, b10, b11, a0, a1,
             l0, l1, t0, t1):
        c = lax.axis_index("c")
        s = lax.axis_index("s")
        slabs = (s0_hbm, s1_hbm, s2_hbm)
        accs = (a0, a1)
        outs = (o0_hbm, o1_hbm, o2_hbm, cnt_hbm)
        bufs = ((b00, b01), (b10, b11))
        lsems = (l0, l1)
        ssems = (t0, t1)
        pltpu.sync_copy(idx_hbm.at[c * _NS + s], idx_v)
        pltpu.sync_copy(ones_hbm, ones_v)
        base = c * NP + s * per_sub
        for group in ((0, 1), (2, 3)):
            ng = len(group)
            nl = sum(1 for k in group if k < 3)
            for gi in range(ng):
                pltpu.sync_copy(zeros_hbm,
                                accs[gi].at[pl.ds(s * rows_z, rows_z)])
            plsc.subcore_barrier()

            def lstart(i, t, group=group, nl=nl):
                for gi in range(nl):
                    pltpu.async_copy(
                        slabs[group[gi]].at[pl.ds(base + i * _K, _K)],
                        bufs[t][gi], lsems[t])

            lstart(0, 0)
            lstart(1, 1)

            def step(j, carry, group=group, ng=ng, nl=nl, lstart=lstart):
                for t in range(2):
                    i = j * 2 + t
                    for gi in range(nl):
                        pltpu.make_async_copy(
                            slabs[0].at[pl.ds(0, _K)], bufs[t][gi],
                            lsems[t]).wait()
                    for gi in range(ng):
                        src = bufs[t][gi] if group[gi] < 3 else ones_v
                        pltpu.async_copy(src, accs[gi].at[idx_v.at[i]],
                                         ssems[t], add=True)
                for t in range(2):
                    i_next = (j + 1) * 2 + t
                    for gi in range(ng):
                        dst = bufs[t][gi] if group[gi] < 3 else ones_v
                        pltpu.make_async_copy(
                            slabs[0].at[pl.ds(0, _K)], dst,
                            ssems[t]).wait()

                    @pl.when(i_next < nchunk)
                    def _():
                        lstart(i_next, t)

                return carry

            lax.fori_loop(0, nchunk // 2, step, 0)
            plsc.subcore_barrier()
            for gi in range(ng):
                pltpu.sync_copy(
                    accs[gi].at[pl.ds(s * rows_z, rows_z)],
                    outs[group[gi]].at[pl.ds(c * N + s * rows_z, rows_z)])
            plsc.subcore_barrier()

    mesh = plsc.VectorSubcoreMesh(core_axis_name="c", subcore_axis_name="s")
    sds = jax.ShapeDtypeStruct((2 * N, CP), jnp.float32)
    return pl.kernel(
        body,
        out_type=(sds, sds, sds, sds),
        mesh=mesh,
        scratch_types=[pltpu.VMEM((nchunk, _K), jnp.int32)]
        + [pltpu.VMEM((_K, CP), jnp.float32)] * 5
        + [pltpu.VMEM_SHARED((N, CP), jnp.float32)] * 2
        + [pltpu.SemaphoreType.DMA] * 4,
    )(s0, s1, s2, idx3, ones_t, zeros_t)


def _ln(x_ref, g_ref, b_ref):
    xv = x_ref[...]
    m = jnp.mean(xv, axis=1, keepdims=True)
    d = xv - m
    v = jnp.mean(d * d, axis=1, keepdims=True)
    return d * lax.rsqrt(v + 1e-5) * g_ref[...] + b_ref[...]


def _t1_body(x_ref, g_ref, b_ref, w_ref, bias_ref, xn_ref, q_ref):
    xn = _ln(x_ref, g_ref, b_ref)
    xn_ref[...] = jnp.concatenate(
        [xn, jnp.zeros((xn.shape[0], CP - C), jnp.float32)], axis=1)
    q_ref[...] = (jnp.dot(xn, w_ref[...], preferred_element_type=jnp.float32)
                  + bias_ref[...])


def _t1(xf, g, bvec, Wq, bq):
    R = 512
    grid = (B * N) // R
    return pl.pallas_call(
        _t1_body,
        grid=(grid,),
        in_specs=[
            pl.BlockSpec((R, C), lambda i: (i, 0)),
            pl.BlockSpec((1, C), lambda i: (0, 0)),
            pl.BlockSpec((1, C), lambda i: (0, 0)),
            pl.BlockSpec((C, C), lambda i: (0, 0)),
            pl.BlockSpec((1, C), lambda i: (0, 0)),
        ],
        out_specs=[
            pl.BlockSpec((R, CP), lambda i: (i, 0)),
            pl.BlockSpec((R, C), lambda i: (i, 0)),
        ],
        out_shape=[
            jax.ShapeDtypeStruct((B * N, CP), jnp.float32),
            jax.ShapeDtypeStruct((B * N, C), jnp.float32),
        ],
    )(xf, g, bvec, Wq, bq)


def _t3_body(x_ref, g_ref, b_ref, w_ref, bias_ref, y_ref):
    xn = _ln(x_ref, g_ref, b_ref)
    y_ref[...] = (jnp.dot(xn, w_ref[...], preferred_element_type=jnp.float32)
                  + bias_ref[...])


def _t3(x2f, g, bvec, Wf1, bf1):
    R = 512
    grid = x2f.shape[0] // R
    return pl.pallas_call(
        _t3_body,
        grid=(grid,),
        in_specs=[
            pl.BlockSpec((R, C), lambda i: (i, 0)),
            pl.BlockSpec((1, C), lambda i: (0, 0)),
            pl.BlockSpec((1, C), lambda i: (0, 0)),
            pl.BlockSpec((C, HID), lambda i: (0, 0)),
            pl.BlockSpec((1, HID), lambda i: (0, 0)),
        ],
        out_specs=pl.BlockSpec((R, HID), lambda i: (i, 0)),
        out_shape=jax.ShapeDtypeStruct((x2f.shape[0], HID), jnp.float32),
    )(x2f, g, bvec, Wf1, bf1)


def _t2_body(x_ref, q_ref, gkv_ref, wkv_ref, bkv_ref, wp_ref, bp_ref, x2_ref):
    def add(j, acc):
        return acc + gkv_ref[pl.ds(j * 256, 256), :C]

    ksum = lax.fori_loop(0, 64, add, jnp.zeros((256, C), jnp.float32))
    kv_tok = ksum * (C1 / 64.0)
    kv = (jnp.dot(kv_tok, wkv_ref[...], preferred_element_type=jnp.float32)
          + bkv_ref[...])
    q = q_ref[...]
    outs = []
    for h in range(HEADS):
        k_h = kv[:, h * HD:(h + 1) * HD]
        v_h = kv[:, C + h * HD:C + (h + 1) * HD]
        q_h = q[:, h * HD:(h + 1) * HD]
        logits = lax.dot_general(q_h, k_h, (((1,), (1,)), ((), ())),
                                 preferred_element_type=jnp.float32) * SCALE
        mx = jnp.max(logits, axis=1, keepdims=True)
        e = jnp.exp(logits - mx)
        p = e / jnp.sum(e, axis=1, keepdims=True)
        outs.append(jnp.dot(p, v_h, preferred_element_type=jnp.float32))
    o = jnp.concatenate(outs, axis=1)
    x2_ref[...] = (x_ref[...]
                   + jnp.dot(o, wp_ref[...], preferred_element_type=jnp.float32)
                   + bp_ref[...])


def _t2(xf, qf, gkv, Wkv, bkv, Wp, bp):
    return pl.pallas_call(
        _t2_body,
        grid=(B,),
        in_specs=[
            pl.BlockSpec((N, C), lambda b: (b, 0)),
            pl.BlockSpec((N, C), lambda b: (b, 0)),
            pl.BlockSpec((NP, CP), lambda b: (b, 0)),
            pl.BlockSpec((C, 2 * C), lambda b: (0, 0)),
            pl.BlockSpec((1, 2 * C), lambda b: (0, 0)),
            pl.BlockSpec((C, C), lambda b: (0, 0)),
            pl.BlockSpec((1, C), lambda b: (0, 0)),
        ],
        out_specs=pl.BlockSpec((N, C), lambda b: (b, 0)),
        out_shape=jax.ShapeDtypeStruct((B * N, C), jnp.float32),
    )(xf, qf, gkv, Wkv, bkv, Wp, bp)


def _t4_body(mid_ref, up_ref, dn_ref, w_ref, bd_ref, o0_ref, o1_ref, o2_ref):
    padded = jnp.concatenate([up_ref[0], mid_ref[0], dn_ref[0]],
                             axis=0)
    acc = jnp.zeros((16, G, HID), jnp.float32)
    zcol = jnp.zeros((16, 1, HID), jnp.float32)
    for dr in range(3):
        rows = padded[dr:dr + 16]
        for dc in range(3):
            if dc == 0:
                sh = jnp.concatenate([zcol, rows[:, :-1]], axis=1)
            elif dc == 1:
                sh = rows
            else:
                sh = jnp.concatenate([rows[:, 1:], zcol], axis=1)
            acc = acc + sh * w_ref[dr * 3 + dc]
    acc = acc + bd_ref[0]
    o0_ref[0] = acc[:, :, 0:CP]
    o1_ref[0] = acc[:, :, CP:2 * CP]
    o2_ref[0] = acc[:, :, 2 * CP:3 * CP]


def _t4(ggrid, up_e, dn_e, wdw9, bdw):
    RT = 16
    nt = G // RT
    Bb = ggrid.shape[0]
    ospec = pl.BlockSpec((1, RT, G, CP), lambda b, t: (b, t, 0, 0))
    osds = jax.ShapeDtypeStruct((Bb, G, G, CP), jnp.float32)
    return pl.pallas_call(
        _t4_body,
        grid=(Bb, nt),
        in_specs=[
            pl.BlockSpec((1, RT, G, HID), lambda b, t: (b, t, 0, 0)),
            pl.BlockSpec((1, 1, G, HID), lambda b, t: (b, t, 0, 0)),
            pl.BlockSpec((1, 1, G, HID), lambda b, t: (b, t, 0, 0)),
            pl.BlockSpec((9, HID), lambda b, t: (0, 0)),
            pl.BlockSpec((1, HID), lambda b, t: (0, 0)),
        ],
        out_specs=[ospec, ospec, ospec],
        out_shape=[osds, osds, osds],
    )(ggrid, up_e, dn_e, wdw9, bdw)


def _t5_body(hdn_ref, h0_ref, h1_ref, h2_ref, cnt_ref, x2_ref, wskip_ref,
             wf2_ref, bf2_ref, out_ref):
    cntv = cnt_ref[:, 0:1]
    hsum = jnp.concatenate([h0_ref[...], h1_ref[...], h2_ref[...]], axis=1)
    htok = hsum / (cntv + 1e-6)
    a = hdn_ref[...] * wskip_ref[...] + htok
    gl = a * 0.5 * (1.0 + lax.erf(a * (2.0 ** -0.5)))
    out_ref[...] = (x2_ref[...]
                    + jnp.dot(gl, wf2_ref[...], preferred_element_type=jnp.float32)
                    + bf2_ref[...])


def _t5(hdn, h0, h1, h2, cnt, x2f, wskip, Wf2, bf2):
    R = 512
    grid = x2f.shape[0] // R
    return pl.pallas_call(
        _t5_body,
        grid=(grid,),
        in_specs=[
            pl.BlockSpec((R, HID), lambda i: (i, 0)),
            pl.BlockSpec((R, CP), lambda i: (i, 0)),
            pl.BlockSpec((R, CP), lambda i: (i, 0)),
            pl.BlockSpec((R, CP), lambda i: (i, 0)),
            pl.BlockSpec((R, CP), lambda i: (i, 0)),
            pl.BlockSpec((R, C), lambda i: (i, 0)),
            pl.BlockSpec((1, HID), lambda i: (0, 0)),
            pl.BlockSpec((HID, C), lambda i: (0, 0)),
            pl.BlockSpec((1, C), lambda i: (0, 0)),
        ],
        out_specs=pl.BlockSpec((R, C), lambda i: (i, 0)),
        out_shape=jax.ShapeDtypeStruct((x2f.shape[0], C), jnp.float32),
    )(hdn, h0, h1, h2, cnt, x2f, wskip, Wf2, bf2)


def kernel(x, ln1_g, ln1_b, Wq, bq, Wkv, bkv, Wp, bp, ln2_g, ln2_b, Wf1, bf1,
           w_skip, w_dw, b_dw, Wf2, bf2, idx_token, H, W, H_init, W_init):
    xf = x.reshape(B * N, C)
    idx = idx_token.astype(jnp.int32)
    boff = jnp.arange(B, dtype=jnp.int32)[:, None] * N
    idx_raster_g = (idx + boff).reshape(-1)
    idx5 = idx.reshape(B, 16, 8, 16, 8).transpose(0, 2, 4, 1, 3)
    idx_pool_g = (idx5.reshape(B, 64, 256) + boff[:, :, None]).reshape(-1)
    idx_local = idx.reshape(-1)

    g1 = ln1_g.reshape(1, C)
    b1 = ln1_b.reshape(1, C)
    g2 = ln2_g.reshape(1, C)
    b2 = ln2_b.reshape(1, C)
    bq2 = bq.reshape(1, C)
    bkv2 = bkv.reshape(1, 2 * C)
    bp2 = bp.reshape(1, C)
    bf12 = bf1.reshape(1, HID)
    bf22 = bf2.reshape(1, C)
    wskip2 = w_skip.reshape(1, HID)
    wdw9 = (w_dw[:, :, 0, :] * C1).reshape(9, HID)
    bdw2 = b_dw.reshape(1, HID)
    ones_t = jnp.ones((_K, CP), jnp.float32)
    zc_t = jnp.zeros((N // _NS, CP), jnp.float32)

    xn_f, q_f = _t1(xf, g1, b1, Wq, bq2)
    gkv = _sc_gather(xn_f, idx_pool_g, CP, M)
    x2_f = _t2(xf, q_f, gkv, Wkv, bkv2, Wp, bp2)

    outs = []
    pair_off = jnp.arange(2, dtype=jnp.int32)[:, None] * N
    for h in range(2):
        sl = slice(h * 2 * N, (h + 1) * 2 * N)
        x2_h = x2_f[sl]
        hdn_h = _t3(x2_h, g2, b2, Wf1, bf12)
        idxg_h = (idx[2 * h:2 * h + 2] + pair_off).reshape(-1)
        gg = _sc_gather(hdn_h, idxg_h, HID, 2 * NP).reshape(2, G, G, HID)
        zrow = jnp.zeros((2, 1, G, HID), jnp.float32)
        up_e = jnp.concatenate([zrow, gg[:, 15:G - 1:16]], axis=1)
        dn_e = jnp.concatenate([gg[:, 16:G:16], zrow], axis=1)
        m0, m1, m2 = _t4(gg, up_e, dn_e, wdw9, bdw2)
        idx3h = idx[2 * h:2 * h + 2].reshape(2 * _NS, NP // (_NS * _K), _K)
        h0, h1, h2, cnt_h = _sc_scatter(m0.reshape(2 * NP, CP),
                                        m1.reshape(2 * NP, CP),
                                        m2.reshape(2 * NP, CP), idx3h,
                                        ones_t, zc_t)
        outs.append(_t5(hdn_h, h0, h1, h2, cnt_h, x2_h, wskip2, Wf2, bf22))
    return jnp.concatenate(outs, axis=0).reshape(B, N, C)

# --- scband reference (transcript-rebuilt; emitter-appended) ---
"""Pipeline reference for scband-tcformer-dynamic-block-28063316312346 (READ-ONLY COPY).

The authoritative reference and input builder live on the scoring server;
editing this copy changes nothing except your own understanding.
"""

import math
import jax, jax.numpy as jnp
import numpy as np

DIM = 96
HEADS = 2
HEAD_DIM = DIM // HEADS
HIDDEN = 384
SR = 8
SCALE = HEAD_DIM ** -0.5

def get_grid_index(H_init, W_init, H, W):
    rows = (jnp.arange(H_init) * H) // H_init
    cols = (jnp.arange(W_init) * W) // W_init
    return (rows[:, None] * W + cols[None, :]).reshape(-1)

def token2map(x, idx_token, H, W, H_init, W_init):
    B, N, C = x.shape
    N_init = H_init * W_init
    idx_hw = jnp.broadcast_to(get_grid_index(H_init, W_init, H, W)[None, :], (B, N_init))
    idx_batch = jnp.arange(B)[:, None]
    idx_hw_f = (idx_hw + idx_batch * H * W).reshape(-1)
    idx_tok_f = (idx_token + idx_batch * N).reshape(-1)
    ones = jnp.ones((B * N_init,), jnp.float32)
    all_w = jax.ops.segment_sum(ones, idx_hw_f, num_segments=B * H * W) + 1e-6
    val = ones / all_w[idx_hw_f]
    gathered = x.reshape(B * N, C)[idx_tok_f] * val[:, None]
    out = jax.ops.segment_sum(gathered, idx_hw_f, num_segments=B * H * W)
    return out.reshape(B, H, W, C)

def map2token(fm, idx_token, N, H_init, W_init):
    B, H, W, C = fm.shape
    N_init = H_init * W_init
    idx_hw = jnp.broadcast_to(get_grid_index(H_init, W_init, H, W)[None, :], (B, N_init))
    idx_batch = jnp.arange(B)[:, None]
    idx_hw_f = (idx_hw + idx_batch * H * W).reshape(-1)
    idx_tok_f = (idx_token + idx_batch * N).reshape(-1)
    ones = jnp.ones((B * N_init,), jnp.float32)
    all_w = jax.ops.segment_sum(ones, idx_tok_f, num_segments=B * N) + 1e-6
    val = ones / all_w[idx_tok_f]
    gathered = fm.reshape(B * H * W, C)[idx_hw_f] * val[:, None]
    out = jax.ops.segment_sum(gathered, idx_tok_f, num_segments=B * N)
    return out.reshape(B, N, C)

def layer_norm(x, g, b):
    m = jnp.mean(x, axis=-1, keepdims=True)
    v = jnp.mean((x - m) ** 2, axis=-1, keepdims=True)
    return (x - m) / jnp.sqrt(v + 1e-5) * g + b

def avg_pool(x, s):
    B, H, W, C = x.shape
    return x.reshape(B, H // s, s, W // s, s, C).mean(axis=(2, 4))

def dwconv3x3(x, w, b):
    out = jax.lax.conv_general_dilated(x, w, window_strides=(1, 1), padding='SAME', dimension_numbers=('NHWC', 'HWIO', 'NHWC'), feature_group_count=x.shape[-1])
    return out + b

def attention(xn, idx_token, H, W, H_init, W_init, Wq, bq, Wkv, bkv, Wp, bp):
    B, N, C = xn.shape
    q = (xn @ Wq + bq).reshape(B, N, HEADS, HEAD_DIM).transpose(0, 2, 1, 3)
    conf = jnp.zeros((B, N, 1), jnp.float32)
    tmp = token2map(jnp.concatenate([xn, conf], axis=-1), idx_token, H, W, H_init, W_init)
    kv_p = avg_pool(tmp[..., :C], SR)
    conf_p = avg_pool(tmp[..., C:], SR)
    h, w = kv_p.shape[1], kv_p.shape[2]
    kv_tok = kv_p.reshape(B, h * w, C)
    conf_tok = conf_p.reshape(B, h * w)
    kv = (kv_tok @ Wkv + bkv).reshape(B, h * w, 2, HEADS, HEAD_DIM).transpose(2, 0, 3, 1, 4)
    k, v = kv[0], kv[1]
    attn = jnp.einsum('bhnd,bhmd->bhnm', q, k) * SCALE + conf_tok[:, None, None, :]
    attn = jax.nn.softmax(attn, axis=-1)
    out = jnp.einsum('bhnm,bhmd->bhnd', attn, v).transpose(0, 2, 1, 3).reshape(B, N, C)
    return out @ Wp + bp

def tc_mlp(xn, idx_token, H, W, H_init, W_init, Wf1, bf1, w_skip, w_dw, b_dw, Wf2, bf2):
    B, N, C = xn.shape
    hdn = xn @ Wf1 + bf1
    skip = hdn * w_skip
    hmap = dwconv3x3(token2map(hdn, idx_token, H, W, H_init, W_init), w_dw, b_dw)
    htok = map2token(hmap, idx_token, N, H_init, W_init)
    hdn = jax.nn.gelu(skip + htok, approximate=False)
    return hdn @ Wf2 + bf2

def setup_inputs(seed: int = 0):
    key = jax.random.key(seed)
    ks = jax.random.split(key, 16)
    B, N, H, W = 4, 4096, 128, 128
    s = 0.02
    inp = {}
    inp['x'] = jax.random.normal(ks[0], (B, N, DIM), jnp.float32)
    inp['ln1_g'] = jnp.ones((DIM,), jnp.float32)
    inp['ln1_b'] = jnp.zeros((DIM,), jnp.float32)
    inp['Wq'] = jax.random.normal(ks[2], (DIM, DIM), jnp.float32) * s
    inp['bq'] = jnp.zeros((DIM,), jnp.float32)
    inp['Wkv'] = jax.random.normal(ks[3], (DIM, 2 * DIM), jnp.float32) * s
    inp['bkv'] = jnp.zeros((2 * DIM,), jnp.float32)
    inp['Wp'] = jax.random.normal(ks[4], (DIM, DIM), jnp.float32) * s
    inp['bp'] = jnp.zeros((DIM,), jnp.float32)
    inp['ln2_g'] = jnp.ones((DIM,), jnp.float32)
    inp['ln2_b'] = jnp.zeros((DIM,), jnp.float32)
    inp['Wf1'] = jax.random.normal(ks[5], (DIM, HIDDEN), jnp.float32) * s
    inp['bf1'] = jnp.zeros((HIDDEN,), jnp.float32)
    inp['w_skip'] = jax.random.normal(ks[6], (HIDDEN,), jnp.float32) * s
    inp['w_dw'] = jax.random.normal(ks[7], (3, 3, 1, HIDDEN), jnp.float32) * s
    inp['b_dw'] = jnp.zeros((HIDDEN,), jnp.float32)
    inp['Wf2'] = jax.random.normal(ks[8], (HIDDEN, DIM), jnp.float32) * s
    inp['bf2'] = jnp.zeros((DIM,), jnp.float32)
    inp['idx_token'] = jax.random.randint(ks[1], (B, H * W), 0, N, dtype=jnp.int32)
    inp['H'] = H
    inp['W'] = W
    inp['H_init'] = H
    inp['W_init'] = W
    return inp

def reference(x, ln1_g, ln1_b, Wq, bq, Wkv, bkv, Wp, bp, ln2_g, ln2_b, Wf1, bf1, w_skip, w_dw, b_dw, Wf2, bf2, idx_token, H, W, H_init, W_init):
    H_s = math.isqrt(idx_token.shape[1])
    W_s = idx_token.shape[1] // H_s
    idx_token = idx_token + 0 * (jnp.asarray(H, jnp.int32) + jnp.asarray(W, jnp.int32) + jnp.asarray(H_init, jnp.int32) + jnp.asarray(W_init, jnp.int32))
    xn = layer_norm(x, ln1_g, ln1_b)
    x2 = x + attention(xn, idx_token, H_s, W_s, H_s, W_s, Wq, bq, Wkv, bkv, Wp, bp)
    xn2 = layer_norm(x2, ln2_g, ln2_b)
    return x2 + tc_mlp(xn2, idx_token, H_s, W_s, H_s, W_s, Wf1, bf1, w_skip, w_dw, b_dw, Wf2, bf2)

if __name__ == "__main__":
    import jax
    _d = setup_inputs()
    print(jax.jit(kernel)(*tuple(_d.values())))

</pallas_src>

<mosaic_0001>
#map = affine_map<(d0, d1) -> (0, 0)>
#map1 = affine_map<(d0, d1) -> (0)>
module attributes {stable_mosaic.version = 14 : i64} {
  func.func @body(%arg0: i32, %arg1: i32, %arg2: memref<16384x128xf32, #tpu.memory_space<hbm>>, %arg3: memref<65536xi32, #tpu.memory_space<hbm>>, %arg4: memref<65536x128xf32, #tpu.memory_space<hbm>>, %arg5: memref<2048xi32, #tpu.memory_space<vmem>>, %arg6: memref<64x128xf32, #tpu.memory_space<vmem>>, %arg7: memref<64x128xf32, #tpu.memory_space<vmem>>, %arg8: memref<64x128xf32, #tpu.memory_space<vmem>>, %arg9: memref<64x128xf32, #tpu.memory_space<vmem>>, %arg10: memref<!tpu.dma_semaphore, #tpu.memory_space<semaphore_mem>>, %arg11: memref<!tpu.dma_semaphore, #tpu.memory_space<semaphore_mem>>, %arg12: memref<!tpu.dma_semaphore, #tpu.memory_space<semaphore_mem>>, %arg13: memref<!tpu.dma_semaphore, #tpu.memory_space<semaphore_mem>>, %arg14: memref<!tpu.dma_semaphore, #tpu.memory_space<semaphore_mem>>, %arg15: memref<!tpu.dma_semaphore, #tpu.memory_space<semaphore_mem>>, %arg16: memref<!tpu.dma_semaphore, #tpu.memory_space<semaphore_mem>>, %arg17: memref<!tpu.dma_semaphore, #tpu.memory_space<semaphore_mem>>) attributes {dimension_semantics = [#tpu.dimension_semantics<core_parallel>, #tpu.dimension_semantics<subcore_parallel>], iteration_bounds = array<i64: 2, 16>, scalar_prefetch = 0 : i64, scratch_operands = 13 : i64, tpu.core_type = #tpu.core_type<sc_vector_subcore>, window_params = [{transform_indices = #map}, {transform_indices = #map1}, {transform_indices = #map}]} {
    %mul3A = arith.constant 2 : i32
    %mul3A_0 = arith.muli %arg1, %mul3A : i32
    %add3A = arith.addi %mul3A_0, %arg0 : i32
    %mul3A_1 = arith.constant 2048 : i32
    %mul3A_2 = arith.muli %add3A, %mul3A_1 : i32
    "tpu.region"() ({
      %run_scoped3A = tpu.sem_alloc : memref<!tpu.dma_semaphore, #tpu.memory_space<semaphore_mem>>
      %dma_start3A_27 = tpu.memref_slice %arg3[%mul3A_2] : memref<65536xi32, #tpu.memory_space<hbm>> -> memref<2048xi32, #tpu.memory_space<hbm>>
      %dma_start3A_28 = tpu.memref_slice %arg3[%mul3A_2] : memref<65536xi32, #tpu.memory_space<hbm>> -> memref<2048xi32, #tpu.memory_space<hbm>>
      tpu.enqueue_dma source(%dma_start3A_28 : memref<2048xi32, #tpu.memory_space<hbm>>) target(%arg5 : memref<2048xi32, #tpu.memory_space<vmem>>) target_semaphore(%run_scoped3A : memref<!tpu.dma_semaphore, #tpu.memory_space<semaphore_mem>>)
      %dma_wait3A = tpu.memref_slice %arg3[%mul3A_2] : memref<65536xi32, #tpu.memory_space<hbm>> -> memref<2048xi32, #tpu.memory_space<hbm>>
      %dma_wait3A_29 = tpu.memref_slice %arg3[%mul3A_2] : memref<65536xi32, #tpu.memory_space<hbm>> -> memref<2048xi32, #tpu.memory_space<hbm>>
      tpu.wait_dma2 semaphore(%run_scoped3A : memref<!tpu.dma_semaphore, #tpu.memory_space<semaphore_mem>>) src(%dma_wait3A_29 : memref<2048xi32, #tpu.memory_space<hbm>>) dst(%arg5 : memref<2048xi32, #tpu.memory_space<vmem>>)
      tpu.yield
    }) : () -> ()
    %dma_start3A = arith.constant 0 : i32
    %dma_start3A_3 = tpu.memref_slice %arg5[%dma_start3A] : memref<2048xi32, #tpu.memory_space<vmem>> -> memref<64xi32, #tpu.memory_space<vmem>>
    %dma_start3A_4 = arith.constant 0 : i32
    %dma_start3A_5 = arith.constant 0 : i32
    %dma_start3A_6 = tpu.memref_slice %arg2[%dma_start3A_4, %dma_start3A_5] : memref<16384x128xf32, #tpu.memory_space<hbm>> -> memref<16384x128xf32, #tpu.memory_space<hbm>>
    tpu.enqueue_indirect_dma source(%dma_start3A_6 : memref<16384x128xf32, #tpu.memory_space<hbm>>) target(%arg6 : memref<64x128xf32, #tpu.memory_space<vmem>>) offsets(%dma_start3A_3 : memref<64xi32, #tpu.memory_space<vmem>>) semaphore(%arg10 : memref<!tpu.dma_semaphore, #tpu.memory_space<semaphore_mem>>)
    %dma_start3A_7 = arith.constant 64 : i32
    %dma_start3A_8 = tpu.memref_slice %arg5[%dma_start3A_7] : memref<2048xi32, #tpu.memory_space<vmem>> -> memref<64xi32, #tpu.memory_space<vmem>>
    %dma_start3A_9 = arith.constant 0 : i32
    %dma_start3A_10 = arith.constant 0 : i32
    %dma_start3A_11 = tpu.memref_slice %arg2[%dma_start3A_9, %dma_start3A_10] : memref<16384x128xf32, #tpu.memory_space<hbm>> -> memref<16384x128xf32, #tpu.memory_space<hbm>>
    tpu.enqueue_indirect_dma source(%dma_start3A_11 : memref<16384x128xf32, #tpu.memory_space<hbm>>) target(%arg7 : memref<64x128xf32, #tpu.memory_space<vmem>>) offsets(%dma_start3A_8 : memref<64xi32, #tpu.memory_space<vmem>>) semaphore(%arg11 : memref<!tpu.dma_semaphore, #tpu.memory_space<semaphore_mem>>)
    %dma_start3A_12 = arith.constant 128 : i32
    %dma_start3A_13 = tpu.memref_slice %arg5[%dma_start3A_12] : memref<2048xi32, #tpu.memory_space<vmem>> -> memref<64xi32, #tpu.memory_space<vmem>>
    %dma_start3A_14 = arith.constant 0 : i32
    %dma_start3A_15 = arith.constant 0 : i32
    %dma_start3A_16 = tpu.memref_slice %arg2[%dma_start3A_14, %dma_start3A_15] : memref<16384x128xf32, #tpu.memory_space<hbm>> -> memref<16384x128xf32, #tpu.memory_space<hbm>>
    tpu.enqueue_indirect_dma source(%dma_start3A_16 : memref<16384x128xf32, #tpu.memory_space<hbm>>) target(%arg8 : memref<64x128xf32, #tpu.memory_space<vmem>>) offsets(%dma_start3A_13 : memref<64xi32, #tpu.memory_space<vmem>>) semaphore(%arg12 : memref<!tpu.dma_semaphore, #tpu.memory_space<semaphore_mem>>)
    %dma_start3A_17 = arith.constant 192 : i32
    %dma_start3A_18 = tpu.memref_slice %arg5[%dma_start3A_17] : memref<2048xi32, #tpu.memory_space<vmem>> -> memref<64xi32, #tpu.memory_space<vmem>>
    %dma_start3A_19 = arith.constant 0 : i32
    %dma_start3A_20 = arith.constant 0 : i32
    %dma_start3A_21 = tpu.memref_slice %arg2[%dma_start3A_19, %dma_start3A_20] : memref<16384x128xf32, #tpu.memory_space<hbm>> -> memref<16384x128xf32, #tpu.memory_space<hbm>>
    tpu.enqueue_indirect_dma source(%dma_start3A_21 : memref<16384x128xf32, #tpu.memory_space<hbm>>) target(%arg9 : memref<64x128xf32, #tpu.memory_space<vmem>>) offsets(%dma_start3A_18 : memref<64xi32, #tpu.memory_space<vmem>>) semaphore(%arg13 : memref<!tpu.dma_semaphore, #tpu.memory_space<semaphore_mem>>)
    %scan3A = arith.constant 0 : i32
    %scan3A_22 = arith.constant 0 : i32
    %scan3A_23 = arith.constant 8 : i32
    %scan3A_24 = arith.addi %scan3A_22, %scan3A_23 : i32
    %scan3A_25 = arith.constant 1 : i32
    scf.for %scan3A_27 = %scan3A_22 to %scan3A_24 step %scan3A_25  : i32 {
      %mul3A_28 = arith.constant 4 : i32
      %mul3A_29 = arith.muli %scan3A_27, %mul3A_28 : i32
      %add3A_30 = arith.constant 0 : i32
      %add3A_31 = arith.addi %mul3A_29, %add3A_30 : i32
      %dma_wait3A = arith.constant 0 : i32
      %dma_wait3A_32 = arith.constant 0 : i32
      %dma_wait3A_33 = tpu.memref_slice %arg2[%dma_wait3A, %dma_wait3A_32] : memref<16384x128xf32, #tpu.memory_space<hbm>> -> memref<64x128xf32, #tpu.memory_space<hbm>>
      %dma_wait3A_34 = arith.constant 0 : i32
      %dma_wait3A_35 = arith.constant 0 : i32
      %dma_wait3A_36 = tpu.memref_slice %arg2[%dma_wait3A_34, %dma_wait3A_35] : memref<16384x128xf32, #tpu.memory_space<hbm>> -> memref<64x128xf32, #tpu.memory_space<hbm>>
      tpu.wait_dma2 semaphore(%arg10 : memref<!tpu.dma_semaphore, #tpu.memory_space<semaphore_mem>>) src(%dma_wait3A_36 : memref<64x128xf32, #tpu.memory_space<hbm>>) dst(%arg6 : memref<64x128xf32, #tpu.memory_space<vmem>>)
      %mul3A_37 = arith.constant 64 : i32
      %mul3A_38 = arith.muli %add3A_31, %mul3A_37 : i32
      %add3A_39 = arith.addi %mul3A_2, %mul3A_38 : i32
      %dma_start3A_40 = arith.constant 0 : i32
      %dma_start3A_41 = tpu.memref_slice %arg4[%add3A_39, %dma_start3A_40] : memref<65536x128xf32, #tpu.memory_space<hbm>> -> memref<64x128xf32, #tpu.memory_space<hbm>>
      %dma_start3A_42 = arith.constant 0 : i32
      %dma_start3A_43 = tpu.memref_slice %arg4[%add3A_39, %dma_start3A_42] : memref<65536x128xf32, #tpu.memory_space<hbm>> -> memref<64x128xf32, #tpu.memory_space<hbm>>
      tpu.enqueue_dma source(%arg6 : memref<64x128xf32, #tpu.memory_space<vmem>>) target(%dma_start3A_43 : memref<64x128xf32, #tpu.memory_space<hbm>>) target_semaphore(%arg14 : memref<!tpu.dma_semaphore, #tpu.memory_space<semaphore_mem>>)
      %mul3A_44 = arith.constant 4 : i32
      %mul3A_45 = arith.muli %scan3A_27, %mul3A_44 : i32
      %add3A_46 = arith.constant 1 : i32
      %add3A_47 = arith.addi %mul3A_45, %add3A_46 : i32
      %dma_wait3A_48 = arith.constant 0 : i32
      %dma_wait3A_49 = arith.constant 0 : i32
      %dma_wait3A_50 = tpu.memref_slice %arg2[%dma_wait3A_48, %dma_wait3A_49] : memref<16384x128xf32, #tpu.memory_space<hbm>> -> memref<64x128xf32, #tpu.memory_space<hbm>>
      %dma_wait3A_51 = arith.constant 0 : i32
      %dma_wait3A_52 = arith.constant 0 : i32
      %dma_wait3A_53 = tpu.memref_slice %arg2[%dma_wait3A_51, %dma_wait3A_52] : memref<16384x128xf32, #tpu.memory_space<hbm>> -> memref<64x128xf32, #tpu.memory_space<hbm>>
      tpu.wait_dma2 semaphore(%arg11 : memref<!tpu.dma_semaphore, #tpu.memory_space<semaphore_mem>>) src(%dma_wait3A_53 : memref<64x128xf32, #tpu.memory_space<hbm>>) dst(%arg7 : memref<64x128xf32, #tpu.memory_space<vmem>>)
      %mul3A_54 = arith.constant 64 : i32
      %mul3A_55 = arith.muli %add3A_47, %mul3A_54 : i32
      %add3A_56 = arith.addi %mul3A_2, %mul3A_55 : i32
      %dma_start3A_57 = arith.constant 0 : i32
      %dma_start3A_58 = tpu.memref_slice %arg4[%add3A_56, %dma_start3A_57] : memref<65536x128xf32, #tpu.memory_space<hbm>> -> memref<64x128xf32, #tpu.memory_space<hbm>>
      %dma_start3A_59 = arith.constant 0 : i32
      %dma_start3A_60 = tpu.memref_slice %arg4[%add3A_56, %dma_start3A_59] : memref<65536x128xf32, #tpu.memory_space<hbm>> -> memref<64x128xf32, #tpu.memory_space<hbm>>
      tpu.enqueue_dma source(%arg7 : memref<64x128xf32, #tpu.memory_space<vmem>>) target(%dma_start3A_60 : memref<64x128xf32, #tpu.memory_space<hbm>>) target_semaphore(%arg15 : memref<!tpu.dma_semaphore, #tpu.memory_space<semaphore_mem>>)
      %mul3A_61 = arith.constant 4 : i32
      %mul3A_62 = arith.muli %scan3A_27, %mul3A_61 : i32
      %add3A_63 = arith.constant 2 : i32
      %add3A_64 = arith.addi %mul3A_62, %add3A_63 : i32
      %dma_wait3A_65 = arith.constant 0 : i32
      %dma_wait3A_66 = arith.constant 0 : i32
      %dma_wait3A_67 = tpu.memref_slice %arg2[%dma_wait3A_65, %dma_wait3A_66] : memref<16384x128xf32, #tpu.memory_space<hbm>> -> memref<64x128xf32, #tpu.memory_space<hbm>>
      %dma_wait3A_68 = arith.constant 0 : i32
      %dma_wait3A_69 = arith.constant 0 : i32
      %dma_wait3A_70 = tpu.memref_slice %arg2[%dma_wait3A_68, %dma_wait3A_69] : memref<16384x128xf32, #tpu.memory_space<hbm>> -> memref<64x128xf32, #tpu.memory_space<hbm>>
      tpu.wait_dma2 semaphore(%arg12 : memref<!tpu.dma_semaphore, #tpu.memory_space<semaphore_mem>>) src(%dma_wait3A_70 : memref<64x128xf32, #tpu.memory_space<hbm>>) dst(%arg8 : memref<64x128xf32, #tpu.memory_space<vmem>>)
      %mul3A_71 = arith.constant 64 : i32
      %mul3A_72 = arith.muli %add3A_64, %mul3A_71 : i32
      %add3A_73 = arith.addi %mul3A_2, %mul3A_72 : i32
      %dma_start3A_74 = arith.constant 0 : i32
      %dma_start3A_75 = tpu.memref_slice %arg4[%add3A_73, %dma_start3A_74] : memref<65536x128xf32, #tpu.memory_space<hbm>> -> memref<64x128xf32, #tpu.memory_space<hbm>>
      %dma_start3A_76 = arith.constant 0 : i32
      %dma_start3A_77 = tpu.memref_slice %arg4[%add3A_73, %dma_start3A_76] : memref<65536x128xf32, #tpu.memory_space<hbm>> -> memref<64x128xf32, #tpu.memory_space<hbm>>
      tpu.enqueue_dma source(%arg8 : memref<64x128xf32, #tpu.memory_space<vmem>>) target(%dma_start3A_77 : memref<64x128xf32, #tpu.memory_space<hbm>>) target_semaphore(%arg16 : memref<!tpu.dma_semaphore, #tpu.memory_space<semaphore_mem>>)
      %mul3A_78 = arith.constant 4 : i32
      %mul3A_79 = arith.muli %scan3A_27, %mul3A_78 : i32
      %add3A_80 = arith.constant 3 : i32
      %add3A_81 = arith.addi %mul3A_79, %add3A_80 : i32
      %dma_wait3A_82 = arith.constant 0 : i32
      %dma_wait3A_83 = arith.constant 0 : i32
      %dma_wait3A_84 = tpu.memref_slice %arg2[%dma_wait3A_82, %dma_wait3A_83] : memref<16384x128xf32, #tpu.memory_space<hbm>> -> memref<64x128xf32, #tpu.memory_space<hbm>>
      %dma_wait3A_85 = arith.constant 0 : i32
      %dma_wait3A_86 = arith.constant 0 : i32
      %dma_wait3A_87 = tpu.memref_slice %arg2[%dma_wait3A_85, %dma_wait3A_86] : memref<16384x128xf32, #tpu.memory_space<hbm>> -> memref<64x128xf32, #tpu.memory_space<hbm>>
      tpu.wait_dma2 semaphore(%arg13 : memref<!tpu.dma_semaphore, #tpu.memory_space<semaphore_mem>>) src(%dma_wait3A_87 : memref<64x128xf32, #tpu.memory_space<hbm>>) dst(%arg9 : memref<64x128xf32, #tpu.memory_space<vmem>>)
      %mul3A_88 = arith.constant 64 : i32
      %mul3A_89 = arith.muli %add3A_81, %mul3A_88 : i32
      %add3A_90 = arith.addi %mul3A_2, %mul3A_89 : i32
      %dma_start3A_91 = arith.constant 0 : i32
      %dma_start3A_92 = tpu.memref_slice %arg4[%add3A_90, %dma_start3A_91] : memref<65536x128xf32, #tpu.memory_space<hbm>> -> memref<64x128xf32, #tpu.memory_space<hbm>>
      %dma_start3A_93 = arith.constant 0 : i32
      %dma_start3A_94 = tpu.memref_slice %arg4[%add3A_90, %dma_start3A_93] : memref<65536x128xf32, #tpu.memory_space<hbm>> -> memref<64x128xf32, #tpu.memory_space<hbm>>
      tpu.enqueue_dma source(%arg9 : memref<64x128xf32, #tpu.memory_space<vmem>>) target(%dma_start3A_94 : memref<64x128xf32, #tpu.memory_space<hbm>>) target_semaphore(%arg17 : memref<!tpu.dma_semaphore, #tpu.memory_space<semaphore_mem>>)
      %add3A_95 = arith.constant 1 : i32
      %add3A_96 = arith.addi %scan3A_27, %add3A_95 : i32
      %mul3A_97 = arith.constant 4 : i32
      %mul3A_98 = arith.muli %add3A_96, %mul3A_97 : i32
      %add3A_99 = arith.constant 0 : i32
      %add3A_100 = arith.addi %mul3A_98, %add3A_99 : i32
      %dma_wait3A_101 = arith.constant 0 : i32
      %dma_wait3A_102 = arith.constant 0 : i32
      %dma_wait3A_103 = tpu.memref_slice %arg2[%dma_wait3A_101, %dma_wait3A_102] : memref<16384x128xf32, #tpu.memory_space<hbm>> -> memref<64x128xf32, #tpu.memory_space<hbm>>
      %dma_wait3A_104 = arith.constant 0 : i32
      %dma_wait3A_105 = arith.constant 0 : i32
      %dma_wait3A_106 = tpu.memref_slice %arg2[%dma_wait3A_104, %dma_wait3A_105] : memref<16384x128xf32, #tpu.memory_space<hbm>> -> memref<64x128xf32, #tpu.memory_space<hbm>>
      tpu.wait_dma2 semaphore(%arg14 : memref<!tpu.dma_semaphore, #tpu.memory_space<semaphore_mem>>) src(%dma_wait3A_106 : memref<64x128xf32, #tpu.memory_space<hbm>>) dst(%arg6 : memref<64x128xf32, #tpu.memory_space<vmem>>)
      %lt3A = arith.constant 32 : i32
      %lt3A_107 = arith.cmpi slt, %add3A_100, %lt3A : i32
      %convert_element_type3A = arith.extui %lt3A_107 : i1 to i32
      %cond3A = arith.constant 0 : i32
      %cond3A_108 = arith.cmpi ne, %convert_element_type3A, %cond3A : i32
      scf.if %cond3A_108 {
        %mul3A_160 = arith.constant 64 : i32
        %mul3A_161 = arith.muli %add3A_100, %mul3A_160 : i32
        %dma_start3A_162 = tpu.memref_slice %arg5[%mul3A_161] : memref<2048xi32, #tpu.memory_space<vmem>> -> memref<64xi32, #tpu.memory_space<vmem>>
        %dma_start3A_163 = arith.constant 0 : i32
        %dma_start3A_164 = arith.constant 0 : i32
        %dma_start3A_165 = tpu.memref_slice %arg2[%dma_start3A_163, %dma_start3A_164] : memref<16384x128xf32, #tpu.memory_space<hbm>> -> memref<16384x128xf32, #tpu.memory_space<hbm>>
        tpu.enqueue_indirect_dma source(%dma_start3A_165 : memref<16384x128xf32, #tpu.memory_space<hbm>>) target(%arg6 : memref<64x128xf32, #tpu.memory_space<vmem>>) offsets(%dma_start3A_162 : memref<64xi32, #tpu.memory_space<vmem>>) semaphore(%arg10 : memref<!tpu.dma_semaphore, #tpu.memory_space<semaphore_mem>>)
      } else {
      }
      %add3A_109 = arith.constant 1 : i32
      %add3A_110 = arith.addi %scan3A_27, %add3A_109 : i32
      %mul3A_111 = arith.constant 4 : i32
      %mul3A_112 = arith.muli %add3A_110, %mul3A_111 : i32
      %add3A_113 = arith.constant 1 : i32
      %add3A_114 = arith.addi %mul3A_112, %add3A_113 : i32
      %dma_wait3A_115 = arith.constant 0 : i32
      %dma_wait3A_116 = arith.constant 0 : i32
      %dma_wait3A_117 = tpu.memref_slice %arg2[%dma_wait3A_115, %dma_wait3A_116] : memref<16384x128xf32, #tpu.memory_space<hbm>> -> memref<64x128xf32, #tpu.memory_space<hbm>>
      %dma_wait3A_118 = arith.constant 0 : i32
      %dma_wait3A_119 = arith.constant 0 : i32
      %dma_wait3A_120 = tpu.memref_slice %arg2[%dma_wait3A_118, %dma_wait3A_119] : memref<16384x128xf32, #tpu.memory_space<hbm>> -> memref<64x128xf32, #tpu.memory_space<hbm>>
      tpu.wait_dma2 semaphore(%arg15 : memref<!tpu.dma_semaphore, #tpu.memory_space<semaphore_mem>>) src(%dma_wait3A_120 : memref<64x128xf32, #tpu.memory_space<hbm>>) dst(%arg7 : memref<64x128xf32, #tpu.memory_space<vmem>>)
      %lt3A_121 = arith.constant 32 : i32
      %lt3A_122 = arith.cmpi slt, %add3A_114, %lt3A_121 : i32
      %convert_element_type3A_123 = arith.extui %lt3A_122 : i1 to i32
      %cond3A_124 = arith.constant 0 : i32
      %cond3A_125 = arith.cmpi ne, %convert_element_type3A_123, %cond3A_124 : i32
      scf.if %cond3A_125 {
        %mul3A_160 = arith.constant 64 : i32
        %mul3A_161 = arith.muli %add3A_114, %mul3A_160 : i32
        %dma_start3A_162 = tpu.memref_slice %arg5[%mul3A_161] : memref<2048xi32, #tpu.memory_space<vmem>> -> memref<64xi32, #tpu.memory_space<vmem>>
        %dma_start3A_163 = arith.constant 0 : i32
        %dma_start3A_164 = arith.constant 0 : i32
        %dma_start3A_165 = tpu.memref_slice %arg2[%dma_start3A_163, %dma_start3A_164] : memref<16384x128xf32, #tpu.memory_space<hbm>> -> memref<16384x128xf32, #tpu.memory_space<hbm>>
        tpu.enqueue_indirect_dma source(%dma_start3A_165 : memref<16384x128xf32, #tpu.memory_space<hbm>>) target(%arg7 : memref<64x128xf32, #tpu.memory_space<vmem>>) offsets(%dma_start3A_162 : memref<64xi32, #tpu.memory_space<vmem>>) semaphore(%arg11 : memref<!tpu.dma_semaphore, #tpu.memory_space<semaphore_mem>>)
      } else {
      }
      %add3A_126 = arith.constant 1 : i32
      %add3A_127 = arith.addi %scan3A_27, %add3A_126 : i32
      %mul3A_128 = arith.constant 4 : i32
      %mul3A_129 = arith.muli %add3A_127, %mul3A_128 : i32
      %add3A_130 = arith.constant 2 : i32
      %add3A_131 = arith.addi %mul3A_129, %add3A_130 : i32
      %dma_wait3A_132 = arith.constant 0 : i32
      %dma_wait3A_133 = arith.constant 0 : i32
      %dma_wait3A_134 = tpu.memref_slice %arg2[%dma_wait3A_132, %dma_wait3A_133] : memref<16384x128xf32, #tpu.memory_space<hbm>> -> memref<64x128xf32, #tpu.memory_space<hbm>>
      %dma_wait3A_135 = arith.constant 0 : i32
      %dma_wait3A_136 = arith.constant 0 : i32
      %dma_wait3A_137 = tpu.memref_slice %arg2[%dma_wait3A_135, %dma_wait3A_136] : memref<16384x128xf32, #tpu.memory_space<hbm>> -> memref<64x128xf32, #tpu.memory_space<hbm>>
      tpu.wait_dma2 semaphore(%arg16 : memref<!tpu.dma_semaphore, #tpu.memory_space<semaphore_mem>>) src(%dma_wait3A_137 : memref<64x128xf32, #tpu.memory_space<hbm>>) dst(%arg8 : memref<64x128xf32, #tpu.memory_space<vmem>>)
      %lt3A_138 = arith.constant 32 : i32
      %lt3A_139 = arith.cmpi slt, %add3A_131, %lt3A_138 : i32
      %convert_element_type3A_140 = arith.extui %lt3A_139 : i1 to i32
      %cond3A_141 = arith.constant 0 : i32
      %cond3A_142 = arith.cmpi ne, %convert_element_type3A_140, %cond3A_141 : i32
      scf.if %cond3A_142 {
        %mul3A_160 = arith.constant 64 : i32
        %mul3A_161 = arith.muli %add3A_131, %mul3A_160 : i32
        %dma_start3A_162 = tpu.memref_slice %arg5[%mul3A_161] : memref<2048xi32, #tpu.memory_space<vmem>> -> memref<64xi32, #tpu.memory_space<vmem>>
        %dma_start3A_163 = arith.constant 0 : i32
        %dma_start3A_164 = arith.constant 0 : i32
        %dma_start3A_165 = tpu.memref_slice %arg2[%dma_start3A_163, %dma_start3A_164] : memref<16384x128xf32, #tpu.memory_space<hbm>> -> memref<16384x128xf32, #tpu.memory_space<hbm>>
        tpu.enqueue_indirect_dma source(%dma_start3A_165 : memref<16384x128xf32, #tpu.memory_space<hbm>>) target(%arg8 : memref<64x128xf32, #tpu.memory_space<vmem>>) offsets(%dma_start3A_162 : memref<64xi32, #tpu.memory_space<vmem>>) semaphore(%arg12 : memref<!tpu.dma_semaphore, #tpu.memory_space<semaphore_mem>>)
      } else {
      }
      %add3A_143 = arith.constant 1 : i32
      %add3A_144 = arith.addi %scan3A_27, %add3A_143 : i32
      %mul3A_145 = arith.constant 4 : i32
      %mul3A_146 = arith.muli %add3A_144, %mul3A_145 : i32
      %add3A_147 = arith.constant 3 : i32
      %add3A_148 = arith.addi %mul3A_146, %add3A_147 : i32
      %dma_wait3A_149 = arith.constant 0 : i32
      %dma_wait3A_150 = arith.constant 0 : i32
      %dma_wait3A_151 = tpu.memref_slice %arg2[%dma_wait3A_149, %dma_wait3A_150] : memref<16384x128xf32, #tpu.memory_space<hbm>> -> memref<64x128xf32, #tpu.memory_space<hbm>>
      %dma_wait3A_152 = arith.constant 0 : i32
      %dma_wait3A_153 = arith.constant 0 : i32
      %dma_wait3A_154 = tpu.memref_slice %arg2[%dma_wait3A_152, %dma_wait3A_153] : memref<16384x128xf32, #tpu.memory_space<hbm>> -> memref<64x128xf32, #tpu.memory_space<hbm>>
      tpu.wait_dma2 semaphore(%arg17 : memref<!tpu.dma_semaphore, #tpu.memory_space<semaphore_mem>>) src(%dma_wait3A_154 : memref<64x128xf32, #tpu.memory_space<hbm>>) dst(%arg9 : memref<64x128xf32, #tpu.memory_space<vmem>>)
      %lt3A_155 = arith.constant 32 : i32
      %lt3A_156 = arith.cmpi slt, %add3A_148, %lt3A_155 : i32
      %convert_element_type3A_157 = arith.extui %lt3A_156 : i1 to i32
      %cond3A_158 = arith.constant 0 : i32
      %cond3A_159 = arith.cmpi ne, %convert_element_type3A_157, %cond3A_158 : i32
      scf.if %cond3A_159 {
        %mul3A_160 = arith.constant 64 : i32
        %mul3A_161 = arith.muli %add3A_148, %mul3A_160 : i32
        %dma_start3A_162 = tpu.memref_slice %arg5[%mul3A_161] : memref<2048xi32, #tpu.memory_space<vmem>> -> memref<64xi32, #tpu.memory_space<vmem>>
        %dma_start3A_163 = arith.constant 0 : i32
        %dma_start3A_164 = arith.constant 0 : i32
        %dma_start3A_165 = tpu.memref_slice %arg2[%dma_start3A_163, %dma_start3A_164] : memref<16384x128xf32, #tpu.memory_space<hbm>> -> memref<16384x128xf32, #tpu.memory_space<hbm>>
        tpu.enqueue_indirect_dma source(%dma_start3A_165 : memref<16384x128xf32, #tpu.memory_space<hbm>>) target(%arg9 : memref<64x128xf32, #tpu.memory_space<vmem>>) offsets(%dma_start3A_162 : memref<64xi32, #tpu.memory_space<vmem>>) semaphore(%arg13 : memref<!tpu.dma_semaphore, #tpu.memory_space<semaphore_mem>>)
      } else {
      }
    }
    %scan3A_26 = arith.constant 8 : i32
    return
  }
}

#map = affine_map<(d0, d1) -> (0, 0)>
#map1 = affine_map<(d0, d1) -> (0)>
module attributes {stable_mosaic.version = 14 : i64} {
  func.func @body(%arg0: i32, %arg1: i32, %arg2: memref<8192x384xf32, #tpu.memory_space<hbm>>, %arg3: memref<32768xi32, #tpu.memory_space<hbm>>, %arg4: memref<32768x384xf32, #tpu.memory_space<hbm>>, %arg5: memref<1024xi32, #tpu.memory_space<vmem>>, %arg6: memref<64x384xf32, #tpu.memory_space<vmem>>, %arg7: memref<64x384xf32, #tpu.memory_space<vmem>>, %arg8: memref<64x384xf32, #tpu.memory_space<vmem>>, %arg9: memref<64x384xf32, #tpu.memory_space<vmem>>, %arg10: memref<!tpu.dma_semaphore, #tpu.memory_space<semaphore_mem>>, %arg11: memref<!tpu.dma_semaphore, #tpu.memory_space<semaphore_mem>>, %arg12: memref<!tpu.dma_semaphore, #tpu.memory_space<semaphore_mem>>, %arg13: memref<!tpu.dma_semaphore, #tpu.memory_space<semaphore_mem>>, %arg14: memref<!tpu.dma_semaphore, #tpu.memory_space<semaphore_mem>>, %arg15: memref<!tpu.dma_semaphore, #tpu.memory_space<semaphore_mem>>, %arg16: memref<!tpu.dma_semaphore, #tpu.memory_space<semaphore_mem>>, %arg17: memref<!tpu.dma_semaphore, #tpu.memory_space<semaphore_mem>>) attributes {dimension_semantics = [#tpu.dimension_semantics<core_parallel>, #tpu.dimension_semantics<subcore_parallel>], iteration_bounds = array<i64: 2, 16>, scalar_prefetch = 0 : i64, scratch_operands = 13 : i64, tpu.core_type = #tpu.core_type<sc_vector_subcore>, window_params = [{transform_indices = #map}, {transform_indices = #map1}, {transform_indices = #map}]} {
    %mul3A = arith.constant 2 : i32
    %mul3A_0 = arith.muli %arg1, %mul3A : i32
    %add3A = arith.addi %mul3A_0, %arg0 : i32
    %mul3A_1 = arith.constant 1024 : i32
    %mul3A_2 = arith.muli %add3A, %mul3A_1 : i32
    "tpu.region"() ({
      %run_scoped3A = tpu.sem_alloc : memref<!tpu.dma_semaphore, #tpu.memory_space<semaphore_mem>>
      %dma_start3A_27 = tpu.memref_slice %arg3[%mul3A_2] : memref<32768xi32, #tpu.memory_space<hbm>> -> memref<1024xi32, #tpu.memory_space<hbm>>
      %dma_start3A_28 = tpu.memref_slice %arg3[%mul3A_2] : memref<32768xi32, #tpu.memory_space<hbm>> -> memref<1024xi32, #tpu.memory_space<hbm>>
      tpu.enqueue_dma source(%dma_start3A_28 : memref<1024xi32, #tpu.memory_space<hbm>>) target(%arg5 : memref<1024xi32, #tpu.memory_space<vmem>>) target_semaphore(%run_scoped3A : memref<!tpu.dma_semaphore, #tpu.memory_space<semaphore_mem>>)
      %dma_wait3A = tpu.memref_slice %arg3[%mul3A_2] : memref<32768xi32, #tpu.memory_space<hbm>> -> memref<1024xi32, #tpu.memory_space<hbm>>
      %dma_wait3A_29 = tpu.memref_slice %arg3[%mul3A_2] : memref<32768xi32, #tpu.memory_space<hbm>> -> memref<1024xi32, #tpu.memory_space<hbm>>
      tpu.wait_dma2 semaphore(%run_scoped3A : memref<!tpu.dma_semaphore, #tpu.memory_space<semaphore_mem>>) src(%dma_wait3A_29 : memref<1024xi32, #tpu.memory_space<hbm>>) dst(%arg5 : memref<1024xi32, #tpu.memory_space<vmem>>)
      tpu.yield
    }) : () -> ()
    %dma_start3A = arith.constant 0 : i32
    %dma_start3A_3 = tpu.memref_slice %arg5[%dma_start3A] : memref<1024xi32, #tpu.memory_space<vmem>> -> memref<64xi32, #tpu.memory_space<vmem>>
    %dma_start3A_4 = arith.constant 0 : i32
    %dma_start3A_5 = arith.constant 0 : i32
    %dma_start3A_6 = tpu.memref_slice %arg2[%dma_start3A_4, %dma_start3A_5] : memref<8192x384xf32, #tpu.memory_space<hbm>> -> memref<8192x384xf32, #tpu.memory_space<hbm>>
    tpu.enqueue_indirect_dma source(%dma_start3A_6 : memref<8192x384xf32, #tpu.memory_space<hbm>>) target(%arg6 : memref<64x384xf32, #tpu.memory_space<vmem>>) offsets(%dma_start3A_3 : memref<64xi32, #tpu.memory_space<vmem>>) semaphore(%arg10 : memref<!tpu.dma_semaphore, #tpu.memory_space<semaphore_mem>>)
    %dma_start3A_7 = arith.constant 64 : i32
    %dma_start3A_8 = tpu.memref_slice %arg5[%dma_start3A_7] : memref<1024xi32, #tpu.memory_space<vmem>> -> memref<64xi32, #tpu.memory_space<vmem>>
    %dma_start3A_9 = arith.constant 0 : i32
    %dma_start3A_10 = arith.constant 0 : i32
    %dma_start3A_11 = tpu.memref_slice %arg2[%dma_start3A_9, %dma_start3A_10] : memref<8192x384xf32, #tpu.memory_space<hbm>> -> memref<8192x384xf32, #tpu.memory_space<hbm>>
    tpu.enqueue_indirect_dma source(%dma_start3A_11 : memref<8192x384xf32, #tpu.memory_space<hbm>>) target(%arg7 : memref<64x384xf32, #tpu.memory_space<vmem>>) offsets(%dma_start3A_8 : memref<64xi32, #tpu.memory_space<vmem>>) semaphore(%arg11 : memref<!tpu.dma_semaphore, #tpu.memory_space<semaphore_mem>>)
    %dma_start3A_12 = arith.constant 128 : i32
    %dma_start3A_13 = tpu.memref_slice %arg5[%dma_start3A_12] : memref<1024xi32, #tpu.memory_space<vmem>> -> memref<64xi32, #tpu.memory_space<vmem>>
    %dma_start3A_14 = arith.constant 0 : i32
    %dma_start3A_15 = arith.constant 0 : i32
    %dma_start3A_16 = tpu.memref_slice %arg2[%dma_start3A_14, %dma_start3A_15] : memref<8192x384xf32, #tpu.memory_space<hbm>> -> memref<8192x384xf32, #tpu.memory_space<hbm>>
    tpu.enqueue_indirect_dma source(%dma_start3A_16 : memref<8192x384xf32, #tpu.memory_space<hbm>>) target(%arg8 : memref<64x384xf32, #tpu.memory_space<vmem>>) offsets(%dma_start3A_13 : memref<64xi32, #tpu.memory_space<vmem>>) semaphore(%arg12 : memref<!tpu.dma_semaphore, #tpu.memory_space<semaphore_mem>>)
    %dma_start3A_17 = arith.constant 192 : i32
    %dma_start3A_18 = tpu.memref_slice %arg5[%dma_start3A_17] : memref<1024xi32, #tpu.memory_space<vmem>> -> memref<64xi32, #tpu.memory_space<vmem>>
    %dma_start3A_19 = arith.constant 0 : i32
    %dma_start3A_20 = arith.constant 0 : i32
    %dma_start3A_21 = tpu.memref_slice %arg2[%dma_start3A_19, %dma_start3A_20] : memref<8192x384xf32, #tpu.memory_space<hbm>> -> memref<8192x384xf32, #tpu.memory_space<hbm>>
    tpu.enqueue_indirect_dma source(%dma_start3A_21 : memref<8192x384xf32, #tpu.memory_space<hbm>>) target(%arg9 : memref<64x384xf32, #tpu.memory_space<vmem>>) offsets(%dma_start3A_18 : memref<64xi32, #tpu.memory_space<vmem>>) semaphore(%arg13 : memref<!tpu.dma_semaphore, #tpu.memory_space<semaphore_mem>>)
    %scan3A = arith.constant 0 : i32
    %scan3A_22 = arith.constant 0 : i32
    %scan3A_23 = arith.constant 4 : i32
    %scan3A_24 = arith.addi %scan3A_22, %scan3A_23 : i32
    %scan3A_25 = arith.constant 1 : i32
    scf.for %scan3A_27 = %scan3A_22 to %scan3A_24 step %scan3A_25  : i32 {
      %mul3A_28 = arith.constant 4 : i32
      %mul3A_29 = arith.muli %scan3A_27, %mul3A_28 : i32
      %add3A_30 = arith.constant 0 : i32
      %add3A_31 = arith.addi %mul3A_29, %add3A_30 : i32
      %dma_wait3A = arith.constant 0 : i32
      %dma_wait3A_32 = arith.constant 0 : i32
      %dma_wait3A_33 = tpu.memref_slice %arg2[%dma_wait3A, %dma_wait3A_32] : memref<8192x384xf32, #tpu.memory_space<hbm>> -> memref<64x384xf32, #tpu.memory_space<hbm>>
      %dma_wait3A_34 = arith.constant 0 : i32
      %dma_wait3A_35 = arith.constant 0 : i32
      %dma_wait3A_36 = tpu.memref_slice %arg2[%dma_wait3A_34, %dma_wait3A_35] : memref<8192x384xf32, #tpu.memory_space<hbm>> -> memref<64x384xf32, #tpu.memory_space<hbm>>
      tpu.wait_dma2 semaphore(%arg10 : memref<!tpu.dma_semaphore, #tpu.memory_space<semaphore_mem>>) src(%dma_wait3A_36 : memref<64x384xf32, #tpu.memory_space<hbm>>) dst(%arg6 : memref<64x384xf32, #tpu.memory_space<vmem>>)
      %mul3A_37 = arith.constant 64 : i32
      %mul3A_38 = arith.muli %add3A_31, %mul3A_37 : i32
      %add3A_39 = arith.addi %mul3A_2, %mul3A_38 : i32
      %dma_start3A_40 = arith.constant 0 : i32
      %dma_start3A_41 = tpu.memref_slice %arg4[%add3A_39, %dma_start3A_40] : memref<32768x384xf32, #tpu.memory_space<hbm>> -> memref<64x384xf32, #tpu.memory_space<hbm>>
      %dma_start3A_42 = arith.constant 0 : i32
      %dma_start3A_43 = tpu.memref_slice %arg4[%add3A_39, %dma_start3A_42] : memref<32768x384xf32, #tpu.memory_space<hbm>> -> memref<64x384xf32, #tpu.memory_space<hbm>>
      tpu.enqueue_dma source(%arg6 : memref<64x384xf32, #tpu.memory_space<vmem>>) target(%dma_start3A_43 : memref<64x384xf32, #tpu.memory_space<hbm>>) target_semaphore(%arg14 : memref<!tpu.dma_semaphore, #tpu.memory_space<semaphore_mem>>)
      %mul3A_44 = arith.constant 4 : i32
      %mul3A_45 = arith.muli %scan3A_27, %mul3A_44 : i32
      %add3A_46 = arith.constant 1 : i32
      %add3A_47 = arith.addi %mul3A_45, %add3A_46 : i32
      %dma_wait3A_48 = arith.constant 0 : i32
      %dma_wait3A_49 = arith.constant 0 : i32
      %dma_wait3A_50 = tpu.memref_slice %arg2[%dma_wait3A_48, %dma_wait3A_49] : memref<8192x384xf32, #tpu.memory_space<hbm>> -> memref<64x384xf32, #tpu.memory_space<hbm>>
      %dma_wait3A_51 = arith.constant 0 : i32
      %dma_wait3A_52 = arith.constant 0 : i32
      %dma_wait3A_53 = tpu.memref_slice %arg2[%dma_wait3A_51, %dma_wait3A_52] : memref<8192x384xf32, #tpu.memory_space<hbm>> -> memref<64x384xf32, #tpu.memory_space<hbm>>
      tpu.wait_dma2 semaphore(%arg11 : memref<!tpu.dma_semaphore, #tpu.memory_space<semaphore_mem>>) src(%dma_wait3A_53 : memref<64x384xf32, #tpu.memory_space<hbm>>) dst(%arg7 : memref<64x384xf32, #tpu.memory_space<vmem>>)
      %mul3A_54 = arith.constant 64 : i32
      %mul3A_55 = arith.muli %add3A_47, %mul3A_54 : i32
      %add3A_56 = arith.addi %mul3A_2, %mul3A_55 : i32
      %dma_start3A_57 = arith.constant 0 : i32
      %dma_start3A_58 = tpu.memref_slice %arg4[%add3A_56, %dma_start3A_57] : memref<32768x384xf32, #tpu.memory_space<hbm>> -> memref<64x384xf32, #tpu.memory_space<hbm>>
      %dma_start3A_59 = arith.constant 0 : i32
      %dma_start3A_60 = tpu.memref_slice %arg4[%add3A_56, %dma_start3A_59] : memref<32768x384xf32, #tpu.memory_space<hbm>> -> memref<64x384xf32, #tpu.memory_space<hbm>>
      tpu.enqueue_dma source(%arg7 : memref<64x384xf32, #tpu.memory_space<vmem>>) target(%dma_start3A_60 : memref<64x384xf32, #tpu.memory_space<hbm>>) target_semaphore(%arg15 : memref<!tpu.dma_semaphore, #tpu.memory_space<semaphore_mem>>)
      %mul3A_61 = arith.constant 4 : i32
      %mul3A_62 = arith.muli %scan3A_27, %mul3A_61 : i32
      %add3A_63 = arith.constant 2 : i32
      %add3A_64 = arith.addi %mul3A_62, %add3A_63 : i32
      %dma_wait3A_65 = arith.constant 0 : i32
      %dma_wait3A_66 = arith.constant 0 : i32
      %dma_wait3A_67 = tpu.memref_slice %arg2[%dma_wait3A_65, %dma_wait3A_66] : memref<8192x384xf32, #tpu.memory_space<hbm>> -> memref<64x384xf32, #tpu.memory_space<hbm>>
      %dma_wait3A_68 = arith.constant 0 : i32
      %dma_wait3A_69 = arith.constant 0 : i32
      %dma_wait3A_70 = tpu.memref_slice %arg2[%dma_wait3A_68, %dma_wait3A_69] : memref<8192x384xf32, #tpu.memory_space<hbm>> -> memref<64x384xf32, #tpu.memory_space<hbm>>
      tpu.wait_dma2 semaphore(%arg12 : memref<!tpu.dma_semaphore, #tpu.memory_space<semaphore_mem>>) src(%dma_wait3A_70 : memref<64x384xf32, #tpu.memory_space<hbm>>) dst(%arg8 : memref<64x384xf32, #tpu.memory_space<vmem>>)
      %mul3A_71 = arith.constant 64 : i32
      %mul3A_72 = arith.muli %add3A_64, %mul3A_71 : i32
      %add3A_73 = arith.addi %mul3A_2, %mul3A_72 : i32
      %dma_start3A_74 = arith.constant 0 : i32
      %dma_start3A_75 = tpu.memref_slice %arg4[%add3A_73, %dma_start3A_74] : memref<32768x384xf32, #tpu.memory_space<hbm>> -> memref<64x384xf32, #tpu.memory_space<hbm>>
      %dma_start3A_76 = arith.constant 0 : i32
      %dma_start3A_77 = tpu.memref_slice %arg4[%add3A_73, %dma_start3A_76] : memref<32768x384xf32, #tpu.memory_space<hbm>> -> memref<64x384xf32, #tpu.memory_space<hbm>>
      tpu.enqueue_dma source(%arg8 : memref<64x384xf32, #tpu.memory_space<vmem>>) target(%dma_start3A_77 : memref<64x384xf32, #tpu.memory_space<hbm>>) target_semaphore(%arg16 : memref<!tpu.dma_semaphore, #tpu.memory_space<semaphore_mem>>)
      %mul3A_78 = arith.constant 4 : i32
      %mul3A_79 = arith.muli %scan3A_27, %mul3A_78 : i32
      %add3A_80 = arith.constant 3 : i32
      %add3A_81 = arith.addi %mul3A_79, %add3A_80 : i32
      %dma_wait3A_82 = arith.constant 0 : i32
      %dma_wait3A_83 = arith.constant 0 : i32
      %dma_wait3A_84 = tpu.memref_slice %arg2[%dma_wait3A_82, %dma_wait3A_83] : memref<8192x384xf32, #tpu.memory_space<hbm>> -> memref<64x384xf32, #tpu.memory_space<hbm>>
      %dma_wait3A_85 = arith.constant 0 : i32
      %dma_wait3A_86 = arith.constant 0 : i32
      %dma_wait3A_87 = tpu.memref_slice %arg2[%dma_wait3A_85, %dma_wait3A_86] : memref<8192x384xf32, #tpu.memory_space<hbm>> -> memref<64x384xf32, #tpu.memory_space<hbm>>
      tpu.wait_dma2 semaphore(%arg13 : memref<!tpu.dma_semaphore, #tpu.memory_space<semaphore_mem>>) src(%dma_wait3A_87 : memref<64x384xf32, #tpu.memory_space<hbm>>) dst(%arg9 : memref<64x384xf32, #tpu.memory_space<vmem>>)
      %mul3A_88 = arith.constant 64 : i32
      %mul3A_89 = arith.muli %add3A_81, %mul3A_88 : i32
      %add3A_90 = arith.addi %mul3A_2, %mul3A_89 : i32
      %dma_start3A_91 = arith.constant 0 : i32
      %dma_start3A_92 = tpu.memref_slice %arg4[%add3A_90, %dma_start3A_91] : memref<32768x384xf32, #tpu.memory_space<hbm>> -> memref<64x384xf32, #tpu.memory_space<hbm>>
      %dma_start3A_93 = arith.constant 0 : i32
      %dma_start3A_94 = tpu.memref_slice %arg4[%add3A_90, %dma_start3A_93] : memref<32768x384xf32, #tpu.memory_space<hbm>> -> memref<64x384xf32, #tpu.memory_space<hbm>>
      tpu.enqueue_dma source(%arg9 : memref<64x384xf32, #tpu.memory_space<vmem>>) target(%dma_start3A_94 : memref<64x384xf32, #tpu.memory_space<hbm>>) target_semaphore(%arg17 : memref<!tpu.dma_semaphore, #tpu.memory_space<semaphore_mem>>)
      %add3A_95 = arith.constant 1 : i32
      %add3A_96 = arith.addi %scan3A_27, %add3A_95 : i32
      %mul3A_97 = arith.constant 4 : i32
      %mul3A_98 = arith.muli %add3A_96, %mul3A_97 : i32
      %add3A_99 = arith.constant 0 : i32
      %add3A_100 = arith.addi %mul3A_98, %add3A_99 : i32
      %dma_wait3A_101 = arith.constant 0 : i32
      %dma_wait3A_102 = arith.constant 0 : i32
      %dma_wait3A_103 = tpu.memref_slice %arg2[%dma_wait3A_101, %dma_wait3A_102] : memref<8192x384xf32, #tpu.memory_space<hbm>> -> memref<64x384xf32, #tpu.memory_space<hbm>>
      %dma_wait3A_104 = arith.constant 0 : i32
      %dma_wait3A_105 = arith.constant 0 : i32
      %dma_wait3A_106 = tpu.memref_slice %arg2[%dma_wait3A_104, %dma_wait3A_105] : memref<8192x384xf32, #tpu.memory_space<hbm>> -> memref<64x384xf32, #tpu.memory_space<hbm>>
      tpu.wait_dma2 semaphore(%arg14 : memref<!tpu.dma_semaphore, #tpu.memory_space<semaphore_mem>>) src(%dma_wait3A_106 : memref<64x384xf32, #tpu.memory_space<hbm>>) dst(%arg6 : memref<64x384xf32, #tpu.memory_space<vmem>>)
      %lt3A = arith.constant 16 : i32
      %lt3A_107 = arith.cmpi slt, %add3A_100, %lt3A : i32
      %convert_element_type3A = arith.extui %lt3A_107 : i1 to i32
      %cond3A = arith.constant 0 : i32
      %cond3A_108 = arith.cmpi ne, %convert_element_type3A, %cond3A : i32
      scf.if %cond3A_108 {
        %mul3A_160 = arith.constant 64 : i32
        %mul3A_161 = arith.muli %add3A_100, %mul3A_160 : i32
        %dma_start3A_162 = tpu.memref_slice %arg5[%mul3A_161] : memref<1024xi32, #tpu.memory_space<vmem>> -> memref<64xi32, #tpu.memory_space<vmem>>
        %dma_start3A_163 = arith.constant 0 : i32
        %dma_start3A_164 = arith.constant 0 : i32
        %dma_start3A_165 = tpu.memref_slice %arg2[%dma_start3A_163, %dma_start3A_164] : memref<8192x384xf32, #tpu.memory_space<hbm>> -> memref<8192x384xf32, #tpu.memory_space<hbm>>
        tpu.enqueue_indirect_dma source(%dma_start3A_165 : memref<8192x384xf32, #tpu.memory_space<hbm>>) target(%arg6 : memref<64x384xf32, #tpu.memory_space<vmem>>) offsets(%dma_start3A_162 : memref<64xi32, #tpu.memory_space<vmem>>) semaphore(%arg10 : memref<!tpu.dma_semaphore, #tpu.memory_space<semaphore_mem>>)
      } else {
      }
      %add3A_109 = arith.constant 1 : i32
      %add3A_110 = arith.addi %scan3A_27, %add3A_109 : i32
      %mul3A_111 = arith.constant 4 : i32
      %mul3A_112 = arith.muli %add3A_110, %mul3A_111 : i32
      %add3A_113 = arith.constant 1 : i32
      %add3A_114 = arith.addi %mul3A_112, %add3A_113 : i32
      %dma_wait3A_115 = arith.constant 0 : i32
      %dma_wait3A_116 = arith.constant 0 : i32
      %dma_wait3A_117 = tpu.memref_slice %arg2[%dma_wait3A_115, %dma_wait3A_116] : memref<8192x384xf32, #tpu.memory_space<hbm>> -> memref<64x384xf32, #tpu.memory_space<hbm>>
      %dma_wait3A_118 = arith.constant 0 : i32
      %dma_wait3A_119 = arith.constant 0 : i32
      %dma_wait3A_120 = tpu.memref_slice %arg2[%dma_wait3A_118, %dma_wait3A_119] : memref<8192x384xf32, #tpu.memory_space<hbm>> -> memref<64x384xf32, #tpu.memory_space<hbm>>
      tpu.wait_dma2 semaphore(%arg15 : memref<!tpu.dma_semaphore, #tpu.memory_space<semaphore_mem>>) src(%dma_wait3A_120 : memref<64x384xf32, #tpu.memory_space<hbm>>) dst(%arg7 : memref<64x384xf32, #tpu.memory_space<vmem>>)
      %lt3A_121 = arith.constant 16 : i32
      %lt3A_122 = arith.cmpi slt, %add3A_114, %lt3A_121 : i32
      %convert_element_type3A_123 = arith.extui %lt3A_122 : i1 to i32
      %cond3A_124 = arith.constant 0 : i32
      %cond3A_125 = arith.cmpi ne, %convert_element_type3A_123, %cond3A_124 : i32
      scf.if %cond3A_125 {
        %mul3A_160 = arith.constant 64 : i32
        %mul3A_161 = arith.muli %add3A_114, %mul3A_160 : i32
        %dma_start3A_162 = tpu.memref_slice %arg5[%mul3A_161] : memref<1024xi32, #tpu.memory_space<vmem>> -> memref<64xi32, #tpu.memory_space<vmem>>
        %dma_start3A_163 = arith.constant 0 : i32
        %dma_start3A_164 = arith.constant 0 : i32
        %dma_start3A_165 = tpu.memref_slice %arg2[%dma_start3A_163, %dma_start3A_164] : memref<8192x384xf32, #tpu.memory_space<hbm>> -> memref<8192x384xf32, #tpu.memory_space<hbm>>
        tpu.enqueue_indirect_dma source(%dma_start3A_165 : memref<8192x384xf32, #tpu.memory_space<hbm>>) target(%arg7 : memref<64x384xf32, #tpu.memory_space<vmem>>) offsets(%dma_start3A_162 : memref<64xi32, #tpu.memory_space<vmem>>) semaphore(%arg11 : memref<!tpu.dma_semaphore, #tpu.memory_space<semaphore_mem>>)
      } else {
      }
      %add3A_126 = arith.constant 1 : i32
      %add3A_127 = arith.addi %scan3A_27, %add3A_126 : i32
      %mul3A_128 = arith.constant 4 : i32
      %mul3A_129 = arith.muli %add3A_127, %mul3A_128 : i32
      %add3A_130 = arith.constant 2 : i32
      %add3A_131 = arith.addi %mul3A_129, %add3A_130 : i32
      %dma_wait3A_132 = arith.constant 0 : i32
      %dma_wait3A_133 = arith.constant 0 : i32
      %dma_wait3A_134 = tpu.memref_slice %arg2[%dma_wait3A_132, %dma_wait3A_133] : memref<8192x384xf32, #tpu.memory_space<hbm>> -> memref<64x384xf32, #tpu.memory_space<hbm>>
      %dma_wait3A_135 = arith.constant 0 : i32
      %dma_wait3A_136 = arith.constant 0 : i32
      %dma_wait3A_137 = tpu.memref_slice %arg2[%dma_wait3A_135, %dma_wait3A_136] : memref<8192x384xf32, #tpu.memory_space<hbm>> -> memref<64x384xf32, #tpu.memory_space<hbm>>
      tpu.wait_dma2 semaphore(%arg16 : memref<!tpu.dma_semaphore, #tpu.memory_space<semaphore_mem>>) src(%dma_wait3A_137 : memref<64x384xf32, #tpu.memory_space<hbm>>) dst(%arg8 : memref<64x384xf32, #tpu.memory_space<vmem>>)
      %lt3A_138 = arith.constant 16 : i32
      %lt3A_139 = arith.cmpi slt, %add3A_131, %lt3A_138 : i32
      %convert_element_type3A_140 = arith.extui %lt3A_139 : i1 to i32
      %cond3A_141 = arith.constant 0 : i32
      %cond3A_142 = arith.cmpi ne, %convert_element_type3A_140, %cond3A_141 : i32
      scf.if %cond3A_142 {
        %mul3A_160 = arith.constant 64 : i32
        %mul3A_161 = arith.muli %add3A_131, %mul3A_160 : i32
        %dma_start3A_162 = tpu.memref_slice %arg5[%mul3A_161] : memref<1024xi32, #tpu.memory_space<vmem>> -> memref<64xi32, #tpu.memory_space<vmem>>
        %dma_start3A_163 = arith.constant 0 : i32
        %dma_start3A_164 = arith.constant 0 : i32
        %dma_start3A_165 = tpu.memref_slice %arg2[%dma_start3A_163, %dma_start3A_164] : memref<8192x384xf32, #tpu.memory_space<hbm>> -> memref<8192x384xf32, #tpu.memory_space<hbm>>
        tpu.enqueue_indirect_dma source(%dma_start3A_165 : memref<8192x384xf32, #tpu.memory_space<hbm>>) target(%arg8 : memref<64x384xf32, #tpu.memory_space<vmem>>) offsets(%dma_start3A_162 : memref<64xi32, #tpu.memory_space<vmem>>) semaphore(%arg12 : memref<!tpu.dma_semaphore, #tpu.memory_space<semaphore_mem>>)
      } else {
      }
      %add3A_143 = arith.constant 1 : i32
      %add3A_144 = arith.addi %scan3A_27, %add3A_143 : i32
      %mul3A_145 = arith.constant 4 : i32
      %mul3A_146 = arith.muli %add3A_144, %mul3A_145 : i32
      %add3A_147 = arith.constant 3 : i32
      %add3A_148 = arith.addi %mul3A_146, %add3A_147 : i32
      %dma_wait3A_149 = arith.constant 0 : i32
      %dma_wait3A_150 = arith.constant 0 : i32
      %dma_wait3A_151 = tpu.memref_slice %arg2[%dma_wait3A_149, %dma_wait3A_150] : memref<8192x384xf32, #tpu.memory_space<hbm>> -> memref<64x384xf32, #tpu.memory_space<hbm>>
      %dma_wait3A_152 = arith.constant 0 : i32
      %dma_wait3A_153 = arith.constant 0 : i32
      %dma_wait3A_154 = tpu.memref_slice %arg2[%dma_wait3A_152, %dma_wait3A_153] : memref<8192x384xf32, #tpu.memory_space<hbm>> -> memref<64x384xf32, #tpu.memory_space<hbm>>
      tpu.wait_dma2 semaphore(%arg17 : memref<!tpu.dma_semaphore, #tpu.memory_space<semaphore_mem>>) src(%dma_wait3A_154 : memref<64x384xf32, #tpu.memory_space<hbm>>) dst(%arg9 : memref<64x384xf32, #tpu.memory_space<vmem>>)
      %lt3A_155 = arith.constant 16 : i32
      %lt3A_156 = arith.cmpi slt, %add3A_148, %lt3A_155 : i32
      %convert_element_type3A_157 = arith.extui %lt3A_156 : i1 to i32
      %cond3A_158 = arith.constant 0 : i32
      %cond3A_159 = arith.cmpi ne, %convert_element_type3A_157, %cond3A_158 : i32
      scf.if %cond3A_159 {
        %mul3A_160 = arith.constant 64 : i32
        %mul3A_161 = arith.muli %add3A_148, %mul3A_160 : i32
        %dma_start3A_162 = tpu.memref_slice %arg5[%mul3A_161] : memref<1024xi32, #tpu.memory_space<vmem>> -> memref<64xi32, #tpu.memory_space<vmem>>
        %dma_start3A_163 = arith.constant 0 : i32
        %dma_start3A_164 = arith.constant 0 : i32
        %dma_start3A_165 = tpu.memref_slice %arg2[%dma_start3A_163, %dma_start3A_164] : memref<8192x384xf32, #tpu.memory_space<hbm>> -> memref<8192x384xf32, #tpu.memory_space<hbm>>
        tpu.enqueue_indirect_dma source(%dma_start3A_165 : memref<8192x384xf32, #tpu.memory_space<hbm>>) target(%arg9 : memref<64x384xf32, #tpu.memory_space<vmem>>) offsets(%dma_start3A_162 : memref<64xi32, #tpu.memory_space<vmem>>) semaphore(%arg13 : memref<!tpu.dma_semaphore, #tpu.memory_space<semaphore_mem>>)
      } else {
      }
    }
    %scan3A_26 = arith.constant 4 : i32
    return
  }
}

#map = affine_map<(d0, d1) -> (0, 0)>
#map1 = affine_map<(d0, d1) -> (0, 0, 0)>
module attributes {stable_mosaic.version = 14 : i64} {
  func.func @body(%arg0: i32, %arg1: i32, %arg2: memref<32768x128xf32, #tpu.memory_space<hbm>>, %arg3: memref<32768x128xf32, #tpu.memory_space<hbm>>, %arg4: memref<32768x128xf32, #tpu.memory_space<hbm>>, %arg5: memref<32x16x64xi32, #tpu.memory_space<hbm>>, %arg6: memref<64x128xf32, #tpu.memory_space<hbm>>, %arg7: memref<256x128xf32, #tpu.memory_space<hbm>>, %arg8: memref<8192x128xf32, #tpu.memory_space<hbm>>, %arg9: memref<8192x128xf32, #tpu.memory_space<hbm>>, %arg10: memref<8192x128xf32, #tpu.memory_space<hbm>>, %arg11: memref<8192x128xf32, #tpu.memory_space<hbm>>, %arg12: memref<16x64xi32, #tpu.memory_space<vmem>>, %arg13: memref<64x128xf32, #tpu.memory_space<vmem>>, %arg14: memref<64x128xf32, #tpu.memory_space<vmem>>, %arg15: memref<64x128xf32, #tpu.memory_space<vmem>>, %arg16: memref<64x128xf32, #tpu.memory_space<vmem>>, %arg17: memref<64x128xf32, #tpu.memory_space<vmem>>, %arg18: memref<4096x128xf32, #tpu.memory_space<vmem_shared>>, %arg19: memref<4096x128xf32, #tpu.memory_space<vmem_shared>>, %arg20: memref<!tpu.dma_semaphore, #tpu.memory_space<semaphore_mem>>, %arg21: memref<!tpu.dma_semaphore, #tpu.memory_space<semaphore_mem>>, %arg22: memref<!tpu.dma_semaphore, #tpu.memory_space<semaphore_mem>>, %arg23: memref<!tpu.dma_semaphore, #tpu.memory_space<semaphore_mem>>) attributes {dimension_semantics = [#tpu.dimension_semantics<core_parallel>, #tpu.dimension_semantics<subcore_parallel>], iteration_bounds = array<i64: 2, 16>, scalar_prefetch = 0 : i64, scratch_operands = 12 : i64, tpu.core_type = #tpu.core_type<sc_vector_subcore>, window_params = [{transform_indices = #map}, {transform_indices = #map}, {transform_indices = #map}, {transform_indices = #map1}, {transform_indices = #map}, {transform_indices = #map}, {transform_indices = #map}, {transform_indices = #map}, {transform_indices = #map}, {transform_indices = #map}]} {
    %mul3A = arith.constant 16 : i32
    %mul3A_0 = arith.muli %arg0, %mul3A : i32
    %add3A = arith.addi %mul3A_0, %arg1 : i32
    "tpu.region"() ({
      %run_scoped3A = tpu.sem_alloc : memref<!tpu.dma_semaphore, #tpu.memory_space<semaphore_mem>>
      %dma_start3A_93 = arith.constant 0 : i32
      %dma_start3A_94 = arith.constant 0 : i32
      %dma_start3A_95 = tpu.memref_slice %arg5[%add3A, %dma_start3A_93, %dma_start3A_94] : memref<32x16x64xi32, #tpu.memory_space<hbm>> -> memref<1x16x64xi32, #tpu.memory_space<hbm>>
      %dma_start3A_96 = tpu.memref_squeeze %dma_start3A_95 : memref<1x16x64xi32, #tpu.memory_space<hbm>> -> memref<16x64xi32, #tpu.memory_space<hbm>>
      %dma_start3A_97 = arith.constant 0 : i32
      %dma_start3A_98 = arith.constant 0 : i32
      %dma_start3A_99 = tpu.memref_slice %arg5[%add3A, %dma_start3A_97, %dma_start3A_98] : memref<32x16x64xi32, #tpu.memory_space<hbm>> -> memref<1x16x64xi32, #tpu.memory_space<hbm>>
      %dma_start3A_100 = tpu.memref_squeeze %dma_start3A_99 : memref<1x16x64xi32, #tpu.memory_space<hbm>> -> memref<16x64xi32, #tpu.memory_space<hbm>>
      tpu.enqueue_dma source(%dma_start3A_100 : memref<16x64xi32, #tpu.memory_space<hbm>>) target(%arg12 : memref<16x64xi32, #tpu.memory_space<vmem>>) target_semaphore(%run_scoped3A : memref<!tpu.dma_semaphore, #tpu.memory_space<semaphore_mem>>)
      %dma_wait3A = arith.constant 0 : i32
      %dma_wait3A_101 = arith.constant 0 : i32
      %dma_wait3A_102 = tpu.memref_slice %arg5[%add3A, %dma_wait3A, %dma_wait3A_101] : memref<32x16x64xi32, #tpu.memory_space<hbm>> -> memref<1x16x64xi32, #tpu.memory_space<hbm>>
      %dma_wait3A_103 = tpu.memref_squeeze %dma_wait3A_102 : memref<1x16x64xi32, #tpu.memory_space<hbm>> -> memref<16x64xi32, #tpu.memory_space<hbm>>
      %dma_wait3A_104 = arith.constant 0 : i32
      %dma_wait3A_105 = arith.constant 0 : i32
      %dma_wait3A_106 = tpu.memref_slice %arg5[%add3A, %dma_wait3A_104, %dma_wait3A_105] : memref<32x16x64xi32, #tpu.memory_space<hbm>> -> memref<1x16x64xi32, #tpu.memory_space<hbm>>
      %dma_wait3A_107 = tpu.memref_squeeze %dma_wait3A_106 : memref<1x16x64xi32, #tpu.memory_space<hbm>> -> memref<16x64xi32, #tpu.memory_space<hbm>>
      tpu.wait_dma2 semaphore(%run_scoped3A : memref<!tpu.dma_semaphore, #tpu.memory_space<semaphore_mem>>) src(%dma_wait3A_107 : memref<16x64xi32, #tpu.memory_space<hbm>>) dst(%arg12 : memref<16x64xi32, #tpu.memory_space<vmem>>)
      tpu.yield
    }) : () -> ()
    "tpu.region"() ({
      %run_scoped3A = tpu.sem_alloc : memref<!tpu.dma_semaphore, #tpu.memory_space<semaphore_mem>>
      tpu.enqueue_dma source(%arg6 : memref<64x128xf32, #tpu.memory_space<hbm>>) target(%arg13 : memref<64x128xf32, #tpu.memory_space<vmem>>) target_semaphore(%run_scoped3A : memref<!tpu.dma_semaphore, #tpu.memory_space<semaphore_mem>>)
      tpu.wait_dma2 semaphore(%run_scoped3A : memref<!tpu.dma_semaphore, #tpu.memory_space<semaphore_mem>>) src(%arg6 : memref<64x128xf32, #tpu.memory_space<hbm>>) dst(%arg13 : memref<64x128xf32, #tpu.memory_space<vmem>>)
      tpu.yield
    }) : () -> ()
    %mul3A_1 = arith.constant 16384 : i32
    %mul3A_2 = arith.muli %arg0, %mul3A_1 : i32
    %mul3A_3 = arith.constant 1024 : i32
    %mul3A_4 = arith.muli %arg1, %mul3A_3 : i32
    %add3A_5 = arith.addi %mul3A_2, %mul3A_4 : i32
    %mul3A_6 = arith.constant 256 : i32
    %mul3A_7 = arith.muli %arg1, %mul3A_6 : i32
    "tpu.region"() ({
      %run_scoped3A = tpu.sem_alloc : memref<!tpu.dma_semaphore, #tpu.memory_space<semaphore_mem>>
      %dma_start3A_93 = arith.constant 0 : i32
      %dma_start3A_94 = tpu.memref_slice %arg18[%mul3A_7, %dma_start3A_93] : memref<4096x128xf32, #tpu.memory_space<vmem_shared>> -> memref<256x128xf32, #tpu.memory_space<vmem_shared>>
      tpu.enqueue_dma source(%arg7 : memref<256x128xf32, #tpu.memory_space<hbm>>) target(%dma_start3A_94 : memref<256x128xf32, #tpu.memory_space<vmem_shared>>) target_semaphore(%run_scoped3A : memref<!tpu.dma_semaphore, #tpu.memory_space<semaphore_mem>>)
      %dma_wait3A = arith.constant 0 : i32
      %dma_wait3A_95 = tpu.memref_slice %arg18[%mul3A_7, %dma_wait3A] : memref<4096x128xf32, #tpu.memory_space<vmem_shared>> -> memref<256x128xf32, #tpu.memory_space<vmem_shared>>
      tpu.wait_dma2 semaphore(%run_scoped3A : memref<!tpu.dma_semaphore, #tpu.memory_space<semaphore_mem>>) src(%arg7 : memref<256x128xf32, #tpu.memory_space<hbm>>) dst(%dma_wait3A_95 : memref<256x128xf32, #tpu.memory_space<vmem_shared>>)
      tpu.yield
    }) : () -> ()
    %mul3A_8 = arith.constant 256 : i32
    %mul3A_9 = arith.muli %arg1, %mul3A_8 : i32
    "tpu.region"() ({
      %run_scoped3A = tpu.sem_alloc : memref<!tpu.dma_semaphore, #tpu.memory_space<semaphore_mem>>
      %dma_start3A_93 = arith.constant 0 : i32
      %dma_start3A_94 = tpu.memref_slice %arg19[%mul3A_9, %dma_start3A_93] : memref<4096x128xf32, #tpu.memory_space<vmem_shared>> -> memref<256x128xf32, #tpu.memory_space<vmem_shared>>
      tpu.enqueue_dma source(%arg7 : memref<256x128xf32, #tpu.memory_space<hbm>>) target(%dma_start3A_94 : memref<256x128xf32, #tpu.memory_space<vmem_shared>>) target_semaphore(%run_scoped3A : memref<!tpu.dma_semaphore, #tpu.memory_space<semaphore_mem>>)
      %dma_wait3A = arith.constant 0 : i32
      %dma_wait3A_95 = tpu.memref_slice %arg19[%mul3A_9, %dma_wait3A] : memref<4096x128xf32, #tpu.memory_space<vmem_shared>> -> memref<256x128xf32, #tpu.memory_space<vmem_shared>>
      tpu.wait_dma2 semaphore(%run_scoped3A : memref<!tpu.dma_semaphore, #tpu.memory_space<semaphore_mem>>) src(%arg7 : memref<256x128xf32, #tpu.memory_space<hbm>>) dst(%dma_wait3A_95 : memref<256x128xf32, #tpu.memory_space<vmem_shared>>)
      tpu.yield
    }) : () -> ()
    %barrier3A = arith.constant 0 : index
    tpu.barrier barrier_id(%barrier3A)
    %add3A_10 = arith.constant 0 : i32
    %add3A_11 = arith.addi %add3A_5, %add3A_10 : i32
    %dma_start3A = arith.constant 0 : i32
    %dma_start3A_12 = tpu.memref_slice %arg2[%add3A_11, %dma_start3A] : memref<32768x128xf32, #tpu.memory_space<hbm>> -> memref<64x128xf32, #tpu.memory_space<hbm>>
    %dma_start3A_13 = arith.constant 0 : i32
    %dma_start3A_14 = tpu.memref_slice %arg2[%add3A_11, %dma_start3A_13] : memref<32768x128xf32, #tpu.memory_space<hbm>> -> memref<64x128xf32, #tpu.memory_space<hbm>>
    tpu.enqueue_dma source(%dma_start3A_14 : memref<64x128xf32, #tpu.memory_space<hbm>>) target(%arg14 : memref<64x128xf32, #tpu.memory_space<vmem>>) target_semaphore(%arg20 : memref<!tpu.dma_semaphore, #tpu.memory_space<semaphore_mem>>)
    %add3A_15 = arith.constant 0 : i32
    %add3A_16 = arith.addi %add3A_5, %add3A_15 : i32
    %dma_start3A_17 = arith.constant 0 : i32
    %dma_start3A_18 = tpu.memref_slice %arg3[%add3A_16, %dma_start3A_17] : memref<32768x128xf32, #tpu.memory_space<hbm>> -> memref<64x128xf32, #tpu.memory_space<hbm>>
    %dma_start3A_19 = arith.constant 0 : i32
    %dma_start3A_20 = tpu.memref_slice %arg3[%add3A_16, %dma_start3A_19] : memref<32768x128xf32, #tpu.memory_space<hbm>> -> memref<64x128xf32, #tpu.memory_space<hbm>>
    tpu.enqueue_dma source(%dma_start3A_20 : memref<64x128xf32, #tpu.memory_space<hbm>>) target(%arg15 : memref<64x128xf32, #tpu.memory_space<vmem>>) target_semaphore(%arg20 : memref<!tpu.dma_semaphore, #tpu.memory_space<semaphore_mem>>)
    %add3A_21 = arith.constant 64 : i32
    %add3A_22 = arith.addi %add3A_5, %add3A_21 : i32
    %dma_start3A_23 = arith.constant 0 : i32
    %dma_start3A_24 = tpu.memref_slice %arg2[%add3A_22, %dma_start3A_23] : memref<32768x128xf32, #tpu.memory_space<hbm>> -> memref<64x128xf32, #tpu.memory_space<hbm>>
    %dma_start3A_25 = arith.constant 0 : i32
    %dma_start3A_26 = tpu.memref_slice %arg2[%add3A_22, %dma_start3A_25] : memref<32768x128xf32, #tpu.memory_space<hbm>> -> memref<64x128xf32, #tpu.memory_space<hbm>>
    tpu.enqueue_dma source(%dma_start3A_26 : memref<64x128xf32, #tpu.memory_space<hbm>>) target(%arg16 : memref<64x128xf32, #tpu.memory_space<vmem>>) target_semaphore(%arg21 : memref<!tpu.dma_semaphore, #tpu.memory_space<semaphore_mem>>)
    %add3A_27 = arith.constant 64 : i32
    %add3A_28 = arith.addi %add3A_5, %add3A_27 : i32
    %dma_start3A_29 = arith.constant 0 : i32
    %dma_start3A_30 = tpu.memref_slice %arg3[%add3A_28, %dma_start3A_29] : memref<32768x128xf32, #tpu.memory_space<hbm>> -> memref<64x128xf32, #tpu.memory_space<hbm>>
    %dma_start3A_31 = arith.constant 0 : i32
    %dma_start3A_32 = tpu.memref_slice %arg3[%add3A_28, %dma_start3A_31] : memref<32768x128xf32, #tpu.memory_space<hbm>> -> memref<64x128xf32, #tpu.memory_space<hbm>>
    tpu.enqueue_dma source(%dma_start3A_32 : memref<64x128xf32, #tpu.memory_space<hbm>>) target(%arg17 : memref<64x128xf32, #tpu.memory_space<vmem>>) target_semaphore(%arg21 : memref<!tpu.dma_semaphore, #tpu.memory_space<semaphore_mem>>)
    %scan3A = arith.constant 0 : i32
    %scan3A_33 = arith.constant 0 : i32
    %scan3A_34 = arith.constant 8 : i32
    %scan3A_35 = arith.addi %scan3A_33, %scan3A_34 : i32
    %scan3A_36 = arith.constant 1 : i32
    scf.for %scan3A_93 = %scan3A_33 to %scan3A_35 step %scan3A_36  : i32 {
      %mul3A_94 = arith.constant 2 : i32
      %mul3A_95 = arith.muli %scan3A_93, %mul3A_94 : i32
      %add3A_96 = arith.constant 0 : i32
      %add3A_97 = arith.addi %mul3A_95, %add3A_96 : i32
      %dma_wait3A = arith.constant 0 : i32
      %dma_wait3A_98 = arith.constant 0 : i32
      %dma_wait3A_99 = tpu.memref_slice %arg2[%dma_wait3A, %dma_wait3A_98] : memref<32768x128xf32, #tpu.memory_space<hbm>> -> memref<64x128xf32, #tpu.memory_space<hbm>>
      %dma_wait3A_100 = arith.constant 0 : i32
      %dma_wait3A_101 = arith.constant 0 : i32
      %dma_wait3A_102 = tpu.memref_slice %arg2[%dma_wait3A_100, %dma_wait3A_101] : memref<32768x128xf32, #tpu.memory_space<hbm>> -> memref<64x128xf32, #tpu.memory_space<hbm>>
      tpu.wait_dma2 semaphore(%arg20 : memref<!tpu.dma_semaphore, #tpu.memory_space<semaphore_mem>>) src(%dma_wait3A_102 : memref<64x128xf32, #tpu.memory_space<hbm>>) dst(%arg14 : memref<64x128xf32, #tpu.memory_space<vmem>>)
      %dma_wait3A_103 = arith.constant 0 : i32
      %dma_wait3A_104 = arith.constant 0 : i32
      %dma_wait3A_105 = tpu.memref_slice %arg2[%dma_wait3A_103, %dma_wait3A_104] : memref<32768x128xf32, #tpu.memory_space<hbm>> -> memref<64x128xf32, #tpu.memory_space<hbm>>
      %dma_wait3A_106 = arith.constant 0 : i32
      %dma_wait3A_107 = arith.constant 0 : i32
      %dma_wait3A_108 = tpu.memref_slice %arg2[%dma_wait3A_106, %dma_wait3A_107] : memref<32768x128xf32, #tpu.memory_space<hbm>> -> memref<64x128xf32, #tpu.memory_space<hbm>>
      tpu.wait_dma2 semaphore(%arg20 : memref<!tpu.dma_semaphore, #tpu.memory_space<semaphore_mem>>) src(%dma_wait3A_108 : memref<64x128xf32, #tpu.memory_space<hbm>>) dst(%arg15 : memref<64x128xf32, #tpu.memory_space<vmem>>)
      %dma_start3A_109 = arith.constant 0 : i32
      %dma_start3A_110 = tpu.memref_slice %arg12[%add3A_97, %dma_start3A_109] : memref<16x64xi32, #tpu.memory_space<vmem>> -> memref<1x64xi32, #tpu.memory_space<vmem>>
      %dma_start3A_111 = tpu.memref_squeeze %dma_start3A_110 : memref<1x64xi32, #tpu.memory_space<vmem>> -> memref<64xi32, #tpu.memory_space<vmem>>
      %dma_start3A_112 = arith.constant 0 : i32
      %dma_start3A_113 = arith.constant 0 : i32
      %dma_start3A_114 = tpu.memref_slice %arg18[%dma_start3A_112, %dma_start3A_113] : memref<4096x128xf32, #tpu.memory_space<vmem_shared>> -> memref<4096x128xf32, #tpu.memory_space<vmem_shared>>
      tpu.enqueue_indirect_dma source(%arg14 : memref<64x128xf32, #tpu.memory_space<vmem>>) target(%dma_start3A_114 : memref<4096x128xf32, #tpu.memory_space<vmem_shared>>) offsets(%dma_start3A_111 : memref<64xi32, #tpu.memory_space<vmem>>) semaphore(%arg22 : memref<!tpu.dma_semaphore, #tpu.memory_space<semaphore_mem>>) {add = true}
      %dma_start3A_115 = arith.constant 0 : i32
      %dma_start3A_116 = tpu.memref_slice %arg12[%add3A_97, %dma_start3A_115] : memref<16x64xi32, #tpu.memory_space<vmem>> -> memref<1x64xi32, #tpu.memory_space<vmem>>
      %dma_start3A_117 = tpu.memref_squeeze %dma_start3A_116 : memref<1x64xi32, #tpu.memory_space<vmem>> -> memref<64xi32, #tpu.memory_space<vmem>>
      %dma_start3A_118 = arith.constant 0 : i32
      %dma_start3A_119 = arith.constant 0 : i32
      %dma_start3A_120 = tpu.memref_slice %arg19[%dma_start3A_118, %dma_start3A_119] : memref<4096x128xf32, #tpu.memory_space<vmem_shared>> -> memref<4096x128xf32, #tpu.memory_space<vmem_shared>>
      tpu.enqueue_indirect_dma source(%arg15 : memref<64x128xf32, #tpu.memory_space<vmem>>) target(%dma_start3A_120 : memref<4096x128xf32, #tpu.memory_space<vmem_shared>>) offsets(%dma_start3A_117 : memref<64xi32, #tpu.memory_space<vmem>>) semaphore(%arg22 : memref<!tpu.dma_semaphore, #tpu.memory_space<semaphore_mem>>) {add = true}
      %mul3A_121 = arith.constant 2 : i32
      %mul3A_122 = arith.muli %scan3A_93, %mul3A_121 : i32
      %add3A_123 = arith.constant 1 : i32
      %add3A_124 = arith.addi %mul3A_122, %add3A_123 : i32
      %dma_wait3A_125 = arith.constant 0 : i32
      %dma_wait3A_126 = arith.constant 0 : i32
      %dma_wait3A_127 = tpu.memref_slice %arg2[%dma_wait3A_125, %dma_wait3A_126] : memref<32768x128xf32, #tpu.memory_space<hbm>> -> memref<64x128xf32, #tpu.memory_space<hbm>>
      %dma_wait3A_128 = arith.constant 0 : i32
      %dma_wait3A_129 = arith.constant 0 : i32
      %dma_wait3A_130 = tpu.memref_slice %arg2[%dma_wait3A_128, %dma_wait3A_129] : memref<32768x128xf32, #tpu.memory_space<hbm>> -> memref<64x128xf32, #tpu.memory_space<hbm>>
      tpu.wait_dma2 semaphore(%arg21 : memref<!tpu.dma_semaphore, #tpu.memory_space<semaphore_mem>>) src(%dma_wait3A_130 : memref<64x128xf32, #tpu.memory_space<hbm>>) dst(%arg16 : memref<64x128xf32, #tpu.memory_space<vmem>>)
      %dma_wait3A_131 = arith.constant 0 : i32
      %dma_wait3A_132 = arith.constant 0 : i32
      %dma_wait3A_133 = tpu.memref_slice %arg2[%dma_wait3A_131, %dma_wait3A_132] : memref<32768x128xf32, #tpu.memory_space<hbm>> -> memref<64x128xf32, #tpu.memory_space<hbm>>
      %dma_wait3A_134 = arith.constant 0 : i32
      %dma_wait3A_135 = arith.constant 0 : i32
      %dma_wait3A_136 = tpu.memref_slice %arg2[%dma_wait3A_134, %dma_wait3A_135] : memref<32768x128xf32, #tpu.memory_space<hbm>> -> memref<64x128xf32, #tpu.memory_space<hbm>>
      tpu.wait_dma2 semaphore(%arg21 : memref<!tpu.dma_semaphore, #tpu.memory_space<semaphore_mem>>) src(%dma_wait3A_136 : memref<64x128xf32, #tpu.memory_space<hbm>>) dst(%arg17 : memref<64x128xf32, #tpu.memory_space<vmem>>)
      %dma_start3A_137 = arith.constant 0 : i32
      %dma_start3A_138 = tpu.memref_slice %arg12[%add3A_124, %dma_start3A_137] : memref<16x64xi32, #tpu.memory_space<vmem>> -> memref<1x64xi32, #tpu.memory_space<vmem>>
      %dma_start3A_139 = tpu.memref_squeeze %dma_start3A_138 : memref<1x64xi32, #tpu.memory_space<vmem>> -> memref<64xi32, #tpu.memory_space<vmem>>
      %dma_start3A_140 = arith.constant 0 : i32
      %dma_start3A_141 = arith.constant 0 : i32
      %dma_start3A_142 = tpu.memref_slice %arg18[%dma_start3A_140, %dma_start3A_141] : memref<4096x128xf32, #tpu.memory_space<vmem_shared>> -> memref<4096x128xf32, #tpu.memory_space<vmem_shared>>
      tpu.enqueue_indirect_dma source(%arg16 : memref<64x128xf32, #tpu.memory_space<vmem>>) target(%dma_start3A_142 : memref<4096x128xf32, #tpu.memory_space<vmem_shared>>) offsets(%dma_start3A_139 : memref<64xi32, #tpu.memory_space<vmem>>) semaphore(%arg23 : memref<!tpu.dma_semaphore, #tpu.memory_space<semaphore_mem>>) {add = true}
      %dma_start3A_143 = arith.constant 0 : i32
      %dma_start3A_144 = tpu.memref_slice %arg12[%add3A_124, %dma_start3A_143] : memref<16x64xi32, #tpu.memory_space<vmem>> -> memref<1x64xi32, #tpu.memory_space<vmem>>
      %dma_start3A_145 = tpu.memref_squeeze %dma_start3A_144 : memref<1x64xi32, #tpu.memory_space<vmem>> -> memref<64xi32, #tpu.memory_space<vmem>>
      %dma_start3A_146 = arith.constant 0 : i32
      %dma_start3A_147 = arith.constant 0 : i32
      %dma_start3A_148 = tpu.memref_slice %arg19[%dma_start3A_146, %dma_start3A_147] : memref<4096x128xf32, #tpu.memory_space<vmem_shared>> -> memref<4096x128xf32, #tpu.memory_space<vmem_shared>>
      tpu.enqueue_indirect_dma source(%arg17 : memref<64x128xf32, #tpu.memory_space<vmem>>) target(%dma_start3A_148 : memref<4096x128xf32, #tpu.memory_space<vmem_shared>>) offsets(%dma_start3A_145 : memref<64xi32, #tpu.memory_space<vmem>>) semaphore(%arg23 : memref<!tpu.dma_semaphore, #tpu.memory_space<semaphore_mem>>) {add = true}
      %add3A_149 = arith.constant 1 : i32
      %add3A_150 = arith.addi %scan3A_93, %add3A_149 : i32
      %mul3A_151 = arith.constant 2 : i32
      %mul3A_152 = arith.muli %add3A_150, %mul3A_151 : i32
      %add3A_153 = arith.constant 0 : i32
      %add3A_154 = arith.addi %mul3A_152, %add3A_153 : i32
      %dma_wait3A_155 = arith.constant 0 : i32
      %dma_wait3A_156 = arith.constant 0 : i32
      %dma_wait3A_157 = tpu.memref_slice %arg2[%dma_wait3A_155, %dma_wait3A_156] : memref<32768x128xf32, #tpu.memory_space<hbm>> -> memref<64x128xf32, #tpu.memory_space<hbm>>
      %dma_wait3A_158 = arith.constant 0 : i32
      %dma_wait3A_159 = arith.constant 0 : i32
      %dma_wait3A_160 = tpu.memref_slice %arg2[%dma_wait3A_158, %dma_wait3A_159] : memref<32768x128xf32, #tpu.memory_space<hbm>> -> memref<64x128xf32, #tpu.memory_space<hbm>>
      tpu.wait_dma2 semaphore(%arg22 : memref<!tpu.dma_semaphore, #tpu.memory_space<semaphore_mem>>) src(%dma_wait3A_160 : memref<64x128xf32, #tpu.memory_space<hbm>>) dst(%arg14 : memref<64x128xf32, #tpu.memory_space<vmem>>)
      %dma_wait3A_161 = arith.constant 0 : i32
      %dma_wait3A_162 = arith.constant 0 : i32
      %dma_wait3A_163 = tpu.memref_slice %arg2[%dma_wait3A_161, %dma_wait3A_162] : memref<32768x128xf32, #tpu.memory_space<hbm>> -> memref<64x128xf32, #tpu.memory_space<hbm>>
      %dma_wait3A_164 = arith.constant 0 : i32
      %dma_wait3A_165 = arith.constant 0 : i32
      %dma_wait3A_166 = tpu.memref_slice %arg2[%dma_wait3A_164, %dma_wait3A_165] : memref<32768x128xf32, #tpu.memory_space<hbm>> -> memref<64x128xf32, #tpu.memory_space<hbm>>
      tpu.wait_dma2 semaphore(%arg22 : memref<!tpu.dma_semaphore, #tpu.memory_space<semaphore_mem>>) src(%dma_wait3A_166 : memref<64x128xf32, #tpu.memory_space<hbm>>) dst(%arg15 : memref<64x128xf32, #tpu.memory_space<vmem>>)
      %lt3A = arith.constant 16 : i32
      %lt3A_167 = arith.cmpi slt, %add3A_154, %lt3A : i32
      %convert_element_type3A = arith.extui %lt3A_167 : i1 to i32
      %cond3A = arith.constant 0 : i32
      %cond3A_168 = arith.cmpi ne, %convert_element_type3A, %cond3A : i32
      scf.if %cond3A_168 {
        %mul3A_192 = arith.constant 64 : i32
        %mul3A_193 = arith.muli %add3A_154, %mul3A_192 : i32
        %add3A_194 = arith.addi %add3A_5, %mul3A_193 : i32
        %dma_start3A_195 = arith.constant 0 : i32
        %dma_start3A_196 = tpu.memref_slice %arg2[%add3A_194, %dma_start3A_195] : memref<32768x128xf32, #tpu.memory_space<hbm>> -> memref<64x128xf32, #tpu.memory_space<hbm>>
        %dma_start3A_197 = arith.constant 0 : i32
        %dma_start3A_198 = tpu.memref_slice %arg2[%add3A_194, %dma_start3A_197] : memref<32768x128xf32, #tpu.memory_space<hbm>> -> memref<64x128xf32, #tpu.memory_space<hbm>>
        tpu.enqueue_dma source(%dma_start3A_198 : memref<64x128xf32, #tpu.memory_space<hbm>>) target(%arg14 : memref<64x128xf32, #tpu.memory_space<vmem>>) target_semaphore(%arg20 : memref<!tpu.dma_semaphore, #tpu.memory_space<semaphore_mem>>)
        %mul3A_199 = arith.constant 64 : i32
        %mul3A_200 = arith.muli %add3A_154, %mul3A_199 : i32
        %add3A_201 = arith.addi %add3A_5, %mul3A_200 : i32
        %dma_start3A_202 = arith.constant 0 : i32
        %dma_start3A_203 = tpu.memref_slice %arg3[%add3A_201, %dma_start3A_202] : memref<32768x128xf32, #tpu.memory_space<hbm>> -> memref<64x128xf32, #tpu.memory_space<hbm>>
        %dma_start3A_204 = arith.constant 0 : i32
        %dma_start3A_205 = tpu.memref_slice %arg3[%add3A_201, %dma_start3A_204] : memref<32768x128xf32, #tpu.memory_space<hbm>> -> memref<64x128xf32, #tpu.memory_space<hbm>>
        tpu.enqueue_dma source(%dma_start3A_205 : memref<64x128xf32, #tpu.memory_space<hbm>>) target(%arg15 : memref<64x128xf32, #tpu.memory_space<vmem>>) target_semaphore(%arg20 : memref<!tpu.dma_semaphore, #tpu.memory_space<semaphore_mem>>)
      } else {
      }
      %add3A_169 = arith.constant 1 : i32
      %add3A_170 = arith.addi %scan3A_93, %add3A_169 : i32
      %mul3A_171 = arith.constant 2 : i32
      %mul3A_172 = arith.muli %add3A_170, %mul3A_171 : i32
      %add3A_173 = arith.constant 1 : i32
      %add3A_174 = arith.addi %mul3A_172, %add3A_173 : i32
      %dma_wait3A_175 = arith.constant 0 : i32
      %dma_wait3A_176 = arith.constant 0 : i32
      %dma_wait3A_177 = tpu.memref_slice %arg2[%dma_wait3A_175, %dma_wait3A_176] : memref<32768x128xf32, #tpu.memory_space<hbm>> -> memref<64x128xf32, #tpu.memory_space<hbm>>
      %dma_wait3A_178 = arith.constant 0 : i32
      %dma_wait3A_179 = arith.constant 0 : i32
      %dma_wait3A_180 = tpu.memref_slice %arg2[%dma_wait3A_178, %dma_wait3A_179] : memref<32768x128xf32, #tpu.memory_space<hbm>> -> memref<64x128xf32, #tpu.memory_space<hbm>>
      tpu.wait_dma2 semaphore(%arg23 : memref<!tpu.dma_semaphore, #tpu.memory_space<semaphore_mem>>) src(%dma_wait3A_180 : memref<64x128xf32, #tpu.memory_space<hbm>>) dst(%arg16 : memref<64x128xf32, #tpu.memory_space<vmem>>)
      %dma_wait3A_181 = arith.constant 0 : i32
      %dma_wait3A_182 = arith.constant 0 : i32
      %dma_wait3A_183 = tpu.memref_slice %arg2[%dma_wait3A_181, %dma_wait3A_182] : memref<32768x128xf32, #tpu.memory_space<hbm>> -> memref<64x128xf32, #tpu.memory_space<hbm>>
      %dma_wait3A_184 = arith.constant 0 : i32
      %dma_wait3A_185 = arith.constant 0 : i32
      %dma_wait3A_186 = tpu.memref_slice %arg2[%dma_wait3A_184, %dma_wait3A_185] : memref<32768x128xf32, #tpu.memory_space<hbm>> -> memref<64x128xf32, #tpu.memory_space<hbm>>
      tpu.wait_dma2 semaphore(%arg23 : memref<!tpu.dma_semaphore, #tpu.memory_space<semaphore_mem>>) src(%dma_wait3A_186 : memref<64x128xf32, #tpu.memory_space<hbm>>) dst(%arg17 : memref<64x128xf32, #tpu.memory_space<vmem>>)
      %lt3A_187 = arith.constant 16 : i32
      %lt3A_188 = arith.cmpi slt, %add3A_174, %lt3A_187 : i32
      %convert_element_type3A_189 = arith.extui %lt3A_188 : i1 to i32
      %cond3A_190 = arith.constant 0 : i32
      %cond3A_191 = arith.cmpi ne, %convert_element_type3A_189, %cond3A_190 : i32
      scf.if %cond3A_191 {
        %mul3A_192 = arith.constant 64 : i32
        %mul3A_193 = arith.muli %add3A_174, %mul3A_192 : i32
        %add3A_194 = arith.addi %add3A_5, %mul3A_193 : i32
        %dma_start3A_195 = arith.constant 0 : i32
        %dma_start3A_196 = tpu.memref_slice %arg2[%add3A_194, %dma_start3A_195] : memref<32768x128xf32, #tpu.memory_space<hbm>> -> memref<64x128xf32, #tpu.memory_space<hbm>>
        %dma_start3A_197 = arith.constant 0 : i32
        %dma_start3A_198 = tpu.memref_slice %arg2[%add3A_194, %dma_start3A_197] : memref<32768x128xf32, #tpu.memory_space<hbm>> -> memref<64x128xf32, #tpu.memory_space<hbm>>
        tpu.enqueue_dma source(%dma_start3A_198 : memref<64x128xf32, #tpu.memory_space<hbm>>) target(%arg16 : memref<64x128xf32, #tpu.memory_space<vmem>>) target_semaphore(%arg21 : memref<!tpu.dma_semaphore, #tpu.memory_space<semaphore_mem>>)
        %mul3A_199 = arith.constant 64 : i32
        %mul3A_200 = arith.muli %add3A_174, %mul3A_199 : i32
        %add3A_201 = arith.addi %add3A_5, %mul3A_200 : i32
        %dma_start3A_202 = arith.constant 0 : i32
        %dma_start3A_203 = tpu.memref_slice %arg3[%add3A_201, %dma_start3A_202] : memref<32768x128xf32, #tpu.memory_space<hbm>> -> memref<64x128xf32, #tpu.memory_space<hbm>>
        %dma_start3A_204 = arith.constant 0 : i32
        %dma_start3A_205 = tpu.memref_slice %arg3[%add3A_201, %dma_start3A_204] : memref<32768x128xf32, #tpu.memory_space<hbm>> -> memref<64x128xf32, #tpu.memory_space<hbm>>
        tpu.enqueue_dma source(%dma_start3A_205 : memref<64x128xf32, #tpu.memory_space<hbm>>) target(%arg17 : memref<64x128xf32, #tpu.memory_space<vmem>>) target_semaphore(%arg21 : memref<!tpu.dma_semaphore, #tpu.memory_space<semaphore_mem>>)
      } else {
      }
    }
    %scan3A_37 = arith.constant 8 : i32
    %barrier3A_38 = arith.constant 0 : index
    tpu.barrier barrier_id(%barrier3A_38)
    %mul3A_39 = arith.constant 256 : i32
    %mul3A_40 = arith.muli %arg1, %mul3A_39 : i32
    %mul3A_41 = arith.constant 4096 : i32
    %mul3A_42 = arith.muli %arg0, %mul3A_41 : i32
    %mul3A_43 = arith.constant 256 : i32
    %mul3A_44 = arith.muli %arg1, %mul3A_43 : i32
    %add3A_45 = arith.addi %mul3A_42, %mul3A_44 : i32
    "tpu.region"() ({
      %run_scoped3A = tpu.sem_alloc : memref<!tpu.dma_semaphore, #tpu.memory_space<semaphore_mem>>
      %dma_start3A_93 = arith.constant 0 : i32
      %dma_start3A_94 = tpu.memref_slice %arg8[%add3A_45, %dma_start3A_93] : memref<8192x128xf32, #tpu.memory_space<hbm>> -> memref<256x128xf32, #tpu.memory_space<hbm>>
      %dma_start3A_95 = arith.constant 0 : i32
      %dma_start3A_96 = tpu.memref_slice %arg18[%mul3A_40, %dma_start3A_95] : memref<4096x128xf32, #tpu.memory_space<vmem_shared>> -> memref<256x128xf32, #tpu.memory_space<vmem_shared>>
      tpu.enqueue_dma source(%dma_start3A_96 : memref<256x128xf32, #tpu.memory_space<vmem_shared>>) target(%dma_start3A_94 : memref<256x128xf32, #tpu.memory_space<hbm>>) target_semaphore(%run_scoped3A : memref<!tpu.dma_semaphore, #tpu.memory_space<semaphore_mem>>)
      %dma_wait3A = arith.constant 0 : i32
      %dma_wait3A_97 = tpu.memref_slice %arg8[%add3A_45, %dma_wait3A] : memref<8192x128xf32, #tpu.memory_space<hbm>> -> memref<256x128xf32, #tpu.memory_space<hbm>>
      %dma_wait3A_98 = arith.constant 0 : i32
      %dma_wait3A_99 = tpu.memref_slice %arg18[%mul3A_40, %dma_wait3A_98] : memref<4096x128xf32, #tpu.memory_space<vmem_shared>> -> memref<256x128xf32, #tpu.memory_space<vmem_shared>>
      tpu.wait_dma2 semaphore(%run_scoped3A : memref<!tpu.dma_semaphore, #tpu.memory_space<semaphore_mem>>) src(%dma_wait3A_99 : memref<256x128xf32, #tpu.memory_space<vmem_shared>>) dst(%dma_wait3A_97 : memref<256x128xf32, #tpu.memory_space<hbm>>)
      tpu.yield
    }) : () -> ()
    %mul3A_46 = arith.constant 256 : i32
    %mul3A_47 = arith.muli %arg1, %mul3A_46 : i32
    %mul3A_48 = arith.constant 4096 : i32
    %mul3A_49 = arith.muli %arg0, %mul3A_48 : i32
    %mul3A_50 = arith.constant 256 : i32
    %mul3A_51 = arith.muli %arg1, %mul3A_50 : i32
    %add3A_52 = arith.addi %mul3A_49, %mul3A_51 : i32
    "tpu.region"() ({
      %run_scoped3A = tpu.sem_alloc : memref<!tpu.dma_semaphore, #tpu.memory_space<semaphore_mem>>
      %dma_start3A_93 = arith.constant 0 : i32
      %dma_start3A_94 = tpu.memref_slice %arg9[%add3A_52, %dma_start3A_93] : memref<8192x128xf32, #tpu.memory_space<hbm>> -> memref<256x128xf32, #tpu.memory_space<hbm>>
      %dma_start3A_95 = arith.constant 0 : i32
      %dma_start3A_96 = tpu.memref_slice %arg19[%mul3A_47, %dma_start3A_95] : memref<4096x128xf32, #tpu.memory_space<vmem_shared>> -> memref<256x128xf32, #tpu.memory_space<vmem_shared>>
      tpu.enqueue_dma source(%dma_start3A_96 : memref<256x128xf32, #tpu.memory_space<vmem_shared>>) target(%dma_start3A_94 : memref<256x128xf32, #tpu.memory_space<hbm>>) target_semaphore(%run_scoped3A : memref<!tpu.dma_semaphore, #tpu.memory_space<semaphore_mem>>)
      %dma_wait3A = arith.constant 0 : i32
      %dma_wait3A_97 = tpu.memref_slice %arg9[%add3A_52, %dma_wait3A] : memref<8192x128xf32, #tpu.memory_space<hbm>> -> memref<256x128xf32, #tpu.memory_space<hbm>>
      %dma_wait3A_98 = arith.constant 0 : i32
      %dma_wait3A_99 = tpu.memref_slice %arg19[%mul3A_47, %dma_wait3A_98] : memref<4096x128xf32, #tpu.memory_space<vmem_shared>> -> memref<256x128xf32, #tpu.memory_space<vmem_shared>>
      tpu.wait_dma2 semaphore(%run_scoped3A : memref<!tpu.dma_semaphore, #tpu.memory_space<semaphore_mem>>) src(%dma_wait3A_99 : memref<256x128xf32, #tpu.memory_space<vmem_shared>>) dst(%dma_wait3A_97 : memref<256x128xf32, #tpu.memory_space<hbm>>)
      tpu.yield
    }) : () -> ()
    %barrier3A_53 = arith.constant 0 : index
    tpu.barrier barrier_id(%barrier3A_53)
    %mul3A_54 = arith.constant 256 : i32
    %mul3A_55 = arith.muli %arg1, %mul3A_54 : i32
    "tpu.region"() ({
      %run_scoped3A = tpu.sem_alloc : memref<!tpu.dma_semaphore, #tpu.memory_space<semaphore_mem>>
      %dma_start3A_93 = arith.constant 0 : i32
      %dma_start3A_94 = tpu.memref_slice %arg18[%mul3A_55, %dma_start3A_93] : memref<4096x128xf32, #tpu.memory_space<vmem_shared>> -> memref<256x128xf32, #tpu.memory_space<vmem_shared>>
      tpu.enqueue_dma source(%arg7 : memref<256x128xf32, #tpu.memory_space<hbm>>) target(%dma_start3A_94 : memref<256x128xf32, #tpu.memory_space<vmem_shared>>) target_semaphore(%run_scoped3A : memref<!tpu.dma_semaphore, #tpu.memory_space<semaphore_mem>>)
      %dma_wait3A = arith.constant 0 : i32
      %dma_wait3A_95 = tpu.memref_slice %arg18[%mul3A_55, %dma_wait3A] : memref<4096x128xf32, #tpu.memory_space<vmem_shared>> -> memref<256x128xf32, #tpu.memory_space<vmem_shared>>
      tpu.wait_dma2 semaphore(%run_scoped3A : memref<!tpu.dma_semaphore, #tpu.memory_space<semaphore_mem>>) src(%arg7 : memref<256x128xf32, #tpu.memory_space<hbm>>) dst(%dma_wait3A_95 : memref<256x128xf32, #tpu.memory_space<vmem_shared>>)
      tpu.yield
    }) : () -> ()
    %mul3A_56 = arith.constant 256 : i32
    %mul3A_57 = arith.muli %arg1, %mul3A_56 : i32
    "tpu.region"() ({
      %run_scoped3A = tpu.sem_alloc : memref<!tpu.dma_semaphore, #tpu.memory_space<semaphore_mem>>
      %dma_start3A_93 = arith.constant 0 : i32
      %dma_start3A_94 = tpu.memref_slice %arg19[%mul3A_57, %dma_start3A_93] : memref<4096x128xf32, #tpu.memory_space<vmem_shared>> -> memref<256x128xf32, #tpu.memory_space<vmem_shared>>
      tpu.enqueue_dma source(%arg7 : memref<256x128xf32, #tpu.memory_space<hbm>>) target(%dma_start3A_94 : memref<256x128xf32, #tpu.memory_space<vmem_shared>>) target_semaphore(%run_scoped3A : memref<!tpu.dma_semaphore, #tpu.memory_space<semaphore_mem>>)
      %dma_wait3A = arith.constant 0 : i32
      %dma_wait3A_95 = tpu.memref_slice %arg19[%mul3A_57, %dma_wait3A] : memref<4096x128xf32, #tpu.memory_space<vmem_shared>> -> memref<256x128xf32, #tpu.memory_space<vmem_shared>>
      tpu.wait_dma2 semaphore(%run_scoped3A : memref<!tpu.dma_semaphore, #tpu.memory_space<semaphore_mem>>) src(%arg7 : memref<256x128xf32, #tpu.memory_space<hbm>>) dst(%dma_wait3A_95 : memref<256x128xf32, #tpu.memory_space<vmem_shared>>)
      tpu.yield
    }) : () -> ()
    %barrier3A_58 = arith.constant 0 : index
    tpu.barrier barrier_id(%barrier3A_58)
    %add3A_59 = arith.constant 0 : i32
    %add3A_60 = arith.addi %add3A_5, %add3A_59 : i32
    %dma_start3A_61 = arith.constant 0 : i32
    %dma_start3A_62 = tpu.memref_slice %arg4[%add3A_60, %dma_start3A_61] : memref<32768x128xf32, #tpu.memory_space<hbm>> -> memref<64x128xf32, #tpu.memory_space<hbm>>
    %dma_start3A_63 = arith.constant 0 : i32
    %dma_start3A_64 = tpu.memref_slice %arg4[%add3A_60, %dma_start3A_63] : memref<32768x128xf32, #tpu.memory_space<hbm>> -> memref<64x128xf32, #tpu.memory_space<hbm>>
    tpu.enqueue_dma source(%dma_start3A_64 : memref<64x128xf32, #tpu.memory_space<hbm>>) target(%arg14 : memref<64x128xf32, #tpu.memory_space<vmem>>) target_semaphore(%arg20 : memref<!tpu.dma_semaphore, #tpu.memory_space<semaphore_mem>>)
    %add3A_65 = arith.constant 64 : i32
    %add3A_66 = arith.addi %add3A_5, %add3A_65 : i32
    %dma_start3A_67 = arith.constant 0 : i32
    %dma_start3A_68 = tpu.memref_slice %arg4[%add3A_66, %dma_start3A_67] : memref<32768x128xf32, #tpu.memory_space<hbm>> -> memref<64x128xf32, #tpu.memory_space<hbm>>
    %dma_start3A_69 = arith.constant 0 : i32
    %dma_start3A_70 = tpu.memref_slice %arg4[%add3A_66, %dma_start3A_69] : memref<32768x128xf32, #tpu.memory_space<hbm>> -> memref<64x128xf32, #tpu.memory_space<hbm>>
    tpu.enqueue_dma source(%dma_start3A_70 : memref<64x128xf32, #tpu.memory_space<hbm>>) target(%arg16 : memref<64x128xf32, #tpu.memory_space<vmem>>) target_semaphore(%arg21 : memref<!tpu.dma_semaphore, #tpu.memory_space<semaphore_mem>>)
    %scan3A_71 = arith.constant 0 : i32
    %scan3A_72 = arith.constant 0 : i32
    %scan3A_73 = arith.constant 8 : i32
    %scan3A_74 = arith.addi %scan3A_72, %scan3A_73 : i32
    %scan3A_75 = arith.constant 1 : i32
    scf.for %scan3A_93 = %scan3A_72 to %scan3A_74 step %scan3A_75  : i32 {
      %mul3A_94 = arith.constant 2 : i32
      %mul3A_95 = arith.muli %scan3A_93, %mul3A_94 : i32
      %add3A_96 = arith.constant 0 : i32
      %add3A_97 = arith.addi %mul3A_95, %add3A_96 : i32
      %dma_wait3A = arith.constant 0 : i32
      %dma_wait3A_98 = arith.constant 0 : i32
      %dma_wait3A_99 = tpu.memref_slice %arg2[%dma_wait3A, %dma_wait3A_98] : memref<32768x128xf32, #tpu.memory_space<hbm>> -> memref<64x128xf32, #tpu.memory_space<hbm>>
      %dma_wait3A_100 = arith.constant 0 : i32
      %dma_wait3A_101 = arith.constant 0 : i32
      %dma_wait3A_102 = tpu.memref_slice %arg2[%dma_wait3A_100, %dma_wait3A_101] : memref<32768x128xf32, #tpu.memory_space<hbm>> -> memref<64x128xf32, #tpu.memory_space<hbm>>
      tpu.wait_dma2 semaphore(%arg20 : memref<!tpu.dma_semaphore, #tpu.memory_space<semaphore_mem>>) src(%dma_wait3A_102 : memref<64x128xf32, #tpu.memory_space<hbm>>) dst(%arg14 : memref<64x128xf32, #tpu.memory_space<vmem>>)
      %dma_start3A_103 = arith.constant 0 : i32
      %dma_start3A_104 = tpu.memref_slice %arg12[%add3A_97, %dma_start3A_103] : memref<16x64xi32, #tpu.memory_space<vmem>> -> memref<1x64xi32, #tpu.memory_space<vmem>>
      %dma_start3A_105 = tpu.memref_squeeze %dma_start3A_104 : memref<1x64xi32, #tpu.memory_space<vmem>> -> memref<64xi32, #tpu.memory_space<vmem>>
      %dma_start3A_106 = arith.constant 0 : i32
      %dma_start3A_107 = arith.constant 0 : i32
      %dma_start3A_108 = tpu.memref_slice %arg18[%dma_start3A_106, %dma_start3A_107] : memref<4096x128xf32, #tpu.memory_space<vmem_shared>> -> memref<4096x128xf32, #tpu.memory_space<vmem_shared>>
      tpu.enqueue_indirect_dma source(%arg14 : memref<64x128xf32, #tpu.memory_space<vmem>>) target(%dma_start3A_108 : memref<4096x128xf32, #tpu.memory_space<vmem_shared>>) offsets(%dma_start3A_105 : memref<64xi32, #tpu.memory_space<vmem>>) semaphore(%arg22 : memref<!tpu.dma_semaphore, #tpu.memory_space<semaphore_mem>>) {add = true}
      %dma_start3A_109 = arith.constant 0 : i32
      %dma_start3A_110 = tpu.memref_slice %arg12[%add3A_97, %dma_start3A_109] : memref<16x64xi32, #tpu.memory_space<vmem>> -> memref<1x64xi32, #tpu.memory_space<vmem>>
      %dma_start3A_111 = tpu.memref_squeeze %dma_start3A_110 : memref<1x64xi32, #tpu.memory_space<vmem>> -> memref<64xi32, #tpu.memory_space<vmem>>
      %dma_start3A_112 = arith.constant 0 : i32
      %dma_start3A_113 = arith.constant 0 : i32
      %dma_start3A_114 = tpu.memref_slice %arg19[%dma_start3A_112, %dma_start3A_113] : memref<4096x128xf32, #tpu.memory_space<vmem_shared>> -> memref<4096x128xf32, #tpu.memory_space<vmem_shared>>
      tpu.enqueue_indirect_dma source(%arg13 : memref<64x128xf32, #tpu.memory_space<vmem>>) target(%dma_start3A_114 : memref<4096x128xf32, #tpu.memory_space<vmem_shared>>) offsets(%dma_start3A_111 : memref<64xi32, #tpu.memory_space<vmem>>) semaphore(%arg22 : memref<!tpu.dma_semaphore, #tpu.memory_space<semaphore_mem>>) {add = true}
      %mul3A_115 = arith.constant 2 : i32
      %mul3A_116 = arith.muli %scan3A_93, %mul3A_115 : i32
      %add3A_117 = arith.constant 1 : i32
      %add3A_118 = arith.addi %mul3A_116, %add3A_117 : i32
      %dma_wait3A_119 = arith.constant 0 : i32
      %dma_wait3A_120 = arith.constant 0 : i32
      %dma_wait3A_121 = tpu.memref_slice %arg2[%dma_wait3A_119, %dma_wait3A_120] : memref<32768x128xf32, #tpu.memory_space<hbm>> -> memref<64x128xf32, #tpu.memory_space<hbm>>
      %dma_wait3A_122 = arith.constant 0 : i32
      %dma_wait3A_123 = arith.constant 0 : i32
      %dma_wait3A_124 = tpu.memref_slice %arg2[%dma_wait3A_122, %dma_wait3A_123] : memref<32768x128xf32, #tpu.memory_space<hbm>> -> memref<64x128xf32, #tpu.memory_space<hbm>>
      tpu.wait_dma2 semaphore(%arg21 : memref<!tpu.dma_semaphore, #tpu.memory_space<semaphore_mem>>) src(%dma_wait3A_124 : memref<64x128xf32, #tpu.memory_space<hbm>>) dst(%arg16 : memref<64x128xf32, #tpu.memory_space<vmem>>)
      %dma_start3A_125 = arith.constant 0 : i32
      %dma_start3A_126 = tpu.memref_slice %arg12[%add3A_118, %dma_start3A_125] : memref<16x64xi32, #tpu.memory_space<vmem>> -> memref<1x64xi32, #tpu.memory_space<vmem>>
      %dma_start3A_127 = tpu.memref_squeeze %dma_start3A_126 : memref<1x64xi32, #tpu.memory_space<vmem>> -> memref<64xi32, #tpu.memory_space<vmem>>
      %dma_start3A_128 = arith.constant 0 : i32
      %dma_start3A_129 = arith.constant 0 : i32
      %dma_start3A_130 = tpu.memref_slice %arg18[%dma_start3A_128, %dma_start3A_129] : memref<4096x128xf32, #tpu.memory_space<vmem_shared>> -> memref<4096x128xf32, #tpu.memory_space<vmem_shared>>
      tpu.enqueue_indirect_dma source(%arg16 : memref<64x128xf32, #tpu.memory_space<vmem>>) target(%dma_start3A_130 : memref<4096x128xf32, #tpu.memory_space<vmem_shared>>) offsets(%dma_start3A_127 : memref<64xi32, #tpu.memory_space<vmem>>) semaphore(%arg23 : memref<!tpu.dma_semaphore, #tpu.memory_space<semaphore_mem>>) {add = true}
      %dma_start3A_131 = arith.constant 0 : i32
      %dma_start3A_132 = tpu.memref_slice %arg12[%add3A_118, %dma_start3A_131] : memref<16x64xi32, #tpu.memory_space<vmem>> -> memref<1x64xi32, #tpu.memory_space<vmem>>
      %dma_start3A_133 = tpu.memref_squeeze %dma_start3A_132 : memref<1x64xi32, #tpu.memory_space<vmem>> -> memref<64xi32, #tpu.memory_space<vmem>>
      %dma_start3A_134 = arith.constant 0 : i32
      %dma_start3A_135 = arith.constant 0 : i32
      %dma_start3A_136 = tpu.memref_slice %arg19[%dma_start3A_134, %dma_start3A_135] : memref<4096x128xf32, #tpu.memory_space<vmem_shared>> -> memref<4096x128xf32, #tpu.memory_space<vmem_shared>>
      tpu.enqueue_indirect_dma source(%arg13 : memref<64x128xf32, #tpu.memory_space<vmem>>) target(%dma_start3A_136 : memref<4096x128xf32, #tpu.memory_space<vmem_shared>>) offsets(%dma_start3A_133 : memref<64xi32, #tpu.memory_space<vmem>>) semaphore(%arg23 : memref<!tpu.dma_semaphore, #tpu.memory_space<semaphore_mem>>) {add = true}
      %add3A_137 = arith.constant 1 : i32
      %add3A_138 = arith.addi %scan3A_93, %add3A_137 : i32
      %mul3A_139 = arith.constant 2 : i32
      %mul3A_140 = arith.muli %add3A_138, %mul3A_139 : i32
      %add3A_141 = arith.constant 0 : i32
      %add3A_142 = arith.addi %mul3A_140, %add3A_141 : i32
      %dma_wait3A_143 = arith.constant 0 : i32
      %dma_wait3A_144 = arith.constant 0 : i32
      %dma_wait3A_145 = tpu.memref_slice %arg2[%dma_wait3A_143, %dma_wait3A_144] : memref<32768x128xf32, #tpu.memory_space<hbm>> -> memref<64x128xf32, #tpu.memory_space<hbm>>
      %dma_wait3A_146 = arith.constant 0 : i32
      %dma_wait3A_147 = arith.constant 0 : i32
      %dma_wait3A_148 = tpu.memref_slice %arg2[%dma_wait3A_146, %dma_wait3A_147] : memref<32768x128xf32, #tpu.memory_space<hbm>> -> memref<64x128xf32, #tpu.memory_space<hbm>>
      tpu.wait_dma2 semaphore(%arg22 : memref<!tpu.dma_semaphore, #tpu.memory_space<semaphore_mem>>) src(%dma_wait3A_148 : memref<64x128xf32, #tpu.memory_space<hbm>>) dst(%arg14 : memref<64x128xf32, #tpu.memory_space<vmem>>)
      %dma_wait3A_149 = arith.constant 0 : i32
      %dma_wait3A_150 = arith.constant 0 : i32
      %dma_wait3A_151 = tpu.memref_slice %arg2[%dma_wait3A_149, %dma_wait3A_150] : memref<32768x128xf32, #tpu.memory_space<hbm>> -> memref<64x128xf32, #tpu.memory_space<hbm>>
      %dma_wait3A_152 = arith.constant 0 : i32
      %dma_wait3A_153 = arith.constant 0 : i32
      %dma_wait3A_154 = tpu.memref_slice %arg2[%dma_wait3A_152, %dma_wait3A_153] : memref<32768x128xf32, #tpu.memory_space<hbm>> -> memref<64x128xf32, #tpu.memory_space<hbm>>
      tpu.wait_dma2 semaphore(%arg22 : memref<!tpu.dma_semaphore, #tpu.memory_space<semaphore_mem>>) src(%dma_wait3A_154 : memref<64x128xf32, #tpu.memory_space<hbm>>) dst(%arg13 : memref<64x128xf32, #tpu.memory_space<vmem>>)
      %lt3A = arith.constant 16 : i32
      %lt3A_155 = arith.cmpi slt, %add3A_142, %lt3A : i32
      %convert_element_type3A = arith.extui %lt3A_155 : i1 to i32
      %cond3A = arith.constant 0 : i32
      %cond3A_156 = arith.cmpi ne, %convert_element_type3A, %cond3A : i32
      scf.if %cond3A_156 {
        %mul3A_180 = arith.constant 64 : i32
        %mul3A_181 = arith.muli %add3A_142, %mul3A_180 : i32
        %add3A_182 = arith.addi %add3A_5, %mul3A_181 : i32
        %dma_start3A_183 = arith.constant 0 : i32
        %dma_start3A_184 = tpu.memref_slice %arg4[%add3A_182, %dma_start3A_183] : memref<32768x128xf32, #tpu.memory_space<hbm>> -> memref<64x128xf32, #tpu.memory_space<hbm>>
        %dma_start3A_185 = arith.constant 0 : i32
        %dma_start3A_186 = tpu.memref_slice %arg4[%add3A_182, %dma_start3A_185] : memref<32768x128xf32, #tpu.memory_space<hbm>> -> memref<64x128xf32, #tpu.memory_space<hbm>>
        tpu.enqueue_dma source(%dma_start3A_186 : memref<64x128xf32, #tpu.memory_space<hbm>>) target(%arg14 : memref<64x128xf32, #tpu.memory_space<vmem>>) target_semaphore(%arg20 : memref<!tpu.dma_semaphore, #tpu.memory_space<semaphore_mem>>)
      } else {
      }
      %add3A_157 = arith.constant 1 : i32
      %add3A_158 = arith.addi %scan3A_93, %add3A_157 : i32
      %mul3A_159 = arith.constant 2 : i32
      %mul3A_160 = arith.muli %add3A_158, %mul3A_159 : i32
      %add3A_161 = arith.constant 1 : i32
      %add3A_162 = arith.addi %mul3A_160, %add3A_161 : i32
      %dma_wait3A_163 = arith.constant 0 : i32
      %dma_wait3A_164 = arith.constant 0 : i32
      %dma_wait3A_165 = tpu.memref_slice %arg2[%dma_wait3A_163, %dma_wait3A_164] : memref<32768x128xf32, #tpu.memory_space<hbm>> -> memref<64x128xf32, #tpu.memory_space<hbm>>
      %dma_wait3A_166 = arith.constant 0 : i32
      %dma_wait3A_167 = arith.constant 0 : i32
      %dma_wait3A_168 = tpu.memref_slice %arg2[%dma_wait3A_166, %dma_wait3A_167] : memref<32768x128xf32, #tpu.memory_space<hbm>> -> memref<64x128xf32, #tpu.memory_space<hbm>>
      tpu.wait_dma2 semaphore(%arg23 : memref<!tpu.dma_semaphore, #tpu.memory_space<semaphore_mem>>) src(%dma_wait3A_168 : memref<64x128xf32, #tpu.memory_space<hbm>>) dst(%arg16 : memref<64x128xf32, #tpu.memory_space<vmem>>)
      %dma_wait3A_169 = arith.constant 0 : i32
      %dma_wait3A_170 = arith.constant 0 : i32
      %dma_wait3A_171 = tpu.memref_slice %arg2[%dma_wait3A_169, %dma_wait3A_170] : memref<32768x128xf32, #tpu.memory_space<hbm>> -> memref<64x128xf32, #tpu.memory_space<hbm>>
      %dma_wait3A_172 = arith.constant 0 : i32
      %dma_wait3A_173 = arith.constant 0 : i32
      %dma_wait3A_174 = tpu.memref_slice %arg2[%dma_wait3A_172, %dma_wait3A_173] : memref<32768x128xf32, #tpu.memory_space<hbm>> -> memref<64x128xf32, #tpu.memory_space<hbm>>
      tpu.wait_dma2 semaphore(%arg23 : memref<!tpu.dma_semaphore, #tpu.memory_space<semaphore_mem>>) src(%dma_wait3A_174 : memref<64x128xf32, #tpu.memory_space<hbm>>) dst(%arg13 : memref<64x128xf32, #tpu.memory_space<vmem>>)
      %lt3A_175 = arith.constant 16 : i32
      %lt3A_176 = arith.cmpi slt, %add3A_162, %lt3A_175 : i32
      %convert_element_type3A_177 = arith.extui %lt3A_176 : i1 to i32
      %cond3A_178 = arith.constant 0 : i32
      %cond3A_179 = arith.cmpi ne, %convert_element_type3A_177, %cond3A_178 : i32
      scf.if %cond3A_179 {
        %mul3A_180 = arith.constant 64 : i32
        %mul3A_181 = arith.muli %add3A_162, %mul3A_180 : i32
        %add3A_182 = arith.addi %add3A_5, %mul3A_181 : i32
        %dma_start3A_183 = arith.constant 0 : i32
        %dma_start3A_184 = tpu.memref_slice %arg4[%add3A_182, %dma_start3A_183] : memref<32768x128xf32, #tpu.memory_space<hbm>> -> memref<64x128xf32, #tpu.memory_space<hbm>>
        %dma_start3A_185 = arith.constant 0 : i32
        %dma_start3A_186 = tpu.memref_slice %arg4[%add3A_182, %dma_start3A_185] : memref<32768x128xf32, #tpu.memory_space<hbm>> -> memref<64x128xf32, #tpu.memory_space<hbm>>
        tpu.enqueue_dma source(%dma_start3A_186 : memref<64x128xf32, #tpu.memory_space<hbm>>) target(%arg16 : memref<64x128xf32, #tpu.memory_space<vmem>>) target_semaphore(%arg21 : memref<!tpu.dma_semaphore, #tpu.memory_space<semaphore_mem>>)
      } else {
      }
    }
    %scan3A_76 = arith.constant 8 : i32
    %barrier3A_77 = arith.constant 0 : index
    tpu.barrier barrier_id(%barrier3A_77)
    %mul3A_78 = arith.constant 256 : i32
    %mul3A_79 = arith.muli %arg1, %mul3A_78 : i32
    %mul3A_80 = arith.constant 4096 : i32
    %mul3A_81 = arith.muli %arg0, %mul3A_80 : i32
    %mul3A_82 = arith.constant 256 : i32
    %mul3A_83 = arith.muli %arg1, %mul3A_82 : i32
    %add3A_84 = arith.addi %mul3A_81, %mul3A_83 : i32
    "tpu.region"() ({
      %run_scoped3A = tpu.sem_alloc : memref<!tpu.dma_semaphore, #tpu.memory_space<semaphore_mem>>
      %dma_start3A_93 = arith.constant 0 : i32
      %dma_start3A_94 = tpu.memref_slice %arg10[%add3A_84, %dma_start3A_93] : memref<8192x128xf32, #tpu.memory_space<hbm>> -> memref<256x128xf32, #tpu.memory_space<hbm>>
      %dma_start3A_95 = arith.constant 0 : i32
      %dma_start3A_96 = tpu.memref_slice %arg18[%mul3A_79, %dma_start3A_95] : memref<4096x128xf32, #tpu.memory_space<vmem_shared>> -> memref<256x128xf32, #tpu.memory_space<vmem_shared>>
      tpu.enqueue_dma source(%dma_start3A_96 : memref<256x128xf32, #tpu.memory_space<vmem_shared>>) target(%dma_start3A_94 : memref<256x128xf32, #tpu.memory_space<hbm>>) target_semaphore(%run_scoped3A : memref<!tpu.dma_semaphore, #tpu.memory_space<semaphore_mem>>)
      %dma_wait3A = arith.constant 0 : i32
      %dma_wait3A_97 = tpu.memref_slice %arg10[%add3A_84, %dma_wait3A] : memref<8192x128xf32, #tpu.memory_space<hbm>> -> memref<256x128xf32, #tpu.memory_space<hbm>>
      %dma_wait3A_98 = arith.constant 0 : i32
      %dma_wait3A_99 = tpu.memref_slice %arg18[%mul3A_79, %dma_wait3A_98] : memref<4096x128xf32, #tpu.memory_space<vmem_shared>> -> memref<256x128xf32, #tpu.memory_space<vmem_shared>>
      tpu.wait_dma2 semaphore(%run_scoped3A : memref<!tpu.dma_semaphore, #tpu.memory_space<semaphore_mem>>) src(%dma_wait3A_99 : memref<256x128xf32, #tpu.memory_space<vmem_shared>>) dst(%dma_wait3A_97 : memref<256x128xf32, #tpu.memory_space<hbm>>)
      tpu.yield
    }) : () -> ()
    %mul3A_85 = arith.constant 256 : i32
    %mul3A_86 = arith.muli %arg1, %mul3A_85 : i32
    %mul3A_87 = arith.constant 4096 : i32
    %mul3A_88 = arith.muli %arg0, %mul3A_87 : i32
    %mul3A_89 = arith.constant 256 : i32
    %mul3A_90 = arith.muli %arg1, %mul3A_89 : i32
    %add3A_91 = arith.addi %mul3A_88, %mul3A_90 : i32
    "tpu.region"() ({
      %run_scoped3A = tpu.sem_alloc : memref<!tpu.dma_semaphore, #tpu.memory_space<semaphore_mem>>
      %dma_start3A_93 = arith.constant 0 : i32
      %dma_start3A_94 = tpu.memref_slice %arg11[%add3A_91, %dma_start3A_93] : memref<8192x128xf32, #tpu.memory_space<hbm>> -> memref<256x128xf32, #tpu.memory_space<hbm>>
      %dma_start3A_95 = arith.constant 0 : i32
      %dma_start3A_96 = tpu.memref_slice %arg19[%mul3A_86, %dma_start3A_95] : memref<4096x128xf32, #tpu.memory_space<vmem_shared>> -> memref<256x128xf32, #tpu.memory_space<vmem_shared>>
      tpu.enqueue_dma source(%dma_start3A_96 : memref<256x128xf32, #tpu.memory_space<vmem_shared>>) target(%dma_start3A_94 : memref<256x128xf32, #tpu.memory_space<hbm>>) target_semaphore(%run_scoped3A : memref<!tpu.dma_semaphore, #tpu.memory_space<semaphore_mem>>)
      %dma_wait3A = arith.constant 0 : i32
      %dma_wait3A_97 = tpu.memref_slice %arg11[%add3A_91, %dma_wait3A] : memref<8192x128xf32, #tpu.memory_space<hbm>> -> memref<256x128xf32, #tpu.memory_space<hbm>>
      %dma_wait3A_98 = arith.constant 0 : i32
      %dma_wait3A_99 = tpu.memref_slice %arg19[%mul3A_86, %dma_wait3A_98] : memref<4096x128xf32, #tpu.memory_space<vmem_shared>> -> memref<256x128xf32, #tpu.memory_space<vmem_shared>>
      tpu.wait_dma2 semaphore(%run_scoped3A : memref<!tpu.dma_semaphore, #tpu.memory_space<semaphore_mem>>) src(%dma_wait3A_99 : memref<256x128xf32, #tpu.memory_space<vmem_shared>>) dst(%dma_wait3A_97 : memref<256x128xf32, #tpu.memory_space<hbm>>)
      tpu.yield
    }) : () -> ()
    %barrier3A_92 = arith.constant 0 : index
    tpu.barrier barrier_id(%barrier3A_92)
    return
  }
}

#map = affine_map<(d0, d1) -> (0, 0)>
#map1 = affine_map<(d0, d1) -> (0)>
module attributes {stable_mosaic.version = 14 : i64} {
  func.func @body(%arg0: i32, %arg1: i32, %arg2: memref<8192x384xf32, #tpu.memory_space<hbm>>, %arg3: memref<32768xi32, #tpu.memory_space<hbm>>, %arg4: memref<32768x384xf32, #tpu.memory_space<hbm>>, %arg5: memref<1024xi32, #tpu.memory_space<vmem>>, %arg6: memref<64x384xf32, #tpu.memory_space<vmem>>, %arg7: memref<64x384xf32, #tpu.memory_space<vmem>>, %arg8: memref<64x384xf32, #tpu.memory_space<vmem>>, %arg9: memref<64x384xf32, #tpu.memory_space<vmem>>, %arg10: memref<!tpu.dma_semaphore, #tpu.memory_space<semaphore_mem>>, %arg11: memref<!tpu.dma_semaphore, #tpu.memory_space<semaphore_mem>>, %arg12: memref<!tpu.dma_semaphore, #tpu.memory_space<semaphore_mem>>, %arg13: memref<!tpu.dma_semaphore, #tpu.memory_space<semaphore_mem>>, %arg14: memref<!tpu.dma_semaphore, #tpu.memory_space<semaphore_mem>>, %arg15: memref<!tpu.dma_semaphore, #tpu.memory_space<semaphore_mem>>, %arg16: memref<!tpu.dma_semaphore, #tpu.memory_space<semaphore_mem>>, %arg17: memref<!tpu.dma_semaphore, #tpu.memory_space<semaphore_mem>>) attributes {dimension_semantics = [#tpu.dimension_semantics<core_parallel>, #tpu.dimension_semantics<subcore_parallel>], iteration_bounds = array<i64: 2, 16>, scalar_prefetch = 0 : i64, scratch_operands = 13 : i64, tpu.core_type = #tpu.core_type<sc_vector_subcore>, window_params = [{transform_indices = #map}, {transform_indices = #map1}, {transform_indices = #map}]} {
    %mul3A = arith.constant 2 : i32
    %mul3A_0 = arith.muli %arg1, %mul3A : i32
    %add3A = arith.addi %mul3A_0, %arg0 : i32
    %mul3A_1 = arith.constant 1024 : i32
    %mul3A_2 = arith.muli %add3A, %mul3A_1 : i32
    "tpu.region"() ({
      %run_scoped3A = tpu.sem_alloc : memref<!tpu.dma_semaphore, #tpu.memory_space<semaphore_mem>>
      %dma_start3A_27 = tpu.memref_slice %arg3[%mul3A_2] : memref<32768xi32, #tpu.memory_space<hbm>> -> memref<1024xi32, #tpu.memory_space<hbm>>
      %dma_start3A_28 = tpu.memref_slice %arg3[%mul3A_2] : memref<32768xi32, #tpu.memory_space<hbm>> -> memref<1024xi32, #tpu.memory_space<hbm>>
      tpu.enqueue_dma source(%dma_start3A_28 : memref<1024xi32, #tpu.memory_space<hbm>>) target(%arg5 : memref<1024xi32, #tpu.memory_space<vmem>>) target_semaphore(%run_scoped3A : memref<!tpu.dma_semaphore, #tpu.memory_space<semaphore_mem>>)
      %dma_wait3A = tpu.memref_slice %arg3[%mul3A_2] : memref<32768xi32, #tpu.memory_space<hbm>> -> memref<1024xi32, #tpu.memory_space<hbm>>
      %dma_wait3A_29 = tpu.memref_slice %arg3[%mul3A_2] : memref<32768xi32, #tpu.memory_space<hbm>> -> memref<1024xi32, #tpu.memory_space<hbm>>
      tpu.wait_dma2 semaphore(%run_scoped3A : memref<!tpu.dma_semaphore, #tpu.memory_space<semaphore_mem>>) src(%dma_wait3A_29 : memref<1024xi32, #tpu.memory_space<hbm>>) dst(%arg5 : memref<1024xi32, #tpu.memory_space<vmem>>)
      tpu.yield
    }) : () -> ()
    %dma_start3A = arith.constant 0 : i32
    %dma_start3A_3 = tpu.memref_slice %arg5[%dma_start3A] : memref<1024xi32, #tpu.memory_space<vmem>> -> memref<64xi32, #tpu.memory_space<vmem>>
    %dma_start3A_4 = arith.constant 0 : i32
    %dma_start3A_5 = arith.constant 0 : i32
    %dma_start3A_6 = tpu.memref_slice %arg2[%dma_start3A_4, %dma_start3A_5] : memref<8192x384xf32, #tpu.memory_space<hbm>> -> memref<8192x384xf32, #tpu.memory_space<hbm>>
    tpu.enqueue_indirect_dma source(%dma_start3A_6 : memref<8192x384xf32, #tpu.memory_space<hbm>>) target(%arg6 : memref<64x384xf32, #tpu.memory_space<vmem>>) offsets(%dma_start3A_3 : memref<64xi32, #tpu.memory_space<vmem>>) semaphore(%arg10 : memref<!tpu.dma_semaphore, #tpu.memory_space<semaphore_mem>>)
    %dma_start3A_7 = arith.constant 64 : i32
    %dma_start3A_8 = tpu.memref_slice %arg5[%dma_start3A_7] : memref<1024xi32, #tpu.memory_space<vmem>> -> memref<64xi32, #tpu.memory_space<vmem>>
    %dma_start3A_9 = arith.constant 0 : i32
    %dma_start3A_10 = arith.constant 0 : i32
    %dma_start3A_11 = tpu.memref_slice %arg2[%dma_start3A_9, %dma_start3A_10] : memref<8192x384xf32, #tpu.memory_space<hbm>> -> memref<8192x384xf32, #tpu.memory_space<hbm>>
    tpu.enqueue_indirect_dma source(%dma_start3A_11 : memref<8192x384xf32, #tpu.memory_space<hbm>>) target(%arg7 : memref<64x384xf32, #tpu.memory_space<vmem>>) offsets(%dma_start3A_8 : memref<64xi32, #tpu.memory_space<vmem>>) semaphore(%arg11 : memref<!tpu.dma_semaphore, #tpu.memory_space<semaphore_mem>>)
    %dma_start3A_12 = arith.constant 128 : i32
    %dma_start3A_13 = tpu.memref_slice %arg5[%dma_start3A_12] : memref<1024xi32, #tpu.memory_space<vmem>> -> memref<64xi32, #tpu.memory_space<vmem>>
    %dma_start3A_14 = arith.constant 0 : i32
    %dma_start3A_15 = arith.constant 0 : i32
    %dma_start3A_16 = tpu.memref_slice %arg2[%dma_start3A_14, %dma_start3A_15] : memref<8192x384xf32, #tpu.memory_space<hbm>> -> memref<8192x384xf32, #tpu.memory_space<hbm>>
    tpu.enqueue_indirect_dma source(%dma_start3A_16 : memref<8192x384xf32, #tpu.memory_space<hbm>>) target(%arg8 : memref<64x384xf32, #tpu.memory_space<vmem>>) offsets(%dma_start3A_13 : memref<64xi32, #tpu.memory_space<vmem>>) semaphore(%arg12 : memref<!tpu.dma_semaphore, #tpu.memory_space<semaphore_mem>>)
    %dma_start3A_17 = arith.constant 192 : i32
    %dma_start3A_18 = tpu.memref_slice %arg5[%dma_start3A_17] : memref<1024xi32, #tpu.memory_space<vmem>> -> memref<64xi32, #tpu.memory_space<vmem>>
    %dma_start3A_19 = arith.constant 0 : i32
    %dma_start3A_20 = arith.constant 0 : i32
    %dma_start3A_21 = tpu.memref_slice %arg2[%dma_start3A_19, %dma_start3A_20] : memref<8192x384xf32, #tpu.memory_space<hbm>> -> memref<8192x384xf32, #tpu.memory_space<hbm>>
    tpu.enqueue_indirect_dma source(%dma_start3A_21 : memref<8192x384xf32, #tpu.memory_space<hbm>>) target(%arg9 : memref<64x384xf32, #tpu.memory_space<vmem>>) offsets(%dma_start3A_18 : memref<64xi32, #tpu.memory_space<vmem>>) semaphore(%arg13 : memref<!tpu.dma_semaphore, #tpu.memory_space<semaphore_mem>>)
    %scan3A = arith.constant 0 : i32
    %scan3A_22 = arith.constant 0 : i32
    %scan3A_23 = arith.constant 4 : i32
    %scan3A_24 = arith.addi %scan3A_22, %scan3A_23 : i32
    %scan3A_25 = arith.constant 1 : i32
    scf.for %scan3A_27 = %scan3A_22 to %scan3A_24 step %scan3A_25  : i32 {
      %mul3A_28 = arith.constant 4 : i32
      %mul3A_29 = arith.muli %scan3A_27, %mul3A_28 : i32
      %add3A_30 = arith.constant 0 : i32
      %add3A_31 = arith.addi %mul3A_29, %add3A_30 : i32
      %dma_wait3A = arith.constant 0 : i32
      %dma_wait3A_32 = arith.constant 0 : i32
      %dma_wait3A_33 = tpu.memref_slice %arg2[%dma_wait3A, %dma_wait3A_32] : memref<8192x384xf32, #tpu.memory_space<hbm>> -> memref<64x384xf32, #tpu.memory_space<hbm>>
      %dma_wait3A_34 = arith.constant 0 : i32
      %dma_wait3A_35 = arith.constant 0 : i32
      %dma_wait3A_36 = tpu.memref_slice %arg2[%dma_wait3A_34, %dma_wait3A_35] : memref<8192x384xf32, #tpu.memory_space<hbm>> -> memref<64x384xf32, #tpu.memory_space<hbm>>
      tpu.wait_dma2 semaphore(%arg10 : memref<!tpu.dma_semaphore, #tpu.memory_space<semaphore_mem>>) src(%dma_wait3A_36 : memref<64x384xf32, #tpu.memory_space<hbm>>) dst(%arg6 : memref<64x384xf32, #tpu.memory_space<vmem>>)
      %mul3A_37 = arith.constant 64 : i32
      %mul3A_38 = arith.muli %add3A_31, %mul3A_37 : i32
      %add3A_39 = arith.addi %mul3A_2, %mul3A_38 : i32
      %dma_start3A_40 = arith.constant 0 : i32
      %dma_start3A_41 = tpu.memref_slice %arg4[%add3A_39, %dma_start3A_40] : memref<32768x384xf32, #tpu.memory_space<hbm>> -> memref<64x384xf32, #tpu.memory_space<hbm>>
      %dma_start3A_42 = arith.constant 0 : i32
      %dma_start3A_43 = tpu.memref_slice %arg4[%add3A_39, %dma_start3A_42] : memref<32768x384xf32, #tpu.memory_space<hbm>> -> memref<64x384xf32, #tpu.memory_space<hbm>>
      tpu.enqueue_dma source(%arg6 : memref<64x384xf32, #tpu.memory_space<vmem>>) target(%dma_start3A_43 : memref<64x384xf32, #tpu.memory_space<hbm>>) target_semaphore(%arg14 : memref<!tpu.dma_semaphore, #tpu.memory_space<semaphore_mem>>)
      %mul3A_44 = arith.constant 4 : i32
      %mul3A_45 = arith.muli %scan3A_27, %mul3A_44 : i32
      %add3A_46 = arith.constant 1 : i32
      %add3A_47 = arith.addi %mul3A_45, %add3A_46 : i32
      %dma_wait3A_48 = arith.constant 0 : i32
      %dma_wait3A_49 = arith.constant 0 : i32
      %dma_wait3A_50 = tpu.memref_slice %arg2[%dma_wait3A_48, %dma_wait3A_49] : memref<8192x384xf32, #tpu.memory_space<hbm>> -> memref<64x384xf32, #tpu.memory_space<hbm>>
      %dma_wait3A_51 = arith.constant 0 : i32
      %dma_wait3A_52 = arith.constant 0 : i32
      %dma_wait3A_53 = tpu.memref_slice %arg2[%dma_wait3A_51, %dma_wait3A_52] : memref<8192x384xf32, #tpu.memory_space<hbm>> -> memref<64x384xf32, #tpu.memory_space<hbm>>
      tpu.wait_dma2 semaphore(%arg11 : memref<!tpu.dma_semaphore, #tpu.memory_space<semaphore_mem>>) src(%dma_wait3A_53 : memref<64x384xf32, #tpu.memory_space<hbm>>) dst(%arg7 : memref<64x384xf32, #tpu.memory_space<vmem>>)
      %mul3A_54 = arith.constant 64 : i32
      %mul3A_55 = arith.muli %add3A_47, %mul3A_54 : i32
      %add3A_56 = arith.addi %mul3A_2, %mul3A_55 : i32
      %dma_start3A_57 = arith.constant 0 : i32
      %dma_start3A_58 = tpu.memref_slice %arg4[%add3A_56, %dma_start3A_57] : memref<32768x384xf32, #tpu.memory_space<hbm>> -> memref<64x384xf32, #tpu.memory_space<hbm>>
      %dma_start3A_59 = arith.constant 0 : i32
      %dma_start3A_60 = tpu.memref_slice %arg4[%add3A_56, %dma_start3A_59] : memref<32768x384xf32, #tpu.memory_space<hbm>> -> memref<64x384xf32, #tpu.memory_space<hbm>>
      tpu.enqueue_dma source(%arg7 : memref<64x384xf32, #tpu.memory_space<vmem>>) target(%dma_start3A_60 : memref<64x384xf32, #tpu.memory_space<hbm>>) target_semaphore(%arg15 : memref<!tpu.dma_semaphore, #tpu.memory_space<semaphore_mem>>)
      %mul3A_61 = arith.constant 4 : i32
      %mul3A_62 = arith.muli %scan3A_27, %mul3A_61 : i32
      %add3A_63 = arith.constant 2 : i32
      %add3A_64 = arith.addi %mul3A_62, %add3A_63 : i32
      %dma_wait3A_65 = arith.constant 0 : i32
      %dma_wait3A_66 = arith.constant 0 : i32
      %dma_wait3A_67 = tpu.memref_slice %arg2[%dma_wait3A_65, %dma_wait3A_66] : memref<8192x384xf32, #tpu.memory_space<hbm>> -> memref<64x384xf32, #tpu.memory_space<hbm>>
      %dma_wait3A_68 = arith.constant 0 : i32
      %dma_wait3A_69 = arith.constant 0 : i32
      %dma_wait3A_70 = tpu.memref_slice %arg2[%dma_wait3A_68, %dma_wait3A_69] : memref<8192x384xf32, #tpu.memory_space<hbm>> -> memref<64x384xf32, #tpu.memory_space<hbm>>
      tpu.wait_dma2 semaphore(%arg12 : memref<!tpu.dma_semaphore, #tpu.memory_space<semaphore_mem>>) src(%dma_wait3A_70 : memref<64x384xf32, #tpu.memory_space<hbm>>) dst(%arg8 : memref<64x384xf32, #tpu.memory_space<vmem>>)
      %mul3A_71 = arith.constant 64 : i32
      %mul3A_72 = arith.muli %add3A_64, %mul3A_71 : i32
      %add3A_73 = arith.addi %mul3A_2, %mul3A_72 : i32
      %dma_start3A_74 = arith.constant 0 : i32
      %dma_start3A_75 = tpu.memref_slice %arg4[%add3A_73, %dma_start3A_74] : memref<32768x384xf32, #tpu.memory_space<hbm>> -> memref<64x384xf32, #tpu.memory_space<hbm>>
      %dma_start3A_76 = arith.constant 0 : i32
      %dma_start3A_77 = tpu.memref_slice %arg4[%add3A_73, %dma_start3A_76] : memref<32768x384xf32, #tpu.memory_space<hbm>> -> memref<64x384xf32, #tpu.memory_space<hbm>>
      tpu.enqueue_dma source(%arg8 : memref<64x384xf32, #tpu.memory_space<vmem>>) target(%dma_start3A_77 : memref<64x384xf32, #tpu.memory_space<hbm>>) target_semaphore(%arg16 : memref<!tpu.dma_semaphore, #tpu.memory_space<semaphore_mem>>)
      %mul3A_78 = arith.constant 4 : i32
      %mul3A_79 = arith.muli %scan3A_27, %mul3A_78 : i32
      %add3A_80 = arith.constant 3 : i32
      %add3A_81 = arith.addi %mul3A_79, %add3A_80 : i32
      %dma_wait3A_82 = arith.constant 0 : i32
      %dma_wait3A_83 = arith.constant 0 : i32
      %dma_wait3A_84 = tpu.memref_slice %arg2[%dma_wait3A_82, %dma_wait3A_83] : memref<8192x384xf32, #tpu.memory_space<hbm>> -> memref<64x384xf32, #tpu.memory_space<hbm>>
      %dma_wait3A_85 = arith.constant 0 : i32
      %dma_wait3A_86 = arith.constant 0 : i32
      %dma_wait3A_87 = tpu.memref_slice %arg2[%dma_wait3A_85, %dma_wait3A_86] : memref<8192x384xf32, #tpu.memory_space<hbm>> -> memref<64x384xf32, #tpu.memory_space<hbm>>
      tpu.wait_dma2 semaphore(%arg13 : memref<!tpu.dma_semaphore, #tpu.memory_space<semaphore_mem>>) src(%dma_wait3A_87 : memref<64x384xf32, #tpu.memory_space<hbm>>) dst(%arg9 : memref<64x384xf32, #tpu.memory_space<vmem>>)
      %mul3A_88 = arith.constant 64 : i32
      %mul3A_89 = arith.muli %add3A_81, %mul3A_88 : i32
      %add3A_90 = arith.addi %mul3A_2, %mul3A_89 : i32
      %dma_start3A_91 = arith.constant 0 : i32
      %dma_start3A_92 = tpu.memref_slice %arg4[%add3A_90, %dma_start3A_91] : memref<32768x384xf32, #tpu.memory_space<hbm>> -> memref<64x384xf32, #tpu.memory_space<hbm>>
      %dma_start3A_93 = arith.constant 0 : i32
      %dma_start3A_94 = tpu.memref_slice %arg4[%add3A_90, %dma_start3A_93] : memref<32768x384xf32, #tpu.memory_space<hbm>> -> memref<64x384xf32, #tpu.memory_space<hbm>>
      tpu.enqueue_dma source(%arg9 : memref<64x384xf32, #tpu.memory_space<vmem>>) target(%dma_start3A_94 : memref<64x384xf32, #tpu.memory_space<hbm>>) target_semaphore(%arg17 : memref<!tpu.dma_semaphore, #tpu.memory_space<semaphore_mem>>)
      %add3A_95 = arith.constant 1 : i32
      %add3A_96 = arith.addi %scan3A_27, %add3A_95 : i32
      %mul3A_97 = arith.constant 4 : i32
      %mul3A_98 = arith.muli %add3A_96, %mul3A_97 : i32
      %add3A_99 = arith.constant 0 : i32
      %add3A_100 = arith.addi %mul3A_98, %add3A_99 : i32
      %dma_wait3A_101 = arith.constant 0 : i32
      %dma_wait3A_102 = arith.constant 0 : i32
      %dma_wait3A_103 = tpu.memref_slice %arg2[%dma_wait3A_101, %dma_wait3A_102] : memref<8192x384xf32, #tpu.memory_space<hbm>> -> memref<64x384xf32, #tpu.memory_space<hbm>>
      %dma_wait3A_104 = arith.constant 0 : i32
      %dma_wait3A_105 = arith.constant 0 : i32
      %dma_wait3A_106 = tpu.memref_slice %arg2[%dma_wait3A_104, %dma_wait3A_105] : memref<8192x384xf32, #tpu.memory_space<hbm>> -> memref<64x384xf32, #tpu.memory_space<hbm>>
      tpu.wait_dma2 semaphore(%arg14 : memref<!tpu.dma_semaphore, #tpu.memory_space<semaphore_mem>>) src(%dma_wait3A_106 : memref<64x384xf32, #tpu.memory_space<hbm>>) dst(%arg6 : memref<64x384xf32, #tpu.memory_space<vmem>>)
      %lt3A = arith.constant 16 : i32
      %lt3A_107 = arith.cmpi slt, %add3A_100, %lt3A : i32
      %convert_element_type3A = arith.extui %lt3A_107 : i1 to i32
      %cond3A = arith.constant 0 : i32
      %cond3A_108 = arith.cmpi ne, %convert_element_type3A, %cond3A : i32
      scf.if %cond3A_108 {
        %mul3A_160 = arith.constant 64 : i32
        %mul3A_161 = arith.muli %add3A_100, %mul3A_160 : i32
        %dma_start3A_162 = tpu.memref_slice %arg5[%mul3A_161] : memref<1024xi32, #tpu.memory_space<vmem>> -> memref<64xi32, #tpu.memory_space<vmem>>
        %dma_start3A_163 = arith.constant 0 : i32
        %dma_start3A_164 = arith.constant 0 : i32
        %dma_start3A_165 = tpu.memref_slice %arg2[%dma_start3A_163, %dma_start3A_164] : memref<8192x384xf32, #tpu.memory_space<hbm>> -> memref<8192x384xf32, #tpu.memory_space<hbm>>
        tpu.enqueue_indirect_dma source(%dma_start3A_165 : memref<8192x384xf32, #tpu.memory_space<hbm>>) target(%arg6 : memref<64x384xf32, #tpu.memory_space<vmem>>) offsets(%dma_start3A_162 : memref<64xi32, #tpu.memory_space<vmem>>) semaphore(%arg10 : memref<!tpu.dma_semaphore, #tpu.memory_space<semaphore_mem>>)
      } else {
      }
      %add3A_109 = arith.constant 1 : i32
      %add3A_110 = arith.addi %scan3A_27, %add3A_109 : i32
      %mul3A_111 = arith.constant 4 : i32
      %mul3A_112 = arith.muli %add3A_110, %mul3A_111 : i32
      %add3A_113 = arith.constant 1 : i32
      %add3A_114 = arith.addi %mul3A_112, %add3A_113 : i32
      %dma_wait3A_115 = arith.constant 0 : i32
      %dma_wait3A_116 = arith.constant 0 : i32
      %dma_wait3A_117 = tpu.memref_slice %arg2[%dma_wait3A_115, %dma_wait3A_116] : memref<8192x384xf32, #tpu.memory_space<hbm>> -> memref<64x384xf32, #tpu.memory_space<hbm>>
      %dma_wait3A_118 = arith.constant 0 : i32
      %dma_wait3A_119 = arith.constant 0 : i32
      %dma_wait3A_120 = tpu.memref_slice %arg2[%dma_wait3A_118, %dma_wait3A_119] : memref<8192x384xf32, #tpu.memory_space<hbm>> -> memref<64x384xf32, #tpu.memory_space<hbm>>
      tpu.wait_dma2 semaphore(%arg15 : memref<!tpu.dma_semaphore, #tpu.memory_space<semaphore_mem>>) src(%dma_wait3A_120 : memref<64x384xf32, #tpu.memory_space<hbm>>) dst(%arg7 : memref<64x384xf32, #tpu.memory_space<vmem>>)
      %lt3A_121 = arith.constant 16 : i32
      %lt3A_122 = arith.cmpi slt, %add3A_114, %lt3A_121 : i32
      %convert_element_type3A_123 = arith.extui %lt3A_122 : i1 to i32
      %cond3A_124 = arith.constant 0 : i32
      %cond3A_125 = arith.cmpi ne, %convert_element_type3A_123, %cond3A_124 : i32
      scf.if %cond3A_125 {
        %mul3A_160 = arith.constant 64 : i32
        %mul3A_161 = arith.muli %add3A_114, %mul3A_160 : i32
        %dma_start3A_162 = tpu.memref_slice %arg5[%mul3A_161] : memref<1024xi32, #tpu.memory_space<vmem>> -> memref<64xi32, #tpu.memory_space<vmem>>
        %dma_start3A_163 = arith.constant 0 : i32
        %dma_start3A_164 = arith.constant 0 : i32
        %dma_start3A_165 = tpu.memref_slice %arg2[%dma_start3A_163, %dma_start3A_164] : memref<8192x384xf32, #tpu.memory_space<hbm>> -> memref<8192x384xf32, #tpu.memory_space<hbm>>
        tpu.enqueue_indirect_dma source(%dma_start3A_165 : memref<8192x384xf32, #tpu.memory_space<hbm>>) target(%arg7 : memref<64x384xf32, #tpu.memory_space<vmem>>) offsets(%dma_start3A_162 : memref<64xi32, #tpu.memory_space<vmem>>) semaphore(%arg11 : memref<!tpu.dma_semaphore, #tpu.memory_space<semaphore_mem>>)
      } else {
      }
      %add3A_126 = arith.constant 1 : i32
      %add3A_127 = arith.addi %scan3A_27, %add3A_126 : i32
      %mul3A_128 = arith.constant 4 : i32
      %mul3A_129 = arith.muli %add3A_127, %mul3A_128 : i32
      %add3A_130 = arith.constant 2 : i32
      %add3A_131 = arith.addi %mul3A_129, %add3A_130 : i32
      %dma_wait3A_132 = arith.constant 0 : i32
      %dma_wait3A_133 = arith.constant 0 : i32
      %dma_wait3A_134 = tpu.memref_slice %arg2[%dma_wait3A_132, %dma_wait3A_133] : memref<8192x384xf32, #tpu.memory_space<hbm>> -> memref<64x384xf32, #tpu.memory_space<hbm>>
      %dma_wait3A_135 = arith.constant 0 : i32
      %dma_wait3A_136 = arith.constant 0 : i32
      %dma_wait3A_137 = tpu.memref_slice %arg2[%dma_wait3A_135, %dma_wait3A_136] : memref<8192x384xf32, #tpu.memory_space<hbm>> -> memref<64x384xf32, #tpu.memory_space<hbm>>
      tpu.wait_dma2 semaphore(%arg16 : memref<!tpu.dma_semaphore, #tpu.memory_space<semaphore_mem>>) src(%dma_wait3A_137 : memref<64x384xf32, #tpu.memory_space<hbm>>) dst(%arg8 : memref<64x384xf32, #tpu.memory_space<vmem>>)
      %lt3A_138 = arith.constant 16 : i32
      %lt3A_139 = arith.cmpi slt, %add3A_131, %lt3A_138 : i32
      %convert_element_type3A_140 = arith.extui %lt3A_139 : i1 to i32
      %cond3A_141 = arith.constant 0 : i32
      %cond3A_142 = arith.cmpi ne, %convert_element_type3A_140, %cond3A_141 : i32
      scf.if %cond3A_142 {
        %mul3A_160 = arith.constant 64 : i32
        %mul3A_161 = arith.muli %add3A_131, %mul3A_160 : i32
        %dma_start3A_162 = tpu.memref_slice %arg5[%mul3A_161] : memref<1024xi32, #tpu.memory_space<vmem>> -> memref<64xi32, #tpu.memory_space<vmem>>
        %dma_start3A_163 = arith.constant 0 : i32
        %dma_start3A_164 = arith.constant 0 : i32
        %dma_start3A_165 = tpu.memref_slice %arg2[%dma_start3A_163, %dma_start3A_164] : memref<8192x384xf32, #tpu.memory_space<hbm>> -> memref<8192x384xf32, #tpu.memory_space<hbm>>
        tpu.enqueue_indirect_dma source(%dma_start3A_165 : memref<8192x384xf32, #tpu.memory_space<hbm>>) target(%arg8 : memref<64x384xf32, #tpu.memory_space<vmem>>) offsets(%dma_start3A_162 : memref<64xi32, #tpu.memory_space<vmem>>) semaphore(%arg12 : memref<!tpu.dma_semaphore, #tpu.memory_space<semaphore_mem>>)
      } else {
      }
      %add3A_143 = arith.constant 1 : i32
      %add3A_144 = arith.addi %scan3A_27, %add3A_143 : i32
      %mul3A_145 = arith.constant 4 : i32
      %mul3A_146 = arith.muli %add3A_144, %mul3A_145 : i32
      %add3A_147 = arith.constant 3 : i32
      %add3A_148 = arith.addi %mul3A_146, %add3A_147 : i32
      %dma_wait3A_149 = arith.constant 0 : i32
      %dma_wait3A_150 = arith.constant 0 : i32
      %dma_wait3A_151 = tpu.memref_slice %arg2[%dma_wait3A_149, %dma_wait3A_150] : memref<8192x384xf32, #tpu.memory_space<hbm>> -> memref<64x384xf32, #tpu.memory_space<hbm>>
      %dma_wait3A_152 = arith.constant 0 : i32
      %dma_wait3A_153 = arith.constant 0 : i32
      %dma_wait3A_154 = tpu.memref_slice %arg2[%dma_wait3A_152, %dma_wait3A_153] : memref<8192x384xf32, #tpu.memory_space<hbm>> -> memref<64x384xf32, #tpu.memory_space<hbm>>
      tpu.wait_dma2 semaphore(%arg17 : memref<!tpu.dma_semaphore, #tpu.memory_space<semaphore_mem>>) src(%dma_wait3A_154 : memref<64x384xf32, #tpu.memory_space<hbm>>) dst(%arg9 : memref<64x384xf32, #tpu.memory_space<vmem>>)
      %lt3A_155 = arith.constant 16 : i32
      %lt3A_156 = arith.cmpi slt, %add3A_148, %lt3A_155 : i32
      %convert_element_type3A_157 = arith.extui %lt3A_156 : i1 to i32
      %cond3A_158 = arith.constant 0 : i32
      %cond3A_159 = arith.cmpi ne, %convert_element_type3A_157, %cond3A_158 : i32
      scf.if %cond3A_159 {
        %mul3A_160 = arith.constant 64 : i32
        %mul3A_161 = arith.muli %add3A_148, %mul3A_160 : i32
        %dma_start3A_162 = tpu.memref_slice %arg5[%mul3A_161] : memref<1024xi32, #tpu.memory_space<vmem>> -> memref<64xi32, #tpu.memory_space<vmem>>
        %dma_start3A_163 = arith.constant 0 : i32
        %dma_start3A_164 = arith.constant 0 : i32
        %dma_start3A_165 = tpu.memref_slice %arg2[%dma_start3A_163, %dma_start3A_164] : memref<8192x384xf32, #tpu.memory_space<hbm>> -> memref<8192x384xf32, #tpu.memory_space<hbm>>
        tpu.enqueue_indirect_dma source(%dma_start3A_165 : memref<8192x384xf32, #tpu.memory_space<hbm>>) target(%arg9 : memref<64x384xf32, #tpu.memory_space<vmem>>) offsets(%dma_start3A_162 : memref<64xi32, #tpu.memory_space<vmem>>) semaphore(%arg13 : memref<!tpu.dma_semaphore, #tpu.memory_space<semaphore_mem>>)
      } else {
      }
    }
    %scan3A_26 = arith.constant 4 : i32
    return
  }
}

#map = affine_map<(d0, d1) -> (0, 0)>
#map1 = affine_map<(d0, d1) -> (0, 0, 0)>
module attributes {stable_mosaic.version = 14 : i64} {
  func.func @body(%arg0: i32, %arg1: i32, %arg2: memref<32768x128xf32, #tpu.memory_space<hbm>>, %arg3: memref<32768x128xf32, #tpu.memory_space<hbm>>, %arg4: memref<32768x128xf32, #tpu.memory_space<hbm>>, %arg5: memref<32x16x64xi32, #tpu.memory_space<hbm>>, %arg6: memref<64x128xf32, #tpu.memory_space<hbm>>, %arg7: memref<256x128xf32, #tpu.memory_space<hbm>>, %arg8: memref<8192x128xf32, #tpu.memory_space<hbm>>, %arg9: memref<8192x128xf32, #tpu.memory_space<hbm>>, %arg10: memref<8192x128xf32, #tpu.memory_space<hbm>>, %arg11: memref<8192x128xf32, #tpu.memory_space<hbm>>, %arg12: memref<16x64xi32, #tpu.memory_space<vmem>>, %arg13: memref<64x128xf32, #tpu.memory_space<vmem>>, %arg14: memref<64x128xf32, #tpu.memory_space<vmem>>, %arg15: memref<64x128xf32, #tpu.memory_space<vmem>>, %arg16: memref<64x128xf32, #tpu.memory_space<vmem>>, %arg17: memref<64x128xf32, #tpu.memory_space<vmem>>, %arg18: memref<4096x128xf32, #tpu.memory_space<vmem_shared>>, %arg19: memref<4096x128xf32, #tpu.memory_space<vmem_shared>>, %arg20: memref<!tpu.dma_semaphore, #tpu.memory_space<semaphore_mem>>, %arg21: memref<!tpu.dma_semaphore, #tpu.memory_space<semaphore_mem>>, %arg22: memref<!tpu.dma_semaphore, #tpu.memory_space<semaphore_mem>>, %arg23: memref<!tpu.dma_semaphore, #tpu.memory_space<semaphore_mem>>) attributes {dimension_semantics = [#tpu.dimension_semantics<core_parallel>, #tpu.dimension_semantics<subcore_parallel>], iteration_bounds = array<i64: 2, 16>, scalar_prefetch = 0 : i64, scratch_operands = 12 : i64, tpu.core_type = #tpu.core_type<sc_vector_subcore>, window_params = [{transform_indices = #map}, {transform_indices = #map}, {transform_indices = #map}, {transform_indices = #map1}, {transform_indices = #map}, {transform_indices = #map}, {transform_indices = #map}, {transform_indices = #map}, {transform_indices = #map}, {transform_indices = #map}]} {
    %mul3A = arith.constant 16 : i32
    %mul3A_0 = arith.muli %arg0, %mul3A : i32
    %add3A = arith.addi %mul3A_0, %arg1 : i32
    "tpu.region"() ({
      %run_scoped3A = tpu.sem_alloc : memref<!tpu.dma_semaphore, #tpu.memory_space<semaphore_mem>>
      %dma_start3A_93 = arith.constant 0 : i32
      %dma_start3A_94 = arith.constant 0 : i32
      %dma_start3A_95 = tpu.memref_slice %arg5[%add3A, %dma_start3A_93, %dma_start3A_94] : memref<32x16x64xi32, #tpu.memory_space<hbm>> -> memref<1x16x64xi32, #tpu.memory_space<hbm>>
      %dma_start3A_96 = tpu.memref_squeeze %dma_start3A_95 : memref<1x16x64xi32, #tpu.memory_space<hbm>> -> memref<16x64xi32, #tpu.memory_space<hbm>>
      %dma_start3A_97 = arith.constant 0 : i32
      %dma_start3A_98 = arith.constant 0 : i32
      %dma_start3A_99 = tpu.memref_slice %arg5[%add3A, %dma_start3A_97, %dma_start3A_98] : memref<32x16x64xi32, #tpu.memory_space<hbm>> -> memref<1x16x64xi32, #tpu.memory_space<hbm>>
      %dma_start3A_100 = tpu.memref_squeeze %dma_start3A_99 : memref<1x16x64xi32, #tpu.memory_space<hbm>> -> memref<16x64xi32, #tpu.memory_space<hbm>>
      tpu.enqueue_dma source(%dma_start3A_100 : memref<16x64xi32, #tpu.memory_space<hbm>>) target(%arg12 : memref<16x64xi32, #tpu.memory_space<vmem>>) target_semaphore(%run_scoped3A : memref<!tpu.dma_semaphore, #tpu.memory_space<semaphore_mem>>)
      %dma_wait3A = arith.constant 0 : i32
      %dma_wait3A_101 = arith.constant 0 : i32
      %dma_wait3A_102 = tpu.memref_slice %arg5[%add3A, %dma_wait3A, %dma_wait3A_101] : memref<32x16x64xi32, #tpu.memory_space<hbm>> -> memref<1x16x64xi32, #tpu.memory_space<hbm>>
      %dma_wait3A_103 = tpu.memref_squeeze %dma_wait3A_102 : memref<1x16x64xi32, #tpu.memory_space<hbm>> -> memref<16x64xi32, #tpu.memory_space<hbm>>
      %dma_wait3A_104 = arith.constant 0 : i32
      %dma_wait3A_105 = arith.constant 0 : i32
      %dma_wait3A_106 = tpu.memref_slice %arg5[%add3A, %dma_wait3A_104, %dma_wait3A_105] : memref<32x16x64xi32, #tpu.memory_space<hbm>> -> memref<1x16x64xi32, #tpu.memory_space<hbm>>
      %dma_wait3A_107 = tpu.memref_squeeze %dma_wait3A_106 : memref<1x16x64xi32, #tpu.memory_space<hbm>> -> memref<16x64xi32, #tpu.memory_space<hbm>>
      tpu.wait_dma2 semaphore(%run_scoped3A : memref<!tpu.dma_semaphore, #tpu.memory_space<semaphore_mem>>) src(%dma_wait3A_107 : memref<16x64xi32, #tpu.memory_space<hbm>>) dst(%arg12 : memref<16x64xi32, #tpu.memory_space<vmem>>)
      tpu.yield
    }) : () -> ()
    "tpu.region"() ({
      %run_scoped3A = tpu.sem_alloc : memref<!tpu.dma_semaphore, #tpu.memory_space<semaphore_mem>>
      tpu.enqueue_dma source(%arg6 : memref<64x128xf32, #tpu.memory_space<hbm>>) target(%arg13 : memref<64x128xf32, #tpu.memory_space<vmem>>) target_semaphore(%run_scoped3A : memref<!tpu.dma_semaphore, #tpu.memory_space<semaphore_mem>>)
      tpu.wait_dma2 semaphore(%run_scoped3A : memref<!tpu.dma_semaphore, #tpu.memory_space<semaphore_mem>>) src(%arg6 : memref<64x128xf32, #tpu.memory_space<hbm>>) dst(%arg13 : memref<64x128xf32, #tpu.memory_space<vmem>>)
      tpu.yield
    }) : () -> ()
    %mul3A_1 = arith.constant 16384 : i32
    %mul3A_2 = arith.muli %arg0, %mul3A_1 : i32
    %mul3A_3 = arith.constant 1024 : i32
    %mul3A_4 = arith.muli %arg1, %mul3A_3 : i32
    %add3A_5 = arith.addi %mul3A_2, %mul3A_4 : i32
    %mul3A_6 = arith.constant 256 : i32
    %mul3A_7 = arith.muli %arg1, %mul3A_6 : i32
    "tpu.region"() ({
      %run_scoped3A = tpu.sem_alloc : memref<!tpu.dma_semaphore, #tpu.memory_space<semaphore_mem>>
      %dma_start3A_93 = arith.constant 0 : i32
      %dma_start3A_94 = tpu.memref_slice %arg18[%mul3A_7, %dma_start3A_93] : memref<4096x128xf32, #tpu.memory_space<vmem_shared>> -> memref<256x128xf32, #tpu.memory_space<vmem_shared>>
      tpu.enqueue_dma source(%arg7 : memref<256x128xf32, #tpu.memory_space<hbm>>) target(%dma_start3A_94 : memref<256x128xf32, #tpu.memory_space<vmem_shared>>) target_semaphore(%run_scoped3A : memref<!tpu.dma_semaphore, #tpu.memory_space<semaphore_mem>>)
      %dma_wait3A = arith.constant 0 : i32
      %dma_wait3A_95 = tpu.memref_slice %arg18[%mul3A_7, %dma_wait3A] : memref<4096x128xf32, #tpu.memory_space<vmem_shared>> -> memref<256x128xf32, #tpu.memory_space<vmem_shared>>
      tpu.wait_dma2 semaphore(%run_scoped3A : memref<!tpu.dma_semaphore, #tpu.memory_space<semaphore_mem>>) src(%arg7 : memref<256x128xf32, #tpu.memory_space<hbm>>) dst(%dma_wait3A_95 : memref<256x128xf32, #tpu.memory_space<vmem_shared>>)
      tpu.yield
    }) : () -> ()
    %mul3A_8 = arith.constant 256 : i32
    %mul3A_9 = arith.muli %arg1, %mul3A_8 : i32
    "tpu.region"() ({
      %run_scoped3A = tpu.sem_alloc : memref<!tpu.dma_semaphore, #tpu.memory_space<semaphore_mem>>
      %dma_start3A_93 = arith.constant 0 : i32
      %dma_start3A_94 = tpu.memref_slice %arg19[%mul3A_9, %dma_start3A_93] : memref<4096x128xf32, #tpu.memory_space<vmem_shared>> -> memref<256x128xf32, #tpu.memory_space<vmem_shared>>
      tpu.enqueue_dma source(%arg7 : memref<256x128xf32, #tpu.memory_space<hbm>>) target(%dma_start3A_94 : memref<256x128xf32, #tpu.memory_space<vmem_shared>>) target_semaphore(%run_scoped3A : memref<!tpu.dma_semaphore, #tpu.memory_space<semaphore_mem>>)
      %dma_wait3A = arith.constant 0 : i32
      %dma_wait3A_95 = tpu.memref_slice %arg19[%mul3A_9, %dma_wait3A] : memref<4096x128xf32, #tpu.memory_space<vmem_shared>> -> memref<256x128xf32, #tpu.memory_space<vmem_shared>>
      tpu.wait_dma2 semaphore(%run_scoped3A : memref<!tpu.dma_semaphore, #tpu.memory_space<semaphore_mem>>) src(%arg7 : memref<256x128xf32, #tpu.memory_space<hbm>>) dst(%dma_wait3A_95 : memref<256x128xf32, #tpu.memory_space<vmem_shared>>)
      tpu.yield
    }) : () -> ()
    %barrier3A = arith.constant 0 : index
    tpu.barrier barrier_id(%barrier3A)
    %add3A_10 = arith.constant 0 : i32
    %add3A_11 = arith.addi %add3A_5, %add3A_10 : i32
    %dma_start3A = arith.constant 0 : i32
    %dma_start3A_12 = tpu.memref_slice %arg2[%add3A_11, %dma_start3A] : memref<32768x128xf32, #tpu.memory_space<hbm>> -> memref<64x128xf32, #tpu.memory_space<hbm>>
    %dma_start3A_13 = arith.constant 0 : i32
    %dma_start3A_14 = tpu.memref_slice %arg2[%add3A_11, %dma_start3A_13] : memref<32768x128xf32, #tpu.memory_space<hbm>> -> memref<64x128xf32, #tpu.memory_space<hbm>>
    tpu.enqueue_dma source(%dma_start3A_14 : memref<64x128xf32, #tpu.memory_space<hbm>>) target(%arg14 : memref<64x128xf32, #tpu.memory_space<vmem>>) target_semaphore(%arg20 : memref<!tpu.dma_semaphore, #tpu.memory_space<semaphore_mem>>)
    %add3A_15 = arith.constant 0 : i32
    %add3A_16 = arith.addi %add3A_5, %add3A_15 : i32
    %dma_start3A_17 = arith.constant 0 : i32
    %dma_start3A_18 = tpu.memref_slice %arg3[%add3A_16, %dma_start3A_17] : memref<32768x128xf32, #tpu.memory_space<hbm>> -> memref<64x128xf32, #tpu.memory_space<hbm>>
    %dma_start3A_19 = arith.constant 0 : i32
    %dma_start3A_20 = tpu.memref_slice %arg3[%add3A_16, %dma_start3A_19] : memref<32768x128xf32, #tpu.memory_space<hbm>> -> memref<64x128xf32, #tpu.memory_space<hbm>>
    tpu.enqueue_dma source(%dma_start3A_20 : memref<64x128xf32, #tpu.memory_space<hbm>>) target(%arg15 : memref<64x128xf32, #tpu.memory_space<vmem>>) target_semaphore(%arg20 : memref<!tpu.dma_semaphore, #tpu.memory_space<semaphore_mem>>)
    %add3A_21 = arith.constant 64 : i32
    %add3A_22 = arith.addi %add3A_5, %add3A_21 : i32
    %dma_start3A_23 = arith.constant 0 : i32
    %dma_start3A_24 = tpu.memref_slice %arg2[%add3A_22, %dma_start3A_23] : memref<32768x128xf32, #tpu.memory_space<hbm>> -> memref<64x128xf32, #tpu.memory_space<hbm>>
    %dma_start3A_25 = arith.constant 0 : i32
    %dma_start3A_26 = tpu.memref_slice %arg2[%add3A_22, %dma_start3A_25] : memref<32768x128xf32, #tpu.memory_space<hbm>> -> memref<64x128xf32, #tpu.memory_space<hbm>>
    tpu.enqueue_dma source(%dma_start3A_26 : memref<64x128xf32, #tpu.memory_space<hbm>>) target(%arg16 : memref<64x128xf32, #tpu.memory_space<vmem>>) target_semaphore(%arg21 : memref<!tpu.dma_semaphore, #tpu.memory_space<semaphore_mem>>)
    %add3A_27 = arith.constant 64 : i32
    %add3A_28 = arith.addi %add3A_5, %add3A_27 : i32
    %dma_start3A_29 = arith.constant 0 : i32
    %dma_start3A_30 = tpu.memref_slice %arg3[%add3A_28, %dma_start3A_29] : memref<32768x128xf32, #tpu.memory_space<hbm>> -> memref<64x128xf32, #tpu.memory_space<hbm>>
    %dma_start3A_31 = arith.constant 0 : i32
    %dma_start3A_32 = tpu.memref_slice %arg3[%add3A_28, %dma_start3A_31] : memref<32768x128xf32, #tpu.memory_space<hbm>> -> memref<64x128xf32, #tpu.memory_space<hbm>>
    tpu.enqueue_dma source(%dma_start3A_32 : memref<64x128xf32, #tpu.memory_space<hbm>>) target(%arg17 : memref<64x128xf32, #tpu.memory_space<vmem>>) target_semaphore(%arg21 : memref<!tpu.dma_semaphore, #tpu.memory_space<semaphore_mem>>)
    %scan3A = arith.constant 0 : i32
    %scan3A_33 = arith.constant 0 : i32
    %scan3A_34 = arith.constant 8 : i32
    %scan3A_35 = arith.addi %scan3A_33, %scan3A_34 : i32
    %scan3A_36 = arith.constant 1 : i32
    scf.for %scan3A_93 = %scan3A_33 to %scan3A_35 step %scan3A_36  : i32 {
      %mul3A_94 = arith.constant 2 : i32
      %mul3A_95 = arith.muli %scan3A_93, %mul3A_94 : i32
      %add3A_96 = arith.constant 0 : i32
      %add3A_97 = arith.addi %mul3A_95, %add3A_96 : i32
      %dma_wait3A = arith.constant 0 : i32
      %dma_wait3A_98 = arith.constant 0 : i32
      %dma_wait3A_99 = tpu.memref_slice %arg2[%dma_wait3A, %dma_wait3A_98] : memref<32768x128xf32, #tpu.memory_space<hbm>> -> memref<64x128xf32, #tpu.memory_space<hbm>>
      %dma_wait3A_100 = arith.constant 0 : i32
      %dma_wait3A_101 = arith.constant 0 : i32
      %dma_wait3A_102 = tpu.memref_slice %arg2[%dma_wait3A_100, %dma_wait3A_101] : memref<32768x128xf32, #tpu.memory_space<hbm>> -> memref<64x128xf32, #tpu.memory_space<hbm>>
      tpu.wait_dma2 semaphore(%arg20 : memref<!tpu.dma_semaphore, #tpu.memory_space<semaphore_mem>>) src(%dma_wait3A_102 : memref<64x128xf32, #tpu.memory_space<hbm>>) dst(%arg14 : memref<64x128xf32, #tpu.memory_space<vmem>>)
      %dma_wait3A_103 = arith.constant 0 : i32
      %dma_wait3A_104 = arith.constant 0 : i32
      %dma_wait3A_105 = tpu.memref_slice %arg2[%dma_wait3A_103, %dma_wait3A_104] : memref<32768x128xf32, #tpu.memory_space<hbm>> -> memref<64x128xf32, #tpu.memory_space<hbm>>
      %dma_wait3A_106 = arith.constant 0 : i32
      %dma_wait3A_107 = arith.constant 0 : i32
      %dma_wait3A_108 = tpu.memref_slice %arg2[%dma_wait3A_106, %dma_wait3A_107] : memref<32768x128xf32, #tpu.memory_space<hbm>> -> memref<64x128xf32, #tpu.memory_space<hbm>>
      tpu.wait_dma2 semaphore(%arg20 : memref<!tpu.dma_semaphore, #tpu.memory_space<semaphore_mem>>) src(%dma_wait3A_108 : memref<64x128xf32, #tpu.memory_space<hbm>>) dst(%arg15 : memref<64x128xf32, #tpu.memory_space<vmem>>)
      %dma_start3A_109 = arith.constant 0 : i32
      %dma_start3A_110 = tpu.memref_slice %arg12[%add3A_97, %dma_start3A_109] : memref<16x64xi32, #tpu.memory_space<vmem>> -> memref<1x64xi32, #tpu.memory_space<vmem>>
      %dma_start3A_111 = tpu.memref_squeeze %dma_start3A_110 : memref<1x64xi32, #tpu.memory_space<vmem>> -> memref<64xi32, #tpu.memory_space<vmem>>
      %dma_start3A_112 = arith.constant 0 : i32
      %dma_start3A_113 = arith.constant 0 : i32
      %dma_start3A_114 = tpu.memref_slice %arg18[%dma_start3A_112, %dma_start3A_113] : memref<4096x128xf32, #tpu.memory_space<vmem_shared>> -> memref<4096x128xf32, #tpu.memory_space<vmem_shared>>
      tpu.enqueue_indirect_dma source(%arg14 : memref<64x128xf32, #tpu.memory_space<vmem>>) target(%dma_start3A_114 : memref<4096x128xf32, #tpu.memory_space<vmem_shared>>) offsets(%dma_start3A_111 : memref<64xi32, #tpu.memory_space<vmem>>) semaphore(%arg22 : memref<!tpu.dma_semaphore, #tpu.memory_space<semaphore_mem>>) {add = true}
      %dma_start3A_115 = arith.constant 0 : i32
      %dma_start3A_116 = tpu.memref_slice %arg12[%add3A_97, %dma_start3A_115] : memref<16x64xi32, #tpu.memory_space<vmem>> -> memref<1x64xi32, #tpu.memory_space<vmem>>
      %dma_start3A_117 = tpu.memref_squeeze %dma_start3A_116 : memref<1x64xi32, #tpu.memory_space<vmem>> -> memref<64xi32, #tpu.memory_space<vmem>>
      %dma_start3A_118 = arith.constant 0 : i32
      %dma_start3A_119 = arith.constant 0 : i32
      %dma_start3A_120 = tpu.memref_slice %arg19[%dma_start3A_118, %dma_start3A_119] : memref<4096x128xf32, #tpu.memory_space<vmem_shared>> -> memref<4096x128xf32, #tpu.memory_space<vmem_shared>>
      tpu.enqueue_indirect_dma source(%arg15 : memref<64x128xf32, #tpu.memory_space<vmem>>) target(%dma_start3A_120 : memref<4096x128xf32, #tpu.memory_space<vmem_shared>>) offsets(%dma_start3A_117 : memref<64xi32, #tpu.memory_space<vmem>>) semaphore(%arg22 : memref<!tpu.dma_semaphore, #tpu.memory_space<semaphore_mem>>) {add = true}
      %mul3A_121 = arith.constant 2 : i32
      %mul3A_122 = arith.muli %scan3A_93, %mul3A_121 : i32
      %add3A_123 = arith.constant 1 : i32
      %add3A_124 = arith.addi %mul3A_122, %add3A_123 : i32
      %dma_wait3A_125 = arith.constant 0 : i32
      %dma_wait3A_126 = arith.constant 0 : i32
      %dma_wait3A_127 = tpu.memref_slice %arg2[%dma_wait3A_125, %dma_wait3A_126] : memref<32768x128xf32, #tpu.memory_space<hbm>> -> memref<64x128xf32, #tpu.memory_space<hbm>>
      %dma_wait3A_128 = arith.constant 0 : i32
      %dma_wait3A_129 = arith.constant 0 : i32
      %dma_wait3A_130 = tpu.memref_slice %arg2[%dma_wait3A_128, %dma_wait3A_129] : memref<32768x128xf32, #tpu.memory_space<hbm>> -> memref<64x128xf32, #tpu.memory_space<hbm>>
      tpu.wait_dma2 semaphore(%arg21 : memref<!tpu.dma_semaphore, #tpu.memory_space<semaphore_mem>>) src(%dma_wait3A_130 : memref<64x128xf32, #tpu.memory_space<hbm>>) dst(%arg16 : memref<64x128xf32, #tpu.memory_space<vmem>>)
      %dma_wait3A_131 = arith.constant 0 : i32
      %dma_wait3A_132 = arith.constant 0 : i32
      %dma_wait3A_133 = tpu.memref_slice %arg2[%dma_wait3A_131, %dma_wait3A_132] : memref<32768x128xf32, #tpu.memory_space<hbm>> -> memref<64x128xf32, #tpu.memory_space<hbm>>
      %dma_wait3A_134 = arith.constant 0 : i32
      %dma_wait3A_135 = arith.constant 0 : i32
      %dma_wait3A_136 = tpu.memref_slice %arg2[%dma_wait3A_134, %dma_wait3A_135] : memref<32768x128xf32, #tpu.memory_space<hbm>> -> memref<64x128xf32, #tpu.memory_space<hbm>>
      tpu.wait_dma2 semaphore(%arg21 : memref<!tpu.dma_semaphore, #tpu.memory_space<semaphore_mem>>) src(%dma_wait3A_136 : memref<64x128xf32, #tpu.memory_space<hbm>>) dst(%arg17 : memref<64x128xf32, #tpu.memory_space<vmem>>)
      %dma_start3A_137 = arith.constant 0 : i32
      %dma_start3A_138 = tpu.memref_slice %arg12[%add3A_124, %dma_start3A_137] : memref<16x64xi32, #tpu.memory_space<vmem>> -> memref<1x64xi32, #tpu.memory_space<vmem>>
      %dma_start3A_139 = tpu.memref_squeeze %dma_start3A_138 : memref<1x64xi32, #tpu.memory_space<vmem>> -> memref<64xi32, #tpu.memory_space<vmem>>
      %dma_start3A_140 = arith.constant 0 : i32
      %dma_start3A_141 = arith.constant 0 : i32
      %dma_start3A_142 = tpu.memref_slice %arg18[%dma_start3A_140, %dma_start3A_141] : memref<4096x128xf32, #tpu.memory_space<vmem_shared>> -> memref<4096x128xf32, #tpu.memory_space<vmem_shared>>
      tpu.enqueue_indirect_dma source(%arg16 : memref<64x128xf32, #tpu.memory_space<vmem>>) target(%dma_start3A_142 : memref<4096x128xf32, #tpu.memory_space<vmem_shared>>) offsets(%dma_start3A_139 : memref<64xi32, #tpu.memory_space<vmem>>) semaphore(%arg23 : memref<!tpu.dma_semaphore, #tpu.memory_space<semaphore_mem>>) {add = true}
      %dma_start3A_143 = arith.constant 0 : i32
      %dma_start3A_144 = tpu.memref_slice %arg12[%add3A_124, %dma_start3A_143] : memref<16x64xi32, #tpu.memory_space<vmem>> -> memref<1x64xi32, #tpu.memory_space<vmem>>
      %dma_start3A_145 = tpu.memref_squeeze %dma_start3A_144 : memref<1x64xi32, #tpu.memory_space<vmem>> -> memref<64xi32, #tpu.memory_space<vmem>>
      %dma_start3A_146 = arith.constant 0 : i32
      %dma_start3A_147 = arith.constant 0 : i32
      %dma_start3A_148 = tpu.memref_slice %arg19[%dma_start3A_146, %dma_start3A_147] : memref<4096x128xf32, #tpu.memory_space<vmem_shared>> -> memref<4096x128xf32, #tpu.memory_space<vmem_shared>>
      tpu.enqueue_indirect_dma source(%arg17 : memref<64x128xf32, #tpu.memory_space<vmem>>) target(%dma_start3A_148 : memref<4096x128xf32, #tpu.memory_space<vmem_shared>>) offsets(%dma_start3A_145 : memref<64xi32, #tpu.memory_space<vmem>>) semaphore(%arg23 : memref<!tpu.dma_semaphore, #tpu.memory_space<semaphore_mem>>) {add = true}
      %add3A_149 = arith.constant 1 : i32
      %add3A_150 = arith.addi %scan3A_93, %add3A_149 : i32
      %mul3A_151 = arith.constant 2 : i32
      %mul3A_152 = arith.muli %add3A_150, %mul3A_151 : i32
      %add3A_153 = arith.constant 0 : i32
      %add3A_154 = arith.addi %mul3A_152, %add3A_153 : i32
      %dma_wait3A_155 = arith.constant 0 : i32
      %dma_wait3A_156 = arith.constant 0 : i32
      %dma_wait3A_157 = tpu.memref_slice %arg2[%dma_wait3A_155, %dma_wait3A_156] : memref<32768x128xf32, #tpu.memory_space<hbm>> -> memref<64x128xf32, #tpu.memory_space<hbm>>
      %dma_wait3A_158 = arith.constant 0 : i32
      %dma_wait3A_159 = arith.constant 0 : i32
      %dma_wait3A_160 = tpu.memref_slice %arg2[%dma_wait3A_158, %dma_wait3A_159] : memref<32768x128xf32, #tpu.memory_space<hbm>> -> memref<64x128xf32, #tpu.memory_space<hbm>>
      tpu.wait_dma2 semaphore(%arg22 : memref<!tpu.dma_semaphore, #tpu.memory_space<semaphore_mem>>) src(%dma_wait3A_160 : memref<64x128xf32, #tpu.memory_space<hbm>>) dst(%arg14 : memref<64x128xf32, #tpu.memory_space<vmem>>)
      %dma_wait3A_161 = arith.constant 0 : i32
      %dma_wait3A_162 = arith.constant 0 : i32
      %dma_wait3A_163 = tpu.memref_slice %arg2[%dma_wait3A_161, %dma_wait3A_162] : memref<32768x128xf32, #tpu.memory_space<hbm>> -> memref<64x128xf32, #tpu.memory_space<hbm>>
      %dma_wait3A_164 = arith.constant 0 : i32
      %dma_wait3A_165 = arith.constant 0 : i32
      %dma_wait3A_166 = tpu.memref_slice %arg2[%dma_wait3A_164, %dma_wait3A_165] : memref<32768x128xf32, #tpu.memory_space<hbm>> -> memref<64x128xf32, #tpu.memory_space<hbm>>
      tpu.wait_dma2 semaphore(%arg22 : memref<!tpu.dma_semaphore, #tpu.memory_space<semaphore_mem>>) src(%dma_wait3A_166 : memref<64x128xf32, #tpu.memory_space<hbm>>) dst(%arg15 : memref<64x128xf32, #tpu.memory_space<vmem>>)
      %lt3A = arith.constant 16 : i32
      %lt3A_167 = arith.cmpi slt, %add3A_154, %lt3A : i32
      %convert_element_type3A = arith.extui %lt3A_167 : i1 to i32
      %cond3A = arith.constant 0 : i32
      %cond3A_168 = arith.cmpi ne, %convert_element_type3A, %cond3A : i32
      scf.if %cond3A_168 {
        %mul3A_192 = arith.constant 64 : i32
        %mul3A_193 = arith.muli %add3A_154, %mul3A_192 : i32
        %add3A_194 = arith.addi %add3A_5, %mul3A_193 : i32
        %dma_start3A_195 = arith.constant 0 : i32
        %dma_start3A_196 = tpu.memref_slice %arg2[%add3A_194, %dma_start3A_195] : memref<32768x128xf32, #tpu.memory_space<hbm>> -> memref<64x128xf32, #tpu.memory_space<hbm>>
        %dma_start3A_197 = arith.constant 0 : i32
        %dma_start3A_198 = tpu.memref_slice %arg2[%add3A_194, %dma_start3A_197] : memref<32768x128xf32, #tpu.memory_space<hbm>> -> memref<64x128xf32, #tpu.memory_space<hbm>>
        tpu.enqueue_dma source(%dma_start3A_198 : memref<64x128xf32, #tpu.memory_space<hbm>>) target(%arg14 : memref<64x128xf32, #tpu.memory_space<vmem>>) target_semaphore(%arg20 : memref<!tpu.dma_semaphore, #tpu.memory_space<semaphore_mem>>)
        %mul3A_199 = arith.constant 64 : i32
        %mul3A_200 = arith.muli %add3A_154, %mul3A_199 : i32
        %add3A_201 = arith.addi %add3A_5, %mul3A_200 : i32
        %dma_start3A_202 = arith.constant 0 : i32
        %dma_start3A_203 = tpu.memref_slice %arg3[%add3A_201, %dma_start3A_202] : memref<32768x128xf32, #tpu.memory_space<hbm>> -> memref<64x128xf32, #tpu.memory_space<hbm>>
        %dma_start3A_204 = arith.constant 0 : i32
        %dma_start3A_205 = tpu.memref_slice %arg3[%add3A_201, %dma_start3A_204] : memref<32768x128xf32, #tpu.memory_space<hbm>> -> memref<64x128xf32, #tpu.memory_space<hbm>>
        tpu.enqueue_dma source(%dma_start3A_205 : memref<64x128xf32, #tpu.memory_space<hbm>>) target(%arg15 : memref<64x128xf32, #tpu.memory_space<vmem>>) target_semaphore(%arg20 : memref<!tpu.dma_semaphore, #tpu.memory_space<semaphore_mem>>)
      } else {
      }
      %add3A_169 = arith.constant 1 : i32
      %add3A_170 = arith.addi %scan3A_93, %add3A_169 : i32
      %mul3A_171 = arith.constant 2 : i32
      %mul3A_172 = arith.muli %add3A_170, %mul3A_171 : i32
      %add3A_173 = arith.constant 1 : i32
      %add3A_174 = arith.addi %mul3A_172, %add3A_173 : i32
      %dma_wait3A_175 = arith.constant 0 : i32
      %dma_wait3A_176 = arith.constant 0 : i32
      %dma_wait3A_177 = tpu.memref_slice %arg2[%dma_wait3A_175, %dma_wait3A_176] : memref<32768x128xf32, #tpu.memory_space<hbm>> -> memref<64x128xf32, #tpu.memory_space<hbm>>
      %dma_wait3A_178 = arith.constant 0 : i32
      %dma_wait3A_179 = arith.constant 0 : i32
      %dma_wait3A_180 = tpu.memref_slice %arg2[%dma_wait3A_178, %dma_wait3A_179] : memref<32768x128xf32, #tpu.memory_space<hbm>> -> memref<64x128xf32, #tpu.memory_space<hbm>>
      tpu.wait_dma2 semaphore(%arg23 : memref<!tpu.dma_semaphore, #tpu.memory_space<semaphore_mem>>) src(%dma_wait3A_180 : memref<64x128xf32, #tpu.memory_space<hbm>>) dst(%arg16 : memref<64x128xf32, #tpu.memory_space<vmem>>)
      %dma_wait3A_181 = arith.constant 0 : i32
      %dma_wait3A_182 = arith.constant 0 : i32
      %dma_wait3A_183 = tpu.memref_slice %arg2[%dma_wait3A_181, %dma_wait3A_182] : memref<32768x128xf32, #tpu.memory_space<hbm>> -> memref<64x128xf32, #tpu.memory_space<hbm>>
      %dma_wait3A_184 = arith.constant 0 : i32
      %dma_wait3A_185 = arith.constant 0 : i32
      %dma_wait3A_186 = tpu.memref_slice %arg2[%dma_wait3A_184, %dma_wait3A_185] : memref<32768x128xf32, #tpu.memory_space<hbm>> -> memref<64x128xf32, #tpu.memory_space<hbm>>
      tpu.wait_dma2 semaphore(%arg23 : memref<!tpu.dma_semaphore, #tpu.memory_space<semaphore_mem>>) src(%dma_wait3A_186 : memref<64x128xf32, #tpu.memory_space<hbm>>) dst(%arg17 : memref<64x128xf32, #tpu.memory_space<vmem>>)
      %lt3A_187 = arith.constant 16 : i32
      %lt3A_188 = arith.cmpi slt, %add3A_174, %lt3A_187 : i32
      %convert_element_type3A_189 = arith.extui %lt3A_188 : i1 to i32
      %cond3A_190 = arith.constant 0 : i32
      %cond3A_191 = arith.cmpi ne, %convert_element_type3A_189, %cond3A_190 : i32
      scf.if %cond3A_191 {
        %mul3A_192 = arith.constant 64 : i32
        %mul3A_193 = arith.muli %add3A_174, %mul3A_192 : i32
        %add3A_194 = arith.addi %add3A_5, %mul3A_193 : i32
        %dma_start3A_195 = arith.constant 0 : i32
        %dma_start3A_196 = tpu.memref_slice %arg2[%add3A_194, %dma_start3A_195] : memref<32768x128xf32, #tpu.memory_space<hbm>> -> memref<64x128xf32, #tpu.memory_space<hbm>>
        %dma_start3A_197 = arith.constant 0 : i32
        %dma_start3A_198 = tpu.memref_slice %arg2[%add3A_194, %dma_start3A_197] : memref<32768x128xf32, #tpu.memory_space<hbm>> -> memref<64x128xf32, #tpu.memory_space<hbm>>
        tpu.enqueue_dma source(%dma_start3A_198 : memref<64x128xf32, #tpu.memory_space<hbm>>) target(%arg16 : memref<64x128xf32, #tpu.memory_space<vmem>>) target_semaphore(%arg21 : memref<!tpu.dma_semaphore, #tpu.memory_space<semaphore_mem>>)
        %mul3A_199 = arith.constant 64 : i32
        %mul3A_200 = arith.muli %add3A_174, %mul3A_199 : i32
        %add3A_201 = arith.addi %add3A_5, %mul3A_200 : i32
        %dma_start3A_202 = arith.constant 0 : i32
        %dma_start3A_203 = tpu.memref_slice %arg3[%add3A_201, %dma_start3A_202] : memref<32768x128xf32, #tpu.memory_space<hbm>> -> memref<64x128xf32, #tpu.memory_space<hbm>>
        %dma_start3A_204 = arith.constant 0 : i32
        %dma_start3A_205 = tpu.memref_slice %arg3[%add3A_201, %dma_start3A_204] : memref<32768x128xf32, #tpu.memory_space<hbm>> -> memref<64x128xf32, #tpu.memory_space<hbm>>
        tpu.enqueue_dma source(%dma_start3A_205 : memref<64x128xf32, #tpu.memory_space<hbm>>) target(%arg17 : memref<64x128xf32, #tpu.memory_space<vmem>>) target_semaphore(%arg21 : memref<!tpu.dma_semaphore, #tpu.memory_space<semaphore_mem>>)
      } else {
      }
    }
    %scan3A_37 = arith.constant 8 : i32
    %barrier3A_38 = arith.constant 0 : index
    tpu.barrier barrier_id(%barrier3A_38)
    %mul3A_39 = arith.constant 256 : i32
    %mul3A_40 = arith.muli %arg1, %mul3A_39 : i32
    %mul3A_41 = arith.constant 4096 : i32
    %mul3A_42 = arith.muli %arg0, %mul3A_41 : i32
    %mul3A_43 = arith.constant 256 : i32
    %mul3A_44 = arith.muli %arg1, %mul3A_43 : i32
    %add3A_45 = arith.addi %mul3A_42, %mul3A_44 : i32
    "tpu.region"() ({
      %run_scoped3A = tpu.sem_alloc : memref<!tpu.dma_semaphore, #tpu.memory_space<semaphore_mem>>
      %dma_start3A_93 = arith.constant 0 : i32
      %dma_start3A_94 = tpu.memref_slice %arg8[%add3A_45, %dma_start3A_93] : memref<8192x128xf32, #tpu.memory_space<hbm>> -> memref<256x128xf32, #tpu.memory_space<hbm>>
      %dma_start3A_95 = arith.constant 0 : i32
      %dma_start3A_96 = tpu.memref_slice %arg18[%mul3A_40, %dma_start3A_95] : memref<4096x128xf32, #tpu.memory_space<vmem_shared>> -> memref<256x128xf32, #tpu.memory_space<vmem_shared>>
      tpu.enqueue_dma source(%dma_start3A_96 : memref<256x128xf32, #tpu.memory_space<vmem_shared>>) target(%dma_start3A_94 : memref<256x128xf32, #tpu.memory_space<hbm>>) target_semaphore(%run_scoped3A : memref<!tpu.dma_semaphore, #tpu.memory_space<semaphore_mem>>)
      %dma_wait3A = arith.constant 0 : i32
      %dma_wait3A_97 = tpu.memref_slice %arg8[%add3A_45, %dma_wait3A] : memref<8192x128xf32, #tpu.memory_space<hbm>> -> memref<256x128xf32, #tpu.memory_space<hbm>>
      %dma_wait3A_98 = arith.constant 0 : i32
      %dma_wait3A_99 = tpu.memref_slice %arg18[%mul3A_40, %dma_wait3A_98] : memref<4096x128xf32, #tpu.memory_space<vmem_shared>> -> memref<256x128xf32, #tpu.memory_space<vmem_shared>>
      tpu.wait_dma2 semaphore(%run_scoped3A : memref<!tpu.dma_semaphore, #tpu.memory_space<semaphore_mem>>) src(%dma_wait3A_99 : memref<256x128xf32, #tpu.memory_space<vmem_shared>>) dst(%dma_wait3A_97 : memref<256x128xf32, #tpu.memory_space<hbm>>)
      tpu.yield
    }) : () -> ()
    %mul3A_46 = arith.constant 256 : i32
    %mul3A_47 = arith.muli %arg1, %mul3A_46 : i32
    %mul3A_48 = arith.constant 4096 : i32
    %mul3A_49 = arith.muli %arg0, %mul3A_48 : i32
    %mul3A_50 = arith.constant 256 : i32
    %mul3A_51 = arith.muli %arg1, %mul3A_50 : i32
    %add3A_52 = arith.addi %mul3A_49, %mul3A_51 : i32
    "tpu.region"() ({
      %run_scoped3A = tpu.sem_alloc : memref<!tpu.dma_semaphore, #tpu.memory_space<semaphore_mem>>
      %dma_start3A_93 = arith.constant 0 : i32
      %dma_start3A_94 = tpu.memref_slice %arg9[%add3A_52, %dma_start3A_93] : memref<8192x128xf32, #tpu.memory_space<hbm>> -> memref<256x128xf32, #tpu.memory_space<hbm>>
      %dma_start3A_95 = arith.constant 0 : i32
      %dma_start3A_96 = tpu.memref_slice %arg19[%mul3A_47, %dma_start3A_95] : memref<4096x128xf32, #tpu.memory_space<vmem_shared>> -> memref<256x128xf32, #tpu.memory_space<vmem_shared>>
      tpu.enqueue_dma source(%dma_start3A_96 : memref<256x128xf32, #tpu.memory_space<vmem_shared>>) target(%dma_start3A_94 : memref<256x128xf32, #tpu.memory_space<hbm>>) target_semaphore(%run_scoped3A : memref<!tpu.dma_semaphore, #tpu.memory_space<semaphore_mem>>)
      %dma_wait3A = arith.constant 0 : i32
      %dma_wait3A_97 = tpu.memref_slice %arg9[%add3A_52, %dma_wait3A] : memref<8192x128xf32, #tpu.memory_space<hbm>> -> memref<256x128xf32, #tpu.memory_space<hbm>>
      %dma_wait3A_98 = arith.constant 0 : i32
      %dma_wait3A_99 = tpu.memref_slice %arg19[%mul3A_47, %dma_wait3A_98] : memref<4096x128xf32, #tpu.memory_space<vmem_shared>> -> memref<256x128xf32, #tpu.memory_space<vmem_shared>>
      tpu.wait_dma2 semaphore(%run_scoped3A : memref<!tpu.dma_semaphore, #tpu.memory_space<semaphore_mem>>) src(%dma_wait3A_99 : memref<256x128xf32, #tpu.memory_space<vmem_shared>>) dst(%dma_wait3A_97 : memref<256x128xf32, #tpu.memory_space<hbm>>)
      tpu.yield
    }) : () -> ()
    %barrier3A_53 = arith.constant 0 : index
    tpu.barrier barrier_id(%barrier3A_53)
    %mul3A_54 = arith.constant 256 : i32
    %mul3A_55 = arith.muli %arg1, %mul3A_54 : i32
    "tpu.region"() ({
      %run_scoped3A = tpu.sem_alloc : memref<!tpu.dma_semaphore, #tpu.memory_space<semaphore_mem>>
      %dma_start3A_93 = arith.constant 0 : i32
      %dma_start3A_94 = tpu.memref_slice %arg18[%mul3A_55, %dma_start3A_93] : memref<4096x128xf32, #tpu.memory_space<vmem_shared>> -> memref<256x128xf32, #tpu.memory_space<vmem_shared>>
      tpu.enqueue_dma source(%arg7 : memref<256x128xf32, #tpu.memory_space<hbm>>) target(%dma_start3A_94 : memref<256x128xf32, #tpu.memory_space<vmem_shared>>) target_semaphore(%run_scoped3A : memref<!tpu.dma_semaphore, #tpu.memory_space<semaphore_mem>>)
      %dma_wait3A = arith.constant 0 : i32
      %dma_wait3A_95 = tpu.memref_slice %arg18[%mul3A_55, %dma_wait3A] : memref<4096x128xf32, #tpu.memory_space<vmem_shared>> -> memref<256x128xf32, #tpu.memory_space<vmem_shared>>
      tpu.wait_dma2 semaphore(%run_scoped3A : memref<!tpu.dma_semaphore, #tpu.memory_space<semaphore_mem>>) src(%arg7 : memref<256x128xf32, #tpu.memory_space<hbm>>) dst(%dma_wait3A_95 : memref<256x128xf32, #tpu.memory_space<vmem_shared>>)
      tpu.yield
    }) : () -> ()
    %mul3A_56 = arith.constant 256 : i32
    %mul3A_57 = arith.muli %arg1, %mul3A_56 : i32
    "tpu.region"() ({
      %run_scoped3A = tpu.sem_alloc : memref<!tpu.dma_semaphore, #tpu.memory_space<semaphore_mem>>
      %dma_start3A_93 = arith.constant 0 : i32
      %dma_start3A_94 = tpu.memref_slice %arg19[%mul3A_57, %dma_start3A_93] : memref<4096x128xf32, #tpu.memory_space<vmem_shared>> -> memref<256x128xf32, #tpu.memory_space<vmem_shared>>
      tpu.enqueue_dma source(%arg7 : memref<256x128xf32, #tpu.memory_space<hbm>>) target(%dma_start3A_94 : memref<256x128xf32, #tpu.memory_space<vmem_shared>>) target_semaphore(%run_scoped3A : memref<!tpu.dma_semaphore, #tpu.memory_space<semaphore_mem>>)
      %dma_wait3A = arith.constant 0 : i32
      %dma_wait3A_95 = tpu.memref_slice %arg19[%mul3A_57, %dma_wait3A] : memref<4096x128xf32, #tpu.memory_space<vmem_shared>> -> memref<256x128xf32, #tpu.memory_space<vmem_shared>>
      tpu.wait_dma2 semaphore(%run_scoped3A : memref<!tpu.dma_semaphore, #tpu.memory_space<semaphore_mem>>) src(%arg7 : memref<256x128xf32, #tpu.memory_space<hbm>>) dst(%dma_wait3A_95 : memref<256x128xf32, #tpu.memory_space<vmem_shared>>)
      tpu.yield
    }) : () -> ()
    %barrier3A_58 = arith.constant 0 : index
    tpu.barrier barrier_id(%barrier3A_58)
    %add3A_59 = arith.constant 0 : i32
    %add3A_60 = arith.addi %add3A_5, %add3A_59 : i32
    %dma_start3A_61 = arith.constant 0 : i32
    %dma_start3A_62 = tpu.memref_slice %arg4[%add3A_60, %dma_start3A_61] : memref<32768x128xf32, #tpu.memory_space<hbm>> -> memref<64x128xf32, #tpu.memory_space<hbm>>
    %dma_start3A_63 = arith.constant 0 : i32
    %dma_start3A_64 = tpu.memref_slice %arg4[%add3A_60, %dma_start3A_63] : memref<32768x128xf32, #tpu.memory_space<hbm>> -> memref<64x128xf32, #tpu.memory_space<hbm>>
    tpu.enqueue_dma source(%dma_start3A_64 : memref<64x128xf32, #tpu.memory_space<hbm>>) target(%arg14 : memref<64x128xf32, #tpu.memory_space<vmem>>) target_semaphore(%arg20 : memref<!tpu.dma_semaphore, #tpu.memory_space<semaphore_mem>>)
    %add3A_65 = arith.constant 64 : i32
    %add3A_66 = arith.addi %add3A_5, %add3A_65 : i32
    %dma_start3A_67 = arith.constant 0 : i32
    %dma_start3A_68 = tpu.memref_slice %arg4[%add3A_66, %dma_start3A_67] : memref<32768x128xf32, #tpu.memory_space<hbm>> -> memref<64x128xf32, #tpu.memory_space<hbm>>
    %dma_start3A_69 = arith.constant 0 : i32
    %dma_start3A_70 = tpu.memref_slice %arg4[%add3A_66, %dma_start3A_69] : memref<32768x128xf32, #tpu.memory_space<hbm>> -> memref<64x128xf32, #tpu.memory_space<hbm>>
    tpu.enqueue_dma source(%dma_start3A_70 : memref<64x128xf32, #tpu.memory_space<hbm>>) target(%arg16 : memref<64x128xf32, #tpu.memory_space<vmem>>) target_semaphore(%arg21 : memref<!tpu.dma_semaphore, #tpu.memory_space<semaphore_mem>>)
    %scan3A_71 = arith.constant 0 : i32
    %scan3A_72 = arith.constant 0 : i32
    %scan3A_73 = arith.constant 8 : i32
    %scan3A_74 = arith.addi %scan3A_72, %scan3A_73 : i32
    %scan3A_75 = arith.constant 1 : i32
    scf.for %scan3A_93 = %scan3A_72 to %scan3A_74 step %scan3A_75  : i32 {
      %mul3A_94 = arith.constant 2 : i32
      %mul3A_95 = arith.muli %scan3A_93, %mul3A_94 : i32
      %add3A_96 = arith.constant 0 : i32
      %add3A_97 = arith.addi %mul3A_95, %add3A_96 : i32
      %dma_wait3A = arith.constant 0 : i32
      %dma_wait3A_98 = arith.constant 0 : i32
      %dma_wait3A_99 = tpu.memref_slice %arg2[%dma_wait3A, %dma_wait3A_98] : memref<32768x128xf32, #tpu.memory_space<hbm>> -> memref<64x128xf32, #tpu.memory_space<hbm>>
      %dma_wait3A_100 = arith.constant 0 : i32
      %dma_wait3A_101 = arith.constant 0 : i32
      %dma_wait3A_102 = tpu.memref_slice %arg2[%dma_wait3A_100, %dma_wait3A_101] : memref<32768x128xf32, #tpu.memory_space<hbm>> -> memref<64x128xf32, #tpu.memory_space<hbm>>
      tpu.wait_dma2 semaphore(%arg20 : memref<!tpu.dma_semaphore, #tpu.memory_space<semaphore_mem>>) src(%dma_wait3A_102 : memref<64x128xf32, #tpu.memory_space<hbm>>) dst(%arg14 : memref<64x128xf32, #tpu.memory_space<vmem>>)
      %dma_start3A_103 = arith.constant 0 : i32
      %dma_start3A_104 = tpu.memref_slice %arg12[%add3A_97, %dma_start3A_103] : memref<16x64xi32, #tpu.memory_space<vmem>> -> memref<1x64xi32, #tpu.memory_space<vmem>>
      %dma_start3A_105 = tpu.memref_squeeze %dma_start3A_104 : memref<1x64xi32, #tpu.memory_space<vmem>> -> memref<64xi32, #tpu.memory_space<vmem>>
      %dma_start3A_106 = arith.constant 0 : i32
      %dma_start3A_107 = arith.constant 0 : i32
      %dma_start3A_108 = tpu.memref_slice %arg18[%dma_start3A_106, %dma_start3A_107] : memref<4096x128xf32, #tpu.memory_space<vmem_shared>> -> memref<4096x128xf32, #tpu.memory_space<vmem_shared>>
      tpu.enqueue_indirect_dma source(%arg14 : memref<64x128xf32, #tpu.memory_space<vmem>>) target(%dma_start3A_108 : memref<4096x128xf32, #tpu.memory_space<vmem_shared>>) offsets(%dma_start3A_105 : memref<64xi32, #tpu.memory_space<vmem>>) semaphore(%arg22 : memref<!tpu.dma_semaphore, #tpu.memory_space<semaphore_mem>>) {add = true}
      %dma_start3A_109 = arith.constant 0 : i32
      %dma_start3A_110 = tpu.memref_slice %arg12[%add3A_97, %dma_start3A_109] : memref<16x64xi32, #tpu.memory_space<vmem>> -> memref<1x64xi32, #tpu.memory_space<vmem>>
      %dma_start3A_111 = tpu.memref_squeeze %dma_start3A_110 : memref<1x64xi32, #tpu.memory_space<vmem>> -> memref<64xi32, #tpu.memory_space<vmem>>
      %dma_start3A_112 = arith.constant 0 : i32
      %dma_start3A_113 = arith.constant 0 : i32
      %dma_start3A_114 = tpu.memref_slice %arg19[%dma_start3A_112, %dma_start3A_113] : memref<4096x128xf32, #tpu.memory_space<vmem_shared>> -> memref<4096x128xf32, #tpu.memory_space<vmem_shared>>
      tpu.enqueue_indirect_dma source(%arg13 : memref<64x128xf32, #tpu.memory_space<vmem>>) target(%dma_start3A_114 : memref<4096x128xf32, #tpu.memory_space<vmem_shared>>) offsets(%dma_start3A_111 : memref<64xi32, #tpu.memory_space<vmem>>) semaphore(%arg22 : memref<!tpu.dma_semaphore, #tpu.memory_space<semaphore_mem>>) {add = true}
      %mul3A_115 = arith.constant 2 : i32
      %mul3A_116 = arith.muli %scan3A_93, %mul3A_115 : i32
      %add3A_117 = arith.constant 1 : i32
      %add3A_118 = arith.addi %mul3A_116, %add3A_117 : i32
      %dma_wait3A_119 = arith.constant 0 : i32
      %dma_wait3A_120 = arith.constant 0 : i32
      %dma_wait3A_121 = tpu.memref_slice %arg2[%dma_wait3A_119, %dma_wait3A_120] : memref<32768x128xf32, #tpu.memory_space<hbm>> -> memref<64x128xf32, #tpu.memory_space<hbm>>
      %dma_wait3A_122 = arith.constant 0 : i32
      %dma_wait3A_123 = arith.constant 0 : i32
      %dma_wait3A_124 = tpu.memref_slice %arg2[%dma_wait3A_122, %dma_wait3A_123] : memref<32768x128xf32, #tpu.memory_space<hbm>> -> memref<64x128xf32, #tpu.memory_space<hbm>>
      tpu.wait_dma2 semaphore(%arg21 : memref<!tpu.dma_semaphore, #tpu.memory_space<semaphore_mem>>) src(%dma_wait3A_124 : memref<64x128xf32, #tpu.memory_space<hbm>>) dst(%arg16 : memref<64x128xf32, #tpu.memory_space<vmem>>)
      %dma_start3A_125 = arith.constant 0 : i32
      %dma_start3A_126 = tpu.memref_slice %arg12[%add3A_118, %dma_start3A_125] : memref<16x64xi32, #tpu.memory_space<vmem>> -> memref<1x64xi32, #tpu.memory_space<vmem>>
      %dma_start3A_127 = tpu.memref_squeeze %dma_start3A_126 : memref<1x64xi32, #tpu.memory_space<vmem>> -> memref<64xi32, #tpu.memory_space<vmem>>
      %dma_start3A_128 = arith.constant 0 : i32
      %dma_start3A_129 = arith.constant 0 : i32
      %dma_start3A_130 = tpu.memref_slice %arg18[%dma_start3A_128, %dma_start3A_129] : memref<4096x128xf32, #tpu.memory_space<vmem_shared>> -> memref<4096x128xf32, #tpu.memory_space<vmem_shared>>
      tpu.enqueue_indirect_dma source(%arg16 : memref<64x128xf32, #tpu.memory_space<vmem>>) target(%dma_start3A_130 : memref<4096x128xf32, #tpu.memory_space<vmem_shared>>) offsets(%dma_start3A_127 : memref<64xi32, #tpu.memory_space<vmem>>) semaphore(%arg23 : memref<!tpu.dma_semaphore, #tpu.memory_space<semaphore_mem>>) {add = true}
      %dma_start3A_131 = arith.constant 0 : i32
      %dma_start3A_132 = tpu.memref_slice %arg12[%add3A_118, %dma_start3A_131] : memref<16x64xi32, #tpu.memory_space<vmem>> -> memref<1x64xi32, #tpu.memory_space<vmem>>
      %dma_start3A_133 = tpu.memref_squeeze %dma_start3A_132 : memref<1x64xi32, #tpu.memory_space<vmem>> -> memref<64xi32, #tpu.memory_space<vmem>>
      %dma_start3A_134 = arith.constant 0 : i32
      %dma_start3A_135 = arith.constant 0 : i32
      %dma_start3A_136 = tpu.memref_slice %arg19[%dma_start3A_134, %dma_start3A_135] : memref<4096x128xf32, #tpu.memory_space<vmem_shared>> -> memref<4096x128xf32, #tpu.memory_space<vmem_shared>>
      tpu.enqueue_indirect_dma source(%arg13 : memref<64x128xf32, #tpu.memory_space<vmem>>) target(%dma_start3A_136 : memref<4096x128xf32, #tpu.memory_space<vmem_shared>>) offsets(%dma_start3A_133 : memref<64xi32, #tpu.memory_space<vmem>>) semaphore(%arg23 : memref<!tpu.dma_semaphore, #tpu.memory_space<semaphore_mem>>) {add = true}
      %add3A_137 = arith.constant 1 : i32
      %add3A_138 = arith.addi %scan3A_93, %add3A_137 : i32
      %mul3A_139 = arith.constant 2 : i32
      %mul3A_140 = arith.muli %add3A_138, %mul3A_139 : i32
      %add3A_141 = arith.constant 0 : i32
      %add3A_142 = arith.addi %mul3A_140, %add3A_141 : i32
      %dma_wait3A_143 = arith.constant 0 : i32
      %dma_wait3A_144 = arith.constant 0 : i32
      %dma_wait3A_145 = tpu.memref_slice %arg2[%dma_wait3A_143, %dma_wait3A_144] : memref<32768x128xf32, #tpu.memory_space<hbm>> -> memref<64x128xf32, #tpu.memory_space<hbm>>
      %dma_wait3A_146 = arith.constant 0 : i32
      %dma_wait3A_147 = arith.constant 0 : i32
      %dma_wait3A_148 = tpu.memref_slice %arg2[%dma_wait3A_146, %dma_wait3A_147] : memref<32768x128xf32, #tpu.memory_space<hbm>> -> memref<64x128xf32, #tpu.memory_space<hbm>>
      tpu.wait_dma2 semaphore(%arg22 : memref<!tpu.dma_semaphore, #tpu.memory_space<semaphore_mem>>) src(%dma_wait3A_148 : memref<64x128xf32, #tpu.memory_space<hbm>>) dst(%arg14 : memref<64x128xf32, #tpu.memory_space<vmem>>)
      %dma_wait3A_149 = arith.constant 0 : i32
      %dma_wait3A_150 = arith.constant 0 : i32
      %dma_wait3A_151 = tpu.memref_slice %arg2[%dma_wait3A_149, %dma_wait3A_150] : memref<32768x128xf32, #tpu.memory_space<hbm>> -> memref<64x128xf32, #tpu.memory_space<hbm>>
      %dma_wait3A_152 = arith.constant 0 : i32
      %dma_wait3A_153 = arith.constant 0 : i32
      %dma_wait3A_154 = tpu.memref_slice %arg2[%dma_wait3A_152, %dma_wait3A_153] : memref<32768x128xf32, #tpu.memory_space<hbm>> -> memref<64x128xf32, #tpu.memory_space<hbm>>
      tpu.wait_dma2 semaphore(%arg22 : memref<!tpu.dma_semaphore, #tpu.memory_space<semaphore_mem>>) src(%dma_wait3A_154 : memref<64x128xf32, #tpu.memory_space<hbm>>) dst(%arg13 : memref<64x128xf32, #tpu.memory_space<vmem>>)
      %lt3A = arith.constant 16 : i32
      %lt3A_155 = arith.cmpi slt, %add3A_142, %lt3A : i32
      %convert_element_type3A = arith.extui %lt3A_155 : i1 to i32
      %cond3A = arith.constant 0 : i32
      %cond3A_156 = arith.cmpi ne, %convert_element_type3A, %cond3A : i32
      scf.if %cond3A_156 {
        %mul3A_180 = arith.constant 64 : i32
        %mul3A_181 = arith.muli %add3A_142, %mul3A_180 : i32
        %add3A_182 = arith.addi %add3A_5, %mul3A_181 : i32
        %dma_start3A_183 = arith.constant 0 : i32
        %dma_start3A_184 = tpu.memref_slice %arg4[%add3A_182, %dma_start3A_183] : memref<32768x128xf32, #tpu.memory_space<hbm>> -> memref<64x128xf32, #tpu.memory_space<hbm>>
        %dma_start3A_185 = arith.constant 0 : i32
        %dma_start3A_186 = tpu.memref_slice %arg4[%add3A_182, %dma_start3A_185] : memref<32768x128xf32, #tpu.memory_space<hbm>> -> memref<64x128xf32, #tpu.memory_space<hbm>>
        tpu.enqueue_dma source(%dma_start3A_186 : memref<64x128xf32, #tpu.memory_space<hbm>>) target(%arg14 : memref<64x128xf32, #tpu.memory_space<vmem>>) target_semaphore(%arg20 : memref<!tpu.dma_semaphore, #tpu.memory_space<semaphore_mem>>)
      } else {
      }
      %add3A_157 = arith.constant 1 : i32
      %add3A_158 = arith.addi %scan3A_93, %add3A_157 : i32
      %mul3A_159 = arith.constant 2 : i32
      %mul3A_160 = arith.muli %add3A_158, %mul3A_159 : i32
      %add3A_161 = arith.constant 1 : i32
      %add3A_162 = arith.addi %mul3A_160, %add3A_161 : i32
      %dma_wait3A_163 = arith.constant 0 : i32
      %dma_wait3A_164 = arith.constant 0 : i32
      %dma_wait3A_165 = tpu.memref_slice %arg2[%dma_wait3A_163, %dma_wait3A_164] : memref<32768x128xf32, #tpu.memory_space<hbm>> -> memref<64x128xf32, #tpu.memory_space<hbm>>
      %dma_wait3A_166 = arith.constant 0 : i32
      %dma_wait3A_167 = arith.constant 0 : i32
      %dma_wait3A_168 = tpu.memref_slice %arg2[%dma_wait3A_166, %dma_wait3A_167] : memref<32768x128xf32, #tpu.memory_space<hbm>> -> memref<64x128xf32, #tpu.memory_space<hbm>>
      tpu.wait_dma2 semaphore(%arg23 : memref<!tpu.dma_semaphore, #tpu.memory_space<semaphore_mem>>) src(%dma_wait3A_168 : memref<64x128xf32, #tpu.memory_space<hbm>>) dst(%arg16 : memref<64x128xf32, #tpu.memory_space<vmem>>)
      %dma_wait3A_169 = arith.constant 0 : i32
      %dma_wait3A_170 = arith.constant 0 : i32
      %dma_wait3A_171 = tpu.memref_slice %arg2[%dma_wait3A_169, %dma_wait3A_170] : memref<32768x128xf32, #tpu.memory_space<hbm>> -> memref<64x128xf32, #tpu.memory_space<hbm>>
      %dma_wait3A_172 = arith.constant 0 : i32
      %dma_wait3A_173 = arith.constant 0 : i32
      %dma_wait3A_174 = tpu.memref_slice %arg2[%dma_wait3A_172, %dma_wait3A_173] : memref<32768x128xf32, #tpu.memory_space<hbm>> -> memref<64x128xf32, #tpu.memory_space<hbm>>
      tpu.wait_dma2 semaphore(%arg23 : memref<!tpu.dma_semaphore, #tpu.memory_space<semaphore_mem>>) src(%dma_wait3A_174 : memref<64x128xf32, #tpu.memory_space<hbm>>) dst(%arg13 : memref<64x128xf32, #tpu.memory_space<vmem>>)
      %lt3A_175 = arith.constant 16 : i32
      %lt3A_176 = arith.cmpi slt, %add3A_162, %lt3A_175 : i32
      %convert_element_type3A_177 = arith.extui %lt3A_176 : i1 to i32
      %cond3A_178 = arith.constant 0 : i32
      %cond3A_179 = arith.cmpi ne, %convert_element_type3A_177, %cond3A_178 : i32
      scf.if %cond3A_179 {
        %mul3A_180 = arith.constant 64 : i32
        %mul3A_181 = arith.muli %add3A_162, %mul3A_180 : i32
        %add3A_182 = arith.addi %add3A_5, %mul3A_181 : i32
        %dma_start3A_183 = arith.constant 0 : i32
        %dma_start3A_184 = tpu.memref_slice %arg4[%add3A_182, %dma_start3A_183] : memref<32768x128xf32, #tpu.memory_space<hbm>> -> memref<64x128xf32, #tpu.memory_space<hbm>>
        %dma_start3A_185 = arith.constant 0 : i32
        %dma_start3A_186 = tpu.memref_slice %arg4[%add3A_182, %dma_start3A_185] : memref<32768x128xf32, #tpu.memory_space<hbm>> -> memref<64x128xf32, #tpu.memory_space<hbm>>
        tpu.enqueue_dma source(%dma_start3A_186 : memref<64x128xf32, #tpu.memory_space<hbm>>) target(%arg16 : memref<64x128xf32, #tpu.memory_space<vmem>>) target_semaphore(%arg21 : memref<!tpu.dma_semaphore, #tpu.memory_space<semaphore_mem>>)
      } else {
      }
    }
    %scan3A_76 = arith.constant 8 : i32
    %barrier3A_77 = arith.constant 0 : index
    tpu.barrier barrier_id(%barrier3A_77)
    %mul3A_78 = arith.constant 256 : i32
    %mul3A_79 = arith.muli %arg1, %mul3A_78 : i32
    %mul3A_80 = arith.constant 4096 : i32
    %mul3A_81 = arith.muli %arg0, %mul3A_80 : i32
    %mul3A_82 = arith.constant 256 : i32
    %mul3A_83 = arith.muli %arg1, %mul3A_82 : i32
    %add3A_84 = arith.addi %mul3A_81, %mul3A_83 : i32
    "tpu.region"() ({
      %run_scoped3A = tpu.sem_alloc : memref<!tpu.dma_semaphore, #tpu.memory_space<semaphore_mem>>
      %dma_start3A_93 = arith.constant 0 : i32
      %dma_start3A_94 = tpu.memref_slice %arg10[%add3A_84, %dma_start3A_93] : memref<8192x128xf32, #tpu.memory_space<hbm>> -> memref<256x128xf32, #tpu.memory_space<hbm>>
      %dma_start3A_95 = arith.constant 0 : i32
      %dma_start3A_96 = tpu.memref_slice %arg18[%mul3A_79, %dma_start3A_95] : memref<4096x128xf32, #tpu.memory_space<vmem_shared>> -> memref<256x128xf32, #tpu.memory_space<vmem_shared>>
      tpu.enqueue_dma source(%dma_start3A_96 : memref<256x128xf32, #tpu.memory_space<vmem_shared>>) target(%dma_start3A_94 : memref<256x128xf32, #tpu.memory_space<hbm>>) target_semaphore(%run_scoped3A : memref<!tpu.dma_semaphore, #tpu.memory_space<semaphore_mem>>)
      %dma_wait3A = arith.constant 0 : i32
      %dma_wait3A_97 = tpu.memref_slice %arg10[%add3A_84, %dma_wait3A] : memref<8192x128xf32, #tpu.memory_space<hbm>> -> memref<256x128xf32, #tpu.memory_space<hbm>>
      %dma_wait3A_98 = arith.constant 0 : i32
      %dma_wait3A_99 = tpu.memref_slice %arg18[%mul3A_79, %dma_wait3A_98] : memref<4096x128xf32, #tpu.memory_space<vmem_shared>> -> memref<256x128xf32, #tpu.memory_space<vmem_shared>>
      tpu.wait_dma2 semaphore(%run_scoped3A : memref<!tpu.dma_semaphore, #tpu.memory_space<semaphore_mem>>) src(%dma_wait3A_99 : memref<256x128xf32, #tpu.memory_space<vmem_shared>>) dst(%dma_wait3A_97 : memref<256x128xf32, #tpu.memory_space<hbm>>)
      tpu.yield
    }) : () -> ()
    %mul3A_85 = arith.constant 256 : i32
    %mul3A_86 = arith.muli %arg1, %mul3A_85 : i32
    %mul3A_87 = arith.constant 4096 : i32
    %mul3A_88 = arith.muli %arg0, %mul3A_87 : i32
    %mul3A_89 = arith.constant 256 : i32
    %mul3A_90 = arith.muli %arg1, %mul3A_89 : i32
    %add3A_91 = arith.addi %mul3A_88, %mul3A_90 : i32
    "tpu.region"() ({
      %run_scoped3A = tpu.sem_alloc : memref<!tpu.dma_semaphore, #tpu.memory_space<semaphore_mem>>
      %dma_start3A_93 = arith.constant 0 : i32
      %dma_start3A_94 = tpu.memref_slice %arg11[%add3A_91, %dma_start3A_93] : memref<8192x128xf32, #tpu.memory_space<hbm>> -> memref<256x128xf32, #tpu.memory_space<hbm>>
      %dma_start3A_95 = arith.constant 0 : i32
      %dma_start3A_96 = tpu.memref_slice %arg19[%mul3A_86, %dma_start3A_95] : memref<4096x128xf32, #tpu.memory_space<vmem_shared>> -> memref<256x128xf32, #tpu.memory_space<vmem_shared>>
      tpu.enqueue_dma source(%dma_start3A_96 : memref<256x128xf32, #tpu.memory_space<vmem_shared>>) target(%dma_start3A_94 : memref<256x128xf32, #tpu.memory_space<hbm>>) target_semaphore(%run_scoped3A : memref<!tpu.dma_semaphore, #tpu.memory_space<semaphore_mem>>)
      %dma_wait3A = arith.constant 0 : i32
      %dma_wait3A_97 = tpu.memref_slice %arg11[%add3A_91, %dma_wait3A] : memref<8192x128xf32, #tpu.memory_space<hbm>> -> memref<256x128xf32, #tpu.memory_space<hbm>>
      %dma_wait3A_98 = arith.constant 0 : i32
      %dma_wait3A_99 = tpu.memref_slice %arg19[%mul3A_86, %dma_wait3A_98] : memref<4096x128xf32, #tpu.memory_space<vmem_shared>> -> memref<256x128xf32, #tpu.memory_space<vmem_shared>>
      tpu.wait_dma2 semaphore(%run_scoped3A : memref<!tpu.dma_semaphore, #tpu.memory_space<semaphore_mem>>) src(%dma_wait3A_99 : memref<256x128xf32, #tpu.memory_space<vmem_shared>>) dst(%dma_wait3A_97 : memref<256x128xf32, #tpu.memory_space<hbm>>)
      tpu.yield
    }) : () -> ()
    %barrier3A_92 = arith.constant 0 : index
    tpu.barrier barrier_id(%barrier3A_92)
    return
  }
}

module attributes {stable_mosaic.version = 14 : i64} {
  func.func @_t1_body(%arg0: i32, %arg1: memref<512x96xf32, #tpu.memory_space<vmem>>, %arg2: memref<1x96xf32, #tpu.memory_space<vmem>>, %arg3: memref<1x96xf32, #tpu.memory_space<vmem>>, %arg4: memref<96x96xf32, #tpu.memory_space<vmem>>, %arg5: memref<1x96xf32, #tpu.memory_space<vmem>>, %arg6: memref<512x128xf32, #tpu.memory_space<vmem>>, %arg7: memref<512x96xf32, #tpu.memory_space<vmem>>) attributes {dimension_semantics = [#tpu.dimension_semantics<arbitrary>], iteration_bounds = array<i64: 32>, scalar_prefetch = 0 : i64, scratch_operands = 0 : i64, tpu.core_type = #tpu.core_type<tc>, window_params = [{transform_indices = @transform_0, window_bounds = array<i64: 512, 96>}, {pipeline_mode = #tpu.pipeline_mode<synchronous>, transform_indices = @transform_1, window_bounds = array<i64: 1, 96>}, {pipeline_mode = #tpu.pipeline_mode<synchronous>, transform_indices = @transform_2, window_bounds = array<i64: 1, 96>}, {pipeline_mode = #tpu.pipeline_mode<synchronous>, transform_indices = @transform_3, window_bounds = array<i64: 96, 96>}, {pipeline_mode = #tpu.pipeline_mode<synchronous>, transform_indices = @transform_4, window_bounds = array<i64: 1, 96>}, {transform_indices = @transform_5, window_bounds = array<i64: 512, 128>}, {transform_indices = @transform_6, window_bounds = array<i64: 512, 96>}]} {
    %get3A = arith.constant 0 : index
    %get3A_0 = arith.constant 0 : index
    %get3A_1 = vector.load %arg1[%get3A, %get3A_0] : memref<512x96xf32, #tpu.memory_space<vmem>>, vector<512x96xf32>
    %reduce_sum3A = arith.constant dense<0.000000e+00> : vector<512xf32>
    %reduce_sum3A_2 = vector.multi_reduction <add>, %get3A_1, %reduce_sum3A [1] : vector<512x96xf32> to vector<512xf32>
    %broadcast_in_dim3A = vector.shape_cast %reduce_sum3A_2 : vector<512xf32> to vector<512x1xf32>
    %div3A = arith.constant 9.600000e+01 : f32
    %div3A_3 = vector.broadcast %div3A : f32 to vector<512x1xf32>
    %div3A_4 = arith.divf %broadcast_in_dim3A, %div3A_3 : vector<512x1xf32>
    %sub3A = vector.broadcast %div3A_4 : vector<512x1xf32> to vector<512x96xf32>
    %sub3A_5 = arith.subf %get3A_1, %sub3A : vector<512x96xf32>
    %mul3A = arith.mulf %sub3A_5, %sub3A_5 : vector<512x96xf32>
    %reduce_sum3A_6 = arith.constant dense<0.000000e+00> : vector<512xf32>
    %reduce_sum3A_7 = vector.multi_reduction <add>, %mul3A, %reduce_sum3A_6 [1] : vector<512x96xf32> to vector<512xf32>
    %broadcast_in_dim3A_8 = vector.shape_cast %reduce_sum3A_7 : vector<512xf32> to vector<512x1xf32>
    %div3A_9 = arith.constant 9.600000e+01 : f32
    %div3A_10 = vector.broadcast %div3A_9 : f32 to vector<512x1xf32>
    %div3A_11 = arith.divf %broadcast_in_dim3A_8, %div3A_10 : vector<512x1xf32>
    %add3A = arith.constant 9.99999974E-6 : f32
    %add3A_12 = vector.broadcast %add3A : f32 to vector<512x1xf32>
    %add3A_13 = arith.addf %div3A_11, %add3A_12 : vector<512x1xf32>
    %rsqrt3A = math.rsqrt %add3A_13 : vector<512x1xf32>
    %mul3A_14 = vector.broadcast %rsqrt3A : vector<512x1xf32> to vector<512x96xf32>
    %mul3A_15 = arith.mulf %sub3A_5, %mul3A_14 : vector<512x96xf32>
    %get3A_16 = arith.constant 0 : index
    %get3A_17 = arith.constant 0 : index
    %get3A_18 = vector.load %arg2[%get3A_16, %get3A_17] : memref<1x96xf32, #tpu.memory_space<vmem>>, vector<1x96xf32>
    %mul3A_19 = vector.broadcast %get3A_18 : vector<1x96xf32> to vector<512x96xf32>
    %mul3A_20 = arith.mulf %mul3A_15, %mul3A_19 : vector<512x96xf32>
    %get3A_21 = arith.constant 0 : index
    %get3A_22 = arith.constant 0 : index
    %get3A_23 = vector.load %arg3[%get3A_21, %get3A_22] : memref<1x96xf32, #tpu.memory_space<vmem>>, vector<1x96xf32>
    %add3A_24 = vector.broadcast %get3A_23 : vector<1x96xf32> to vector<512x96xf32>
    %add3A_25 = arith.addf %mul3A_20, %add3A_24 : vector<512x96xf32>
    %broadcast_in_dim3A_26 = arith.constant 0.000000e+00 : f32
    %broadcast_in_dim3A_27 = vector.broadcast %broadcast_in_dim3A_26 : f32 to vector<512x32xf32>
    %concatenate3A = tpu.concatenate %add3A_25, %broadcast_in_dim3A_27 in 1 : vector<512x96xf32>, vector<512x32xf32> -> vector<512x128xf32>
    %swap3A = arith.constant 0 : index
    %swap3A_28 = arith.constant 0 : index
    %swap3A_29 = vector.load %arg6[%swap3A, %swap3A_28] : memref<512x128xf32, #tpu.memory_space<vmem>>, vector<512x128xf32>
    tpu.vector_store %arg6[%swap3A, %swap3A_28], %concatenate3A {strides = array<i32>} : memref<512x128xf32, #tpu.memory_space<vmem>>, vector<512x128xf32>,
    %get3A_30 = arith.constant 0 : index
    %get3A_31 = arith.constant 0 : index
    %get3A_32 = vector.load %arg4[%get3A_30, %get3A_31] : memref<96x96xf32, #tpu.memory_space<vmem>>, vector<96x96xf32>
    %dot_general3A = arith.constant dense<0.000000e+00> : vector<512x96xf32>
    %dot_general3A_33 = tpu.matmul %add3A_25, %get3A_32, %dot_general3A {dimension_numbers = #tpu.dot_dimension_numbers<[1], [0], [0], [1], [0, 0, 1, 1], [], []>, transpose_lhs_hint = false} : vector<512x96xf32>, vector<96x96xf32>, vector<512x96xf32> -> vector<512x96xf32>
    %get3A_34 = arith.constant 0 : index
    %get3A_35 = arith.constant 0 : index
    %get3A_36 = vector.load %arg5[%get3A_34, %get3A_35] : memref<1x96xf32, #tpu.memory_space<vmem>>, vector<1x96xf32>
    %add3A_37 = vector.broadcast %get3A_36 : vector<1x96xf32> to vector<512x96xf32>
    %add3A_38 = arith.addf %dot_general3A_33, %add3A_37 : vector<512x96xf32>
    %swap3A_39 = arith.constant 0 : index
    %swap3A_40 = arith.constant 0 : index
    %swap3A_41 = vector.load %arg7[%swap3A_39, %swap3A_40] : memref<512x96xf32, #tpu.memory_space<vmem>>, vector<512x96xf32>
    tpu.vector_store %arg7[%swap3A_39, %swap3A_40], %add3A_38 {strides = array<i32>} : memref<512x96xf32, #tpu.memory_space<vmem>>, vector<512x96xf32>,
    return
  }
  func.func @transform_0(%arg0: i32) -> (i32, i32) {
    %c0_i32 = arith.constant 0 : i32
    %c0_i32_0 = arith.constant 0 : i32
    return %arg0, %c0_i32 : i32, i32
  }
  func.func @transform_1(%arg0: i32) -> (i32, i32) {
    %c0_i32 = arith.constant 0 : i32
    %c0_i32_0 = arith.constant 0 : i32
    %c0_i32_1 = arith.constant 0 : i32
    return %c0_i32, %c0_i32_0 : i32, i32
  }
  func.func @transform_2(%arg0: i32) -> (i32, i32) {
    %c0_i32 = arith.constant 0 : i32
    %c0_i32_0 = arith.constant 0 : i32
    %c0_i32_1 = arith.constant 0 : i32
    return %c0_i32, %c0_i32_0 : i32, i32
  }
  func.func @transform_3(%arg0: i32) -> (i32, i32) {
    %c0_i32 = arith.constant 0 : i32
    %c0_i32_0 = arith.constant 0 : i32
    %c0_i32_1 = arith.constant 0 : i32
    return %c0_i32, %c0_i32_0 : i32, i32
  }
  func.func @transform_4(%arg0: i32) -> (i32, i32) {
    %c0_i32 = arith.constant 0 : i32
    %c0_i32_0 = arith.constant 0 : i32
    %c0_i32_1 = arith.constant 0 : i32
    return %c0_i32, %c0_i32_0 : i32, i32
  }
  func.func @transform_5(%arg0: i32) -> (i32, i32) {
    %c0_i32 = arith.constant 0 : i32
    %c0_i32_0 = arith.constant 0 : i32
    return %arg0, %c0_i32 : i32, i32
  }
  func.func @transform_6(%arg0: i32) -> (i32, i32) {
    %c0_i32 = arith.constant 0 : i32
    %c0_i32_0 = arith.constant 0 : i32
    return %arg0, %c0_i32 : i32, i32
  }
}

module attributes {stable_mosaic.version = 14 : i64} {
  func.func @_t2_body(%arg0: i32, %arg1: memref<4096x96xf32, #tpu.memory_space<vmem>>, %arg2: memref<4096x96xf32, #tpu.memory_space<vmem>>, %arg3: memref<16384x128xf32, #tpu.memory_space<vmem>>, %arg4: memref<96x192xf32, #tpu.memory_space<vmem>>, %arg5: memref<1x192xf32, #tpu.memory_space<vmem>>, %arg6: memref<96x96xf32, #tpu.memory_space<vmem>>, %arg7: memref<1x96xf32, #tpu.memory_space<vmem>>, %arg8: memref<4096x96xf32, #tpu.memory_space<vmem>>) attributes {dimension_semantics = [#tpu.dimension_semantics<arbitrary>], iteration_bounds = array<i64: 4>, scalar_prefetch = 0 : i64, scratch_operands = 0 : i64, tpu.core_type = #tpu.core_type<tc>, window_params = [{transform_indices = @transform_0, window_bounds = array<i64: 4096, 96>}, {transform_indices = @transform_1, window_bounds = array<i64: 4096, 96>}, {transform_indices = @transform_2, window_bounds = array<i64: 16384, 128>}, {pipeline_mode = #tpu.pipeline_mode<synchronous>, transform_indices = @transform_3, window_bounds = array<i64: 96, 192>}, {pipeline_mode = #tpu.pipeline_mode<synchronous>, transform_indices = @transform_4, window_bounds = array<i64: 1, 192>}, {pipeline_mode = #tpu.pipeline_mode<synchronous>, transform_indices = @transform_5, window_bounds = array<i64: 96, 96>}, {pipeline_mode = #tpu.pipeline_mode<synchronous>, transform_indices = @transform_6, window_bounds = array<i64: 1, 96>}, {transform_indices = @transform_7, window_bounds = array<i64: 4096, 96>}]} {
    %broadcast_in_dim3A = arith.constant 0.000000e+00 : f32
    %broadcast_in_dim3A_0 = vector.broadcast %broadcast_in_dim3A : f32 to vector<256x96xf32>
    %scan3A = arith.constant 0 : i32
    %scan3A_1 = arith.constant 64 : i32
    %scan3A_2 = arith.addi %scan3A, %scan3A_1 : i32
    %scan3A_3 = arith.constant 1 : i32
    %scan3A_4 = scf.for %scan3A_70 = %scan3A to %scan3A_2 step %scan3A_3 iter_args(%scan3A_71 = %broadcast_in_dim3A_0) -> (vector<256x96xf32>)  : i32 {
      %mul3A_72 = arith.constant 256 : i32
      %mul3A_73 = arith.muli %scan3A_70, %mul3A_72 : i32
      %get3A_74 = arith.index_cast %mul3A_73 : i32 to index
      %get3A_75 = arith.constant 0 : index
      %get3A_76 = vector.load %arg3[%get3A_74, %get3A_75] : memref<16384x128xf32, #tpu.memory_space<vmem>>, vector<256x96xf32>
      %add3A_77 = arith.addf %scan3A_71, %get3A_76 : vector<256x96xf32>
      scf.yield %add3A_77 : vector<256x96xf32>
    }
    %scan3A_5 = arith.constant 64 : i32
    %mul3A = arith.constant 0.0156249842 : f32
    %mul3A_6 = vector.broadcast %mul3A : f32 to vector<256x96xf32>
    %mul3A_7 = arith.mulf %scan3A_4, %mul3A_6 : vector<256x96xf32>
    %get3A = arith.constant 0 : index
    %get3A_8 = arith.constant 0 : index
    %get3A_9 = vector.load %arg4[%get3A, %get3A_8] : memref<96x192xf32, #tpu.memory_space<vmem>>, vector<96x192xf32>
    %dot_general3A = arith.constant dense<0.000000e+00> : vector<256x192xf32>
    %dot_general3A_10 = tpu.matmul %mul3A_7, %get3A_9, %dot_general3A {dimension_numbers = #tpu.dot_dimension_numbers<[1], [0], [0], [1], [0, 0, 1, 1], [], []>, transpose_lhs_hint = false} : vector<256x96xf32>, vector<96x192xf32>, vector<256x192xf32> -> vector<256x192xf32>
    %get3A_11 = arith.constant 0 : index
    %get3A_12 = arith.constant 0 : index
    %get3A_13 = vector.load %arg5[%get3A_11, %get3A_12] : memref<1x192xf32, #tpu.memory_space<vmem>>, vector<1x192xf32>
    %add3A = vector.broadcast %get3A_13 : vector<1x192xf32> to vector<256x192xf32>
    %add3A_14 = arith.addf %dot_general3A_10, %add3A : vector<256x192xf32>
    %get3A_15 = arith.constant 0 : index
    %get3A_16 = arith.constant 0 : index
    %get3A_17 = vector.load %arg2[%get3A_15, %get3A_16] : memref<4096x96xf32, #tpu.memory_space<vmem>>, vector<4096x96xf32>
    %slice3A = vector.extract_strided_slice %add3A_14 {offsets = [0, 0], sizes = [256, 48], strides = [1, 1]} : vector<256x192xf32> to vector<256x48xf32>
    %slice3A_18 = vector.extract_strided_slice %add3A_14 {offsets = [0, 96], sizes = [256, 48], strides = [1, 1]} : vector<256x192xf32> to vector<256x48xf32>
    %slice3A_19 = vector.extract_strided_slice %get3A_17 {offsets = [0, 0], sizes = [4096, 48], strides = [1, 1]} : vector<4096x96xf32> to vector<4096x48xf32>
    %dot_general3A_20 = arith.constant dense<0.000000e+00> : vector<4096x256xf32>
    %dot_general3A_21 = tpu.matmul %slice3A_19, %slice3A, %dot_general3A_20 {dimension_numbers = #tpu.dot_dimension_numbers<[1], [1], [0], [0], [0, 0, 1, 0], [], []>, transpose_lhs_hint = false} : vector<4096x48xf32>, vector<256x48xf32>, vector<4096x256xf32> -> vector<4096x256xf32>
    %mul3A_22 = arith.constant 0.144337565 : f32
    %mul3A_23 = vector.broadcast %mul3A_22 : f32 to vector<4096x256xf32>
    %mul3A_24 = arith.mulf %dot_general3A_21, %mul3A_23 : vector<4096x256xf32>
    %reduce_max3A = arith.constant dense<0xFF800000> : vector<4096xf32>
    %reduce_max3A_25 = vector.multi_reduction <maximumf>, %mul3A_24, %reduce_max3A [1] : vector<4096x256xf32> to vector<4096xf32>
    %broadcast_in_dim3A_26 = vector.shape_cast %reduce_max3A_25 : vector<4096xf32> to vector<4096x1xf32>
    %sub3A = vector.broadcast %broadcast_in_dim3A_26 : vector<4096x1xf32> to vector<4096x256xf32>
    %sub3A_27 = arith.subf %mul3A_24, %sub3A : vector<4096x256xf32>
    %exp3A = math.exp %sub3A_27 : vector<4096x256xf32>
    %reduce_sum3A = arith.constant dense<0.000000e+00> : vector<4096xf32>
    %reduce_sum3A_28 = vector.multi_reduction <add>, %exp3A, %reduce_sum3A [1] : vector<4096x256xf32> to vector<4096xf32>
    %broadcast_in_dim3A_29 = vector.shape_cast %reduce_sum3A_28 : vector<4096xf32> to vector<4096x1xf32>
    %div3A = vector.broadcast %broadcast_in_dim3A_29 : vector<4096x1xf32> to vector<4096x256xf32>
    %div3A_30 = arith.divf %exp3A, %div3A : vector<4096x256xf32>
    %dot_general3A_31 = arith.constant dense<0.000000e+00> : vector<4096x48xf32>
    %dot_general3A_32 = tpu.matmul %div3A_30, %slice3A_18, %dot_general3A_31 {dimension_numbers = #tpu.dot_dimension_numbers<[1], [0], [0], [1], [0, 0, 1, 1], [], []>, transpose_lhs_hint = false} : vector<4096x256xf32>, vector<256x48xf32>, vector<4096x48xf32> -> vector<4096x48xf32>
    %slice3A_33 = vector.extract_strided_slice %add3A_14 {offsets = [0, 48], sizes = [256, 48], strides = [1, 1]} : vector<256x192xf32> to vector<256x48xf32>
    %slice3A_34 = vector.extract_strided_slice %add3A_14 {offsets = [0, 144], sizes = [256, 48], strides = [1, 1]} : vector<256x192xf32> to vector<256x48xf32>
    %slice3A_35 = vector.extract_strided_slice %get3A_17 {offsets = [0, 48], sizes = [4096, 48], strides = [1, 1]} : vector<4096x96xf32> to vector<4096x48xf32>
    %dot_general3A_36 = arith.constant dense<0.000000e+00> : vector<4096x256xf32>
    %dot_general3A_37 = tpu.matmul %slice3A_35, %slice3A_33, %dot_general3A_36 {dimension_numbers = #tpu.dot_dimension_numbers<[1], [1], [0], [0], [0, 0, 1, 0], [], []>, transpose_lhs_hint = false} : vector<4096x48xf32>, vector<256x48xf32>, vector<4096x256xf32> -> vector<4096x256xf32>
    %mul3A_38 = arith.constant 0.144337565 : f32
    %mul3A_39 = vector.broadcast %mul3A_38 : f32 to vector<4096x256xf32>
    %mul3A_40 = arith.mulf %dot_general3A_37, %mul3A_39 : vector<4096x256xf32>
    %reduce_max3A_41 = arith.constant dense<0xFF800000> : vector<4096xf32>
    %reduce_max3A_42 = vector.multi_reduction <maximumf>, %mul3A_40, %reduce_max3A_41 [1] : vector<4096x256xf32> to vector<4096xf32>
    %broadcast_in_dim3A_43 = vector.shape_cast %reduce_max3A_42 : vector<4096xf32> to vector<4096x1xf32>
    %sub3A_44 = vector.broadcast %broadcast_in_dim3A_43 : vector<4096x1xf32> to vector<4096x256xf32>
    %sub3A_45 = arith.subf %mul3A_40, %sub3A_44 : vector<4096x256xf32>
    %exp3A_46 = math.exp %sub3A_45 : vector<4096x256xf32>
    %reduce_sum3A_47 = arith.constant dense<0.000000e+00> : vector<4096xf32>
    %reduce_sum3A_48 = vector.multi_reduction <add>, %exp3A_46, %reduce_sum3A_47 [1] : vector<4096x256xf32> to vector<4096xf32>
    %broadcast_in_dim3A_49 = vector.shape_cast %reduce_sum3A_48 : vector<4096xf32> to vector<4096x1xf32>
    %div3A_50 = vector.broadcast %broadcast_in_dim3A_49 : vector<4096x1xf32> to vector<4096x256xf32>
    %div3A_51 = arith.divf %exp3A_46, %div3A_50 : vector<4096x256xf32>
    %dot_general3A_52 = arith.constant dense<0.000000e+00> : vector<4096x48xf32>
    %dot_general3A_53 = tpu.matmul %div3A_51, %slice3A_34, %dot_general3A_52 {dimension_numbers = #tpu.dot_dimension_numbers<[1], [0], [0], [1], [0, 0, 1, 1], [], []>, transpose_lhs_hint = false} : vector<4096x256xf32>, vector<256x48xf32>, vector<4096x48xf32> -> vector<4096x48xf32>
    %concatenate3A = tpu.concatenate %dot_general3A_32, %dot_general3A_53 in 1 : vector<4096x48xf32>, vector<4096x48xf32> -> vector<4096x96xf32>
    %get3A_54 = arith.constant 0 : index
    %get3A_55 = arith.constant 0 : index
    %get3A_56 = vector.load %arg1[%get3A_54, %get3A_55] : memref<4096x96xf32, #tpu.memory_space<vmem>>, vector<4096x96xf32>
    %get3A_57 = arith.constant 0 : index
    %get3A_58 = arith.constant 0 : index
    %get3A_59 = vector.load %arg6[%get3A_57, %get3A_58] : memref<96x96xf32, #tpu.memory_space<vmem>>, vector<96x96xf32>
    %dot_general3A_60 = arith.constant dense<0.000000e+00> : vector<4096x96xf32>
    %dot_general3A_61 = tpu.matmul %concatenate3A, %get3A_59, %dot_general3A_60 {dimension_numbers = #tpu.dot_dimension_numbers<[1], [0], [0], [1], [0, 0, 1, 1], [], []>, transpose_lhs_hint = false} : vector<4096x96xf32>, vector<96x96xf32>, vector<4096x96xf32> -> vector<4096x96xf32>
    %add3A_62 = arith.addf %get3A_56, %dot_general3A_61 : vector<4096x96xf32>
    %get3A_63 = arith.constant 0 : index
    %get3A_64 = arith.constant 0 : index
    %get3A_65 = vector.load %arg7[%get3A_63, %get3A_64] : memref<1x96xf32, #tpu.memory_space<vmem>>, vector<1x96xf32>
    %add3A_66 = vector.broadcast %get3A_65 : vector<1x96xf32> to vector<4096x96xf32>
    %add3A_67 = arith.addf %add3A_62, %add3A_66 : vector<4096x96xf32>
    %swap3A = arith.constant 0 : index
    %swap3A_68 = arith.constant 0 : index
    %swap3A_69 = vector.load %arg8[%swap3A, %swap3A_68] : memref<4096x96xf32, #tpu.memory_space<vmem>>, vector<4096x96xf32>
    tpu.vector_store %arg8[%swap3A, %swap3A_68], %add3A_67 {strides = array<i32>} : memref<4096x96xf32, #tpu.memory_space<vmem>>, vector<4096x96xf32>,
    return
  }
  func.func @transform_0(%arg0: i32) -> (i32, i32) {
    %c0_i32 = arith.constant 0 : i32
    %c0_i32_0 = arith.constant 0 : i32
    return %arg0, %c0_i32 : i32, i32
  }
  func.func @transform_1(%arg0: i32) -> (i32, i32) {
    %c0_i32 = arith.constant 0 : i32
    %c0_i32_0 = arith.constant 0 : i32
    return %arg0, %c0_i32 : i32, i32
  }
  func.func @transform_2(%arg0: i32) -> (i32, i32) {
    %c0_i32 = arith.constant 0 : i32
    %c0_i32_0 = arith.constant 0 : i32
    return %arg0, %c0_i32 : i32, i32
  }
  func.func @transform_3(%arg0: i32) -> (i32, i32) {
    %c0_i32 = arith.constant 0 : i32
    %c0_i32_0 = arith.constant 0 : i32
    %c0_i32_1 = arith.constant 0 : i32
    return %c0_i32, %c0_i32_0 : i32, i32
  }
  func.func @transform_4(%arg0: i32) -> (i32, i32) {
    %c0_i32 = arith.constant 0 : i32
    %c0_i32_0 = arith.constant 0 : i32
    %c0_i32_1 = arith.constant 0 : i32
    return %c0_i32, %c0_i32_0 : i32, i32
  }
  func.func @transform_5(%arg0: i32) -> (i32, i32) {
    %c0_i32 = arith.constant 0 : i32
    %c0_i32_0 = arith.constant 0 : i32
    %c0_i32_1 = arith.constant 0 : i32
    return %c0_i32, %c0_i32_0 : i32, i32
  }
  func.func @transform_6(%arg0: i32) -> (i32, i32) {
    %c0_i32 = arith.constant 0 : i32
    %c0_i32_0 = arith.constant 0 : i32
    %c0_i32_1 = arith.constant 0 : i32
    return %c0_i32, %c0_i32_0 : i32, i32
  }
  func.func @transform_7(%arg0: i32) -> (i32, i32) {
    %c0_i32 = arith.constant 0 : i32
    %c0_i32_0 = arith.constant 0 : i32
    return %arg0, %c0_i32 : i32, i32
  }
}

module attributes {stable_mosaic.version = 14 : i64} {
  func.func @_t3_body(%arg0: i32, %arg1: memref<512x96xf32, #tpu.memory_space<vmem>>, %arg2: memref<1x96xf32, #tpu.memory_space<vmem>>, %arg3: memref<1x96xf32, #tpu.memory_space<vmem>>, %arg4: memref<96x384xf32, #tpu.memory_space<vmem>>, %arg5: memref<1x384xf32, #tpu.memory_space<vmem>>, %arg6: memref<512x384xf32, #tpu.memory_space<vmem>>) attributes {dimension_semantics = [#tpu.dimension_semantics<arbitrary>], iteration_bounds = array<i64: 16>, scalar_prefetch = 0 : i64, scratch_operands = 0 : i64, tpu.core_type = #tpu.core_type<tc>, window_params = [{transform_indices = @transform_0, window_bounds = array<i64: 512, 96>}, {pipeline_mode = #tpu.pipeline_mode<synchronous>, transform_indices = @transform_1, window_bounds = array<i64: 1, 96>}, {pipeline_mode = #tpu.pipeline_mode<synchronous>, transform_indices = @transform_2, window_bounds = array<i64: 1, 96>}, {pipeline_mode = #tpu.pipeline_mode<synchronous>, transform_indices = @transform_3, window_bounds = array<i64: 96, 384>}, {pipeline_mode = #tpu.pipeline_mode<synchronous>, transform_indices = @transform_4, window_bounds = array<i64: 1, 384>}, {transform_indices = @transform_5, window_bounds = array<i64: 512, 384>}]} {
    %get3A = arith.constant 0 : index
    %get3A_0 = arith.constant 0 : index
    %get3A_1 = vector.load %arg1[%get3A, %get3A_0] : memref<512x96xf32, #tpu.memory_space<vmem>>, vector<512x96xf32>
    %reduce_sum3A = arith.constant dense<0.000000e+00> : vector<512xf32>
    %reduce_sum3A_2 = vector.multi_reduction <add>, %get3A_1, %reduce_sum3A [1] : vector<512x96xf32> to vector<512xf32>
    %broadcast_in_dim3A = vector.shape_cast %reduce_sum3A_2 : vector<512xf32> to vector<512x1xf32>
    %div3A = arith.constant 9.600000e+01 : f32
    %div3A_3 = vector.broadcast %div3A : f32 to vector<512x1xf32>
    %div3A_4 = arith.divf %broadcast_in_dim3A, %div3A_3 : vector<512x1xf32>
    %sub3A = vector.broadcast %div3A_4 : vector<512x1xf32> to vector<512x96xf32>
    %sub3A_5 = arith.subf %get3A_1, %sub3A : vector<512x96xf32>
    %mul3A = arith.mulf %sub3A_5, %sub3A_5 : vector<512x96xf32>
    %reduce_sum3A_6 = arith.constant dense<0.000000e+00> : vector<512xf32>
    %reduce_sum3A_7 = vector.multi_reduction <add>, %mul3A, %reduce_sum3A_6 [1] : vector<512x96xf32> to vector<512xf32>
    %broadcast_in_dim3A_8 = vector.shape_cast %reduce_sum3A_7 : vector<512xf32> to vector<512x1xf32>
    %div3A_9 = arith.constant 9.600000e+01 : f32
    %div3A_10 = vector.broadcast %div3A_9 : f32 to vector<512x1xf32>
    %div3A_11 = arith.divf %broadcast_in_dim3A_8, %div3A_10 : vector<512x1xf32>
    %add3A = arith.constant 9.99999974E-6 : f32
    %add3A_12 = vector.broadcast %add3A : f32 to vector<512x1xf32>
    %add3A_13 = arith.addf %div3A_11, %add3A_12 : vector<512x1xf32>
    %rsqrt3A = math.rsqrt %add3A_13 : vector<512x1xf32>
    %mul3A_14 = vector.broadcast %rsqrt3A : vector<512x1xf32> to vector<512x96xf32>
    %mul3A_15 = arith.mulf %sub3A_5, %mul3A_14 : vector<512x96xf32>
    %get3A_16 = arith.constant 0 : index
    %get3A_17 = arith.constant 0 : index
    %get3A_18 = vector.load %arg2[%get3A_16, %get3A_17] : memref<1x96xf32, #tpu.memory_space<vmem>>, vector<1x96xf32>
    %mul3A_19 = vector.broadcast %get3A_18 : vector<1x96xf32> to vector<512x96xf32>
    %mul3A_20 = arith.mulf %mul3A_15, %mul3A_19 : vector<512x96xf32>
    %get3A_21 = arith.constant 0 : index
    %get3A_22 = arith.constant 0 : index
    %get3A_23 = vector.load %arg3[%get3A_21, %get3A_22] : memref<1x96xf32, #tpu.memory_space<vmem>>, vector<1x96xf32>
    %add3A_24 = vector.broadcast %get3A_23 : vector<1x96xf32> to vector<512x96xf32>
    %add3A_25 = arith.addf %mul3A_20, %add3A_24 : vector<512x96xf32>
    %get3A_26 = arith.constant 0 : index
    %get3A_27 = arith.constant 0 : index
    %get3A_28 = vector.load %arg4[%get3A_26, %get3A_27] : memref<96x384xf32, #tpu.memory_space<vmem>>, vector<96x384xf32>
    %dot_general3A = arith.constant dense<0.000000e+00> : vector<512x384xf32>
    %dot_general3A_29 = tpu.matmul %add3A_25, %get3A_28, %dot_general3A {dimension_numbers = #tpu.dot_dimension_numbers<[1], [0], [0], [1], [0, 0, 1, 1], [], []>, transpose_lhs_hint = false} : vector<512x96xf32>, vector<96x384xf32>, vector<512x384xf32> -> vector<512x384xf32>
    %get3A_30 = arith.constant 0 : index
    %get3A_31 = arith.constant 0 : index
    %get3A_32 = vector.load %arg5[%get3A_30, %get3A_31] : memref<1x384xf32, #tpu.memory_space<vmem>>, vector<1x384xf32>
    %add3A_33 = vector.broadcast %get3A_32 : vector<1x384xf32> to vector<512x384xf32>
    %add3A_34 = arith.addf %dot_general3A_29, %add3A_33 : vector<512x384xf32>
    %swap3A = arith.constant 0 : index
    %swap3A_35 = arith.constant 0 : index
    %swap3A_36 = vector.load %arg6[%swap3A, %swap3A_35] : memref<512x384xf32, #tpu.memory_space<vmem>>, vector<512x384xf32>
    tpu.vector_store %arg6[%swap3A, %swap3A_35], %add3A_34 {strides = array<i32>} : memref<512x384xf32, #tpu.memory_space<vmem>>, vector<512x384xf32>,
    return
  }
  func.func @transform_0(%arg0: i32) -> (i32, i32) {
    %c0_i32 = arith.constant 0 : i32
    %c0_i32_0 = arith.constant 0 : i32
    return %arg0, %c0_i32 : i32, i32
  }
  func.func @transform_1(%arg0: i32) -> (i32, i32) {
    %c0_i32 = arith.constant 0 : i32
    %c0_i32_0 = arith.constant 0 : i32
    %c0_i32_1 = arith.constant 0 : i32
    return %c0_i32, %c0_i32_0 : i32, i32
  }
  func.func @transform_2(%arg0: i32) -> (i32, i32) {
    %c0_i32 = arith.constant 0 : i32
    %c0_i32_0 = arith.constant 0 : i32
    %c0_i32_1 = arith.constant 0 : i32
    return %c0_i32, %c0_i32_0 : i32, i32
  }
  func.func @transform_3(%arg0: i32) -> (i32, i32) {
    %c0_i32 = arith.constant 0 : i32
    %c0_i32_0 = arith.constant 0 : i32
    %c0_i32_1 = arith.constant 0 : i32
    return %c0_i32, %c0_i32_0 : i32, i32
  }
  func.func @transform_4(%arg0: i32) -> (i32, i32) {
    %c0_i32 = arith.constant 0 : i32
    %c0_i32_0 = arith.constant 0 : i32
    %c0_i32_1 = arith.constant 0 : i32
    return %c0_i32, %c0_i32_0 : i32, i32
  }
  func.func @transform_5(%arg0: i32) -> (i32, i32) {
    %c0_i32 = arith.constant 0 : i32
    %c0_i32_0 = arith.constant 0 : i32
    return %arg0, %c0_i32 : i32, i32
  }
}

module attributes {stable_mosaic.version = 14 : i64} {
  func.func @_t4_body(%arg0: i32, %arg1: i32, %arg2: memref<1x16x128x384xf32, #tpu.memory_space<vmem>>, %arg3: memref<1x1x128x384xf32, #tpu.memory_space<vmem>>, %arg4: memref<1x1x128x384xf32, #tpu.memory_space<vmem>>, %arg5: memref<9x384xf32, #tpu.memory_space<vmem>>, %arg6: memref<1x384xf32, #tpu.memory_space<vmem>>, %arg7: memref<1x16x128x128xf32, #tpu.memory_space<vmem>>, %arg8: memref<1x16x128x128xf32, #tpu.memory_space<vmem>>, %arg9: memref<1x16x128x128xf32, #tpu.memory_space<vmem>>) attributes {dimension_semantics = [#tpu.dimension_semantics<arbitrary>, #tpu.dimension_semantics<arbitrary>], iteration_bounds = array<i64: 2, 8>, scalar_prefetch = 0 : i64, scratch_operands = 0 : i64, tpu.core_type = #tpu.core_type<tc>, window_params = [{transform_indices = @transform_0, window_bounds = array<i64: 1, 16, 128, 384>}, {transform_indices = @transform_1, window_bounds = array<i64: 1, 1, 128, 384>}, {transform_indices = @transform_2, window_bounds = array<i64: 1, 1, 128, 384>}, {pipeline_mode = #tpu.pipeline_mode<synchronous>, transform_indices = @transform_3, window_bounds = array<i64: 9, 384>}, {pipeline_mode = #tpu.pipeline_mode<synchronous>, transform_indices = @transform_4, window_bounds = array<i64: 1, 384>}, {transform_indices = @transform_5, window_bounds = array<i64: 1, 16, 128, 128>}, {transform_indices = @transform_6, window_bounds = array<i64: 1, 16, 128, 128>}, {transform_indices = @transform_7, window_bounds = array<i64: 1, 16, 128, 128>}]} {
    %get3A = arith.constant 0 : index
    %get3A_0 = arith.constant 0 : index
    %get3A_1 = arith.constant 0 : index
    %get3A_2 = arith.constant 0 : index
    %get3A_3 = vector.load %arg3[%get3A, %get3A_0, %get3A_1, %get3A_2] : memref<1x1x128x384xf32, #tpu.memory_space<vmem>>, vector<1x1x128x384xf32>
    %get3A_4 = vector.shape_cast %get3A_3 : vector<1x1x128x384xf32> to vector<1x128x384xf32>
    %get3A_5 = arith.constant 0 : index
    %get3A_6 = arith.constant 0 : index
    %get3A_7 = arith.constant 0 : index
    %get3A_8 = arith.constant 0 : index
    %get3A_9 = vector.load %arg2[%get3A_5, %get3A_6, %get3A_7, %get3A_8] : memref<1x16x128x384xf32, #tpu.memory_space<vmem>>, vector<1x16x128x384xf32>
    %get3A_10 = vector.shape_cast %get3A_9 : vector<1x16x128x384xf32> to vector<16x128x384xf32>
    %get3A_11 = arith.constant 0 : index
    %get3A_12 = arith.constant 0 : index
    %get3A_13 = arith.constant 0 : index
    %get3A_14 = arith.constant 0 : index
    %get3A_15 = vector.load %arg4[%get3A_11, %get3A_12, %get3A_13, %get3A_14] : memref<1x1x128x384xf32, #tpu.memory_space<vmem>>, vector<1x1x128x384xf32>
    %get3A_16 = vector.shape_cast %get3A_15 : vector<1x1x128x384xf32> to vector<1x128x384xf32>
    %concatenate3A = tpu.concatenate %get3A_4, %get3A_10, %get3A_16 in 0 : vector<1x128x384xf32>, vector<16x128x384xf32>, vector<1x128x384xf32> -> vector<18x128x384xf32>
    %broadcast_in_dim3A = arith.constant 0.000000e+00 : f32
    %broadcast_in_dim3A_17 = vector.broadcast %broadcast_in_dim3A : f32 to vector<16x128x384xf32>
    %broadcast_in_dim3A_18 = arith.constant 0.000000e+00 : f32
    %broadcast_in_dim3A_19 = vector.broadcast %broadcast_in_dim3A_18 : f32 to vector<16x1x384xf32>
    %slice3A = vector.extract_strided_slice %concatenate3A {offsets = [0, 0, 0], sizes = [16, 128, 384], strides = [1, 1, 1]} : vector<18x128x384xf32> to vector<16x128x384xf32>
    %slice3A_20 = vector.extract_strided_slice %slice3A {offsets = [0, 0, 0], sizes = [16, 127, 384], strides = [1, 1, 1]} : vector<16x128x384xf32> to vector<16x127x384xf32>
    %concatenate3A_21 = tpu.concatenate %broadcast_in_dim3A_19, %slice3A_20 in 1 : vector<16x1x384xf32>, vector<16x127x384xf32> -> vector<16x128x384xf32>
    %get3A_22 = arith.constant 0 : index
    %get3A_23 = arith.constant 0 : index
    %get3A_24 = vector.load %arg5[%get3A_22, %get3A_23] : memref<9x384xf32, #tpu.memory_space<vmem>>, vector<1x384xf32>
    %get3A_25 = vector.shape_cast %get3A_24 : vector<1x384xf32> to vector<384xf32>
    %broadcast_in_dim3A_26 = vector.shape_cast %get3A_25 : vector<384xf32> to vector<1x1x384xf32>
    %mul3A = vector.broadcast %broadcast_in_dim3A_26 : vector<1x1x384xf32> to vector<16x128x384xf32>
    %mul3A_27 = arith.mulf %concatenate3A_21, %mul3A : vector<16x128x384xf32>
    %add3A = arith.addf %broadcast_in_dim3A_17, %mul3A_27 : vector<16x128x384xf32>
    %get3A_28 = arith.constant 1 : index
    %get3A_29 = arith.constant 0 : index
    %get3A_30 = vector.load %arg5[%get3A_28, %get3A_29] : memref<9x384xf32, #tpu.memory_space<vmem>>, vector<1x384xf32>
    %get3A_31 = vector.shape_cast %get3A_30 : vector<1x384xf32> to vector<384xf32>
    %broadcast_in_dim3A_32 = vector.shape_cast %get3A_31 : vector<384xf32> to vector<1x1x384xf32>
    %mul3A_33 = vector.broadcast %broadcast_in_dim3A_32 : vector<1x1x384xf32> to vector<16x128x384xf32>
    %mul3A_34 = arith.mulf %slice3A, %mul3A_33 : vector<16x128x384xf32>
    %add3A_35 = arith.addf %add3A, %mul3A_34 : vector<16x128x384xf32>
    %slice3A_36 = vector.extract_strided_slice %slice3A {offsets = [0, 1, 0], sizes = [16, 127, 384], strides = [1, 1, 1]} : vector<16x128x384xf32> to vector<16x127x384xf32>
    %concatenate3A_37 = tpu.concatenate %slice3A_36, %broadcast_in_dim3A_19 in 1 : vector<16x127x384xf32>, vector<16x1x384xf32> -> vector<16x128x384xf32>
    %get3A_38 = arith.constant 2 : index
    %get3A_39 = arith.constant 0 : index
    %get3A_40 = vector.load %arg5[%get3A_38, %get3A_39] : memref<9x384xf32, #tpu.memory_space<vmem>>, vector<1x384xf32>
    %get3A_41 = vector.shape_cast %get3A_40 : vector<1x384xf32> to vector<384xf32>
    %broadcast_in_dim3A_42 = vector.shape_cast %get3A_41 : vector<384xf32> to vector<1x1x384xf32>
    %mul3A_43 = vector.broadcast %broadcast_in_dim3A_42 : vector<1x1x384xf32> to vector<16x128x384xf32>
    %mul3A_44 = arith.mulf %concatenate3A_37, %mul3A_43 : vector<16x128x384xf32>
    %add3A_45 = arith.addf %add3A_35, %mul3A_44 : vector<16x128x384xf32>
    %slice3A_46 = vector.extract_strided_slice %concatenate3A {offsets = [1, 0, 0], sizes = [16, 128, 384], strides = [1, 1, 1]} : vector<18x128x384xf32> to vector<16x128x384xf32>
    %slice3A_47 = vector.extract_strided_slice %slice3A_46 {offsets = [0, 0, 0], sizes = [16, 127, 384], strides = [1, 1, 1]} : vector<16x128x384xf32> to vector<16x127x384xf32>
    %concatenate3A_48 = tpu.concatenate %broadcast_in_dim3A_19, %slice3A_47 in 1 : vector<16x1x384xf32>, vector<16x127x384xf32> -> vector<16x128x384xf32>
    %get3A_49 = arith.constant 3 : index
    %get3A_50 = arith.constant 0 : index
    %get3A_51 = vector.load %arg5[%get3A_49, %get3A_50] : memref<9x384xf32, #tpu.memory_space<vmem>>, vector<1x384xf32>
    %get3A_52 = vector.shape_cast %get3A_51 : vector<1x384xf32> to vector<384xf32>
    %broadcast_in_dim3A_53 = vector.shape_cast %get3A_52 : vector<384xf32> to vector<1x1x384xf32>
    %mul3A_54 = vector.broadcast %broadcast_in_dim3A_53 : vector<1x1x384xf32> to vector<16x128x384xf32>
    %mul3A_55 = arith.mulf %concatenate3A_48, %mul3A_54 : vector<16x128x384xf32>
    %add3A_56 = arith.addf %add3A_45, %mul3A_55 : vector<16x128x384xf32>
    %get3A_57 = arith.constant 4 : index
    %get3A_58 = arith.constant 0 : index
    %get3A_59 = vector.load %arg5[%get3A_57, %get3A_58] : memref<9x384xf32, #tpu.memory_space<vmem>>, vector<1x384xf32>
    %get3A_60 = vector.shape_cast %get3A_59 : vector<1x384xf32> to vector<384xf32>
    %broadcast_in_dim3A_61 = vector.shape_cast %get3A_60 : vector<384xf32> to vector<1x1x384xf32>
    %mul3A_62 = vector.broadcast %broadcast_in_dim3A_61 : vector<1x1x384xf32> to vector<16x128x384xf32>
    %mul3A_63 = arith.mulf %slice3A_46, %mul3A_62 : vector<16x128x384xf32>
    %add3A_64 = arith.addf %add3A_56, %mul3A_63 : vector<16x128x384xf32>
    %slice3A_65 = vector.extract_strided_slice %slice3A_46 {offsets = [0, 1, 0], sizes = [16, 127, 384], strides = [1, 1, 1]} : vector<16x128x384xf32> to vector<16x127x384xf32>
    %concatenate3A_66 = tpu.concatenate %slice3A_65, %broadcast_in_dim3A_19 in 1 : vector<16x127x384xf32>, vector<16x1x384xf32> -> vector<16x128x384xf32>
    %get3A_67 = arith.constant 5 : index
    %get3A_68 = arith.constant 0 : index
    %get3A_69 = vector.load %arg5[%get3A_67, %get3A_68] : memref<9x384xf32, #tpu.memory_space<vmem>>, vector<1x384xf32>
    %get3A_70 = vector.shape_cast %get3A_69 : vector<1x384xf32> to vector<384xf32>
    %broadcast_in_dim3A_71 = vector.shape_cast %get3A_70 : vector<384xf32> to vector<1x1x384xf32>
    %mul3A_72 = vector.broadcast %broadcast_in_dim3A_71 : vector<1x1x384xf32> to vector<16x128x384xf32>
    %mul3A_73 = arith.mulf %concatenate3A_66, %mul3A_72 : vector<16x128x384xf32>
    %add3A_74 = arith.addf %add3A_64, %mul3A_73 : vector<16x128x384xf32>
    %slice3A_75 = vector.extract_strided_slice %concatenate3A {offsets = [2, 0, 0], sizes = [16, 128, 384], strides = [1, 1, 1]} : vector<18x128x384xf32> to vector<16x128x384xf32>
    %slice3A_76 = vector.extract_strided_slice %slice3A_75 {offsets = [0, 0, 0], sizes = [16, 127, 384], strides = [1, 1, 1]} : vector<16x128x384xf32> to vector<16x127x384xf32>
    %concatenate3A_77 = tpu.concatenate %broadcast_in_dim3A_19, %slice3A_76 in 1 : vector<16x1x384xf32>, vector<16x127x384xf32> -> vector<16x128x384xf32>
    %get3A_78 = arith.constant 6 : index
    %get3A_79 = arith.constant 0 : index
    %get3A_80 = vector.load %arg5[%get3A_78, %get3A_79] : memref<9x384xf32, #tpu.memory_space<vmem>>, vector<1x384xf32>
    %get3A_81 = vector.shape_cast %get3A_80 : vector<1x384xf32> to vector<384xf32>
    %broadcast_in_dim3A_82 = vector.shape_cast %get3A_81 : vector<384xf32> to vector<1x1x384xf32>
    %mul3A_83 = vector.broadcast %broadcast_in_dim3A_82 : vector<1x1x384xf32> to vector<16x128x384xf32>
    %mul3A_84 = arith.mulf %concatenate3A_77, %mul3A_83 : vector<16x128x384xf32>
    %add3A_85 = arith.addf %add3A_74, %mul3A_84 : vector<16x128x384xf32>
    %get3A_86 = arith.constant 7 : index
    %get3A_87 = arith.constant 0 : index
    %get3A_88 = vector.load %arg5[%get3A_86, %get3A_87] : memref<9x384xf32, #tpu.memory_space<vmem>>, vector<1x384xf32>
    %get3A_89 = vector.shape_cast %get3A_88 : vector<1x384xf32> to vector<384xf32>
    %broadcast_in_dim3A_90 = vector.shape_cast %get3A_89 : vector<384xf32> to vector<1x1x384xf32>
    %mul3A_91 = vector.broadcast %broadcast_in_dim3A_90 : vector<1x1x384xf32> to vector<16x128x384xf32>
    %mul3A_92 = arith.mulf %slice3A_75, %mul3A_91 : vector<16x128x384xf32>
    %add3A_93 = arith.addf %add3A_85, %mul3A_92 : vector<16x128x384xf32>
    %slice3A_94 = vector.extract_strided_slice %slice3A_75 {offsets = [0, 1, 0], sizes = [16, 127, 384], strides = [1, 1, 1]} : vector<16x128x384xf32> to vector<16x127x384xf32>
    %concatenate3A_95 = tpu.concatenate %slice3A_94, %broadcast_in_dim3A_19 in 1 : vector<16x127x384xf32>, vector<16x1x384xf32> -> vector<16x128x384xf32>
    %get3A_96 = arith.constant 8 : index
    %get3A_97 = arith.constant 0 : index
    %get3A_98 = vector.load %arg5[%get3A_96, %get3A_97] : memref<9x384xf32, #tpu.memory_space<vmem>>, vector<1x384xf32>
    %get3A_99 = vector.shape_cast %get3A_98 : vector<1x384xf32> to vector<384xf32>
    %broadcast_in_dim3A_100 = vector.shape_cast %get3A_99 : vector<384xf32> to vector<1x1x384xf32>
    %mul3A_101 = vector.broadcast %broadcast_in_dim3A_100 : vector<1x1x384xf32> to vector<16x128x384xf32>
    %mul3A_102 = arith.mulf %concatenate3A_95, %mul3A_101 : vector<16x128x384xf32>
    %add3A_103 = arith.addf %add3A_93, %mul3A_102 : vector<16x128x384xf32>
    %get3A_104 = arith.constant 0 : index
    %get3A_105 = arith.constant 0 : index
    %get3A_106 = vector.load %arg6[%get3A_104, %get3A_105] : memref<1x384xf32, #tpu.memory_space<vmem>>, vector<1x384xf32>
    %get3A_107 = vector.shape_cast %get3A_106 : vector<1x384xf32> to vector<384xf32>
    %broadcast_in_dim3A_108 = vector.shape_cast %get3A_107 : vector<384xf32> to vector<1x1x384xf32>
    %add3A_109 = vector.broadcast %broadcast_in_dim3A_108 : vector<1x1x384xf32> to vector<16x128x384xf32>
    %add3A_110 = arith.addf %add3A_103, %add3A_109 : vector<16x128x384xf32>
    %slice3A_111 = vector.extract_strided_slice %add3A_110 {offsets = [0, 0, 0], sizes = [16, 128, 128], strides = [1, 1, 1]} : vector<16x128x384xf32> to vector<16x128x128xf32>
    %swap3A = arith.constant 0 : index
    %swap3A_112 = arith.constant 0 : index
    %swap3A_113 = arith.constant 0 : index
    %swap3A_114 = arith.constant 0 : index
    %swap3A_115 = vector.load %arg7[%swap3A, %swap3A_112, %swap3A_113, %swap3A_114] : memref<1x16x128x128xf32, #tpu.memory_space<vmem>>, vector<1x16x128x128xf32>
    %swap3A_116 = vector.shape_cast %swap3A_115 : vector<1x16x128x128xf32> to vector<16x128x128xf32>
    %swap3A_117 = vector.shape_cast %slice3A_111 : vector<16x128x128xf32> to vector<1x16x128x128xf32>
    tpu.vector_store %arg7[%swap3A, %swap3A_112, %swap3A_113, %swap3A_114], %swap3A_117 {strides = array<i32>} : memref<1x16x128x128xf32, #tpu.memory_space<vmem>>, vector<1x16x128x128xf32>,
    %slice3A_118 = vector.extract_strided_slice %add3A_110 {offsets = [0, 0, 128], sizes = [16, 128, 128], strides = [1, 1, 1]} : vector<16x128x384xf32> to vector<16x128x128xf32>
    %swap3A_119 = arith.constant 0 : index
    %swap3A_120 = arith.constant 0 : index
    %swap3A_121 = arith.constant 0 : index
    %swap3A_122 = arith.constant 0 : index
    %swap3A_123 = vector.load %arg8[%swap3A_119, %swap3A_120, %swap3A_121, %swap3A_122] : memref<1x16x128x128xf32, #tpu.memory_space<vmem>>, vector<1x16x128x128xf32>
    %swap3A_124 = vector.shape_cast %swap3A_123 : vector<1x16x128x128xf32> to vector<16x128x128xf32>
    %swap3A_125 = vector.shape_cast %slice3A_118 : vector<16x128x128xf32> to vector<1x16x128x128xf32>
    tpu.vector_store %arg8[%swap3A_119, %swap3A_120, %swap3A_121, %swap3A_122], %swap3A_125 {strides = array<i32>} : memref<1x16x128x128xf32, #tpu.memory_space<vmem>>, vector<1x16x128x128xf32>,
    %slice3A_126 = vector.extract_strided_slice %add3A_110 {offsets = [0, 0, 256], sizes = [16, 128, 128], strides = [1, 1, 1]} : vector<16x128x384xf32> to vector<16x128x128xf32>
    %swap3A_127 = arith.constant 0 : index
    %swap3A_128 = arith.constant 0 : index
    %swap3A_129 = arith.constant 0 : index
    %swap3A_130 = arith.constant 0 : index
    %swap3A_131 = vector.load %arg9[%swap3A_127, %swap3A_128, %swap3A_129, %swap3A_130] : memref<1x16x128x128xf32, #tpu.memory_space<vmem>>, vector<1x16x128x128xf32>
    %swap3A_132 = vector.shape_cast %swap3A_131 : vector<1x16x128x128xf32> to vector<16x128x128xf32>
    %swap3A_133 = vector.shape_cast %slice3A_126 : vector<16x128x128xf32> to vector<1x16x128x128xf32>
    tpu.vector_store %arg9[%swap3A_127, %swap3A_128, %swap3A_129, %swap3A_130], %swap3A_133 {strides = array<i32>} : memref<1x16x128x128xf32, #tpu.memory_space<vmem>>, vector<1x16x128x128xf32>,
    return
  }
  func.func @transform_0(%arg0: i32, %arg1: i32) -> (i32, i32, i32, i32) {
    %c0_i32 = arith.constant 0 : i32
    %c0_i32_0 = arith.constant 0 : i32
    %c0_i32_1 = arith.constant 0 : i32
    return %arg0, %arg1, %c0_i32, %c0_i32_0 : i32, i32, i32, i32
  }
  func.func @transform_1(%arg0: i32, %arg1: i32) -> (i32, i32, i32, i32) {
    %c0_i32 = arith.constant 0 : i32
    %c0_i32_0 = arith.constant 0 : i32
    %c0_i32_1 = arith.constant 0 : i32
    return %arg0, %arg1, %c0_i32, %c0_i32_0 : i32, i32, i32, i32
  }
  func.func @transform_2(%arg0: i32, %arg1: i32) -> (i32, i32, i32, i32) {
    %c0_i32 = arith.constant 0 : i32
    %c0_i32_0 = arith.constant 0 : i32
    %c0_i32_1 = arith.constant 0 : i32
    return %arg0, %arg1, %c0_i32, %c0_i32_0 : i32, i32, i32, i32
  }
  func.func @transform_3(%arg0: i32, %arg1: i32) -> (i32, i32) {
    %c0_i32 = arith.constant 0 : i32
    %c0_i32_0 = arith.constant 0 : i32
    %c0_i32_1 = arith.constant 0 : i32
    return %c0_i32, %c0_i32_0 : i32, i32
  }
  func.func @transform_4(%arg0: i32, %arg1: i32) -> (i32, i32) {
    %c0_i32 = arith.constant 0 : i32
    %c0_i32_0 = arith.constant 0 : i32
    %c0_i32_1 = arith.constant 0 : i32
    return %c0_i32, %c0_i32_0 : i32, i32
  }
  func.func @transform_5(%arg0: i32, %arg1: i32) -> (i32, i32, i32, i32) {
    %c0_i32 = arith.constant 0 : i32
    %c0_i32_0 = arith.constant 0 : i32
    %c0_i32_1 = arith.constant 0 : i32
    return %arg0, %arg1, %c0_i32, %c0_i32_0 : i32, i32, i32, i32
  }
  func.func @transform_6(%arg0: i32, %arg1: i32) -> (i32, i32, i32, i32) {
    %c0_i32 = arith.constant 0 : i32
    %c0_i32_0 = arith.constant 0 : i32
    %c0_i32_1 = arith.constant 0 : i32
    return %arg0, %arg1, %c0_i32, %c0_i32_0 : i32, i32, i32, i32
  }
  func.func @transform_7(%arg0: i32, %arg1: i32) -> (i32, i32, i32, i32) {
    %c0_i32 = arith.constant 0 : i32
    %c0_i32_0 = arith.constant 0 : i32
    %c0_i32_1 = arith.constant 0 : i32
    return %arg0, %arg1, %c0_i32, %c0_i32_0 : i32, i32, i32, i32
  }
}

module attributes {stable_mosaic.version = 14 : i64} {
  func.func @_t5_body(%arg0: i32, %arg1: memref<512x384xf32, #tpu.memory_space<vmem>>, %arg2: memref<512x128xf32, #tpu.memory_space<vmem>>, %arg3: memref<512x128xf32, #tpu.memory_space<vmem>>, %arg4: memref<512x128xf32, #tpu.memory_space<vmem>>, %arg5: memref<512x128xf32, #tpu.memory_space<vmem>>, %arg6: memref<512x96xf32, #tpu.memory_space<vmem>>, %arg7: memref<1x384xf32, #tpu.memory_space<vmem>>, %arg8: memref<384x96xf32, #tpu.memory_space<vmem>>, %arg9: memref<1x96xf32, #tpu.memory_space<vmem>>, %arg10: memref<512x96xf32, #tpu.memory_space<vmem>>) attributes {dimension_semantics = [#tpu.dimension_semantics<arbitrary>], iteration_bounds = array<i64: 16>, scalar_prefetch = 0 : i64, scratch_operands = 0 : i64, tpu.core_type = #tpu.core_type<tc>, window_params = [{transform_indices = @transform_0, window_bounds = array<i64: 512, 384>}, {transform_indices = @transform_1, window_bounds = array<i64: 512, 128>}, {transform_indices = @transform_2, window_bounds = array<i64: 512, 128>}, {transform_indices = @transform_3, window_bounds = array<i64: 512, 128>}, {transform_indices = @transform_4, window_bounds = array<i64: 512, 128>}, {transform_indices = @transform_5, window_bounds = array<i64: 512, 96>}, {pipeline_mode = #tpu.pipeline_mode<synchronous>, transform_indices = @transform_6, window_bounds = array<i64: 1, 384>}, {pipeline_mode = #tpu.pipeline_mode<synchronous>, transform_indices = @transform_7, window_bounds = array<i64: 384, 96>}, {pipeline_mode = #tpu.pipeline_mode<synchronous>, transform_indices = @transform_8, window_bounds = array<i64: 1, 96>}, {transform_indices = @transform_9, window_bounds = array<i64: 512, 96>}]} {
    %get3A = arith.constant 0 : index
    %get3A_0 = arith.constant 0 : index
    %get3A_1 = vector.load %arg5[%get3A, %get3A_0] : memref<512x128xf32, #tpu.memory_space<vmem>>, vector<512x1xf32>
    %get3A_2 = arith.constant 0 : index
    %get3A_3 = arith.constant 0 : index
    %get3A_4 = vector.load %arg2[%get3A_2, %get3A_3] : memref<512x128xf32, #tpu.memory_space<vmem>>, vector<512x128xf32>
    %get3A_5 = arith.constant 0 : index
    %get3A_6 = arith.constant 0 : index
    %get3A_7 = vector.load %arg3[%get3A_5, %get3A_6] : memref<512x128xf32, #tpu.memory_space<vmem>>, vector<512x128xf32>
    %get3A_8 = arith.constant 0 : index
    %get3A_9 = arith.constant 0 : index
    %get3A_10 = vector.load %arg4[%get3A_8, %get3A_9] : memref<512x128xf32, #tpu.memory_space<vmem>>, vector<512x128xf32>
    %concatenate3A = tpu.concatenate %get3A_4, %get3A_7, %get3A_10 in 1 : vector<512x128xf32>, vector<512x128xf32>, vector<512x128xf32> -> vector<512x384xf32>
    %add3A = arith.constant 9.99999997E-7 : f32
    %add3A_11 = vector.broadcast %add3A : f32 to vector<512x1xf32>
    %add3A_12 = arith.addf %get3A_1, %add3A_11 : vector<512x1xf32>
    %div3A = vector.broadcast %add3A_12 : vector<512x1xf32> to vector<512x384xf32>
    %div3A_13 = arith.divf %concatenate3A, %div3A : vector<512x384xf32>
    %get3A_14 = arith.constant 0 : index
    %get3A_15 = arith.constant 0 : index
    %get3A_16 = vector.load %arg1[%get3A_14, %get3A_15] : memref<512x384xf32, #tpu.memory_space<vmem>>, vector<512x384xf32>
    %get3A_17 = arith.constant 0 : index
    %get3A_18 = arith.constant 0 : index
    %get3A_19 = vector.load %arg7[%get3A_17, %get3A_18] : memref<1x384xf32, #tpu.memory_space<vmem>>, vector<1x384xf32>
    %mul3A = vector.broadcast %get3A_19 : vector<1x384xf32> to vector<512x384xf32>
    %mul3A_20 = arith.mulf %get3A_16, %mul3A : vector<512x384xf32>
    %add3A_21 = arith.addf %mul3A_20, %div3A_13 : vector<512x384xf32>
    %mul3A_22 = arith.constant 5.000000e-01 : f32
    %mul3A_23 = vector.broadcast %mul3A_22 : f32 to vector<512x384xf32>
    %mul3A_24 = arith.mulf %add3A_21, %mul3A_23 : vector<512x384xf32>
    %mul3A_25 = arith.constant 0.707106769 : f32
    %mul3A_26 = vector.broadcast %mul3A_25 : f32 to vector<512x384xf32>
    %mul3A_27 = arith.mulf %add3A_21, %mul3A_26 : vector<512x384xf32>
    %erf3A = math.erf %mul3A_27 : vector<512x384xf32>
    %add3A_28 = arith.constant 1.000000e+00 : f32
    %add3A_29 = vector.broadcast %add3A_28 : f32 to vector<512x384xf32>
    %add3A_30 = arith.addf %add3A_29, %erf3A : vector<512x384xf32>
    %mul3A_31 = arith.mulf %mul3A_24, %add3A_30 : vector<512x384xf32>
    %get3A_32 = arith.constant 0 : index
    %get3A_33 = arith.constant 0 : index
    %get3A_34 = vector.load %arg6[%get3A_32, %get3A_33] : memref<512x96xf32, #tpu.memory_space<vmem>>, vector<512x96xf32>
    %get3A_35 = arith.constant 0 : index
    %get3A_36 = arith.constant 0 : index
    %get3A_37 = vector.load %arg8[%get3A_35, %get3A_36] : memref<384x96xf32, #tpu.memory_space<vmem>>, vector<384x96xf32>
    %dot_general3A = arith.constant dense<0.000000e+00> : vector<512x96xf32>
    %dot_general3A_38 = tpu.matmul %mul3A_31, %get3A_37, %dot_general3A {dimension_numbers = #tpu.dot_dimension_numbers<[1], [0], [0], [1], [0, 0, 1, 1], [], []>, transpose_lhs_hint = false} : vector<512x384xf32>, vector<384x96xf32>, vector<512x96xf32> -> vector<512x96xf32>
    %add3A_39 = arith.addf %get3A_34, %dot_general3A_38 : vector<512x96xf32>
    %get3A_40 = arith.constant 0 : index
    %get3A_41 = arith.constant 0 : index
    %get3A_42 = vector.load %arg9[%get3A_40, %get3A_41] : memref<1x96xf32, #tpu.memory_space<vmem>>, vector<1x96xf32>
    %add3A_43 = vector.broadcast %get3A_42 : vector<1x96xf32> to vector<512x96xf32>
    %add3A_44 = arith.addf %add3A_39, %add3A_43 : vector<512x96xf32>
    %swap3A = arith.constant 0 : index
    %swap3A_45 = arith.constant 0 : index
    %swap3A_46 = vector.load %arg10[%swap3A, %swap3A_45] : memref<512x96xf32, #tpu.memory_space<vmem>>, vector<512x96xf32>
    tpu.vector_store %arg10[%swap3A, %swap3A_45], %add3A_44 {strides = array<i32>} : memref<512x96xf32, #tpu.memory_space<vmem>>, vector<512x96xf32>,
    return
  }
  func.func @transform_0(%arg0: i32) -> (i32, i32) {
    %c0_i32 = arith.constant 0 : i32
    %c0_i32_0 = arith.constant 0 : i32
    return %arg0, %c0_i32 : i32, i32
  }
  func.func @transform_1(%arg0: i32) -> (i32, i32) {
    %c0_i32 = arith.constant 0 : i32
    %c0_i32_0 = arith.constant 0 : i32
    return %arg0, %c0_i32 : i32, i32
  }
  func.func @transform_2(%arg0: i32) -> (i32, i32) {
    %c0_i32 = arith.constant 0 : i32
    %c0_i32_0 = arith.constant 0 : i32
    return %arg0, %c0_i32 : i32, i32
  }
  func.func @transform_3(%arg0: i32) -> (i32, i32) {
    %c0_i32 = arith.constant 0 : i32
    %c0_i32_0 = arith.constant 0 : i32
    return %arg0, %c0_i32 : i32, i32
  }
  func.func @transform_4(%arg0: i32) -> (i32, i32) {
    %c0_i32 = arith.constant 0 : i32
    %c0_i32_0 = arith.constant 0 : i32
    return %arg0, %c0_i32 : i32, i32
  }
  func.func @transform_5(%arg0: i32) -> (i32, i32) {
    %c0_i32 = arith.constant 0 : i32
    %c0_i32_0 = arith.constant 0 : i32
    return %arg0, %c0_i32 : i32, i32
  }
  func.func @transform_6(%arg0: i32) -> (i32, i32) {
    %c0_i32 = arith.constant 0 : i32
    %c0_i32_0 = arith.constant 0 : i32
    %c0_i32_1 = arith.constant 0 : i32
    return %c0_i32, %c0_i32_0 : i32, i32
  }
  func.func @transform_7(%arg0: i32) -> (i32, i32) {
    %c0_i32 = arith.constant 0 : i32
    %c0_i32_0 = arith.constant 0 : i32
    %c0_i32_1 = arith.constant 0 : i32
    return %c0_i32, %c0_i32_0 : i32, i32
  }
  func.func @transform_8(%arg0: i32) -> (i32, i32) {
    %c0_i32 = arith.constant 0 : i32
    %c0_i32_0 = arith.constant 0 : i32
    %c0_i32_1 = arith.constant 0 : i32
    return %c0_i32, %c0_i32_0 : i32, i32
  }
  func.func @transform_9(%arg0: i32) -> (i32, i32) {
    %c0_i32 = arith.constant 0 : i32
    %c0_i32_0 = arith.constant 0 : i32
    return %arg0, %c0_i32 : i32, i32
  }
}

</mosaic_0001>

<sc_bundles>
// kernel: kernel.15.cloned.1.call-start
scs
__scs_entry_jumppad:
0x0: {  	(pc) =	sbr.rel $0x88, $3  }
0x1: {  	(tag) =	ssettag $0x0;
	lr =	simm.s32 $0x1  }
0x2: {  	[smem:$0x3F8E] =	sst lr;
	_ =	strace $0xD0000000  }
0x3: {  	_ = 	snop  }
0x4: {  	_ = 	snop  }
0x5: {  	_ = 	snop  }
0x6: {  	_ = 	snop  }
0x7: {  	_ = 	snop  }
__scs_overlays_trampoline_lowered:
0x8: {  	[smem:$0x3F9D] =	sst s0  }
0x9: {  	[smem:$0x3F9E] =	sst s1  }
0xa: {  	[smem:$0x3F9F] =	sst s2  }
0xb: {  	[smem:$0x3FA0] =	sst s3  }
0xc: {  	[smem:$0x3FA1] =	sst s4  }
0xd: {  	[smem:$0x3FA2] =	sst s5  }
0xe: {  	[smem:$0x3FA3] =	sst s6  }
0xf: {  	[smem:$0x3FA4] =	sst s7  }
0x10: {  	[smem:$0x3FA5] =	sst s8  }
0x11: {  	[smem:$0x3FA6] =	sst s9;
	s0 =	simm.s32 @!p0 $0x0  }
0x12: {  	s1 =	sld [smem:$0x3F8C];
	s0 =	simm.s32 @p0 $0x1  }
0x13: {  	[smem:$0x3FA7] =	sst s0;
	s0 =	simm.s32 @!p1 $0x0  }
0x14: {  	s2 =	sld [smem:$0x3F8B];
	s0 =	simm.s32 @p1 $0x1  }
0x15: {  	[smem:$0x3FA8] =	sst s0;
	s0 =	simm.s32 @!p2 $0x0  }
0x16: {  	s3 =	sld [smem:$0x3FDB];
	s0 =	simm.s32 @p2 $0x1  }
0x17: {  	s4 =	simm.s32 $0x1BF5;
	[smem:$0x3FAA] =	sst s0  }
0x18: {  	s0 =	sld [smem:$0x3F8D];
	_ =	swait.ge [sflag:s4], $0x0  }
0x19: {  	s7 =	sld [smem:$0x3F8E]  }
0x1a: {  	s8 =	sadd.s32 $0xFFFFE003, lr  }
0x1b: {  	s9 =	sadd.s32 $0xFFFFFEF7, lr;
	s5 =	simm.s32 $0xFFFFFFFF;
	p2 =	slt.u32 s8, $0xFFFFF086  }
0x1c: {  	p1 =	slt.u32 s9, $0xF7A;
	s5 =	simm.s32 @!p2 $0x0  }
0x1d: {  	s5 =	simm.s32 @p1 $0x1;
	p0 =	seq.s32 s7, s2  }
0x1e: {  	s7 =	smul.u32 @!p0 $0xF7A, s2;
	p2 =	seq.s32 @!p0 s5, $0x0  }
0x1f: {  	s9 =	smul.u32 $0xF7A, s1;
	s8 =	simm.s32 @!p0 $0x1BF5;
	p2 =	por !p2, p0  }
0x20: {  	[sflag:s8] =	ssyncset.s32 @!p0 $0xFFFFF086;
	s6 =	sadd.s32 @!p0 s3, s7;
	s7 =	simm.s32 @!p0 $0x108  }
0x21: {  	s3 =	sadd.s32 s3, s9;
	s6 =	sadd.s32 @!p0 $0x88, s6;
	s7 =	simm.s32 @p2 $0x1082  }
0x22: {  	[simem:s7], [sflag:s8] =	dma.local @!p0 [hbm:s6], $0xF7A  }
0x23: {  	s9 =	sor.u32 $0xD0000000, s2;
	s6 =	simm.s32 $0x108;
	_ =	swait.ge @!p0 [sflag:s8], $0x0  }
0x24: {  	s3 =	sadd.s32 $0x88, s3;
	s6 =	simm.s32 @!p1 $0x1082;
	[sflag:s4] =	ssyncset.s32 $0xFFFFF086  }
0x25: {  	[simem:s6], [sflag:s4] =	dma.local [hbm:s3], $0xF7A  }
0x26: {  	[smem:$0x3F8E] =	sst s1;
	(tag) =	ssettag s2;
	_ =	strace s9  }
0x27: {  	s1 =	sld [smem:$0x3F9E]  }
0x28: {  	s2 =	sld [smem:$0x3F9F]  }
0x29: {  	s4 =	sld [smem:$0x3FA1]  }
0x2a: {  	p0 =	seq.s32 s5, $0x0;
	s5 =	sld [smem:$0x3FA2]  }
0x2b: {  	s6 =	sld [smem:$0x3FA3]  }
0x2c: {  	s7 =	sld [smem:$0x3FA4]  }
0x2d: {  	s3 =	simm.s32 $0x108;
	s8 =	sld [smem:$0x3FA5]  }
0x2e: {  	s3 =	simm.s32 @!p0 $0x1082;
	s9 =	sld [smem:$0x3FA6]  }
0x2f: {  	lr =	sadd.s32 s0, s3;
	s0 =	sld [smem:$0x3F9D]  }
0x30: {  	s3 =	sld [smem:$0x3FA0]  }
0x31: {  	[smem:$0x3FA9] =	sst s10  }
0x32: {  	s10 =	sld [smem:$0x3FA7];
	_ =	sdelay $0x3  }
0x33: {  	p0 =	seq.s32 s10, $0x1;
	s10 =	sld [smem:$0x3FA9];
	_ =	sdelay $0x3  }
0x34: {  	[smem:$0x3FA9] =	sst s10  }
0x35: {  	s10 =	sld [smem:$0x3FA8];
	_ =	sdelay $0x3  }
0x36: {  	p1 =	seq.s32 s10, $0x1;
	s10 =	sld [smem:$0x3FA9];
	_ =	sdelay $0x3  }
0x37: {  	[smem:$0x3FA9] =	sst s10  }
0x38: {  	s10 =	sld [smem:$0x3FAA]  }
0x39: {  	_ = 	snop;
	(pc) =	sbr.ind lr, $3  }
0x3a: {  	_ = 	snop  }
0x3b: {  	_ = 	snop  }
0x3c: {  	p2 =	seq.s32 s10, $0x1;
	s10 =	sld [smem:$0x3FA9]  }
0x3d: {  	_ =	shalt  }
0x3e: {  	_ =	shalt  }
0x3f: {  	_ =	shalt  }
0x40: {  	_ =	shalt  }
0x41: {  	_ =	shalt  }
0x42: {  	_ =	shalt  }
0x43: {  	_ =	shalt  }
0x44: {  	_ =	shalt  }
0x45: {  	_ =	shalt  }
0x46: {  	_ =	shalt  }
0x47: {  	_ =	shalt  }
0x48: {  	_ =	shalt  }
0x49: {  	_ =	shalt  }
0x4a: {  	_ =	shalt  }
0x4b: {  	_ =	shalt  }
0x4c: {  	_ =	shalt  }
0x4d: {  	_ =	shalt  }
0x4e: {  	_ =	shalt  }
0x4f: {  	_ =	shalt  }
0x50: {  	_ =	shalt  }
0x51: {  	_ =	shalt  }
0x52: {  	_ =	shalt  }
0x53: {  	_ =	shalt  }
0x54: {  	_ =	shalt  }
0x55: {  	_ =	shalt  }
0x56: {  	_ =	shalt  }
0x57: {  	_ =	shalt  }
0x58: {  	_ =	shalt  }
0x59: {  	_ =	shalt  }
0x5a: {  	_ =	shalt  }
0x5b: {  	_ =	shalt  }
0x5c: {  	_ =	shalt  }
0x5d: {  	_ =	shalt  }
0x5e: {  	_ =	shalt  }
0x5f: {  	_ =	shalt  }
0x60: {  	_ =	shalt  }
0x61: {  	_ =	shalt  }
0x62: {  	_ =	shalt  }
0x63: {  	_ =	shalt  }
0x64: {  	_ =	shalt  }
0x65: {  	_ =	shalt  }
0x66: {  	_ =	shalt  }
0x67: {  	_ =	shalt  }
0x68: {  	_ =	shalt  }
0x69: {  	_ =	shalt  }
0x6a: {  	_ =	shalt  }
0x6b: {  	_ =	shalt  }
0x6c: {  	_ =	shalt  }
0x6d: {  	_ =	shalt  }
0x6e: {  	_ =	shalt  }
0x6f: {  	_ =	shalt  }
0x70: {  	_ =	shalt  }
0x71: {  	_ =	shalt  }
0x72: {  	_ =	shalt  }
0x73: {  	_ =	shalt  }
0x74: {  	_ =	shalt  }
0x75: {  	_ =	shalt  }
0x76: {  	_ =	shalt  }
0x77: {  	_ =	shalt  }
0x78: {  	_ =	shalt  }
0x79: {  	_ =	shalt  }
0x7a: {  	_ =	shalt  }
0x7b: {  	_ =	shalt  }
0x7c: {  	_ =	shalt  }
0x7d: {  	_ =	shalt  }
0x7e: {  	_ =	shalt  }
0x7f: {  	_ =	shalt  }
0x80: {  	_ =	shalt  }
0x81: {  	_ =	shalt  }
0x82: {  	_ =	shalt  }
0x83: {  	_ =	shalt  }
0x84: {  	_ =	shalt  }
0x85: {  	_ =	shalt  }
0x86: {  	_ =	shalt  }
0x87: {  	_ =	shalt  }
.Lfunc_end0:
.L_simem_size_0:
called_computation_lowered:
.L_overlay_start_0:
0x88: {  	s2 =	sld [smem:$0x3FD9]  }
0x89: {  	s3 =	sld [smem:$0x3FFE];
	_ =	sdelay $0x1  }
0x8a: {  	s1 =	srdreg.scid  }
0x8b: {  	s0 =	sand.u32 $0x1, s1  }
0x8c: {  	s17 =	sshll.u32 s0, $0xA;
	s2 =	sadd.s32 s3, s2  }
0x8d: {  	s2 =	sadd.s32 s2, s17  }
0x8e: {  	[smem:$0x3FB5] =	sst s2  }
0x8f: {  	_ = 	snop  }
0x90: {  	s2 =	sld [smem:$0x3FD0];
	(tm) =	ssettm $0x1  }
0x91: {  	s18 =	sld [smem:$0x3FFB];
	_ =	sdelay $0x3  }
0x92: {  	_ =	strace s18  }
0x93: {  	s3 =	sld [smem:$0x3FFC];
	_ =	sdelay $0x3  }
0x94: {  	_ =	strace s3  }
0x95: {  	s3 =	sld [smem:$0x3FFD];
	_ =	sdelay $0x3  }
0x96: {  	_ =	strace s3  }
0x97: {  	_ =	strace $0x8FFFFFFF  }
0x98: {  	s19 =	sld [smem:$0x3FDB];
	_ =	sdelay $0x1  }
0x99: {  	s4 =	simm.s32 $_scs_section_size  }
0x9a: {  	s5 =	simm.s32 $_size__tile_overlayer_lowered;
	s6 =	simm.s32 $_tile_overlayer_lowered  }
0x9b: {  	s22 =	simm.s32 $0x1BFF;
	s21 =	sshll.u32 s6, $0x1;
	s3 =	sadd.s32 s4, s19  }
0x9c: {  	s7 =	simm.s32 $0x0;
	s20 =	sshll.u32 s5, $0x1;
	s5 =	sadd.s32 s21, s3  }
0x9d: {  	[timem:s7], [sflag:s22] =	dma.local [hbm:s5], s20  }
0x9e: {  	_ =	swait.ge [sflag:s22], s20  }
0x9f: {  	s4 =	ssub.s32 $0x0, s20;
	[sflag:s22] =	ssyncset.done $0x0  }
0xa0: {  	[sflag:s22] =	ssyncadd.s32 s4;
	_ =	sdelay $0x1  }
0xa1: {  	s23 =	simm.s32 $0x1B8B  }
0xa2: {  	_ =	swait.ge [sflag:s23], $0x1  }
0xa3: {  	[sflag:s23] =	ssyncset.done $0x0  }
0xa4: {  	s25 =	simm.s32 $0x1B8E;
	s24 =	sld [smem:$0x3FFE];
	[sflag:s23] =	ssyncadd.s32 $0xFFFFFFFF  }
0xa5: {  	s26 =	simm.s32 $execute0_lowered;
	[smem:$0x3FD2] =	sst s25  }
0xa6: {  	s5 =	sshll.u32 s26, $0x1;
	_ =	strace $0x80000046;
	[dreg:$0x1] =	wrdreg $0xFFFFFFFF  }
0xa7: {  	s28 =	simm.s32 $_size_execute0_lowered;
	s3 =	sadd.s32 s3, s5;
	[dreg:$0x0] =	wrdreg $0x0  }
0xa8: {  	s5 =	sshll.u32 s28, $0x1;
	[dreg:$0x2] =	wrdreg s3  }
0xa9: {  	[dreg:$0x3] =	wrdreg s5  }
0xaa: {  	[dreg:$0x4] =	wrdreg $0xC0  }
0xab: {  	_ =	task [dreg:s7], $0x5FFFF  }
0xac: {  	[dreg:$0x1] =	wrdreg $0xFFFFFFFF  }
0xad: {  	[dreg:$0x0] =	wrdreg $0x60  }
0xae: {  	[dreg:$0x2] =	wrdreg s24  }
0xaf: {  	[dreg:$0x3] =	wrdreg s2  }
0xb0: {  	[dreg:$0x4] =	wrdreg $0x9  }
0xb1: {  	_ =	task.clear_ibuf [dreg:s7], $0x5FFFF;
	_ =	strace $0x90000046  }
0xb2: {  	s29 =	simm.s32 $0x9;
	_ =	strace $0x80000048  }
0xb3: {  	_ =	swait.ge [sflag:s29], $0x1  }
0xb4: {  	[sflag:s29] =	ssyncadd.s32 $0xFFFFFFFF  }
0xb5: {  	_ =	strace $0x90000048  }
0xb6: {  	_ =	sfence  }
0xb7: {  	s30 =	sld [smem:$0x0];
	_ =	sdelay $0x2  }
0xb8: {  	s31 =	sshll.u32 s1, $0xD;
	s1 =	sshrl.u32 s1, $0x2  }
0xb9: {  	s3 =	sand.u32 $0x4000, s31;
	s1 =	sadd.s32 s1, s30  }
0xba: {  	s0 =	sor.u32 s3, s0;
	s1 =	sshll.u32 s1, $0x11  }
0xbb: {  	s0 =	sor.u32 s1, s0  }
0xbc: {  	s0 =	sadd.s32 $0x8F2B, s0  }
0xbd: {  	[sflag:s0] =	ssyncadd.remote.s32 $0x1  }
0xbe: {  	_ =	sfence.sel $0xFFFF  }
0xbf: {  	[dreg:$0x0] =	wrdreg $0xFFFFFFFF;
	(pc) =	sbr.abs _section_cstart, $3  }
0xc0: {  	[dreg:$0x1] =	wrdreg $0xFFFFFFFF  }
0xc1: {  	_ =	task.clear_ibuf [dreg:s7], $0x2FFFF;
	_ =	strace $0x9FFFFFFF  }
0xc2: {  	(tm) =	ssettm $0x7FFFFFFF  }
0xc3: {  	_ =	shalt  }
tec
execute0_lowered:
.L_overlay_start_1:
0x0: {  	(tag) =	ssettag $0x1  }
0x1: {  	s4 =	rddreg [dreg:$0x0]  }
0x2: {  	s5 =	rddreg [dreg:$0x1]  }
0x3: {  	s0 =	rddreg [dreg:$0x2]  }
0x4: {  	s2 =	simm.s32 $0x0;
	s1 =	stileid.u32;
	s6 =	srdreg.scid  }
0x5: {  	s11 =	simm.s32 $0x80;
	s12 =	simm.s32 $0x4800;
	s13 =	simm.s32 $0xC0  }
0x6: {  	s14 =	simm.s32 $0x6800;
	s15 =	simm.s32 $0x1;
	s16 =	simm.s32 $0x2  }
0x7: {  	s17 =	simm.s32 $0x3;
	s18 =	simm.s32 $0x4;
	s19 =	simm.s32 $0x5  }
0x8: {  	s20 =	simm.s32 $0x6;
	s21 =	simm.s32 $0x7;
	s22 =	simm.s32 $0x8  }
0x9: {  	s23 =	simm.s32 $0x0;
	[smem:$0x7FF] =	sst s2;
	s3 =	sadd.s32 $0x47200, s4  }
0xa: {  	s7 =	sshll.u32 s1, $0x10;
	s6 =	sand.u32 $0x1, s6;
	s9 =	sshll.u32 s1, $0xC  }
0xb: {  	_ =	strace $0x80000047;
	s8 =	ssub.s32 $0x2, s6;
	s10 =	sshll.u32 s6, $0xB  }
.Ltmp0:
0xc: {  	s7 =	sadd.s32 s7, s4;
	s6 =	sshll.u32 s6, $0xF;
	(pc) =	sbr.rel .LBB2_1-.Ltmp0, $4  }
0xd: {  	s30 =	sshrl.u32 s8, $0x1;
	s9 =	sor.u32 s10, s9;
	s6 =	sadd.s32 s6, s7  }
0xe: {  	s7 =	simm.s32 $0x9;
	s10 =	simm.s32 $0x2800;
	s8 =	ssub.s32 s8, s30  }
0xf: {  	s31 =	sshrl.u32 s9, $0x3;
	s6 =	sadd.s32 $0xC7A00, s6;
	s9 =	simm.s32 $0x800  }
0x10: {  	s4 =	sadd.s32 s5, s31;
	s5 =	smax.u32 s8, $0x1;
	s8 =	simm.s32 $0x40  }
.LBB2_3:
0x11: {  	_ =	swait.ge [sflag:s20], $0x2000  }
0x12: {  	[sflag:s20] =	ssyncset.done $0x0  }
0x13: {  	[sflag:s20] =	ssyncadd.s32 $0xFFFFE000  }
0x14: {  	_ =	swait.ge [sflag:s21], $0x2000  }
0x15: {  	[sflag:s21] =	ssyncset.done $0x0  }
0x16: {  	[sflag:s21] =	ssyncadd.s32 $0xFFFFE000  }
0x17: {  	_ =	swait.ge [sflag:s22], $0x2000  }
0x18: {  	[sflag:s22] =	ssyncset.done $0x0  }
0x19: {  	[sflag:s22] =	ssyncadd.s32 $0xFFFFE000  }
.LBB2_5:
0x1a: {  	s23 =	sadd.s32 $0x1, s23  }
0x1b: {  	p0 =	sne.s32 s23, s5  }
.Ltmp1:
0x1c: {  	_ = 	snop;
	(pc) =	sbr.rel @!p0 .LBB2_6-.Ltmp1, $1  }
0x1d: {  	_ =	sdelay $0x3  }
.LBB2_1:
0x1e: {  	[tilespmem:s2], [sflag:$0x9] =	stream.linear.gather [hbm4b:s4+s2], $0x800, $0x38;
	[tilespmem:$0x8800] =	vst v63  }
0x1f: {  	_ =	swait.ge [sflag:s7], $0x800  }
0x20: {  	[sflag:s7] =	ssyncset.done $0x0  }
0x21: {  	[sflag:s7] =	ssyncadd.s32 $0xFFFFF800  }
0x22: {  	[tilespmem:s9], [sflag:$0x1] =	stream.indirect.gather [hbm4b:s3+s8], $0x80, s2, s8, $0xb8;
	[tilespmem:$0x8800] =	vst v63  }
0x23: {  	_ = 	snop  }
0x24: {  	[tilespmem:s10], [sflag:$0x2] =	stream.indirect.gather [hbm4b:s3+s8], $0x80, s8, s8, $0xb8;
	[tilespmem:$0x8800] =	vst v63  }
0x25: {  	_ = 	snop  }
0x26: {  	[tilespmem:s12], [sflag:$0x3] =	stream.indirect.gather [hbm4b:s3+s8], $0x80, s11, s8, $0xb8;
	[tilespmem:$0x8800] =	vst v63  }
0x27: {  	s24 =	smov.u32 s6;
	s25 =	simm.s32 $0x0  }
0x28: {  	[tilespmem:s14], [sflag:$0x4] =	stream.indirect.gather [hbm4b:s3+s8], $0x80, s13, s8, $0xb8;
	[tilespmem:$0x8800] =	vst v63  }
.LBB2_2:
0x29: {  	_ =	swait.ge [sflag:s15], $0x2000  }
0x2a: {  	[sflag:s15] =	ssyncset.done $0x0  }
0x2b: {  	s26 =	sadd.s32 $0xFFFFF800, s24;
	[sflag:s15] =	ssyncadd.s32 $0xFFFFE000  }
0x2c: {  	[hbm4b:s26+s2] =	stream.linear.scatter [tilespmem:s9], [sflag:$0x5], $0x2000, $0x38;
	[tilespmem:$0x8800] =	vst v63  }
0x2d: {  	_ =	swait.ge [sflag:s16], $0x2000  }
0x2e: {  	[sflag:s16] =	ssyncset.done $0x0  }
0x2f: {  	s30 =	sadd.s32 $0xFFFFFC00, s24;
	[sflag:s16] =	ssyncadd.s32 $0xFFFFE000  }
0x30: {  	[hbm4b:s30+s2] =	stream.linear.scatter [tilespmem:s10], [sflag:$0x6], $0x2000, $0x38;
	[tilespmem:$0x8800] =	vst v63  }
0x31: {  	_ =	swait.ge [sflag:s17], $0x2000  }
0x32: {  	[sflag:s17] =	ssyncset.done $0x0  }
0x33: {  	[sflag:s17] =	ssyncadd.s32 $0xFFFFE000  }
0x34: {  	[hbm4b:s24+s2] =	stream.linear.scatter [tilespmem:s12], [sflag:$0x7], $0x2000, $0x38;
	[tilespmem:$0x8800] =	vst v63  }
0x35: {  	_ =	swait.ge [sflag:s18], $0x2000  }
0x36: {  	p0 =	sne.s32 s25, $0x1C00;
	[sflag:s18] =	ssyncset.done $0x0  }
.Ltmp2:
0x37: {  	s31 =	sadd.s32 $0x400, s24;
	[sflag:s18] =	ssyncadd.s32 $0xFFFFE000;
	(pc) =	sbr.rel @!p0 .LBB2_3-.Ltmp2, $4  }
0x38: {  	[hbm4b:s31+s2] =	stream.linear.scatter [tilespmem:s14], [sflag:$0x8], $0x2000, $0x38;
	[tilespmem:$0x8800] =	vst v63  }
0x39: {  	_ =	swait.ge [sflag:s19], $0x2000  }
0x3a: {  	[sflag:s19] =	ssyncset.done $0x0  }
0x3b: {  	[sflag:s19] =	ssyncadd.s32 $0xFFFFE000  }
0x3c: {  	s26 =	sshra.s32 s25, $0x2  }
0x3d: {  	s28 =	sadd.s32 $0x100, s26  }
0x3e: {  	[tilespmem:s9], [sflag:$0x1] =	stream.indirect.gather [hbm4b:s3+s8], $0x80, s28, s8, $0xb8;
	[tilespmem:$0x8800] =	vst v63  }
0x3f: {  	_ =	swait.ge [sflag:s20], $0x2000  }
0x40: {  	[sflag:s20] =	ssyncset.done $0x0  }
0x41: {  	s30 =	sadd.s32 $0x140, s26;
	[sflag:s20] =	ssyncadd.s32 $0xFFFFE000  }
0x42: {  	[tilespmem:s10], [sflag:$0x2] =	stream.indirect.gather [hbm4b:s3+s8], $0x80, s30, s8, $0xb8;
	[tilespmem:$0x8800] =	vst v63  }
0x43: {  	_ =	swait.ge [sflag:s21], $0x2000  }
0x44: {  	s25 =	sadd.s32 $0x400, s25;
	[sflag:s21] =	ssyncset.done $0x0  }
0x45: {  	s31 =	sadd.s32 $0x180, s26;
	p0 =	sne.s32 s25, $0x2000;
	[sflag:s21] =	ssyncadd.s32 $0xFFFFE000  }
0x46: {  	[tilespmem:s12], [sflag:$0x3] =	stream.indirect.gather [hbm4b:s3+s8], $0x80, s31, s8, $0xb8;
	[tilespmem:$0x8800] =	vst v63  }
.Ltmp3:
0x47: {  	_ = 	snop;
	(pc) =	sbr.rel @p0 .LBB2_2-.Ltmp3, $4  }
.Ltmp4:
0x48: {  	_ =	swait.ge [sflag:s22], $0x2000;
	(pc) =	sbr.rel @!p0 .LBB2_5-.Ltmp4, $4  }
0x49: {  	[sflag:s22] =	ssyncset.done $0x0  }
0x4a: {  	s24 =	sadd.s32 $0x1000, s24;
	s26 =	sadd.s32 $0x1C0, s26;
	[sflag:s22] =	ssyncadd.s32 $0xFFFFE000  }
0x4b: {  	[tilespmem:s14], [sflag:$0x4] =	stream.indirect.gather [hbm4b:s3+s8], $0x80, s26, s8, $0xb8;
	[tilespmem:$0x8800] =	vst v63  }
0x4c: {  	_ = 	snop  }
.LBB2_6:
0x4d: {  	_ =	sfence.sel $0x180000  }
0x4e: {  	[bflag:$0x0] =	sbarrier.arrive $0xFFFF  }
0x4f: {  	p0 =	sne.s32 s1, $0x0;
	_ =	strace $0x90000047  }
0x50: {  	s0 =	sadd.s32 @!p0 $0x100000, s0;
	[bflag:$0x2] =	sbarrier.arrive $0xFFFF  }
0x51: {  	[sflag:s0] =	ssyncadd.tile.s32 @!p0 $0x1;
	_ =	shalt  }
.Lfunc_end2:
_tile_overlayer_lowered:
.L_overlay_start_2:
0x52: {  	(tag) =	ssettag $0x2  }
0x53: {  	s0 =	rddreg [dreg:$0x0];
	s2 =	stileid.u32  }
0x54: {  	s1 =	rddreg [dreg:$0x1];
	p0 =	sne.s32 s2, $0x0  }
0x55: {  	s3 =	rddreg [dreg:$0x2];
	[bflag:$0x3] =	sbarrier.arrive $0xFFFF;
	s2 =	simm.s32 @!p0 $0x1C09  }
0x56: {  	[timem:s3], [sflag:s2] =	dma.local @!p0 [hbm:s0], s1  }
0x57: {  	s0 =	simm.s32 @!p0 $0x9  }
0x58: {  	_ =	swait.ge @!p0 [sflag:s0], s1  }
0x59: {  	s1 =	ssub.s32 @!p0 $0x0, s1;
	[sflag:s0] =	ssyncset.done @!p0 $0x0  }
0x5a: {  	[sflag:s0] =	ssyncadd.s32 @!p0 s1  }
0x5b: {  	[bflag:$0x3] =	sbarrier.arrive $0xFFFF  }
0x5c: {  	_ =	shalt  }

// kernel: kernel.18.cloned.1.call-start
scs
__scs_entry_jumppad:
0x0: {  	(pc) =	sbr.rel $0x88, $3  }
0x1: {  	(tag) =	ssettag $0x0;
	lr =	simm.s32 $0x1  }
0x2: {  	[smem:$0x3F8E] =	sst lr;
	_ =	strace $0xD0000000  }
0x3: {  	_ = 	snop  }
0x4: {  	_ = 	snop  }
0x5: {  	_ = 	snop  }
0x6: {  	_ = 	snop  }
0x7: {  	_ = 	snop  }
__scs_overlays_trampoline_lowered:
0x8: {  	[smem:$0x3F9D] =	sst s0  }
0x9: {  	[smem:$0x3F9E] =	sst s1  }
0xa: {  	[smem:$0x3F9F] =	sst s2  }
0xb: {  	[smem:$0x3FA0] =	sst s3  }
0xc: {  	[smem:$0x3FA1] =	sst s4  }
0xd: {  	[smem:$0x3FA2] =	sst s5  }
0xe: {  	[smem:$0x3FA3] =	sst s6  }
0xf: {  	[smem:$0x3FA4] =	sst s7  }
0x10: {  	[smem:$0x3FA5] =	sst s8  }
0x11: {  	[smem:$0x3FA6] =	sst s9;
	s0 =	simm.s32 @!p0 $0x0  }
0x12: {  	s1 =	sld [smem:$0x3F8C];
	s0 =	simm.s32 @p0 $0x1  }
0x13: {  	[smem:$0x3FA7] =	sst s0;
	s0 =	simm.s32 @!p1 $0x0  }
0x14: {  	s2 =	sld [smem:$0x3F8B];
	s0 =	simm.s32 @p1 $0x1  }
0x15: {  	[smem:$0x3FA8] =	sst s0;
	s0 =	simm.s32 @!p2 $0x0  }
0x16: {  	s3 =	sld [smem:$0x3FDB];
	s0 =	simm.s32 @p2 $0x1  }
0x17: {  	s4 =	simm.s32 $0x1BF5;
	[smem:$0x3FAA] =	sst s0  }
0x18: {  	s0 =	sld [smem:$0x3F8D];
	_ =	swait.ge [sflag:s4], $0x0  }
0x19: {  	s7 =	sld [smem:$0x3F8E]  }
0x1a: {  	s8 =	sadd.s32 $0xFFFFE003, lr  }
0x1b: {  	s9 =	sadd.s32 $0xFFFFFEF7, lr;
	s5 =	simm.s32 $0xFFFFFFFF;
	p2 =	slt.u32 s8, $0xFFFFF086  }
0x1c: {  	p1 =	slt.u32 s9, $0xF7A;
	s5 =	simm.s32 @!p2 $0x0  }
0x1d: {  	s5 =	simm.s32 @p1 $0x1;
	p0 =	seq.s32 s7, s2  }
0x1e: {  	s7 =	smul.u32 @!p0 $0xF7A, s2;
	p2 =	seq.s32 @!p0 s5, $0x0  }
0x1f: {  	s9 =	smul.u32 $0xF7A, s1;
	s8 =	simm.s32 @!p0 $0x1BF5;
	p2 =	por !p2, p0  }
0x20: {  	[sflag:s8] =	ssyncset.s32 @!p0 $0xFFFFF086;
	s6 =	sadd.s32 @!p0 s3, s7;
	s7 =	simm.s32 @!p0 $0x108  }
0x21: {  	s3 =	sadd.s32 s3, s9;
	s6 =	sadd.s32 @!p0 $0x88, s6;
	s7 =	simm.s32 @p2 $0x1082  }
0x22: {  	[simem:s7], [sflag:s8] =	dma.local @!p0 [hbm:s6], $0xF7A  }
0x23: {  	s9 =	sor.u32 $0xD0000000, s2;
	s6 =	simm.s32 $0x108;
	_ =	swait.ge @!p0 [sflag:s8], $0x0  }
0x24: {  	s3 =	sadd.s32 $0x88, s3;
	s6 =	simm.s32 @!p1 $0x1082;
	[sflag:s4] =	ssyncset.s32 $0xFFFFF086  }
0x25: {  	[simem:s6], [sflag:s4] =	dma.local [hbm:s3], $0xF7A  }
0x26: {  	[smem:$0x3F8E] =	sst s1;
	(tag) =	ssettag s2;
	_ =	strace s9  }
0x27: {  	s1 =	sld [smem:$0x3F9E]  }
0x28: {  	s2 =	sld [smem:$0x3F9F]  }
0x29: {  	s4 =	sld [smem:$0x3FA1]  }
0x2a: {  	p0 =	seq.s32 s5, $0x0;
	s5 =	sld [smem:$0x3FA2]  }
0x2b: {  	s6 =	sld [smem:$0x3FA3]  }
0x2c: {  	s7 =	sld [smem:$0x3FA4]  }
0x2d: {  	s3 =	simm.s32 $0x108;
	s8 =	sld [smem:$0x3FA5]  }
0x2e: {  	s3 =	simm.s32 @!p0 $0x1082;
	s9 =	sld [smem:$0x3FA6]  }
0x2f: {  	lr =	sadd.s32 s0, s3;
	s0 =	sld [smem:$0x3F9D]  }
0x30: {  	s3 =	sld [smem:$0x3FA0]  }
0x31: {  	[smem:$0x3FA9] =	sst s10  }
0x32: {  	s10 =	sld [smem:$0x3FA7];
	_ =	sdelay $0x3  }
0x33: {  	p0 =	seq.s32 s10, $0x1;
	s10 =	sld [smem:$0x3FA9];
	_ =	sdelay $0x3  }
0x34: {  	[smem:$0x3FA9] =	sst s10  }
0x35: {  	s10 =	sld [smem:$0x3FA8];
	_ =	sdelay $0x3  }
0x36: {  	p1 =	seq.s32 s10, $0x1;
	s10 =	sld [smem:$0x3FA9];
	_ =	sdelay $0x3  }
0x37: {  	[smem:$0x3FA9] =	sst s10  }
0x38: {  	s10 =	sld [smem:$0x3FAA]  }
0x39: {  	_ = 	snop;
	(pc) =	sbr.ind lr, $3  }
0x3a: {  	_ = 	snop  }
0x3b: {  	_ = 	snop  }
0x3c: {  	p2 =	seq.s32 s10, $0x1;
	s10 =	sld [smem:$0x3FA9]  }
0x3d: {  	_ =	shalt  }
0x3e: {  	_ =	shalt  }
0x3f: {  	_ =	shalt  }
0x40: {  	_ =	shalt  }
0x41: {  	_ =	shalt  }
0x42: {  	_ =	shalt  }
0x43: {  	_ =	shalt  }
0x44: {  	_ =	shalt  }
0x45: {  	_ =	shalt  }
0x46: {  	_ =	shalt  }
0x47: {  	_ =	shalt  }
0x48: {  	_ =	shalt  }
0x49: {  	_ =	shalt  }
0x4a: {  	_ =	shalt  }
0x4b: {  	_ =	shalt  }
0x4c: {  	_ =	shalt  }
0x4d: {  	_ =	shalt  }
0x4e: {  	_ =	shalt  }
0x4f: {  	_ =	shalt  }
0x50: {  	_ =	shalt  }
0x51: {  	_ =	shalt  }
0x52: {  	_ =	shalt  }
0x53: {  	_ =	shalt  }
0x54: {  	_ =	shalt  }
0x55: {  	_ =	shalt  }
0x56: {  	_ =	shalt  }
0x57: {  	_ =	shalt  }
0x58: {  	_ =	shalt  }
0x59: {  	_ =	shalt  }
0x5a: {  	_ =	shalt  }
0x5b: {  	_ =	shalt  }
0x5c: {  	_ =	shalt  }
0x5d: {  	_ =	shalt  }
0x5e: {  	_ =	shalt  }
0x5f: {  	_ =	shalt  }
0x60: {  	_ =	shalt  }
0x61: {  	_ =	shalt  }
0x62: {  	_ =	shalt  }
0x63: {  	_ =	shalt  }
0x64: {  	_ =	shalt  }
0x65: {  	_ =	shalt  }
0x66: {  	_ =	shalt  }
0x67: {  	_ =	shalt  }
0x68: {  	_ =	shalt  }
0x69: {  	_ =	shalt  }
0x6a: {  	_ =	shalt  }
0x6b: {  	_ =	shalt  }
0x6c: {  	_ =	shalt  }
0x6d: {  	_ =	shalt  }
0x6e: {  	_ =	shalt  }
0x6f: {  	_ =	shalt  }
0x70: {  	_ =	shalt  }
0x71: {  	_ =	shalt  }
0x72: {  	_ =	shalt  }
0x73: {  	_ =	shalt  }
0x74: {  	_ =	shalt  }
0x75: {  	_ =	shalt  }
0x76: {  	_ =	shalt  }
0x77: {  	_ =	shalt  }
0x78: {  	_ =	shalt  }
0x79: {  	_ =	shalt  }
0x7a: {  	_ =	shalt  }
0x7b: {  	_ =	shalt  }
0x7c: {  	_ =	shalt  }
0x7d: {  	_ =	shalt  }
0x7e: {  	_ =	shalt  }
0x7f: {  	_ =	shalt  }
0x80: {  	_ =	shalt  }
0x81: {  	_ =	shalt  }
0x82: {  	_ =	shalt  }
0x83: {  	_ =	shalt  }
0x84: {  	_ =	shalt  }
0x85: {  	_ =	shalt  }
0x86: {  	_ =	shalt  }
0x87: {  	_ =	shalt  }
.Lfunc_end0:
.L_simem_size_0:
called_computation.1_lowered:
.L_overlay_start_0:
0x88: {  	s2 =	sld [smem:$0x3FD9]  }
0x89: {  	s3 =	sld [smem:$0x3FFE];
	_ =	sdelay $0x1  }
0x8a: {  	s1 =	srdreg.scid  }
0x8b: {  	s0 =	sand.u32 $0x1, s1  }
0x8c: {  	s16 =	sshll.u32 s0, $0xA;
	s2 =	sadd.s32 s3, s2  }
0x8d: {  	s2 =	sadd.s32 s2, s16  }
0x8e: {  	[smem:$0x3FB5] =	sst s2  }
0x8f: {  	_ = 	snop  }
0x90: {  	(tm) =	ssettm $0x1  }
0x91: {  	s17 =	sld [smem:$0x3FFB];
	_ =	sdelay $0x3  }
0x92: {  	_ =	strace s17  }
0x93: {  	s2 =	sld [smem:$0x3FFC];
	_ =	sdelay $0x3  }
0x94: {  	_ =	strace s2  }
0x95: {  	s2 =	sld [smem:$0x3FFD];
	_ =	sdelay $0x3  }
0x96: {  	_ =	strace s2  }
0x97: {  	_ =	strace $0x8FFFFFFF  }
0x98: {  	s18 =	sld [smem:$0x3FDB];
	_ =	sdelay $0x1  }
0x99: {  	s19 =	simm.s32 $_scs_section_size  }
0x9a: {  	s4 =	simm.s32 $_size__tile_overlayer_lowered;
	s5 =	simm.s32 $_tile_overlayer_lowered  }
0x9b: {  	s22 =	simm.s32 $0x1BFF;
	s21 =	sshll.u32 s5, $0x1;
	s2 =	sadd.s32 s19, s18  }
0x9c: {  	s6 =	simm.s32 $0x0;
	s20 =	sshll.u32 s4, $0x1;
	s4 =	sadd.s32 s21, s2  }
0x9d: {  	[timem:s6], [sflag:s22] =	dma.local [hbm:s4], s20  }
0x9e: {  	_ =	swait.ge [sflag:s22], s20  }
0x9f: {  	s3 =	ssub.s32 $0x0, s20;
	[sflag:s22] =	ssyncset.done $0x0  }
0xa0: {  	[sflag:s22] =	ssyncadd.s32 s3;
	_ =	sdelay $0x1  }
0xa1: {  	s23 =	simm.s32 $0x1B8B  }
0xa2: {  	_ =	swait.ge [sflag:s23], $0x1  }
0xa3: {  	[sflag:s23] =	ssyncset.done $0x0  }
0xa4: {  	s25 =	simm.s32 $0x1B8E;
	s24 =	sld [smem:$0x3FFE];
	[sflag:s23] =	ssyncadd.s32 $0xFFFFFFFF  }
0xa5: {  	s26 =	simm.s32 $execute0_lowered;
	[smem:$0x3FD2] =	sst s25  }
0xa6: {  	s4 =	sshll.u32 s26, $0x1;
	_ =	strace $0x80000049;
	[dreg:$0x1] =	wrdreg $0xFFFFFFFF  }
0xa7: {  	s28 =	simm.s32 $_size_execute0_lowered;
	s2 =	sadd.s32 s2, s4;
	[dreg:$0x0] =	wrdreg $0x0  }
0xa8: {  	s4 =	sshll.u32 s28, $0x1;
	[dreg:$0x2] =	wrdreg s2  }
0xa9: {  	[dreg:$0x3] =	wrdreg s4  }
0xaa: {  	[dreg:$0x4] =	wrdreg $0xC0  }
0xab: {  	_ =	task [dreg:s6], $0x5FFFF  }
0xac: {  	[dreg:$0x1] =	wrdreg $0xFFFFFFFF  }
0xad: {  	[dreg:$0x0] =	wrdreg $0x60  }
0xae: {  	[dreg:$0x2] =	wrdreg s24  }
0xaf: {  	[dreg:$0x3] =	wrdreg $0x9  }
0xb0: {  	_ =	task.clear_ibuf [dreg:s6], $0x4FFFF;
	_ =	strace $0x90000049  }
0xb1: {  	s29 =	simm.s32 $0x9;
	_ =	strace $0x8000004B  }
0xb2: {  	_ =	swait.ge [sflag:s29], $0x1  }
0xb3: {  	[sflag:s29] =	ssyncadd.s32 $0xFFFFFFFF  }
0xb4: {  	_ =	strace $0x9000004B  }
0xb5: {  	_ =	sfence  }
0xb6: {  	s30 =	sld [smem:$0x0];
	_ =	sdelay $0x2  }
0xb7: {  	s31 =	sshll.u32 s1, $0xD;
	s1 =	sshrl.u32 s1, $0x2  }
0xb8: {  	s3 =	sand.u32 $0x4000, s31;
	s1 =	sadd.s32 s1, s30  }
0xb9: {  	s0 =	sor.u32 s3, s0;
	s1 =	sshll.u32 s1, $0x11  }
0xba: {  	s0 =	sor.u32 s1, s0  }
0xbb: {  	s0 =	sadd.s32 $0x8F2B, s0  }
0xbc: {  	[sflag:s0] =	ssyncadd.remote.s32 $0x1  }
0xbd: {  	_ =	sfence.sel $0xFFFF  }
0xbe: {  	[dreg:$0x0] =	wrdreg $0xFFFFFFFF;
	(pc) =	sbr.abs _section_cstart, $3  }
0xbf: {  	[dreg:$0x1] =	wrdreg $0xFFFFFFFF  }
0xc0: {  	_ =	task.clear_ibuf [dreg:s6], $0x2FFFF;
	_ =	strace $0x9FFFFFFF  }
0xc1: {  	(tm) =	ssettm $0x7FFFFFFF  }
tec
execute0_lowered:
.L_overlay_start_1:
0x0: {  	(tag) =	ssettag $0x1  }
0x1: {  	s0 =	srdreg.scid  }
0x2: {  	s1 =	stileid.u32;
	s4 =	rddreg [dreg:$0x0];
	s9 =	simm.s32 $0x400  }
0x3: {  	s25 =	simm.s32 $0x6400;
	s15 =	simm.s32 $0xC400;
	s11 =	simm.s32 $0x14400  }
0x4: {  	s12 =	simm.s32 $0x14800;
	s13 =	simm.s32 $0x15000;
	s14 =	simm.s32 $0x15400  }
0x5: {  	s16 =	simm.s32 $0x15C00;
	s17 =	simm.s32 $0x16000;
	s18 =	simm.s32 $0x16800  }
0x6: {  	s19 =	simm.s32 $0x16C00;
	s20 =	simm.s32 $0x17400;
	s21 =	simm.s32 $0x17800  }
0x7: {  	s22 =	simm.s32 $0x18000;
	s23 =	simm.s32 $0x1;
	s24 =	simm.s32 $0x2  }
0x8: {  	s26 =	simm.s32 $0x3;
	s28 =	simm.s32 $0x4;
	s29 =	simm.s32 $0x5  }
0x9: {  	s30 =	simm.s32 $0x6;
	s31 =	simm.s32 $0x7;
	s0 =	sand.u32 $0x1, s0  }
0xa: {  	s1 =	sshll.u32 s1, $0xB;
	s3 =	sadd.s32 $0x27200, s4;
	s2 =	sshll.u32 s0, $0xA  }
0xb: {  	s0 =	ssub.s32 $0x2, s0;
	s1 =	sor.u32 s2, s1;
	s2 =	simm.s32 $0x0  }
0xc: {  	s6 =	sshrl.u32 s0, $0x1;
	s1 =	sshrl.u32 s1, $0x3;
	[smem:$0x7FF] =	sst s2  }
.Ltmp0:
0xd: {  	s0 =	ssub.s32 s0, s6;
	s6 =	simm.s32 $0x0;
	(pc) =	sbr.rel .LBB2_1-.Ltmp0, $4  }
0xe: {  	s5 =	smul.u32 $0x180, s1;
	s1 =	sadd.s32 s1, s4;
	s0 =	smax.u32 s0, $0x1  }
0xf: {  	v2 =	vlaneseq.u32;
	_ =	strace $0x8000004A;
	s1 =	sadd.s32 $0x1C9200, s1;
	[dreg:$0x3] =	wrdreg s0  }
0x10: {  	vm0 =	vmmov $0xffff;
	vm1 =	vmmov $0xff;
	v1 =	vshrl.u32 v2, $0x3;
	s0 =	simm.s32 $0x12400;
	s7 =	sadd.s32 s5, s4;
	[dreg:$0x2] =	wrdreg s1  }
0x11: {  	v0 =	vand.u32 $0x7, v2;
	v2 =	vor.u32 $0x8, v2;
	v1 =	vmul.u32 $0x8, v1;
	s5 =	sadd.s32 $0x27300, s4;
	s1 =	simm.s32 $0x8;
	s7 =	sadd.s32 $0x1CA200, s7  }
.LBB2_3:
0x12: {  	_ =	swait.ge [sflag:s30], $0x6000  }
0x13: {  	[sflag:s30] =	ssyncset.done $0x0  }
0x14: {  	[sflag:s30] =	ssyncadd.s32 $0xFFFFA000  }
0x15: {  	_ =	swait.ge [sflag:s31], $0x6000  }
0x16: {  	[sflag:s31] =	ssyncset.done $0x0  }
0x17: {  	[sflag:s31] =	ssyncadd.s32 $0xFFFFA000  }
0x18: {  	_ =	swait.ge [sflag:s1], $0x6000  }
0x19: {  	[sflag:s1] =	ssyncset.done $0x0  }
0x1a: {  	[sflag:s1] =	ssyncadd.s32 $0xFFFFA000  }
.LBB2_5:
0x1b: {  	s6 =	rddreg [dreg:$0x4]  }
0x1c: {  	s4 =	rddreg [dreg:$0x3];
	s6 =	sadd.s32 $0x1, s6  }
0x1d: {  	p0 =	sne.s32 s6, s4  }
.Ltmp1:
0x1e: {  	_ = 	snop;
	(pc) =	sbr.rel @!p0 .LBB2_6-.Ltmp1, $1  }
0x1f: {  	_ =	sdelay $0x3  }
.LBB2_1:
0x20: {  	[dreg:$0x4] =	wrdreg s6  }
0x21: {  	s4 =	rddreg [dreg:$0x2];
	s8 =	simm.s32 $0x9  }
0x22: {  	[tilespmem:s2], [sflag:$0x9] =	stream.linear.gather [hbm4b:s4+s2], $0x400, $0x38;
	[tilespmem:$0x18400] =	vst v63  }
0x23: {  	_ =	swait.ge [sflag:s8], $0x400  }
0x24: {  	[sflag:s8] =	ssyncset.done $0x0  }
0x25: {  	[sflag:s8] =	ssyncadd.s32 $0xFFFFFC00  }
0x26: {  	v3 =	vld [tilespmem:$0x0];
	_ =	sdelay $0x4  }
0x27: {  	v4 =	vshrl.u32 v3, $0x3  }
0x28: {  	v4 =	vmul.u32 $0x18, v4  }
0x29: {  	v3 =	vand.u32 $0x7, v3  }
0x2a: {  	v3 =	vor.u32 v3, v4  }
0x2b: {  	v4 =	vperm.xlane v3, v0;
	_ =	sdelay $0x1  }
0x2c: {  	v4 =	vadd.s32 v1, v4;
	_ =	sdelay $0x1  }
0x2d: {  	v3 =	vperm.xlane v3, v2;
	_ =	sdelay $0x1  }
0x2e: {  	v3 =	vadd.s32 v1, v3  }
0x2f: {  	[tilespmem:s9], [sflag:$0x1] =	stream.indirect_vreg.gather [hbm4b:s3+s2], $0x80, v4, vm0, $0xb8;
	[tilespmem:$0x18400] =	vst v63  }
0x30: {  	s10 =	simm.s32 $0xC00  }
0x31: {  	[tilespmem:s10], [sflag:$0x1] =	stream.indirect_vreg.gather [hbm4b:s5+s2], $0x80, v4, vm1, $0xb8;
	[tilespmem:$0x18400] =	vst v63  }
0x32: {  	s6 =	simm.s32 $0x1000  }
0x33: {  	[tilespmem:s6], [sflag:$0x1] =	stream.indirect_vreg.gather [hbm4b:s3+s2], $0x80, v3, vm0, $0xb8;
	[tilespmem:$0x18400] =	vst v63  }
0x34: {  	s8 =	simm.s32 $0x1800  }
0x35: {  	[tilespmem:s8], [sflag:$0x1] =	stream.indirect_vreg.gather [hbm4b:s5+s2], $0x80, v3, vm1, $0xb8;
	[tilespmem:$0x18400] =	vst v63  }
0x36: {  	v3 =	vld [tilespmem:$0x10];
	_ =	sdelay $0x4  }
0x37: {  	v49 =	vshrl.u32 v3, $0x3  }
0x38: {  	v4 =	vmul.u32 $0x18, v49  }
0x39: {  	v3 =	vand.u32 $0x7, v3  }
0x3a: {  	v3 =	vor.u32 v3, v4  }
0x3b: {  	v4 =	vperm.xlane v3, v0;
	_ =	sdelay $0x1  }
0x3c: {  	v4 =	vadd.s32 v1, v4;
	_ =	sdelay $0x1  }
0x3d: {  	v3 =	vperm.xlane v3, v2;
	_ =	sdelay $0x1  }
0x3e: {  	s10 =	simm.s32 $0x1C00;
	v3 =	vadd.s32 v1, v3  }
0x3f: {  	[tilespmem:s10], [sflag:$0x1] =	stream.indirect_vreg.gather [hbm4b:s3+s2], $0x80, v4, vm0, $0xb8;
	[tilespmem:$0x18400] =	vst v63  }
0x40: {  	s6 =	simm.s32 $0x2400  }
0x41: {  	[tilespmem:s6], [sflag:$0x1] =	stream.indirect_vreg.gather [hbm4b:s5+s2], $0x80, v4, vm1, $0xb8;
	[tilespmem:$0x18400] =	vst v63  }
0x42: {  	s8 =	simm.s32 $0x2800  }
0x43: {  	[tilespmem:s8], [sflag:$0x1] =	stream.indirect_vreg.gather [hbm4b:s3+s2], $0x80, v3, vm0, $0xb8;
	[tilespmem:$0x18400] =	vst v63  }
0x44: {  	s10 =	simm.s32 $0x3000  }
0x45: {  	[tilespmem:s10], [sflag:$0x1] =	stream.indirect_vreg.gather [hbm4b:s5+s2], $0x80, v3, vm1, $0xb8;
	[tilespmem:$0x18400] =	vst v63  }
0x46: {  	v3 =	vld [tilespmem:$0x20];
	_ =	sdelay $0x4  }
0x47: {  	v50 =	vshrl.u32 v3, $0x3  }
0x48: {  	v4 =	vmul.u32 $0x18, v50  }
0x49: {  	v3 =	vand.u32 $0x7, v3  }
0x4a: {  	v3 =	vor.u32 v3, v4  }
0x4b: {  	v4 =	vperm.xlane v3, v0;
	_ =	sdelay $0x1  }
0x4c: {  	v4 =	vadd.s32 v1, v4;
	_ =	sdelay $0x1  }
0x4d: {  	v3 =	vperm.xlane v3, v2;
	_ =	sdelay $0x1  }
0x4e: {  	s6 =	simm.s32 $0x3400;
	v3 =	vadd.s32 v1, v3  }
0x4f: {  	[tilespmem:s6], [sflag:$0x1] =	stream.indirect_vreg.gather [hbm4b:s3+s2], $0x80, v4, vm0, $0xb8;
	[tilespmem:$0x18400] =	vst v63  }
0x50: {  	s8 =	simm.s32 $0x3C00  }
0x51: {  	[tilespmem:s8], [sflag:$0x1] =	stream.indirect_vreg.gather [hbm4b:s5+s2], $0x80, v4, vm1, $0xb8;
	[tilespmem:$0x18400] =	vst v63  }
0x52: {  	s10 =	simm.s32 $0x4000  }
0x53: {  	[tilespmem:s10], [sflag:$0x1] =	stream.indirect_vreg.gather [hbm4b:s3+s2], $0x80, v3, vm0, $0xb8;
	[tilespmem:$0x18400] =	vst v63  }
0x54: {  	s6 =	simm.s32 $0x4800  }
0x55: {  	[tilespmem:s6], [sflag:$0x1] =	stream.indirect_vreg.gather [hbm4b:s5+s2], $0x80, v3, vm1, $0xb8;
	[tilespmem:$0x18400] =	vst v63  }
0x56: {  	v3 =	vld [tilespmem:$0x30];
	_ =	sdelay $0x4  }
0x57: {  	v51 =	vshrl.u32 v3, $0x3  }
0x58: {  	v4 =	vmul.u32 $0x18, v51  }
0x59: {  	v3 =	vand.u32 $0x7, v3  }
0x5a: {  	v3 =	vor.u32 v3, v4  }
0x5b: {  	v4 =	vperm.xlane v3, v0;
	_ =	sdelay $0x1  }
0x5c: {  	v4 =	vadd.s32 v1, v4;
	_ =	sdelay $0x1  }
0x5d: {  	v3 =	vperm.xlane v3, v2;
	_ =	sdelay $0x1  }
0x5e: {  	s8 =	simm.s32 $0x4C00;
	v3 =	vadd.s32 v1, v3  }
0x5f: {  	[tilespmem:s8], [sflag:$0x1] =	stream.indirect_vreg.gather [hbm4b:s3+s2], $0x80, v4, vm0, $0xb8;
	[tilespmem:$0x18400] =	vst v63  }
0x60: {  	s10 =	simm.s32 $0x5400  }
0x61: {  	[tilespmem:s10], [sflag:$0x1] =	stream.indirect_vreg.gather [hbm4b:s5+s2], $0x80, v4, vm1, $0xb8;
	[tilespmem:$0x18400] =	vst v63  }
0x62: {  	s6 =	simm.s32 $0x5800  }
0x63: {  	[tilespmem:s6], [sflag:$0x1] =	stream.indirect_vreg.gather [hbm4b:s3+s2], $0x80, v3, vm0, $0xb8;
	[tilespmem:$0x18400] =	vst v63  }
0x64: {  	s8 =	simm.s32 $0x6000  }
0x65: {  	[tilespmem:s8], [sflag:$0x1] =	stream.indirect_vreg.gather [hbm4b:s5+s2], $0x80, v3, vm1, $0xb8;
	[tilespmem:$0x18400] =	vst v63  }
0x66: {  	v3 =	vld [tilespmem:$0x40];
	_ =	sdelay $0x4  }
0x67: {  	v52 =	vshrl.u32 v3, $0x3  }
0x68: {  	v4 =	vmul.u32 $0x18, v52  }
0x69: {  	v3 =	vand.u32 $0x7, v3  }
0x6a: {  	v3 =	vor.u32 v3, v4  }
0x6b: {  	v4 =	vperm.xlane v3, v0;
	_ =	sdelay $0x1  }
0x6c: {  	v4 =	vadd.s32 v1, v4;
	_ =	sdelay $0x1  }
0x6d: {  	v3 =	vperm.xlane v3, v2;
	_ =	sdelay $0x1  }
0x6e: {  	v3 =	vadd.s32 v1, v3  }
0x6f: {  	[tilespmem:s25], [sflag:$0x2] =	stream.indirect_vreg.gather [hbm4b:s3+s2], $0x80, v4, vm0, $0xb8;
	[tilespmem:$0x18400] =	vst v63  }
0x70: {  	s10 =	simm.s32 $0x6C00  }
0x71: {  	[tilespmem:s10], [sflag:$0x2] =	stream.indirect_vreg.gather [hbm4b:s5+s2], $0x80, v4, vm1, $0xb8;
	[tilespmem:$0x18400] =	vst v63  }
0x72: {  	s6 =	simm.s32 $0x7000  }
0x73: {  	[tilespmem:s6], [sflag:$0x2] =	stream.indirect_vreg.gather [hbm4b:s3+s2], $0x80, v3, vm0, $0xb8;
	[tilespmem:$0x18400] =	vst v63  }
0x74: {  	s8 =	simm.s32 $0x7800  }
0x75: {  	[tilespmem:s8], [sflag:$0x2] =	stream.indirect_vreg.gather [hbm4b:s5+s2], $0x80, v3, vm1, $0xb8;
	[tilespmem:$0x18400] =	vst v63  }
0x76: {  	v3 =	vld [tilespmem:$0x50];
	_ =	sdelay $0x4  }
0x77: {  	v53 =	vshrl.u32 v3, $0x3  }
0x78: {  	v4 =	vmul.u32 $0x18, v53  }
0x79: {  	v3 =	vand.u32 $0x7, v3  }
0x7a: {  	v3 =	vor.u32 v3, v4  }
0x7b: {  	v4 =	vperm.xlane v3, v0;
	_ =	sdelay $0x1  }
0x7c: {  	v4 =	vadd.s32 v1, v4;
	_ =	sdelay $0x1  }
0x7d: {  	v3 =	vperm.xlane v3, v2;
	_ =	sdelay $0x1  }
0x7e: {  	s10 =	simm.s32 $0x7C00;
	v3 =	vadd.s32 v1, v3  }
0x7f: {  	[tilespmem:s10], [sflag:$0x2] =	stream.indirect_vreg.gather [hbm4b:s3+s2], $0x80, v4, vm0, $0xb8;
	[tilespmem:$0x18400] =	vst v63  }
0x80: {  	s6 =	simm.s32 $0x8400  }
0x81: {  	[tilespmem:s6], [sflag:$0x2] =	stream.indirect_vreg.gather [hbm4b:s5+s2], $0x80, v4, vm1, $0xb8;
	[tilespmem:$0x18400] =	vst v63  }
0x82: {  	s8 =	simm.s32 $0x8800  }
0x83: {  	[tilespmem:s8], [sflag:$0x2] =	stream.indirect_vreg.gather [hbm4b:s3+s2], $0x80, v3, vm0, $0xb8;
	[tilespmem:$0x18400] =	vst v63  }
0x84: {  	s10 =	simm.s32 $0x9000  }
0x85: {  	[tilespmem:s10], [sflag:$0x2] =	stream.indirect_vreg.gather [hbm4b:s5+s2], $0x80, v3, vm1, $0xb8;
	[tilespmem:$0x18400] =	vst v63  }
0x86: {  	v3 =	vld [tilespmem:$0x60];
	_ =	sdelay $0x4  }
0x87: {  	v54 =	vshrl.u32 v3, $0x3  }
0x88: {  	v4 =	vmul.u32 $0x18, v54  }
0x89: {  	v3 =	vand.u32 $0x7, v3  }
0x8a: {  	v3 =	vor.u32 v3, v4  }
0x8b: {  	v4 =	vperm.xlane v3, v0;
	_ =	sdelay $0x1  }
0x8c: {  	v4 =	vadd.s32 v1, v4;
	_ =	sdelay $0x1  }
0x8d: {  	v3 =	vperm.xlane v3, v2;
	_ =	sdelay $0x1  }
0x8e: {  	s6 =	simm.s32 $0x9400;
	v3 =	vadd.s32 v1, v3  }
0x8f: {  	[tilespmem:s6], [sflag:$0x2] =	stream.indirect_vreg.gather [hbm4b:s3+s2], $0x80, v4, vm0, $0xb8;
	[tilespmem:$0x18400] =	vst v63  }
0x90: {  	s8 =	simm.s32 $0x9C00  }
0x91: {  	[tilespmem:s8], [sflag:$0x2] =	stream.indirect_vreg.gather [hbm4b:s5+s2], $0x80, v4, vm1, $0xb8;
	[tilespmem:$0x18400] =	vst v63  }
0x92: {  	s10 =	simm.s32 $0xA000  }
0x93: {  	[tilespmem:s10], [sflag:$0x2] =	stream.indirect_vreg.gather [hbm4b:s3+s2], $0x80, v3, vm0, $0xb8;
	[tilespmem:$0x18400] =	vst v63  }
0x94: {  	s6 =	simm.s32 $0xA800  }
0x95: {  	[tilespmem:s6], [sflag:$0x2] =	stream.indirect_vreg.gather [hbm4b:s5+s2], $0x80, v3, vm1, $0xb8;
	[tilespmem:$0x18400] =	vst v63  }
0x96: {  	v3 =	vld [tilespmem:$0x70];
	_ =	sdelay $0x4  }
0x97: {  	v55 =	vshrl.u32 v3, $0x3  }
0x98: {  	v4 =	vmul.u32 $0x18, v55  }
0x99: {  	v3 =	vand.u32 $0x7, v3  }
0x9a: {  	v3 =	vor.u32 v3, v4  }
0x9b: {  	v4 =	vperm.xlane v3, v0;
	_ =	sdelay $0x1  }
0x9c: {  	v4 =	vadd.s32 v1, v4;
	_ =	sdelay $0x1  }
0x9d: {  	v3 =	vperm.xlane v3, v2;
	_ =	sdelay $0x1  }
0x9e: {  	s8 =	simm.s32 $0xAC00;
	v3 =	vadd.s32 v1, v3  }
0x9f: {  	[tilespmem:s8], [sflag:$0x2] =	stream.indirect_vreg.gather [hbm4b:s3+s2], $0x80, v4, vm0, $0xb8;
	[tilespmem:$0x18400] =	vst v63  }
0xa0: {  	s10 =	simm.s32 $0xB400  }
0xa1: {  	[tilespmem:s10], [sflag:$0x2] =	stream.indirect_vreg.gather [hbm4b:s5+s2], $0x80, v4, vm1, $0xb8;
	[tilespmem:$0x18400] =	vst v63  }
0xa2: {  	s6 =	simm.s32 $0xB800  }
0xa3: {  	[tilespmem:s6], [sflag:$0x2] =	stream.indirect_vreg.gather [hbm4b:s3+s2], $0x80, v3, vm0, $0xb8;
	[tilespmem:$0x18400] =	vst v63  }
0xa4: {  	s8 =	simm.s32 $0xC000  }
0xa5: {  	[tilespmem:s8], [sflag:$0x2] =	stream.indirect_vreg.gather [hbm4b:s5+s2], $0x80, v3, vm1, $0xb8;
	[tilespmem:$0x18400] =	vst v63  }
0xa6: {  	v3 =	vld [tilespmem:$0x80];
	_ =	sdelay $0x4  }
0xa7: {  	v56 =	vshrl.u32 v3, $0x3  }
0xa8: {  	v4 =	vmul.u32 $0x18, v56  }
0xa9: {  	v3 =	vand.u32 $0x7, v3  }
0xaa: {  	v3 =	vor.u32 v3, v4  }
0xab: {  	v4 =	vperm.xlane v3, v0;
	_ =	sdelay $0x1  }
0xac: {  	v4 =	vadd.s32 v1, v4;
	_ =	sdelay $0x1  }
0xad: {  	v3 =	vperm.xlane v3, v2;
	_ =	sdelay $0x1  }
0xae: {  	v3 =	vadd.s32 v1, v3  }
0xaf: {  	[tilespmem:s15], [sflag:$0x3] =	stream.indirect_vreg.gather [hbm4b:s3+s2], $0x80, v4, vm0, $0xb8;
	[tilespmem:$0x18400] =	vst v63  }
0xb0: {  	s10 =	simm.s32 $0xCC00  }
0xb1: {  	[tilespmem:s10], [sflag:$0x3] =	stream.indirect_vreg.gather [hbm4b:s5+s2], $0x80, v4, vm1, $0xb8;
	[tilespmem:$0x18400] =	vst v63  }
0xb2: {  	s6 =	simm.s32 $0xD000  }
0xb3: {  	[tilespmem:s6], [sflag:$0x3] =	stream.indirect_vreg.gather [hbm4b:s3+s2], $0x80, v3, vm0, $0xb8;
	[tilespmem:$0x18400] =	vst v63  }
0xb4: {  	s8 =	simm.s32 $0xD800  }
0xb5: {  	[tilespmem:s8], [sflag:$0x3] =	stream.indirect_vreg.gather [hbm4b:s5+s2], $0x80, v3, vm1, $0xb8;
	[tilespmem:$0x18400] =	vst v63  }
0xb6: {  	v3 =	vld [tilespmem:$0x90];
	_ =	sdelay $0x4  }
0xb7: {  	v57 =	vshrl.u32 v3, $0x3  }
0xb8: {  	v4 =	vmul.u32 $0x18, v57  }
0xb9: {  	v3 =	vand.u32 $0x7, v3  }
0xba: {  	v3 =	vor.u32 v3, v4  }
0xbb: {  	v4 =	vperm.xlane v3, v0;
	_ =	sdelay $0x1  }
0xbc: {  	v4 =	vadd.s32 v1, v4;
	_ =	sdelay $0x1  }
0xbd: {  	v3 =	vperm.xlane v3, v2;
	_ =	sdelay $0x1  }
0xbe: {  	s10 =	simm.s32 $0xDC00;
	v3 =	vadd.s32 v1, v3  }
0xbf: {  	[tilespmem:s10], [sflag:$0x3] =	stream.indirect_vreg.gather [hbm4b:s3+s2], $0x80, v4, vm0, $0xb8;
	[tilespmem:$0x18400] =	vst v63  }
0xc0: {  	s6 =	simm.s32 $0xE400  }
0xc1: {  	[tilespmem:s6], [sflag:$0x3] =	stream.indirect_vreg.gather [hbm4b:s5+s2], $0x80, v4, vm1, $0xb8;
	[tilespmem:$0x18400] =	vst v63  }
0xc2: {  	s8 =	simm.s32 $0xE800  }
0xc3: {  	[tilespmem:s8], [sflag:$0x3] =	stream.indirect_vreg.gather [hbm4b:s3+s2], $0x80, v3, vm0, $0xb8;
	[tilespmem:$0x18400] =	vst v63  }
0xc4: {  	s10 =	simm.s32 $0xF000  }
0xc5: {  	[tilespmem:s10], [sflag:$0x3] =	stream.indirect_vreg.gather [hbm4b:s5+s2], $0x80, v3, vm1, $0xb8;
	[tilespmem:$0x18400] =	vst v63  }
0xc6: {  	v3 =	vld [tilespmem:$0xA0];
	_ =	sdelay $0x4  }
0xc7: {  	v58 =	vshrl.u32 v3, $0x3  }
0xc8: {  	v4 =	vmul.u32 $0x18, v58  }
0xc9: {  	v3 =	vand.u32 $0x7, v3  }
0xca: {  	v3 =	vor.u32 v3, v4  }
0xcb: {  	v4 =	vperm.xlane v3, v0;
	_ =	sdelay $0x1  }
0xcc: {  	v4 =	vadd.s32 v1, v4;
	_ =	sdelay $0x1  }
0xcd: {  	v3 =	vperm.xlane v3, v2;
	_ =	sdelay $0x1  }
0xce: {  	s6 =	simm.s32 $0xF400;
	v3 =	vadd.s32 v1, v3  }
0xcf: {  	[tilespmem:s6], [sflag:$0x3] =	stream.indirect_vreg.gather [hbm4b:s3+s2], $0x80, v4, vm0, $0xb8;
	[tilespmem:$0x18400] =	vst v63  }
0xd0: {  	s8 =	simm.s32 $0xFC00  }
0xd1: {  	[tilespmem:s8], [sflag:$0x3] =	stream.indirect_vreg.gather [hbm4b:s5+s2], $0x80, v4, vm1, $0xb8;
	[tilespmem:$0x18400] =	vst v63  }
0xd2: {  	s10 =	simm.s32 $0x10000  }
0xd3: {  	[tilespmem:s10], [sflag:$0x3] =	stream.indirect_vreg.gather [hbm4b:s3+s2], $0x80, v3, vm0, $0xb8;
	[tilespmem:$0x18400] =	vst v63  }
0xd4: {  	s6 =	simm.s32 $0x10800  }
0xd5: {  	[tilespmem:s6], [sflag:$0x3] =	stream.indirect_vreg.gather [hbm4b:s5+s2], $0x80, v3, vm1, $0xb8;
	[tilespmem:$0x18400] =	vst v63  }
0xd6: {  	v3 =	vld [tilespmem:$0xB0];
	_ =	sdelay $0x4  }
0xd7: {  	v59 =	vshrl.u32 v3, $0x3  }
0xd8: {  	v4 =	vmul.u32 $0x18, v59  }
0xd9: {  	v3 =	vand.u32 $0x7, v3  }
0xda: {  	v3 =	vor.u32 v3, v4  }
0xdb: {  	v4 =	vperm.xlane v3, v0;
	_ =	sdelay $0x1  }
0xdc: {  	v4 =	vadd.s32 v1, v4;
	_ =	sdelay $0x1  }
0xdd: {  	v3 =	vperm.xlane v3, v2;
	_ =	sdelay $0x1  }
0xde: {  	s8 =	simm.s32 $0x10C00;
	v3 =	vadd.s32 v1, v3  }
0xdf: {  	[tilespmem:s8], [sflag:$0x3] =	stream.indirect_vreg.gather [hbm4b:s3+s2], $0x80, v4, vm0, $0xb8;
	[tilespmem:$0x18400] =	vst v63  }
0xe0: {  	s10 =	simm.s32 $0x11400  }
0xe1: {  	[tilespmem:s10], [sflag:$0x3] =	stream.indirect_vreg.gather [hbm4b:s5+s2], $0x80, v4, vm1, $0xb8;
	[tilespmem:$0x18400] =	vst v63  }
0xe2: {  	s6 =	simm.s32 $0x11800  }
0xe3: {  	[tilespmem:s6], [sflag:$0x3] =	stream.indirect_vreg.gather [hbm4b:s3+s2], $0x80, v3, vm0, $0xb8;
	[tilespmem:$0x18400] =	vst v63  }
0xe4: {  	s8 =	simm.s32 $0x12000  }
0xe5: {  	[tilespmem:s8], [sflag:$0x3] =	stream.indirect_vreg.gather [hbm4b:s5+s2], $0x80, v3, vm1, $0xb8;
	[tilespmem:$0x18400] =	vst v63  }
0xe6: {  	v3 =	vld [tilespmem:$0xC0];
	_ =	sdelay $0x4  }
0xe7: {  	v60 =	vshrl.u32 v3, $0x3  }
0xe8: {  	v4 =	vmul.u32 $0x18, v60  }
0xe9: {  	v3 =	vand.u32 $0x7, v3  }
0xea: {  	v3 =	vor.u32 v3, v4  }
0xeb: {  	v4 =	vperm.xlane v3, v0;
	_ =	sdelay $0x1  }
0xec: {  	v4 =	vadd.s32 v1, v4;
	_ =	sdelay $0x1  }
0xed: {  	v3 =	vperm.xlane v3, v2;
	_ =	sdelay $0x1  }
0xee: {  	v3 =	vadd.s32 v1, v3  }
0xef: {  	[tilespmem:s0], [sflag:$0x4] =	stream.indirect_vreg.gather [hbm4b:s3+s2], $0x80, v4, vm0, $0xb8;
	[tilespmem:$0x18400] =	vst v63  }
0xf0: {  	s10 =	simm.s32 $0x12C00  }
0xf1: {  	[tilespmem:s10], [sflag:$0x4] =	stream.indirect_vreg.gather [hbm4b:s5+s2], $0x80, v4, vm1, $0xb8;
	[tilespmem:$0x18400] =	vst v63  }
0xf2: {  	s6 =	simm.s32 $0x13000  }
0xf3: {  	[tilespmem:s6], [sflag:$0x4] =	stream.indirect_vreg.gather [hbm4b:s3+s2], $0x80, v3, vm0, $0xb8;
	[tilespmem:$0x18400] =	vst v63  }
0xf4: {  	s8 =	simm.s32 $0x13800  }
0xf5: {  	[tilespmem:s8], [sflag:$0x4] =	stream.indirect_vreg.gather [hbm4b:s5+s2], $0x80, v3, vm1, $0xb8;
	[tilespmem:$0x18400] =	vst v63  }
0xf6: {  	v3 =	vld [tilespmem:$0xD0];
	_ =	sdelay $0x4  }
0xf7: {  	v61 =	vshrl.u32 v3, $0x3  }
0xf8: {  	v4 =	vmul.u32 $0x18, v61  }
0xf9: {  	v3 =	vand.u32 $0x7, v3  }
0xfa: {  	v3 =	vor.u32 v3, v4  }
0xfb: {  	v4 =	vperm.xlane v3, v0;
	_ =	sdelay $0x1  }
0xfc: {  	v4 =	vadd.s32 v1, v4;
	_ =	sdelay $0x1  }
0xfd: {  	v3 =	vperm.xlane v3, v2;
	_ =	sdelay $0x1  }
0xfe: {  	s10 =	simm.s32 $0x13C00;
	v3 =	vadd.s32 v1, v3  }
0xff: {  	[tilespmem:s10], [sflag:$0x4] =	stream.indirect_vreg.gather [hbm4b:s3+s2], $0x80, v4, vm0, $0xb8;
	[tilespmem:$0x18400] =	vst v63  }
0x100: {  	_ = 	snop  }
0x101: {  	[tilespmem:s11], [sflag:$0x4] =	stream.indirect_vreg.gather [hbm4b:s5+s2], $0x80, v4, vm1, $0xb8;
	[tilespmem:$0x18400] =	vst v63  }
0x102: {  	_ = 	snop  }
0x103: {  	[tilespmem:s12], [sflag:$0x4] =	stream.indirect_vreg.gather [hbm4b:s3+s2], $0x80, v3, vm0, $0xb8;
	[tilespmem:$0x18400] =	vst v63  }
0x104: {  	_ = 	snop  }
0x105: {  	[tilespmem:s13], [sflag:$0x4] =	stream.indirect_vreg.gather [hbm4b:s5+s2], $0x80, v3, vm1, $0xb8;
	[tilespmem:$0x18400] =	vst v63  }
0x106: {  	v3 =	vld [tilespmem:$0xE0];
	_ =	sdelay $0x4  }
0x107: {  	v62 =	vshrl.u32 v3, $0x3  }
0x108: {  	v4 =	vmul.u32 $0x18, v62  }
0x109: {  	v3 =	vand.u32 $0x7, v3  }
0x10a: {  	v3 =	vor.u32 v3, v4  }
0x10b: {  	v4 =	vperm.xlane v3, v0;
	_ =	sdelay $0x1  }
0x10c: {  	v4 =	vadd.s32 v1, v4;
	_ =	sdelay $0x1  }
0x10d: {  	v3 =	vperm.xlane v3, v2;
	_ =	sdelay $0x1  }
0x10e: {  	v3 =	vadd.s32 v1, v3  }
0x10f: {  	[tilespmem:s14], [sflag:$0x4] =	stream.indirect_vreg.gather [hbm4b:s3+s2], $0x80, v4, vm0, $0xb8;
	[tilespmem:$0x18400] =	vst v63  }
0x110: {  	_ = 	snop  }
0x111: {  	[tilespmem:s16], [sflag:$0x4] =	stream.indirect_vreg.gather [hbm4b:s5+s2], $0x80, v4, vm1, $0xb8;
	[tilespmem:$0x18400] =	vst v63  }
0x112: {  	_ = 	snop  }
0x113: {  	[tilespmem:s17], [sflag:$0x4] =	stream.indirect_vreg.gather [hbm4b:s3+s2], $0x80, v3, vm0, $0xb8;
	[tilespmem:$0x18400] =	vst v63  }
0x114: {  	_ = 	snop  }
0x115: {  	[tilespmem:s18], [sflag:$0x4] =	stream.indirect_vreg.gather [hbm4b:s5+s2], $0x80, v3, vm1, $0xb8;
	[tilespmem:$0x18400] =	vst v63  }
0x116: {  	v3 =	vld [tilespmem:$0xF0];
	_ =	sdelay $0x4  }
0x117: {  	v63 =	vshrl.u32 v3, $0x3  }
0x118: {  	v4 =	vmul.u32 $0x18, v63  }
0x119: {  	v3 =	vand.u32 $0x7, v3  }
0x11a: {  	v3 =	vor.u32 v3, v4  }
0x11b: {  	v4 =	vperm.xlane v3, v0;
	_ =	sdelay $0x1  }
0x11c: {  	v4 =	vadd.s32 v1, v4;
	_ =	sdelay $0x1  }
0x11d: {  	v3 =	vperm.xlane v3, v2;
	_ =	sdelay $0x1  }
0x11e: {  	v3 =	vadd.s32 v1, v3  }
0x11f: {  	[tilespmem:s19], [sflag:$0x4] =	stream.indirect_vreg.gather [hbm4b:s3+s2], $0x80, v4, vm0, $0xb8;
	[tilespmem:$0x18400] =	vst v63  }
0x120: {  	_ = 	snop  }
0x121: {  	[tilespmem:s20], [sflag:$0x4] =	stream.indirect_vreg.gather [hbm4b:s5+s2], $0x80, v4, vm1, $0xb8;
	[tilespmem:$0x18400] =	vst v63  }
0x122: {  	_ = 	snop  }
0x123: {  	[tilespmem:s21], [sflag:$0x4] =	stream.indirect_vreg.gather [hbm4b:s3+s2], $0x80, v3, vm0, $0xb8;
	[tilespmem:$0x18400] =	vst v63  }
0x124: {  	s4 =	simm.s32 $0x1F0;
	s6 =	simm.s32 $0x0  }
0x125: {  	[tilespmem:s22], [sflag:$0x4] =	stream.indirect_vreg.gather [hbm4b:s5+s2], $0x80, v3, vm1, $0xb8;
	[tilespmem:$0x18400] =	vst v63  }
.LBB2_2:
0x126: {  	_ =	swait.ge [sflag:s23], $0x6000  }
0x127: {  	[sflag:s23] =	ssyncset.done $0x0  }
0x128: {  	s8 =	sadd.s32 s6, s7;
	[sflag:s23] =	ssyncadd.s32 $0xFFFFA000  }
0x129: {  	[hbm4b:s8+s2] =	stream.linear.scatter [tilespmem:s9], [sflag:$0x5], $0x6000, $0x38;
	[tilespmem:$0x18400] =	vst v63  }
0x12a: {  	_ =	swait.ge [sflag:s24], $0x6000  }
0x12b: {  	[sflag:s24] =	ssyncset.done $0x0  }
0x12c: {  	s10 =	sadd.s32 $0xC00, s8;
	[sflag:s24] =	ssyncadd.s32 $0xFFFFA000  }
0x12d: {  	[hbm4b:s10+s2] =	stream.linear.scatter [tilespmem:s25], [sflag:$0x6], $0x6000, $0x38;
	[tilespmem:$0x18400] =	vst v63  }
0x12e: {  	_ =	swait.ge [sflag:s26], $0x6000  }
0x12f: {  	[sflag:s26] =	ssyncset.done $0x0  }
0x130: {  	s10 =	sadd.s32 $0x1800, s8;
	[sflag:s26] =	ssyncadd.s32 $0xFFFFA000  }
0x131: {  	[hbm4b:s10+s2] =	stream.linear.scatter [tilespmem:s15], [sflag:$0x7], $0x6000, $0x38;
	[tilespmem:$0x18400] =	vst v63  }
0x132: {  	_ =	swait.ge [sflag:s28], $0x6000  }
0x133: {  	p0 =	sne.s32 s6, $0x9000;
	[sflag:s28] =	ssyncset.done $0x0  }
.Ltmp2:
0x134: {  	s8 =	sadd.s32 $0x2400, s8;
	[sflag:s28] =	ssyncadd.s32 $0xFFFFA000;
	(pc) =	sbr.rel @!p0 .LBB2_3-.Ltmp2, $4  }
0x135: {  	[hbm4b:s8+s2] =	stream.linear.scatter [tilespmem:s0], [sflag:$0x8], $0x6000, $0x38;
	[tilespmem:$0x18400] =	vst v63  }
0x136: {  	_ =	swait.ge [sflag:s29], $0x6000  }
0x137: {  	[sflag:s29] =	ssyncset.done $0x0  }
0x138: {  	[sflag:s29] =	ssyncadd.s32 $0xFFFFA000  }
0x139: {  	v3 =	vld [tilespmem:s4+$0xFFFFFF10];
	_ =	sdelay $0x4  }
0x13a: {  	v4 =	vshrl.u32 v3, $0x3  }
0x13b: {  	v4 =	vmul.u32 $0x18, v4  }
0x13c: {  	v3 =	vand.u32 $0x7, v3  }
0x13d: {  	v3 =	vor.u32 v3, v4  }
0x13e: {  	v4 =	vperm.xlane v3, v0;
	_ =	sdelay $0x1  }
0x13f: {  	v4 =	vadd.s32 v1, v4;
	_ =	sdelay $0x1  }
0x140: {  	v3 =	vperm.xlane v3, v2;
	_ =	sdelay $0x1  }
0x141: {  	v3 =	vadd.s32 v1, v3  }
0x142: {  	[tilespmem:s9], [sflag:$0x1] =	stream.indirect_vreg.gather [hbm4b:s3+s2], $0x80, v4, vm0, $0xb8;
	[tilespmem:$0x18400] =	vst v63  }
0x143: {  	s8 =	simm.s32 $0xC00  }
0x144: {  	[tilespmem:s8], [sflag:$0x1] =	stream.indirect_vreg.gather [hbm4b:s5+s2], $0x80, v4, vm1, $0xb8;
	[tilespmem:$0x18400] =	vst v63  }
0x145: {  	s10 =	simm.s32 $0x1000  }
0x146: {  	[tilespmem:s10], [sflag:$0x1] =	stream.indirect_vreg.gather [hbm4b:s3+s2], $0x80, v3, vm0, $0xb8;
	[tilespmem:$0x18400] =	vst v63  }
0x147: {  	s10 =	simm.s32 $0x1800  }
0x148: {  	[tilespmem:s10], [sflag:$0x1] =	stream.indirect_vreg.gather [hbm4b:s5+s2], $0x80, v3, vm1, $0xb8;
	[tilespmem:$0x18400] =	vst v63  }
0x149: {  	v3 =	vld [tilespmem:s4+$0xFFFFFF20];
	_ =	sdelay $0x4  }
0x14a: {  	v49 =	vshrl.u32 v3, $0x3  }
0x14b: {  	v4 =	vmul.u32 $0x18, v49  }
0x14c: {  	v3 =	vand.u32 $0x7, v3  }
0x14d: {  	v3 =	vor.u32 v3, v4  }
0x14e: {  	v4 =	vperm.xlane v3, v0;
	_ =	sdelay $0x1  }
0x14f: {  	v4 =	vadd.s32 v1, v4;
	_ =	sdelay $0x1  }
0x150: {  	v3 =	vperm.xlane v3, v2;
	_ =	sdelay $0x1  }
0x151: {  	s10 =	simm.s32 $0x1C00;
	v3 =	vadd.s32 v1, v3  }
0x152: {  	[tilespmem:s10], [sflag:$0x1] =	stream.indirect_vreg.gather [hbm4b:s3+s2], $0x80, v4, vm0, $0xb8;
	[tilespmem:$0x18400] =	vst v63  }
0x153: {  	s10 =	simm.s32 $0x2400  }
0x154: {  	[tilespmem:s10], [sflag:$0x1] =	stream.indirect_vreg.gather [hbm4b:s5+s2], $0x80, v4, vm1, $0xb8;
	[tilespmem:$0x18400] =	vst v63  }
0x155: {  	s10 =	simm.s32 $0x2800  }
0x156: {  	[tilespmem:s10], [sflag:$0x1] =	stream.indirect_vreg.gather [hbm4b:s3+s2], $0x80, v3, vm0, $0xb8;
	[tilespmem:$0x18400] =	vst v63  }
0x157: {  	s10 =	simm.s32 $0x3000  }
0x158: {  	[tilespmem:s10], [sflag:$0x1] =	stream.indirect_vreg.gather [hbm4b:s5+s2], $0x80, v3, vm1, $0xb8;
	[tilespmem:$0x18400] =	vst v63  }
0x159: {  	v3 =	vld [tilespmem:s4+$0xFFFFFF30];
	_ =	sdelay $0x4  }
0x15a: {  	v50 =	vshrl.u32 v3, $0x3  }
0x15b: {  	v4 =	vmul.u32 $0x18, v50  }
0x15c: {  	v3 =	vand.u32 $0x7, v3  }
0x15d: {  	v3 =	vor.u32 v3, v4  }
0x15e: {  	v4 =	vperm.xlane v3, v0;
	_ =	sdelay $0x1  }
0x15f: {  	v4 =	vadd.s32 v1, v4;
	_ =	sdelay $0x1  }
0x160: {  	v3 =	vperm.xlane v3, v2;
	_ =	sdelay $0x1  }
0x161: {  	s10 =	simm.s32 $0x3400;
	v3 =	vadd.s32 v1, v3  }
0x162: {  	[tilespmem:s10], [sflag:$0x1] =	stream.indirect_vreg.gather [hbm4b:s3+s2], $0x80, v4, vm0, $0xb8;
	[tilespmem:$0x18400] =	vst v63  }
0x163: {  	s10 =	simm.s32 $0x3C00  }
0x164: {  	[tilespmem:s10], [sflag:$0x1] =	stream.indirect_vreg.gather [hbm4b:s5+s2], $0x80, v4, vm1, $0xb8;
	[tilespmem:$0x18400] =	vst v63  }
0x165: {  	s10 =	simm.s32 $0x4000  }
0x166: {  	[tilespmem:s10], [sflag:$0x1] =	stream.indirect_vreg.gather [hbm4b:s3+s2], $0x80, v3, vm0, $0xb8;
	[tilespmem:$0x18400] =	vst v63  }
0x167: {  	s10 =	simm.s32 $0x4800  }
0x168: {  	[tilespmem:s10], [sflag:$0x1] =	stream.indirect_vreg.gather [hbm4b:s5+s2], $0x80, v3, vm1, $0xb8;
	[tilespmem:$0x18400] =	vst v63  }
0x169: {  	v3 =	vld [tilespmem:s4+$0xFFFFFF40];
	_ =	sdelay $0x4  }
0x16a: {  	v51 =	vshrl.u32 v3, $0x3  }
0x16b: {  	v4 =	vmul.u32 $0x18, v51  }
0x16c: {  	v3 =	vand.u32 $0x7, v3  }
0x16d: {  	v3 =	vor.u32 v3, v4  }
0x16e: {  	v4 =	vperm.xlane v3, v0;
	_ =	sdelay $0x1  }
0x16f: {  	v4 =	vadd.s32 v1, v4;
	_ =	sdelay $0x1  }
0x170: {  	v3 =	vperm.xlane v3, v2;
	_ =	sdelay $0x1  }
0x171: {  	s10 =	simm.s32 $0x4C00;
	v3 =	vadd.s32 v1, v3  }
0x172: {  	[tilespmem:s10], [sflag:$0x1] =	stream.indirect_vreg.gather [hbm4b:s3+s2], $0x80, v4, vm0, $0xb8;
	[tilespmem:$0x18400] =	vst v63  }
0x173: {  	s10 =	simm.s32 $0x5400  }
0x174: {  	[tilespmem:s10], [sflag:$0x1] =	stream.indirect_vreg.gather [hbm4b:s5+s2], $0x80, v4, vm1, $0xb8;
	[tilespmem:$0x18400] =	vst v63  }
0x175: {  	s10 =	simm.s32 $0x5800  }
0x176: {  	[tilespmem:s10], [sflag:$0x1] =	stream.indirect_vreg.gather [hbm4b:s3+s2], $0x80, v3, vm0, $0xb8;
	[tilespmem:$0x18400] =	vst v63  }
0x177: {  	s10 =	simm.s32 $0x6000  }
0x178: {  	[tilespmem:s10], [sflag:$0x1] =	stream.indirect_vreg.gather [hbm4b:s5+s2], $0x80, v3, vm1, $0xb8;
	[tilespmem:$0x18400] =	vst v63  }
0x179: {  	_ =	swait.ge [sflag:s30], $0x6000  }
0x17a: {  	[sflag:s30] =	ssyncset.done $0x0  }
0x17b: {  	[sflag:s30] =	ssyncadd.s32 $0xFFFFA000  }
0x17c: {  	v3 =	vld [tilespmem:s4+$0xFFFFFF50];
	_ =	sdelay $0x4  }
0x17d: {  	v52 =	vshrl.u32 v3, $0x3  }
0x17e: {  	v4 =	vmul.u32 $0x18, v52  }
0x17f: {  	v3 =	vand.u32 $0x7, v3  }
0x180: {  	v3 =	vor.u32 v3, v4  }
0x181: {  	v4 =	vperm.xlane v3, v0;
	_ =	sdelay $0x1  }
0x182: {  	v4 =	vadd.s32 v1, v4;
	_ =	sdelay $0x1  }
0x183: {  	v3 =	vperm.xlane v3, v2;
	_ =	sdelay $0x1  }
0x184: {  	v3 =	vadd.s32 v1, v3  }
0x185: {  	[tilespmem:s25], [sflag:$0x2] =	stream.indirect_vreg.gather [hbm4b:s3+s2], $0x80, v4, vm0, $0xb8;
	[tilespmem:$0x18400] =	vst v63  }
0x186: {  	s10 =	simm.s32 $0x6C00  }
0x187: {  	[tilespmem:s10], [sflag:$0x2] =	stream.indirect_vreg.gather [hbm4b:s5+s2], $0x80, v4, vm1, $0xb8;
	[tilespmem:$0x18400] =	vst v63  }
0x188: {  	s10 =	simm.s32 $0x7000  }
0x189: {  	[tilespmem:s10], [sflag:$0x2] =	stream.indirect_vreg.gather [hbm4b:s3+s2], $0x80, v3, vm0, $0xb8;
	[tilespmem:$0x18400] =	vst v63  }
0x18a: {  	s10 =	simm.s32 $0x7800  }
0x18b: {  	[tilespmem:s10], [sflag:$0x2] =	stream.indirect_vreg.gather [hbm4b:s5+s2], $0x80, v3, vm1, $0xb8;
	[tilespmem:$0x18400] =	vst v63  }
0x18c: {  	v3 =	vld [tilespmem:s4+$0xFFFFFF60];
	_ =	sdelay $0x4  }
0x18d: {  	v53 =	vshrl.u32 v3, $0x3  }
0x18e: {  	v4 =	vmul.u32 $0x18, v53  }
0x18f: {  	v3 =	vand.u32 $0x7, v3  }
0x190: {  	v3 =	vor.u32 v3, v4  }
0x191: {  	v4 =	vperm.xlane v3, v0;
	_ =	sdelay $0x1  }
0x192: {  	v4 =	vadd.s32 v1, v4;
	_ =	sdelay $0x1  }
0x193: {  	v3 =	vperm.xlane v3, v2;
	_ =	sdelay $0x1  }
0x194: {  	s10 =	simm.s32 $0x7C00;
	v3 =	vadd.s32 v1, v3  }
0x195: {  	[tilespmem:s10], [sflag:$0x2] =	stream.indirect_vreg.gather [hbm4b:s3+s2], $0x80, v4, vm0, $0xb8;
	[tilespmem:$0x18400] =	vst v63  }
0x196: {  	s10 =	simm.s32 $0x8400  }
0x197: {  	[tilespmem:s10], [sflag:$0x2] =	stream.indirect_vreg.gather [hbm4b:s5+s2], $0x80, v4, vm1, $0xb8;
	[tilespmem:$0x18400] =	vst v63  }
0x198: {  	s10 =	simm.s32 $0x8800  }
0x199: {  	[tilespmem:s10], [sflag:$0x2] =	stream.indirect_vreg.gather [hbm4b:s3+s2], $0x80, v3, vm0, $0xb8;
	[tilespmem:$0x18400] =	vst v63  }
0x19a: {  	s10 =	simm.s32 $0x9000  }
0x19b: {  	[tilespmem:s10], [sflag:$0x2] =	stream.indirect_vreg.gather [hbm4b:s5+s2], $0x80, v3, vm1, $0xb8;
	[tilespmem:$0x18400] =	vst v63  }
0x19c: {  	v3 =	vld [tilespmem:s4+$0xFFFFFF70];
	_ =	sdelay $0x4  }
0x19d: {  	v54 =	vshrl.u32 v3, $0x3  }
0x19e: {  	v4 =	vmul.u32 $0x18, v54  }
0x19f: {  	v3 =	vand.u32 $0x7, v3  }
0x1a0: {  	v3 =	vor.u32 v3, v4  }
0x1a1: {  	v4 =	vperm.xlane v3, v0;
	_ =	sdelay $0x1  }
0x1a2: {  	v4 =	vadd.s32 v1, v4;
	_ =	sdelay $0x1  }
0x1a3: {  	v3 =	vperm.xlane v3, v2;
	_ =	sdelay $0x1  }
0x1a4: {  	s10 =	simm.s32 $0x9400;
	v3 =	vadd.s32 v1, v3  }
0x1a5: {  	[tilespmem:s10], [sflag:$0x2] =	stream.indirect_vreg.gather [hbm4b:s3+s2], $0x80, v4, vm0, $0xb8;
	[tilespmem:$0x18400] =	vst v63  }
0x1a6: {  	s10 =	simm.s32 $0x9C00  }
0x1a7: {  	[tilespmem:s10], [sflag:$0x2] =	stream.indirect_vreg.gather [hbm4b:s5+s2], $0x80, v4, vm1, $0xb8;
	[tilespmem:$0x18400] =	vst v63  }
0x1a8: {  	s10 =	simm.s32 $0xA000  }
0x1a9: {  	[tilespmem:s10], [sflag:$0x2] =	stream.indirect_vreg.gather [hbm4b:s3+s2], $0x80, v3, vm0, $0xb8;
	[tilespmem:$0x18400] =	vst v63  }
0x1aa: {  	s10 =	simm.s32 $0xA800  }
0x1ab: {  	[tilespmem:s10], [sflag:$0x2] =	stream.indirect_vreg.gather [hbm4b:s5+s2], $0x80, v3, vm1, $0xb8;
	[tilespmem:$0x18400] =	vst v63  }
0x1ac: {  	v3 =	vld [tilespmem:s4+$0xFFFFFF80];
	_ =	sdelay $0x4  }
0x1ad: {  	v55 =	vshrl.u32 v3, $0x3  }
0x1ae: {  	v4 =	vmul.u32 $0x18, v55  }
0x1af: {  	v3 =	vand.u32 $0x7, v3  }
0x1b0: {  	v3 =	vor.u32 v3, v4  }
0x1b1: {  	v4 =	vperm.xlane v3, v0;
	_ =	sdelay $0x1  }
0x1b2: {  	v4 =	vadd.s32 v1, v4;
	_ =	sdelay $0x1  }
0x1b3: {  	v3 =	vperm.xlane v3, v2;
	_ =	sdelay $0x1  }
0x1b4: {  	s10 =	simm.s32 $0xAC00;
	v3 =	vadd.s32 v1, v3  }
0x1b5: {  	[tilespmem:s10], [sflag:$0x2] =	stream.indirect_vreg.gather [hbm4b:s3+s2], $0x80, v4, vm0, $0xb8;
	[tilespmem:$0x18400] =	vst v63  }
0x1b6: {  	s10 =	simm.s32 $0xB400  }
0x1b7: {  	[tilespmem:s10], [sflag:$0x2] =	stream.indirect_vreg.gather [hbm4b:s5+s2], $0x80, v4, vm1, $0xb8;
	[tilespmem:$0x18400] =	vst v63  }
0x1b8: {  	s10 =	simm.s32 $0xB800  }
0x1b9: {  	[tilespmem:s10], [sflag:$0x2] =	stream.indirect_vreg.gather [hbm4b:s3+s2], $0x80, v3, vm0, $0xb8;
	[tilespmem:$0x18400] =	vst v63  }
0x1ba: {  	s10 =	simm.s32 $0xC000  }
0x1bb: {  	[tilespmem:s10], [sflag:$0x2] =	stream.indirect_vreg.gather [hbm4b:s5+s2], $0x80, v3, vm1, $0xb8;
	[tilespmem:$0x18400] =	vst v63  }
0x1bc: {  	_ =	swait.ge [sflag:s31], $0x6000  }
0x1bd: {  	[sflag:s31] =	ssyncset.done $0x0  }
0x1be: {  	[sflag:s31] =	ssyncadd.s32 $0xFFFFA000  }
0x1bf: {  	v3 =	vld [tilespmem:s4+$0xFFFFFF90];
	_ =	sdelay $0x4  }
0x1c0: {  	v56 =	vshrl.u32 v3, $0x3  }
0x1c1: {  	v4 =	vmul.u32 $0x18, v56  }
0x1c2: {  	v3 =	vand.u32 $0x7, v3  }
0x1c3: {  	v3 =	vor.u32 v3, v4  }
0x1c4: {  	v4 =	vperm.xlane v3, v0;
	_ =	sdelay $0x1  }
0x1c5: {  	v4 =	vadd.s32 v1, v4;
	_ =	sdelay $0x1  }
0x1c6: {  	v3 =	vperm.xlane v3, v2;
	_ =	sdelay $0x1  }
0x1c7: {  	v3 =	vadd.s32 v1, v3  }
0x1c8: {  	[tilespmem:s15], [sflag:$0x3] =	stream.indirect_vreg.gather [hbm4b:s3+s2], $0x80, v4, vm0, $0xb8;
	[tilespmem:$0x18400] =	vst v63  }
0x1c9: {  	s10 =	simm.s32 $0xCC00  }
0x1ca: {  	[tilespmem:s10], [sflag:$0x3] =	stream.indirect_vreg.gather [hbm4b:s5+s2], $0x80, v4, vm1, $0xb8;
	[tilespmem:$0x18400] =	vst v63  }
0x1cb: {  	s10 =	simm.s32 $0xD000  }
0x1cc: {  	[tilespmem:s10], [sflag:$0x3] =	stream.indirect_vreg.gather [hbm4b:s3+s2], $0x80, v3, vm0, $0xb8;
	[tilespmem:$0x18400] =	vst v63  }
0x1cd: {  	s10 =	simm.s32 $0xD800  }
0x1ce: {  	[tilespmem:s10], [sflag:$0x3] =	stream.indirect_vreg.gather [hbm4b:s5+s2], $0x80, v3, vm1, $0xb8;
	[tilespmem:$0x18400] =	vst v63  }
0x1cf: {  	v3 =	vld [tilespmem:s4+$0xFFFFFFA0];
	_ =	sdelay $0x4  }
0x1d0: {  	v57 =	vshrl.u32 v3, $0x3  }
0x1d1: {  	v4 =	vmul.u32 $0x18, v57  }
0x1d2: {  	v3 =	vand.u32 $0x7, v3  }
0x1d3: {  	v3 =	vor.u32 v3, v4  }
0x1d4: {  	v4 =	vperm.xlane v3, v0;
	_ =	sdelay $0x1  }
0x1d5: {  	v4 =	vadd.s32 v1, v4;
	_ =	sdelay $0x1  }
0x1d6: {  	v3 =	vperm.xlane v3, v2;
	_ =	sdelay $0x1  }
0x1d7: {  	s10 =	simm.s32 $0xDC00;
	v3 =	vadd.s32 v1, v3  }
0x1d8: {  	[tilespmem:s10], [sflag:$0x3] =	stream.indirect_vreg.gather [hbm4b:s3+s2], $0x80, v4, vm0, $0xb8;
	[tilespmem:$0x18400] =	vst v63  }
0x1d9: {  	s10 =	simm.s32 $0xE400  }
0x1da: {  	[tilespmem:s10], [sflag:$0x3] =	stream.indirect_vreg.gather [hbm4b:s5+s2], $0x80, v4, vm1, $0xb8;
	[tilespmem:$0x18400] =	vst v63  }
0x1db: {  	s10 =	simm.s32 $0xE800  }
0x1dc: {  	[tilespmem:s10], [sflag:$0x3] =	stream.indirect_vreg.gather [hbm4b:s3+s2], $0x80, v3, vm0, $0xb8;
	[tilespmem:$0x18400] =	vst v63  }
0x1dd: {  	s10 =	simm.s32 $0xF000  }
0x1de: {  	[tilespmem:s10], [sflag:$0x3] =	stream.indirect_vreg.gather [hbm4b:s5+s2], $0x80, v3, vm1, $0xb8;
	[tilespmem:$0x18400] =	vst v63  }
0x1df: {  	v3 =	vld [tilespmem:s4+$0xFFFFFFB0];
	_ =	sdelay $0x4  }
0x1e0: {  	v58 =	vshrl.u32 v3, $0x3  }
0x1e1: {  	v4 =	vmul.u32 $0x18, v58  }
0x1e2: {  	v3 =	vand.u32 $0x7, v3  }
0x1e3: {  	v3 =	vor.u32 v3, v4  }
0x1e4: {  	v4 =	vperm.xlane v3, v0;
	_ =	sdelay $0x1  }
0x1e5: {  	v4 =	vadd.s32 v1, v4;
	_ =	sdelay $0x1  }
0x1e6: {  	v3 =	vperm.xlane v3, v2;
	_ =	sdelay $0x1  }
0x1e7: {  	s10 =	simm.s32 $0xF400;
	v3 =	vadd.s32 v1, v3  }
0x1e8: {  	[tilespmem:s10], [sflag:$0x3] =	stream.indirect_vreg.gather [hbm4b:s3+s2], $0x80, v4, vm0, $0xb8;
	[tilespmem:$0x18400] =	vst v63  }
0x1e9: {  	s10 =	simm.s32 $0xFC00  }
0x1ea: {  	[tilespmem:s10], [sflag:$0x3] =	stream.indirect_vreg.gather [hbm4b:s5+s2], $0x80, v4, vm1, $0xb8;
	[tilespmem:$0x18400] =	vst v63  }
0x1eb: {  	s10 =	simm.s32 $0x10000  }
0x1ec: {  	[tilespmem:s10], [sflag:$0x3] =	stream.indirect_vreg.gather [hbm4b:s3+s2], $0x80, v3, vm0, $0xb8;
	[tilespmem:$0x18400] =	vst v63  }
0x1ed: {  	s10 =	simm.s32 $0x10800  }
0x1ee: {  	[tilespmem:s10], [sflag:$0x3] =	stream.indirect_vreg.gather [hbm4b:s5+s2], $0x80, v3, vm1, $0xb8;
	[tilespmem:$0x18400] =	vst v63  }
0x1ef: {  	v3 =	vld [tilespmem:s4+$0xFFFFFFC0];
	_ =	sdelay $0x4  }
0x1f0: {  	v59 =	vshrl.u32 v3, $0x3  }
0x1f1: {  	v4 =	vmul.u32 $0x18, v59  }
0x1f2: {  	v3 =	vand.u32 $0x7, v3  }
0x1f3: {  	v3 =	vor.u32 v3, v4  }
0x1f4: {  	v4 =	vperm.xlane v3, v0;
	_ =	sdelay $0x1  }
0x1f5: {  	v4 =	vadd.s32 v1, v4;
	_ =	sdelay $0x1  }
0x1f6: {  	v3 =	vperm.xlane v3, v2;
	_ =	sdelay $0x1  }
0x1f7: {  	s10 =	simm.s32 $0x10C00;
	v3 =	vadd.s32 v1, v3  }
0x1f8: {  	[tilespmem:s10], [sflag:$0x3] =	stream.indirect_vreg.gather [hbm4b:s3+s2], $0x80, v4, vm0, $0xb8;
	[tilespmem:$0x18400] =	vst v63  }
0x1f9: {  	s10 =	simm.s32 $0x11400  }
0x1fa: {  	[tilespmem:s10], [sflag:$0x3] =	stream.indirect_vreg.gather [hbm4b:s5+s2], $0x80, v4, vm1, $0xb8;
	[tilespmem:$0x18400] =	vst v63  }
0x1fb: {  	s10 =	simm.s32 $0x11800  }
0x1fc: {  	[tilespmem:s10], [sflag:$0x3] =	stream.indirect_vreg.gather [hbm4b:s3+s2], $0x80, v3, vm0, $0xb8;
	[tilespmem:$0x18400] =	vst v63  }
0x1fd: {  	s10 =	simm.s32 $0x12000  }
0x1fe: {  	[tilespmem:s10], [sflag:$0x3] =	stream.indirect_vreg.gather [hbm4b:s5+s2], $0x80, v3, vm1, $0xb8;
	[tilespmem:$0x18400] =	vst v63  }
0x1ff: {  	_ =	swait.ge [sflag:s1], $0x6000  }
0x200: {  	[sflag:s1] =	ssyncset.done $0x0  }
0x201: {  	[sflag:s1] =	ssyncadd.s32 $0xFFFFA000  }
0x202: {  	v3 =	vld [tilespmem:s4+$0xFFFFFFD0];
	_ =	sdelay $0x4  }
0x203: {  	v60 =	vshrl.u32 v3, $0x3  }
0x204: {  	v4 =	vmul.u32 $0x18, v60  }
0x205: {  	v3 =	vand.u32 $0x7, v3  }
0x206: {  	v3 =	vor.u32 v3, v4  }
0x207: {  	v4 =	vperm.xlane v3, v0;
	_ =	sdelay $0x1  }
0x208: {  	v4 =	vadd.s32 v1, v4;
	_ =	sdelay $0x1  }
0x209: {  	v3 =	vperm.xlane v3, v2;
	_ =	sdelay $0x1  }
0x20a: {  	v3 =	vadd.s32 v1, v3  }
0x20b: {  	[tilespmem:s0], [sflag:$0x4] =	stream.indirect_vreg.gather [hbm4b:s3+s2], $0x80, v4, vm0, $0xb8;
	[tilespmem:$0x18400] =	vst v63  }
0x20c: {  	s10 =	simm.s32 $0x12C00  }
0x20d: {  	[tilespmem:s10], [sflag:$0x4] =	stream.indirect_vreg.gather [hbm4b:s5+s2], $0x80, v4, vm1, $0xb8;
	[tilespmem:$0x18400] =	vst v63  }
0x20e: {  	s10 =	simm.s32 $0x13000  }
0x20f: {  	[tilespmem:s10], [sflag:$0x4] =	stream.indirect_vreg.gather [hbm4b:s3+s2], $0x80, v3, vm0, $0xb8;
	[tilespmem:$0x18400] =	vst v63  }
0x210: {  	s10 =	simm.s32 $0x13800  }
0x211: {  	[tilespmem:s10], [sflag:$0x4] =	stream.indirect_vreg.gather [hbm4b:s5+s2], $0x80, v3, vm1, $0xb8;
	[tilespmem:$0x18400] =	vst v63  }
0x212: {  	v3 =	vld [tilespmem:s4+$0xFFFFFFE0];
	_ =	sdelay $0x4  }
0x213: {  	v61 =	vshrl.u32 v3, $0x3  }
0x214: {  	v4 =	vmul.u32 $0x18, v61  }
0x215: {  	v3 =	vand.u32 $0x7, v3  }
0x216: {  	v3 =	vor.u32 v3, v4  }
0x217: {  	v4 =	vperm.xlane v3, v0;
	_ =	sdelay $0x1  }
0x218: {  	v4 =	vadd.s32 v1, v4;
	_ =	sdelay $0x1  }
0x219: {  	v3 =	vperm.xlane v3, v2;
	_ =	sdelay $0x1  }
0x21a: {  	s10 =	simm.s32 $0x13C00;
	v3 =	vadd.s32 v1, v3  }
0x21b: {  	[tilespmem:s10], [sflag:$0x4] =	stream.indirect_vreg.gather [hbm4b:s3+s2], $0x80, v4, vm0, $0xb8;
	[tilespmem:$0x18400] =	vst v63  }
0x21c: {  	_ = 	snop  }
0x21d: {  	[tilespmem:s11], [sflag:$0x4] =	stream.indirect_vreg.gather [hbm4b:s5+s2], $0x80, v4, vm1, $0xb8;
	[tilespmem:$0x18400] =	vst v63  }
0x21e: {  	_ = 	snop  }
0x21f: {  	[tilespmem:s12], [sflag:$0x4] =	stream.indirect_vreg.gather [hbm4b:s3+s2], $0x80, v3, vm0, $0xb8;
	[tilespmem:$0x18400] =	vst v63  }
0x220: {  	_ = 	snop  }
0x221: {  	[tilespmem:s13], [sflag:$0x4] =	stream.indirect_vreg.gather [hbm4b:s5+s2], $0x80, v3, vm1, $0xb8;
	[tilespmem:$0x18400] =	vst v63  }
0x222: {  	v3 =	vld [tilespmem:s4+$0xFFFFFFF0];
	_ =	sdelay $0x4  }
0x223: {  	v62 =	vshrl.u32 v3, $0x3  }
0x224: {  	v4 =	vmul.u32 $0x18, v62  }
0x225: {  	v3 =	vand.u32 $0x7, v3  }
0x226: {  	v3 =	vor.u32 v3, v4  }
0x227: {  	v4 =	vperm.xlane v3, v0;
	_ =	sdelay $0x1  }
0x228: {  	v4 =	vadd.s32 v1, v4;
	_ =	sdelay $0x1  }
0x229: {  	v3 =	vperm.xlane v3, v2;
	_ =	sdelay $0x1  }
0x22a: {  	v3 =	vadd.s32 v1, v3  }
0x22b: {  	[tilespmem:s14], [sflag:$0x4] =	stream.indirect_vreg.gather [hbm4b:s3+s2], $0x80, v4, vm0, $0xb8;
	[tilespmem:$0x18400] =	vst v63  }
0x22c: {  	_ = 	snop  }
0x22d: {  	[tilespmem:s16], [sflag:$0x4] =	stream.indirect_vreg.gather [hbm4b:s5+s2], $0x80, v4, vm1, $0xb8;
	[tilespmem:$0x18400] =	vst v63  }
0x22e: {  	_ = 	snop  }
0x22f: {  	[tilespmem:s17], [sflag:$0x4] =	stream.indirect_vreg.gather [hbm4b:s3+s2], $0x80, v3, vm0, $0xb8;
	[tilespmem:$0x18400] =	vst v63  }
0x230: {  	_ = 	snop  }
0x231: {  	[tilespmem:s18], [sflag:$0x4] =	stream.indirect_vreg.gather [hbm4b:s5+s2], $0x80, v3, vm1, $0xb8;
	[tilespmem:$0x18400] =	vst v63  }
0x232: {  	v3 =	vld [tilespmem:s4+$0x0];
	_ =	sdelay $0x4  }
0x233: {  	v63 =	vshrl.u32 v3, $0x3  }
0x234: {  	v4 =	vmul.u32 $0x18, v63  }
0x235: {  	v3 =	vand.u32 $0x7, v3  }
0x236: {  	v3 =	vor.u32 v3, v4  }
0x237: {  	v4 =	vperm.xlane v3, v0;
	_ =	sdelay $0x1  }
0x238: {  	v4 =	vadd.s32 v1, v4;
	_ =	sdelay $0x2  }
0x239: {  	v3 =	vperm.xlane v3, v2  }
0x23a: {  	s6 =	sadd.s32 $0x3000, s6  }
0x23b: {  	v3 =	vadd.s32 v1, v3;
	[tilespmem:s19], [sflag:$0x4] =	stream.indirect_vreg.gather [hbm4b:s3+s2], $0x80, v4, vm0, $0xb8;
	[tilespmem:$0x18400] =	vst v63  }
0x23c: {  	p0 =	sne.s32 s6, $0xC000  }
0x23d: {  	[tilespmem:s20], [sflag:$0x4] =	stream.indirect_vreg.gather [hbm4b:s5+s2], $0x80, v4, vm1, $0xb8;
	[tilespmem:$0x18400] =	vst v63  }
.Ltmp3:
0x23e: {  	_ = 	snop;
	(pc) =	sbr.rel @p0 .LBB2_2-.Ltmp3, $4  }
.Ltmp4:
0x23f: {  	_ = 	snop;
	(pc) =	sbr.rel @!p0 .LBB2_5-.Ltmp4, $4  }
0x240: {  	[tilespmem:s21], [sflag:$0x4] =	stream.indirect_vreg.gather [hbm4b:s3+s2], $0x80, v3, vm0, $0xb8;
	[tilespmem:$0x18400] =	vst v63  }
0x241: {  	s4 =	sadd.s32 $0x100, s4  }
0x242: {  	[tilespmem:s22], [sflag:$0x4] =	stream.indirect_vreg.gather [hbm4b:s5+s2], $0x80, v3, vm1, $0xb8;
	[tilespmem:$0x18400] =	vst v63  }
0x243: {  	_ = 	snop  }
.LBB2_6:
0x244: {  	_ =	sfence.sel $0x180000  }
0x245: {  	[bflag:$0x0] =	sbarrier.arrive $0xFFFF  }
0x246: {  	_ =	strace $0x9000004A  }
0x247: {  	s0 =	stileid.u32;
	[bflag:$0x2] =	sbarrier.arrive $0xFFFF  }
0x248: {  	p0 =	sne.s32 s0, $0x0;
	s0 =	rddreg [dreg:$0x1]  }
0x249: {  	s0 =	sadd.s32 @!p0 $0x100000, s0  }
0x24a: {  	[sflag:s0] =	ssyncadd.tile.s32 @!p0 $0x1;
	_ =	shalt  }
.Lfunc_end2:
_tile_overlayer_lowered:
.L_overlay_start_2:
0x24b: {  	(tag) =	ssettag $0x2  }
0x24c: {  	s0 =	rddreg [dreg:$0x0];
	s2 =	stileid.u32  }
0x24d: {  	s1 =	rddreg [dreg:$0x1];
	p0 =	sne.s32 s2, $0x0  }
0x24e: {  	s3 =	rddreg [dreg:$0x2];
	[bflag:$0x3] =	sbarrier.arrive $0xFFFF;
	s2 =	simm.s32 @!p0 $0x1C09  }
0x24f: {  	[timem:s3], [sflag:s2] =	dma.local @!p0 [hbm:s0], s1  }
0x250: {  	s0 =	simm.s32 @!p0 $0x9  }
0x251: {  	_ =	swait.ge @!p0 [sflag:s0], s1  }
0x252: {  	s1 =	ssub.s32 @!p0 $0x0, s1;
	[sflag:s0] =	ssyncset.done @!p0 $0x0  }
0x253: {  	[sflag:s0] =	ssyncadd.s32 @!p0 s1  }
0x254: {  	[bflag:$0x3] =	sbarrier.arrive $0xFFFF  }
0x255: {  	_ =	shalt  }

// kernel: kernel.21.cloned.1.call-start
scs
__scs_entry_jumppad:
0x0: {  	(pc) =	sbr.rel $0x88, $3  }
0x1: {  	(tag) =	ssettag $0x0;
	lr =	simm.s32 $0x1  }
0x2: {  	[smem:$0x3F8E] =	sst lr;
	_ =	strace $0xD0000000  }
0x3: {  	_ = 	snop  }
0x4: {  	_ = 	snop  }
0x5: {  	_ = 	snop  }
0x6: {  	_ = 	snop  }
0x7: {  	_ = 	snop  }
__scs_overlays_trampoline_lowered:
0x8: {  	[smem:$0x3F9D] =	sst s0  }
0x9: {  	[smem:$0x3F9E] =	sst s1  }
0xa: {  	[smem:$0x3F9F] =	sst s2  }
0xb: {  	[smem:$0x3FA0] =	sst s3  }
0xc: {  	[smem:$0x3FA1] =	sst s4  }
0xd: {  	[smem:$0x3FA2] =	sst s5  }
0xe: {  	[smem:$0x3FA3] =	sst s6  }
0xf: {  	[smem:$0x3FA4] =	sst s7  }
0x10: {  	[smem:$0x3FA5] =	sst s8  }
0x11: {  	[smem:$0x3FA6] =	sst s9;
	s0 =	simm.s32 @!p0 $0x0  }
0x12: {  	s1 =	sld [smem:$0x3F8C];
	s0 =	simm.s32 @p0 $0x1  }
0x13: {  	[smem:$0x3FA7] =	sst s0;
	s0 =	simm.s32 @!p1 $0x0  }
0x14: {  	s2 =	sld [smem:$0x3F8B];
	s0 =	simm.s32 @p1 $0x1  }
0x15: {  	[smem:$0x3FA8] =	sst s0;
	s0 =	simm.s32 @!p2 $0x0  }
0x16: {  	s3 =	sld [smem:$0x3FDB];
	s0 =	simm.s32 @p2 $0x1  }
0x17: {  	s4 =	simm.s32 $0x1BF5;
	[smem:$0x3FAA] =	sst s0  }
0x18: {  	s0 =	sld [smem:$0x3F8D];
	_ =	swait.ge [sflag:s4], $0x0  }
0x19: {  	s7 =	sld [smem:$0x3F8E]  }
0x1a: {  	s8 =	sadd.s32 $0xFFFFE003, lr  }
0x1b: {  	s9 =	sadd.s32 $0xFFFFFEF7, lr;
	s5 =	simm.s32 $0xFFFFFFFF;
	p2 =	slt.u32 s8, $0xFFFFF086  }
0x1c: {  	p1 =	slt.u32 s9, $0xF7A;
	s5 =	simm.s32 @!p2 $0x0  }
0x1d: {  	s5 =	simm.s32 @p1 $0x1;
	p0 =	seq.s32 s7, s2  }
0x1e: {  	s7 =	smul.u32 @!p0 $0xF7A, s2;
	p2 =	seq.s32 @!p0 s5, $0x0  }
0x1f: {  	s9 =	smul.u32 $0xF7A, s1;
	s8 =	simm.s32 @!p0 $0x1BF5;
	p2 =	por !p2, p0  }
0x20: {  	[sflag:s8] =	ssyncset.s32 @!p0 $0xFFFFF086;
	s6 =	sadd.s32 @!p0 s3, s7;
	s7 =	simm.s32 @!p0 $0x108  }
0x21: {  	s3 =	sadd.s32 s3, s9;
	s6 =	sadd.s32 @!p0 $0x88, s6;
	s7 =	simm.s32 @p2 $0x1082  }
0x22: {  	[simem:s7], [sflag:s8] =	dma.local @!p0 [hbm:s6], $0xF7A  }
0x23: {  	s9 =	sor.u32 $0xD0000000, s2;
	s6 =	simm.s32 $0x108;
	_ =	swait.ge @!p0 [sflag:s8], $0x0  }
0x24: {  	s3 =	sadd.s32 $0x88, s3;
	s6 =	simm.s32 @!p1 $0x1082;
	[sflag:s4] =	ssyncset.s32 $0xFFFFF086  }
0x25: {  	[simem:s6], [sflag:s4] =	dma.local [hbm:s3], $0xF7A  }
0x26: {  	[smem:$0x3F8E] =	sst s1;
	(tag) =	ssettag s2;
	_ =	strace s9  }
0x27: {  	s1 =	sld [smem:$0x3F9E]  }
0x28: {  	s2 =	sld [smem:$0x3F9F]  }
0x29: {  	s4 =	sld [smem:$0x3FA1]  }
0x2a: {  	p0 =	seq.s32 s5, $0x0;
	s5 =	sld [smem:$0x3FA2]  }
0x2b: {  	s6 =	sld [smem:$0x3FA3]  }
0x2c: {  	s7 =	sld [smem:$0x3FA4]  }
0x2d: {  	s3 =	simm.s32 $0x108;
	s8 =	sld [smem:$0x3FA5]  }
0x2e: {  	s3 =	simm.s32 @!p0 $0x1082;
	s9 =	sld [smem:$0x3FA6]  }
0x2f: {  	lr =	sadd.s32 s0, s3;
	s0 =	sld [smem:$0x3F9D]  }
0x30: {  	s3 =	sld [smem:$0x3FA0]  }
0x31: {  	[smem:$0x3FA9] =	sst s10  }
0x32: {  	s10 =	sld [smem:$0x3FA7];
	_ =	sdelay $0x3  }
0x33: {  	p0 =	seq.s32 s10, $0x1;
	s10 =	sld [smem:$0x3FA9];
	_ =	sdelay $0x3  }
0x34: {  	[smem:$0x3FA9] =	sst s10  }
0x35: {  	s10 =	sld [smem:$0x3FA8];
	_ =	sdelay $0x3  }
0x36: {  	p1 =	seq.s32 s10, $0x1;
	s10 =	sld [smem:$0x3FA9];
	_ =	sdelay $0x3  }
0x37: {  	[smem:$0x3FA9] =	sst s10  }
0x38: {  	s10 =	sld [smem:$0x3FAA]  }
0x39: {  	_ = 	snop;
	(pc) =	sbr.ind lr, $3  }
0x3a: {  	_ = 	snop  }
0x3b: {  	_ = 	snop  }
0x3c: {  	p2 =	seq.s32 s10, $0x1;
	s10 =	sld [smem:$0x3FA9]  }
0x3d: {  	_ =	shalt  }
0x3e: {  	_ =	shalt  }
0x3f: {  	_ =	shalt  }
0x40: {  	_ =	shalt  }
0x41: {  	_ =	shalt  }
0x42: {  	_ =	shalt  }
0x43: {  	_ =	shalt  }
0x44: {  	_ =	shalt  }
0x45: {  	_ =	shalt  }
0x46: {  	_ =	shalt  }
0x47: {  	_ =	shalt  }
0x48: {  	_ =	shalt  }
0x49: {  	_ =	shalt  }
0x4a: {  	_ =	shalt  }
0x4b: {  	_ =	shalt  }
0x4c: {  	_ =	shalt  }
0x4d: {  	_ =	shalt  }
0x4e: {  	_ =	shalt  }
0x4f: {  	_ =	shalt  }
0x50: {  	_ =	shalt  }
0x51: {  	_ =	shalt  }
0x52: {  	_ =	shalt  }
0x53: {  	_ =	shalt  }
0x54: {  	_ =	shalt  }
0x55: {  	_ =	shalt  }
0x56: {  	_ =	shalt  }
0x57: {  	_ =	shalt  }
0x58: {  	_ =	shalt  }
0x59: {  	_ =	shalt  }
0x5a: {  	_ =	shalt  }
0x5b: {  	_ =	shalt  }
0x5c: {  	_ =	shalt  }
0x5d: {  	_ =	shalt  }
0x5e: {  	_ =	shalt  }
0x5f: {  	_ =	shalt  }
0x60: {  	_ =	shalt  }
0x61: {  	_ =	shalt  }
0x62: {  	_ =	shalt  }
0x63: {  	_ =	shalt  }
0x64: {  	_ =	shalt  }
0x65: {  	_ =	shalt  }
0x66: {  	_ =	shalt  }
0x67: {  	_ =	shalt  }
0x68: {  	_ =	shalt  }
0x69: {  	_ =	shalt  }
0x6a: {  	_ =	shalt  }
0x6b: {  	_ =	shalt  }
0x6c: {  	_ =	shalt  }
0x6d: {  	_ =	shalt  }
0x6e: {  	_ =	shalt  }
0x6f: {  	_ =	shalt  }
0x70: {  	_ =	shalt  }
0x71: {  	_ =	shalt  }
0x72: {  	_ =	shalt  }
0x73: {  	_ =	shalt  }
0x74: {  	_ =	shalt  }
0x75: {  	_ =	shalt  }
0x76: {  	_ =	shalt  }
0x77: {  	_ =	shalt  }
0x78: {  	_ =	shalt  }
0x79: {  	_ =	shalt  }
0x7a: {  	_ =	shalt  }
0x7b: {  	_ =	shalt  }
0x7c: {  	_ =	shalt  }
0x7d: {  	_ =	shalt  }
0x7e: {  	_ =	shalt  }
0x7f: {  	_ =	shalt  }
0x80: {  	_ =	shalt  }
0x81: {  	_ =	shalt  }
0x82: {  	_ =	shalt  }
0x83: {  	_ =	shalt  }
0x84: {  	_ =	shalt  }
0x85: {  	_ =	shalt  }
0x86: {  	_ =	shalt  }
0x87: {  	_ =	shalt  }
.Lfunc_end0:
.L_simem_size_0:
called_computation.2_lowered:
.L_overlay_start_0:
0x88: {  	s2 =	sld [smem:$0x3FD9]  }
0x89: {  	s3 =	sld [smem:$0x3FFE];
	_ =	sdelay $0x1  }
0x8a: {  	s1 =	srdreg.scid  }
0x8b: {  	s0 =	sand.u32 $0x1, s1  }
0x8c: {  	s17 =	sshll.u32 s0, $0xA;
	s2 =	sadd.s32 s3, s2  }
0x8d: {  	s2 =	sadd.s32 s2, s17  }
0x8e: {  	[smem:$0x3FB5] =	sst s2  }
0x8f: {  	_ = 	snop  }
0x90: {  	(tm) =	ssettm $0x1  }
0x91: {  	s18 =	sld [smem:$0x3FFB];
	_ =	sdelay $0x3  }
0x92: {  	_ =	strace s18  }
0x93: {  	s2 =	sld [smem:$0x3FFC];
	_ =	sdelay $0x3  }
0x94: {  	_ =	strace s2  }
0x95: {  	s2 =	sld [smem:$0x3FFD];
	_ =	sdelay $0x3  }
0x96: {  	_ =	strace s2  }
0x97: {  	_ =	strace $0x8FFFFFFF  }
0x98: {  	s19 =	sld [smem:$0x3FDB];
	_ =	sdelay $0x1  }
0x99: {  	s20 =	simm.s32 $_scs_section_size  }
0x9a: {  	s4 =	simm.s32 $_size__tile_overlayer_lowered;
	s5 =	simm.s32 $_tile_overlayer_lowered  }
0x9b: {  	s6 =	simm.s32 $0x1BFF;
	s21 =	sshll.u32 s5, $0x1;
	s3 =	sadd.s32 s20, s19  }
0x9c: {  	s22 =	simm.s32 $0x0;
	s4 =	sshll.u32 s4, $0x1;
	s5 =	sadd.s32 s21, s3  }
0x9d: {  	[timem:s22], [sflag:s6] =	dma.local [hbm:s5], s4  }
0x9e: {  	_ =	swait.ge [sflag:s6], s4  }
0x9f: {  	s4 =	ssub.s32 $0x0, s4;
	[sflag:s6] =	ssyncset.done $0x0  }
0xa0: {  	[sflag:s6] =	ssyncadd.s32 s4;
	_ =	sdelay $0x1  }
0xa1: {  	s23 =	simm.s32 $0x1B8B  }
0xa2: {  	_ =	swait.ge [sflag:s23], $0x1  }
0xa3: {  	[sflag:s23] =	ssyncset.done $0x0  }
0xa4: {  	[sflag:s23] =	ssyncadd.s32 $0xFFFFFFFF  }
0xa5: {  	s4 =	sld [smem:$0x0]  }
0xa6: {  	s5 =	sand.u32 $0xFFFFFFFE, s1  }
0xa7: {  	p0 =	sne.s32 s1, s5  }
0xa8: {  	s5 =	sshll.u32 @p0 s5, $0xE  }
0xa9: {  	s5 =	sadd.s32 @p0 $0x11B8D, s5;
	s6 =	sshll.u32 @p0 s4, $0x11  }
0xaa: {  	s5 =	sor.u32 @p0 s6, s5  }
0xab: {  	[sflag:s5] =	ssyncadd.remote.s32 @p0 $0x1;
	_ =	sdelay $0x1  }
0xac: {  	s5 =	simm.s32 @p0 $0x1B8D  }
0xad: {  	_ =	swait.eq @p0 [sflag:s5], $0x1  }
0xae: {  	[sflag:s5] =	ssyncadd.s32 @p0 $0xFFFFFFFF  }
0xaf: {  	s6 =	sshll.u32 @!p0 s1, $0xE  }
0xb0: {  	s6 =	sor.u32 @!p0 $0x4000, s6;
	s5 =	simm.s32 @!p0 $0x1B8D  }
0xb1: {  	s4 =	sshll.u32 @!p0 s4, $0x11;
	s6 =	sadd.s32 @!p0 $0x11B8D, s6;
	_ =	swait.eq @!p0 [sflag:s5], $0x1  }
0xb2: {  	s4 =	sor.u32 @!p0 s4, s6;
	[sflag:s5] =	ssyncadd.s32 @!p0 $0xFFFFFFFF  }
0xb3: {  	s25 =	simm.s32 $0x1B8E;
	s24 =	sld [smem:$0x3FFE];
	[sflag:s4] =	ssyncadd.remote.s32 @!p0 $0x1  }
0xb4: {  	s26 =	simm.s32 $execute0_lowered;
	[smem:$0x3FD2] =	sst s25  }
0xb5: {  	s5 =	sshll.u32 s26, $0x1;
	_ =	strace $0x8000004F;
	[dreg:$0x1] =	wrdreg $0xFFFFFFFF  }
0xb6: {  	s28 =	simm.s32 $_size_execute0_lowered;
	s3 =	sadd.s32 s3, s5;
	[dreg:$0x0] =	wrdreg $0x0  }
0xb7: {  	s5 =	sshll.u32 s28, $0x1;
	[dreg:$0x2] =	wrdreg s3  }
0xb8: {  	[dreg:$0x3] =	wrdreg s5  }
0xb9: {  	[dreg:$0x4] =	wrdreg $0xC0  }
0xba: {  	_ =	task [dreg:s22], $0x5FFFF  }
0xbb: {  	[dreg:$0x1] =	wrdreg $0xFFFFFFFF  }
0xbc: {  	[dreg:$0x0] =	wrdreg $0x60  }
0xbd: {  	[dreg:$0x2] =	wrdreg s24  }
0xbe: {  	[dreg:$0x3] =	wrdreg $0xA8000  }
0xbf: {  	[dreg:$0x4] =	wrdreg $0x128000  }
0xc0: {  	[dreg:$0x5] =	wrdreg $0x9  }
0xc1: {  	_ =	task.clear_ibuf [dreg:s22], $0x6FFFF;
	_ =	strace $0x9000004F  }
0xc2: {  	s29 =	simm.s32 $0x9;
	_ =	strace $0x80000051  }
0xc3: {  	_ =	swait.ge [sflag:s29], $0x1  }
0xc4: {  	[sflag:s29] =	ssyncadd.s32 $0xFFFFFFFF  }
0xc5: {  	_ =	strace $0x90000051  }
0xc6: {  	_ =	sfence  }
0xc7: {  	s30 =	sld [smem:$0x0];
	_ =	sdelay $0x2  }
0xc8: {  	s31 =	sshll.u32 s1, $0xD;
	s1 =	sshrl.u32 s1, $0x2  }
0xc9: {  	s4 =	sand.u32 $0x4000, s31;
	s1 =	sadd.s32 s1, s30  }
0xca: {  	s0 =	sor.u32 s4, s0;
	s1 =	sshll.u32 s1, $0x11  }
0xcb: {  	s0 =	sor.u32 s1, s0  }
0xcc: {  	s0 =	sadd.s32 $0x8F2B, s0  }
0xcd: {  	[sflag:s0] =	ssyncadd.remote.s32 $0x1  }
0xce: {  	_ =	sfence.sel $0xFFFF  }
0xcf: {  	[dreg:$0x0] =	wrdreg $0xFFFFFFFF;
	(pc) =	sbr.abs _section_cstart, $3  }
0xd0: {  	[dreg:$0x1] =	wrdreg $0xFFFFFFFF  }
0xd1: {  	_ =	task.clear_ibuf [dreg:s22], $0x2FFFF;
	_ =	strace $0x9FFFFFFF  }
0xd2: {  	(tm) =	ssettm $0x7FFFFFFF  }
0xd3: {  	_ =	shalt  }
tec
execute0_lowered:
.L_overlay_start_1:
0x0: {  	(tag) =	ssettag $0x1  }
0x1: {  	s0 =	rddreg [dreg:$0x0]  }
0x2: {  	s1 =	rddreg [dreg:$0x1]  }
0x3: {  	s2 =	rddreg [dreg:$0x2]  }
0x4: {  	s4 =	simm.s32 $0x0;
	s15 =	stileid.u32;
	s7 =	srdreg.scid  }
0x5: {  	s28 =	simm.s32 $0x4800;
	s29 =	simm.s32 $0x6800;
	s30 =	simm.s32 $0x8800  }
0x6: {  	s31 =	simm.s32 $0x1;
	[smem:$0x7FF] =	sst s4;
	s3 =	sadd.s32 $0xEA200, s0  }
0x7: {  	s5 =	sadd.s32 $0x4CA200, s0;
	s6 =	sshll.u32 s15, $0x8;
	s8 =	sadd.s32 $0x54A200, s0  }
0x8: {  	s7 =	sand.u32 $0x1, s7;
	s24 =	sadd.s32 $0x16B200, s0;
	s10 =	sshll.u32 s15, $0xF  }
0x9: {  	_ =	strace $0x80000050;
	s9 =	sadd.s32 s6, s0;
	[dreg:$0x4] =	wrdreg s24  }
0xa: {  	s11 =	sshll.u32 s7, $0x13;
	s6 =	sadd.s32 $0x16A200, s0;
	s12 =	ssub.s32 $0x2, s7  }
0xb: {  	s14 =	sshll.u32 s7, $0xC;
	s7 =	sshll.u32 s7, $0x12;
	s11 =	sor.u32 s10, s11  }
0xc: {  	s13 =	sshrl.u32 s12, $0x1;
	s9 =	sadd.s32 s14, s9;
	s14 =	sadd.s32 s10, s1  }
0xd: {  	s10 =	sadd.s32 s10, s2;
	s23 =	sadd.s32 s7, s3;
	s24 =	sadd.s32 s7, s5  }
0xe: {  	s11 =	sshrl.u32 s11, $0x3;
	s25 =	ssub.s32 s12, s13;
	[dreg:$0x6] =	wrdreg s14  }
0xf: {  	s9 =	sadd.s32 $0xE8200, s9;
	[dreg:$0x7] =	wrdreg s10;
	s0 =	sadd.s32 s11, s0  }
0x10: {  	[dreg:$0x5] =	wrdreg s9;
	s9 =	sshll.u32 s15, $0xE;
	s20 =	sadd.s32 $0x16B600, s0  }
0x11: {  	s26 =	sor.u32 s9, s7;
	s21 =	sadd.s32 $0x18B600, s0;
	s22 =	sadd.s32 $0x1C9200, s0  }
0x12: {  	s15 =	sadd.s32 s3, s26;
	s16 =	sadd.s32 s5, s26;
	[dreg:$0xc] =	wrdreg s20  }
0x13: {  	s17 =	sor.u32 $0x400, s26;
	[dreg:$0xd] =	wrdreg s21;
	s12 =	sadd.s32 s8, s26  }
0x14: {  	[dreg:$0x10] =	wrdreg s22;
	s20 =	smax.u32 s25, $0x1;
	s25 =	sadd.s32 s7, s8  }
0x15: {  	s21 =	sadd.s32 s9, s23;
	s22 =	sadd.s32 s9, s24;
	[dreg:$0x8] =	wrdreg s15  }
0x16: {  	s24 =	simm.s32 $0x5;
	s7 =	simm.s32 $0x4;
	[dreg:$0x9] =	wrdreg s16  }
0x17: {  	s18 =	sadd.s32 s3, s17;
	s19 =	sadd.s32 s5, s17;
	[dreg:$0xe] =	wrdreg s12  }
0x18: {  	s10 =	sadd.s32 s8, s17;
	s26 =	sadd.s32 s9, s25;
	s25 =	simm.s32 $0x800  }
0x19: {  	s3 =	simm.s32 $0x2;
	s5 =	simm.s32 $0x3;
	[dreg:$0xa] =	wrdreg s18  }
0x1a: {  	s8 =	simm.s32 $0x700;
	s9 =	simm.s32 $0x780;
	[dreg:$0xb] =	wrdreg s19  }
0x1b: {  	[dreg:$0xf] =	wrdreg s10;
	s19 =	sadd.s32 $0x1E9200, s0;
	s16 =	sadd.s32 $0xC00, s26  }
0x1c: {  	s26 =	simm.s32 $0x2800;
	s0 =	simm.s32 $0x40;
	s10 =	simm.s32 $0x0  }
.LBB2_1:
0x1d: {  	s11 =	rddreg [dreg:$0x5]  }
0x1e: {  	[tilespmem:s4], [sflag:$0x5] =	stream.linear.gather [hbm4b:s11+s4], $0x800, $0x38;
	[tilespmem:$0x1A800] =	vst v63  }
0x1f: {  	_ =	swait.ge [sflag:s24], $0x800  }
0x20: {  	[sflag:s24] =	ssyncset.done $0x0  }
0x21: {  	s13 =	rddreg [dreg:$0x4];
	[sflag:s24] =	ssyncadd.s32 $0xFFFFF800  }
0x22: {  	[tilespmem:s25], [sflag:$0x5] =	stream.linear.gather [hbm4b:s13+s4], $0x2000, $0x38;
	[tilespmem:$0x1A800] =	vst v63  }
0x23: {  	s14 =	stileid.u32;
	_ =	swait.ge [sflag:s24], $0x2000  }
0x24: {  	s11 =	sshll.u32 s14, $0x6;
	[sflag:s24] =	ssyncset.done $0x0;
	s12 =	rddreg [dreg:$0x6]  }
0x25: {  	s11 =	sor.u32 $0x1C05, s11;
	[sflag:s24] =	ssyncadd.s32 $0xFFFFE000;
	s12 =	sshrl.u32 s12, $0x3  }
0x26: {  	[spmem:s12], [sflag:s11] =	dma.local [hbm:s6], $0x1000  }
0x27: {  	_ =	swait.ge [sflag:s24], $0x1000  }
0x28: {  	[sflag:s24] =	ssyncset.done $0x0;
	s13 =	rddreg [dreg:$0x7]  }
0x29: {  	[sflag:s24] =	ssyncadd.s32 $0xFFFFF000;
	s13 =	sshrl.u32 s13, $0x3  }
0x2a: {  	[spmem:s13], [sflag:s11] =	dma.local [hbm:s6], $0x1000  }
0x2b: {  	_ =	swait.ge [sflag:s24], $0x1000  }
0x2c: {  	[sflag:s24] =	ssyncset.done $0x0  }
0x2d: {  	[sflag:s24] =	ssyncadd.s32 $0xFFFFF000  }
0x2e: {  	[bflag:$0x0] =	sbarrier.arrive $0xFFFF  }
0x2f: {  	s14 =	rddreg [dreg:$0x8]  }
0x30: {  	[tilespmem:s26], [sflag:$0x1] =	stream.linear.gather [hbm4b:s14+s4], $0x2000, $0x38;
	[tilespmem:$0x1A800] =	vst v63  }
0x31: {  	s15 =	rddreg [dreg:$0x9]  }
0x32: {  	[tilespmem:s28], [sflag:$0x1] =	stream.linear.gather [hbm4b:s15+s4], $0x2000, $0x38;
	[tilespmem:$0x1A800] =	vst v63  }
0x33: {  	s17 =	rddreg [dreg:$0xa]  }
0x34: {  	[tilespmem:s29], [sflag:$0x2] =	stream.linear.gather [hbm4b:s17+s4], $0x2000, $0x38;
	[tilespmem:$0x1A800] =	vst v63  }
0x35: {  	s18 =	rddreg [dreg:$0xb]  }
0x36: {  	[tilespmem:s30], [sflag:$0x2] =	stream.linear.gather [hbm4b:s18+s4], $0x2000, $0x38;
	[tilespmem:$0x1A800] =	vst v63  }
0x37: {  	_ =	swait.ge [sflag:s31], $0x2000  }
0x38: {  	[sflag:s31] =	ssyncset.done $0x0  }
0x39: {  	[sflag:s31] =	ssyncadd.s32 $0xFFFFE000  }
0x3a: {  	_ =	swait.ge [sflag:s31], $0x2000  }
0x3b: {  	[sflag:s31] =	ssyncset.done $0x0  }
0x3c: {  	s23 =	simm.s32 $0x0;
	[sflag:s31] =	ssyncadd.s32 $0xFFFFE000  }
0x3d: {  	[spmem:s1] =	stream.indirect.scatter.add.f32 [tilespmem:s26], [sflag:$0x3], $0x80, s23, s0, $0xb8;
	[tilespmem:$0x1A800] =	vst v63  }
0x3e: {  	_ = 	snop  }
0x3f: {  	[spmem:s2] =	stream.indirect.scatter.add.f32 [tilespmem:s28], [sflag:$0x3], $0x80, s23, s0, $0xb8;
	[tilespmem:$0x1A800] =	vst v63  }
0x40: {  	_ =	swait.ge [sflag:s3], $0x2000  }
0x41: {  	[sflag:s3] =	ssyncset.done $0x0  }
0x42: {  	[sflag:s3] =	ssyncadd.s32 $0xFFFFE000  }
0x43: {  	_ =	swait.ge [sflag:s3], $0x2000  }
0x44: {  	[sflag:s3] =	ssyncset.done $0x0  }
0x45: {  	s15 =	simm.s32 $0x80;
	[sflag:s3] =	ssyncadd.s32 $0xFFFFE000  }
0x46: {  	[spmem:s1] =	stream.indirect.scatter.add.f32 [tilespmem:s29], [sflag:$0x4], $0x80, s15, s0, $0xb8;
	[tilespmem:$0x1A800] =	vst v63  }
0x47: {  	_ = 	snop  }
0x48: {  	[spmem:s2] =	stream.indirect.scatter.add.f32 [tilespmem:s30], [sflag:$0x4], $0x80, s15, s0, $0xb8;
	[tilespmem:$0x1A800] =	vst v63  }
0x49: {  	_ =	swait.ge [sflag:s5], $0x2000  }
0x4a: {  	[sflag:s5] =	ssyncset.done $0x0  }
0x4b: {  	[sflag:s5] =	ssyncadd.s32 $0xFFFFE000  }
0x4c: {  	_ =	swait.ge [sflag:s5], $0x2000  }
0x4d: {  	s17 =	sadd.s32 $0x0, s21;
	[sflag:s5] =	ssyncset.done $0x0  }
0x4e: {  	s23 =	sadd.s32 $0x0, s22;
	s15 =	sadd.s32 $0x800, s17;
	[sflag:s5] =	ssyncadd.s32 $0xFFFFE000  }
0x4f: {  	[tilespmem:s26], [sflag:$0x1] =	stream.linear.gather [hbm4b:s15+s4], $0x2000, $0x38;
	[tilespmem:$0x1A800] =	vst v63  }
0x50: {  	s18 =	sadd.s32 $0x800, s23  }
0x51: {  	[tilespmem:s28], [sflag:$0x1] =	stream.linear.gather [hbm4b:s18+s4], $0x2000, $0x38;
	[tilespmem:$0x1A800] =	vst v63  }
0x52: {  	_ =	swait.ge [sflag:s7], $0x2000  }
0x53: {  	[sflag:s7] =	ssyncset.done $0x0  }
0x54: {  	[sflag:s7] =	ssyncadd.s32 $0xFFFFE000  }
0x55: {  	_ =	swait.ge [sflag:s7], $0x2000  }
0x56: {  	[sflag:s7] =	ssyncset.done $0x0  }
0x57: {  	s14 =	sadd.s32 $0xC00, s17;
	[sflag:s7] =	ssyncadd.s32 $0xFFFFE000  }
0x58: {  	[tilespmem:s29], [sflag:$0x2] =	stream.linear.gather [hbm4b:s14+s4], $0x2000, $0x38;
	[tilespmem:$0x1A800] =	vst v63  }
0x59: {  	s23 =	sadd.s32 $0xC00, s23;
	s15 =	simm.s32 $0x180;
	s14 =	simm.s32 $0x800  }
.LBB2_2:
0x5a: {  	[tilespmem:s30], [sflag:$0x2] =	stream.linear.gather [hbm4b:s23+s4], $0x2000, $0x38;
	[tilespmem:$0x1A800] =	vst v63  }
0x5b: {  	s23 =	smov.u32 s14  }
0x5c: {  	p0 =	sne.s32 s14, $0x3000;
	s14 =	sadd.s32 $0x800, s14;
	_ =	swait.ge [sflag:s31], $0x2000  }
0x5d: {  	[sflag:s31] =	ssyncset.done $0x0  }
0x5e: {  	[sflag:s31] =	ssyncadd.s32 $0xFFFFE000  }
0x5f: {  	_ =	swait.ge [sflag:s31], $0x2000  }
0x60: {  	[sflag:s31] =	ssyncset.done $0x0  }
0x61: {  	s17 =	sadd.s32 $0xFFFFFF80, s15;
	[sflag:s31] =	ssyncadd.s32 $0xFFFFE000  }
0x62: {  	[spmem:s1] =	stream.indirect.scatter.add.f32 [tilespmem:s26], [sflag:$0x3], $0x80, s17, s0, $0xb8;
	[tilespmem:$0x1A800] =	vst v63  }
0x63: {  	_ = 	snop  }
0x64: {  	[spmem:s2] =	stream.indirect.scatter.add.f32 [tilespmem:s28], [sflag:$0x3], $0x80, s17, s0, $0xb8;
	[tilespmem:$0x1A800] =	vst v63  }
0x65: {  	_ =	swait.ge [sflag:s3], $0x2000  }
0x66: {  	[sflag:s3] =	ssyncset.done $0x0  }
0x67: {  	[sflag:s3] =	ssyncadd.s32 $0xFFFFE000  }
0x68: {  	_ =	swait.ge [sflag:s3], $0x2000  }
0x69: {  	[sflag:s3] =	ssyncset.done $0x0  }
0x6a: {  	[sflag:s3] =	ssyncadd.s32 $0xFFFFE000  }
0x6b: {  	[spmem:s1] =	stream.indirect.scatter.add.f32 [tilespmem:s29], [sflag:$0x4], $0x80, s15, s0, $0xb8;
	[tilespmem:$0x1A800] =	vst v63  }
0x6c: {  	_ = 	snop  }
0x6d: {  	[spmem:s2] =	stream.indirect.scatter.add.f32 [tilespmem:s30], [sflag:$0x4], $0x80, s15, s0, $0xb8;
	[tilespmem:$0x1A800] =	vst v63  }
0x6e: {  	_ =	swait.ge [sflag:s5], $0x2000  }
0x6f: {  	[sflag:s5] =	ssyncset.done $0x0  }
0x70: {  	[sflag:s5] =	ssyncadd.s32 $0xFFFFE000  }
0x71: {  	_ =	swait.ge [sflag:s5], $0x2000  }
0x72: {  	s17 =	sadd.s32 s23, s21;
	[sflag:s5] =	ssyncset.done $0x0  }
0x73: {  	s23 =	sadd.s32 s23, s22;
	s18 =	sadd.s32 $0x800, s17;
	[sflag:s5] =	ssyncadd.s32 $0xFFFFE000  }
0x74: {  	[tilespmem:s26], [sflag:$0x1] =	stream.linear.gather [hbm4b:s18+s4], $0x2000, $0x38;
	[tilespmem:$0x1A800] =	vst v63  }
0x75: {  	s18 =	sadd.s32 $0x800, s23  }
0x76: {  	[tilespmem:s28], [sflag:$0x1] =	stream.linear.gather [hbm4b:s18+s4], $0x2000, $0x38;
	[tilespmem:$0x1A800] =	vst v63  }
0x77: {  	_ =	swait.ge [sflag:s7], $0x2000  }
0x78: {  	[sflag:s7] =	ssyncset.done $0x0  }
0x79: {  	[sflag:s7] =	ssyncadd.s32 $0xFFFFE000  }
.Ltmp0:
0x7a: {  	_ =	swait.ge [sflag:s7], $0x2000;
	(pc) =	sbr.rel @p0 .LBB2_2-.Ltmp0, $4  }
0x7b: {  	[sflag:s7] =	ssyncset.done $0x0  }
0x7c: {  	s17 =	sadd.s32 $0xC00, s17;
	[sflag:s7] =	ssyncadd.s32 $0xFFFFE000  }
0x7d: {  	[tilespmem:s29], [sflag:$0x2] =	stream.linear.gather [hbm4b:s17+s4], $0x2000, $0x38;
	[tilespmem:$0x1A800] =	vst v63  }
0x7e: {  	s15 =	sadd.s32 $0x100, s15;
	s23 =	sadd.s32 $0xC00, s23  }
0x7f: {  	[tilespmem:s30], [sflag:$0x2] =	stream.linear.gather [hbm4b:s23+s4], $0x2000, $0x38;
	[tilespmem:$0x1A800] =	vst v63  }
0x80: {  	_ =	swait.ge [sflag:s31], $0x2000  }
0x81: {  	[sflag:s31] =	ssyncset.done $0x0  }
0x82: {  	[sflag:s31] =	ssyncadd.s32 $0xFFFFE000  }
0x83: {  	_ =	swait.ge [sflag:s31], $0x2000  }
0x84: {  	[sflag:s31] =	ssyncset.done $0x0  }
0x85: {  	[sflag:s31] =	ssyncadd.s32 $0xFFFFE000  }
0x86: {  	[spmem:s1] =	stream.indirect.scatter.add.f32 [tilespmem:s26], [sflag:$0x3], $0x80, s8, s0, $0xb8;
	[tilespmem:$0x1A800] =	vst v63  }
0x87: {  	_ = 	snop  }
0x88: {  	[spmem:s2] =	stream.indirect.scatter.add.f32 [tilespmem:s28], [sflag:$0x3], $0x80, s8, s0, $0xb8;
	[tilespmem:$0x1A800] =	vst v63  }
0x89: {  	_ =	swait.ge [sflag:s3], $0x2000  }
0x8a: {  	[sflag:s3] =	ssyncset.done $0x0  }
0x8b: {  	[sflag:s3] =	ssyncadd.s32 $0xFFFFE000  }
0x8c: {  	_ =	swait.ge [sflag:s3], $0x2000  }
0x8d: {  	[sflag:s3] =	ssyncset.done $0x0  }
0x8e: {  	[sflag:s3] =	ssyncadd.s32 $0xFFFFE000  }
0x8f: {  	[spmem:s1] =	stream.indirect.scatter.add.f32 [tilespmem:s29], [sflag:$0x4], $0x80, s9, s0, $0xb8;
	[tilespmem:$0x1A800] =	vst v63  }
0x90: {  	_ = 	snop  }
0x91: {  	[spmem:s2] =	stream.indirect.scatter.add.f32 [tilespmem:s30], [sflag:$0x4], $0x80, s9, s0, $0xb8;
	[tilespmem:$0x1A800] =	vst v63  }
0x92: {  	_ =	swait.ge [sflag:s5], $0x2000  }
0x93: {  	[sflag:s5] =	ssyncset.done $0x0  }
0x94: {  	[sflag:s5] =	ssyncadd.s32 $0xFFFFE000  }
0x95: {  	_ =	swait.ge [sflag:s5], $0x2000  }
0x96: {  	[sflag:s5] =	ssyncset.done $0x0  }
0x97: {  	[sflag:s5] =	ssyncadd.s32 $0xFFFFE000  }
0x98: {  	_ =	swait.ge [sflag:s7], $0x2000  }
0x99: {  	[sflag:s7] =	ssyncset.done $0x0  }
0x9a: {  	[sflag:s7] =	ssyncadd.s32 $0xFFFFE000  }
0x9b: {  	_ =	swait.ge [sflag:s7], $0x2000  }
0x9c: {  	[sflag:s7] =	ssyncset.done $0x0  }
0x9d: {  	[sflag:s7] =	ssyncadd.s32 $0xFFFFE000  }
0x9e: {  	[bflag:$0x0] =	sbarrier.arrive $0xFFFF  }
0x9f: {  	s14 =	rddreg [dreg:$0xc]  }
0xa0: {  	[hbm:s14], [sflag:s11] =	dma.local [spmem:s12], $0x1000  }
0xa1: {  	_ =	swait.ge [sflag:s24], $0x1000  }
0xa2: {  	[sflag:s24] =	ssyncset.done $0x0  }
0xa3: {  	s17 =	rddreg [dreg:$0xd];
	[sflag:s24] =	ssyncadd.s32 $0xFFFFF000  }
0xa4: {  	[hbm:s17], [sflag:s11] =	dma.local [spmem:s13], $0x1000  }
0xa5: {  	_ =	swait.ge [sflag:s24], $0x1000  }
0xa6: {  	[sflag:s24] =	ssyncset.done $0x0  }
0xa7: {  	[sflag:s24] =	ssyncadd.s32 $0xFFFFF000  }
0xa8: {  	[bflag:$0x0] =	sbarrier.arrive $0xFFFF  }
0xa9: {  	[spmem:s12], [sflag:s11] =	dma.local [hbm:s6], $0x1000  }
0xaa: {  	_ =	swait.ge [sflag:s24], $0x1000  }
0xab: {  	[sflag:s24] =	ssyncset.done $0x0  }
0xac: {  	[sflag:s24] =	ssyncadd.s32 $0xFFFFF000  }
0xad: {  	[spmem:s13], [sflag:s11] =	dma.local [hbm:s6], $0x1000  }
0xae: {  	_ =	swait.ge [sflag:s24], $0x1000  }
0xaf: {  	[sflag:s24] =	ssyncset.done $0x0  }
0xb0: {  	[sflag:s24] =	ssyncadd.s32 $0xFFFFF000  }
0xb1: {  	[bflag:$0x0] =	sbarrier.arrive $0xFFFF  }
0xb2: {  	s18 =	simm.s32 $0x0;
	s15 =	rddreg [dreg:$0xe]  }
0xb3: {  	[tilespmem:s26], [sflag:$0x1] =	stream.linear.gather [hbm4b:s15+s18], $0x2000, $0x38;
	[tilespmem:$0x1A800] =	vst v63  }
0xb4: {  	s23 =	rddreg [dreg:$0xf]  }
0xb5: {  	[tilespmem:s29], [sflag:$0x2] =	stream.linear.gather [hbm4b:s23+s18], $0x2000, $0x38;
	[tilespmem:$0x1A800] =	vst v63  }
0xb6: {  	_ =	swait.ge [sflag:s31], $0x2000  }
0xb7: {  	[sflag:s31] =	ssyncset.done $0x0  }
0xb8: {  	s17 =	simm.s32 $0x0;
	[sflag:s31] =	ssyncadd.s32 $0xFFFFE000  }
0xb9: {  	[spmem:s1] =	stream.indirect.scatter.add.f32 [tilespmem:s26], [sflag:$0x3], $0x80, s17, s0, $0xb8;
	[tilespmem:$0x1A800] =	vst v63  }
0xba: {  	_ = 	snop  }
0xbb: {  	[spmem:s2] =	stream.indirect.scatter.add.f32 [tilespmem:s25], [sflag:$0x3], $0x80, s17, s0, $0xb8;
	[tilespmem:$0x1A800] =	vst v63  }
0xbc: {  	_ =	swait.ge [sflag:s3], $0x2000  }
0xbd: {  	[sflag:s3] =	ssyncset.done $0x0  }
0xbe: {  	s18 =	simm.s32 $0x80;
	[sflag:s3] =	ssyncadd.s32 $0xFFFFE000  }
0xbf: {  	[spmem:s1] =	stream.indirect.scatter.add.f32 [tilespmem:s29], [sflag:$0x4], $0x80, s18, s0, $0xb8;
	[tilespmem:$0x1A800] =	vst v63  }
0xc0: {  	_ = 	snop  }
0xc1: {  	[spmem:s2] =	stream.indirect.scatter.add.f32 [tilespmem:s25], [sflag:$0x4], $0x80, s18, s0, $0xb8;
	[tilespmem:$0x1A800] =	vst v63  }
0xc2: {  	_ =	swait.ge [sflag:s5], $0x2000  }
0xc3: {  	[sflag:s5] =	ssyncset.done $0x0  }
0xc4: {  	[sflag:s5] =	ssyncadd.s32 $0xFFFFE000  }
0xc5: {  	_ =	swait.ge [sflag:s5], $0x2000  }
0xc6: {  	[sflag:s5] =	ssyncset.done $0x0  }
0xc7: {  	s23 =	sadd.s32 $0xFFFFFC00, s16;
	[sflag:s5] =	ssyncadd.s32 $0xFFFFE000  }
0xc8: {  	[tilespmem:s26], [sflag:$0x1] =	stream.linear.gather [hbm4b:s23+s4], $0x2000, $0x38;
	[tilespmem:$0x1A800] =	vst v63  }
0xc9: {  	_ =	swait.ge [sflag:s7], $0x2000  }
0xca: {  	[sflag:s7] =	ssyncset.done $0x0  }
0xcb: {  	[sflag:s7] =	ssyncadd.s32 $0xFFFFE000  }
0xcc: {  	_ =	swait.ge [sflag:s7], $0x2000  }
0xcd: {  	s14 =	simm.s32 $0x400;
	[sflag:s7] =	ssyncset.done $0x0  }
0xce: {  	s15 =	sadd.s32 $0x800, s16;
	s23 =	smov.u32 s16;
	[sflag:s7] =	ssyncadd.s32 $0xFFFFE000  }
.LBB2_4:
0xcf: {  	[tilespmem:s29], [sflag:$0x2] =	stream.linear.gather [hbm4b:s23+s4], $0x2000, $0x38;
	[tilespmem:$0x1A800] =	vst v63  }
0xd0: {  	s17 =	smov.u32 s14;
	s23 =	smov.u32 s15  }
0xd1: {  	p0 =	sne.s32 s14, $0x1800;
	s14 =	sadd.s32 $0x400, s14;
	_ =	swait.ge [sflag:s31], $0x2000  }
0xd2: {  	[sflag:s31] =	ssyncset.done $0x0  }
0xd3: {  	s17 =	sshra.s32 s17, $0x2;
	[sflag:s31] =	ssyncadd.s32 $0xFFFFE000  }
0xd4: {  	[spmem:s1] =	stream.indirect.scatter.add.f32 [tilespmem:s26], [sflag:$0x3], $0x80, s17, s0, $0xb8;
	[tilespmem:$0x1A800] =	vst v63  }
0xd5: {  	_ = 	snop  }
0xd6: {  	[spmem:s2] =	stream.indirect.scatter.add.f32 [tilespmem:s25], [sflag:$0x3], $0x80, s17, s0, $0xb8;
	[tilespmem:$0x1A800] =	vst v63  }
0xd7: {  	_ =	swait.ge [sflag:s3], $0x2000  }
0xd8: {  	[sflag:s3] =	ssyncset.done $0x0  }
0xd9: {  	s17 =	sadd.s32 $0x80, s17;
	[sflag:s3] =	ssyncadd.s32 $0xFFFFE000  }
0xda: {  	[spmem:s1] =	stream.indirect.scatter.add.f32 [tilespmem:s29], [sflag:$0x4], $0x80, s17, s0, $0xb8;
	[tilespmem:$0x1A800] =	vst v63  }
0xdb: {  	_ = 	snop  }
0xdc: {  	[spmem:s2] =	stream.indirect.scatter.add.f32 [tilespmem:s25], [sflag:$0x4], $0x80, s17, s0, $0xb8;
	[tilespmem:$0x1A800] =	vst v63  }
0xdd: {  	_ =	swait.ge [sflag:s5], $0x2000  }
0xde: {  	[sflag:s5] =	ssyncset.done $0x0  }
0xdf: {  	[sflag:s5] =	ssyncadd.s32 $0xFFFFE000  }
0xe0: {  	_ =	swait.ge [sflag:s5], $0x2000  }
0xe1: {  	[sflag:s5] =	ssyncset.done $0x0  }
0xe2: {  	s17 =	sadd.s32 $0xFFFFFC00, s15;
	[sflag:s5] =	ssyncadd.s32 $0xFFFFE000  }
0xe3: {  	[tilespmem:s26], [sflag:$0x1] =	stream.linear.gather [hbm4b:s17+s4], $0x2000, $0x38;
	[tilespmem:$0x1A800] =	vst v63  }
0xe4: {  	_ =	swait.ge [sflag:s7], $0x2000  }
.Ltmp1:
0xe5: {  	[sflag:s7] =	ssyncset.done $0x0;
	(pc) =	sbr.rel @p0 .LBB2_4-.Ltmp1, $4  }
0xe6: {  	[sflag:s7] =	ssyncadd.s32 $0xFFFFE000  }
0xe7: {  	_ =	swait.ge [sflag:s7], $0x2000  }
0xe8: {  	[sflag:s7] =	ssyncset.done $0x0  }
0xe9: {  	s15 =	sadd.s32 $0x800, s15;
	[sflag:s7] =	ssyncadd.s32 $0xFFFFE000  }
0xea: {  	[tilespmem:s29], [sflag:$0x2] =	stream.linear.gather [hbm4b:s23+s4], $0x2000, $0x38;
	[tilespmem:$0x1A800] =	vst v63  }
0xeb: {  	_ =	swait.ge [sflag:s31], $0x2000  }
0xec: {  	[sflag:s31] =	ssyncset.done $0x0  }
0xed: {  	[sflag:s31] =	ssyncadd.s32 $0xFFFFE000  }
0xee: {  	[spmem:s1] =	stream.indirect.scatter.add.f32 [tilespmem:s26], [sflag:$0x3], $0x80, s8, s0, $0xb8;
	[tilespmem:$0x1A800] =	vst v63  }
0xef: {  	_ = 	snop  }
0xf0: {  	[spmem:s2] =	stream.indirect.scatter.add.f32 [tilespmem:s25], [sflag:$0x3], $0x80, s8, s0, $0xb8;
	[tilespmem:$0x1A800] =	vst v63  }
0xf1: {  	_ =	swait.ge [sflag:s3], $0x2000  }
0xf2: {  	[sflag:s3] =	ssyncset.done $0x0  }
0xf3: {  	[sflag:s3] =	ssyncadd.s32 $0xFFFFE000  }
0xf4: {  	[spmem:s1] =	stream.indirect.scatter.add.f32 [tilespmem:s29], [sflag:$0x4], $0x80, s9, s0, $0xb8;
	[tilespmem:$0x1A800] =	vst v63  }
0xf5: {  	_ = 	snop  }
0xf6: {  	[spmem:s2] =	stream.indirect.scatter.add.f32 [tilespmem:s25], [sflag:$0x4], $0x80, s9, s0, $0xb8;
	[tilespmem:$0x1A800] =	vst v63  }
0xf7: {  	_ =	swait.ge [sflag:s5], $0x2000  }
0xf8: {  	[sflag:s5] =	ssyncset.done $0x0  }
0xf9: {  	[sflag:s5] =	ssyncadd.s32 $0xFFFFE000  }
0xfa: {  	_ =	swait.ge [sflag:s5], $0x2000  }
0xfb: {  	[sflag:s5] =	ssyncset.done $0x0  }
0xfc: {  	[sflag:s5] =	ssyncadd.s32 $0xFFFFE000  }
0xfd: {  	_ =	swait.ge [sflag:s7], $0x2000  }
0xfe: {  	[sflag:s7] =	ssyncset.done $0x0  }
0xff: {  	[sflag:s7] =	ssyncadd.s32 $0xFFFFE000  }
0x100: {  	_ =	swait.ge [sflag:s7], $0x2000  }
0x101: {  	[sflag:s7] =	ssyncset.done $0x0  }
0x102: {  	[sflag:s7] =	ssyncadd.s32 $0xFFFFE000  }
0x103: {  	[bflag:$0x0] =	sbarrier.arrive $0xFFFF  }
0x104: {  	s14 =	rddreg [dreg:$0x10]  }
0x105: {  	[hbm:s14], [sflag:s11] =	dma.local [spmem:s12], $0x1000  }
0x106: {  	_ =	swait.ge [sflag:s24], $0x1000  }
0x107: {  	s10 =	sadd.s32 $0x1, s10;
	[sflag:s24] =	ssyncset.done $0x0  }
0x108: {  	p0 =	sne.s32 s10, s20;
	[sflag:s24] =	ssyncadd.s32 $0xFFFFF000  }
0x109: {  	[hbm:s19], [sflag:s11] =	dma.local [spmem:s13], $0x1000  }
.Ltmp2:
0x10a: {  	_ =	swait.ge [sflag:s24], $0x1000;
	(pc) =	sbr.rel @p0 .LBB2_1-.Ltmp2, $3  }
0x10b: {  	[sflag:s24] =	ssyncset.done $0x0  }
0x10c: {  	[sflag:s24] =	ssyncadd.s32 $0xFFFFF000  }
0x10d: {  	[bflag:$0x0] =	sbarrier.arrive $0xFFFF;
	_ =	sdelay $0x1  }
0x10e: {  	_ =	sfence.sel $0x180000  }
0x10f: {  	[bflag:$0x0] =	sbarrier.arrive $0xFFFF  }
0x110: {  	_ =	strace $0x90000050  }
0x111: {  	s0 =	stileid.u32;
	[bflag:$0x2] =	sbarrier.arrive $0xFFFF  }
0x112: {  	p0 =	sne.s32 s0, $0x0;
	s0 =	rddreg [dreg:$0x3]  }
0x113: {  	s0 =	sadd.s32 @!p0 $0x100000, s0  }
0x114: {  	[sflag:s0] =	ssyncadd.tile.s32 @!p0 $0x1;
	_ =	shalt  }
.Lfunc_end2:
_tile_overlayer_lowered:
.L_overlay_start_2:
0x115: {  	(tag) =	ssettag $0x2  }
0x116: {  	s0 =	rddreg [dreg:$0x0];
	s2 =	stileid.u32  }
0x117: {  	s1 =	rddreg [dreg:$0x1];
	p0 =	sne.s32 s2, $0x0  }
0x118: {  	s3 =	rddreg [dreg:$0x2];
	[bflag:$0x3] =	sbarrier.arrive $0xFFFF;
	s2 =	simm.s32 @!p0 $0x1C05  }
0x119: {  	[timem:s3], [sflag:s2] =	dma.local @!p0 [hbm:s0], s1  }
0x11a: {  	s0 =	simm.s32 @!p0 $0x5  }
0x11b: {  	_ =	swait.ge @!p0 [sflag:s0], s1  }
0x11c: {  	s1 =	ssub.s32 @!p0 $0x0, s1;
	[sflag:s0] =	ssyncset.done @!p0 $0x0  }
0x11d: {  	[sflag:s0] =	ssyncadd.s32 @!p0 s1  }
0x11e: {  	[bflag:$0x3] =	sbarrier.arrive $0xFFFF  }
0x11f: {  	_ =	shalt  }

// kernel: kernel.24.cloned.1.call-start
scs
__scs_entry_jumppad:
0x0: {  	(pc) =	sbr.rel $0x88, $3  }
0x1: {  	(tag) =	ssettag $0x0;
	lr =	simm.s32 $0x1  }
0x2: {  	[smem:$0x3F8E] =	sst lr;
	_ =	strace $0xD0000000  }
0x3: {  	_ = 	snop  }
0x4: {  	_ = 	snop  }
0x5: {  	_ = 	snop  }
0x6: {  	_ = 	snop  }
0x7: {  	_ = 	snop  }
__scs_overlays_trampoline_lowered:
0x8: {  	[smem:$0x3F9D] =	sst s0  }
0x9: {  	[smem:$0x3F9E] =	sst s1  }
0xa: {  	[smem:$0x3F9F] =	sst s2  }
0xb: {  	[smem:$0x3FA0] =	sst s3  }
0xc: {  	[smem:$0x3FA1] =	sst s4  }
0xd: {  	[smem:$0x3FA2] =	sst s5  }
0xe: {  	[smem:$0x3FA3] =	sst s6  }
0xf: {  	[smem:$0x3FA4] =	sst s7  }
0x10: {  	[smem:$0x3FA5] =	sst s8  }
0x11: {  	[smem:$0x3FA6] =	sst s9;
	s0 =	simm.s32 @!p0 $0x0  }
0x12: {  	s1 =	sld [smem:$0x3F8C];
	s0 =	simm.s32 @p0 $0x1  }
0x13: {  	[smem:$0x3FA7] =	sst s0;
	s0 =	simm.s32 @!p1 $0x0  }
0x14: {  	s2 =	sld [smem:$0x3F8B];
	s0 =	simm.s32 @p1 $0x1  }
0x15: {  	[smem:$0x3FA8] =	sst s0;
	s0 =	simm.s32 @!p2 $0x0  }
0x16: {  	s3 =	sld [smem:$0x3FDB];
	s0 =	simm.s32 @p2 $0x1  }
0x17: {  	s4 =	simm.s32 $0x1BF5;
	[smem:$0x3FAA] =	sst s0  }
0x18: {  	s0 =	sld [smem:$0x3F8D];
	_ =	swait.ge [sflag:s4], $0x0  }
0x19: {  	s7 =	sld [smem:$0x3F8E]  }
0x1a: {  	s8 =	sadd.s32 $0xFFFFE003, lr  }
0x1b: {  	s9 =	sadd.s32 $0xFFFFFEF7, lr;
	s5 =	simm.s32 $0xFFFFFFFF;
	p2 =	slt.u32 s8, $0xFFFFF086  }
0x1c: {  	p1 =	slt.u32 s9, $0xF7A;
	s5 =	simm.s32 @!p2 $0x0  }
0x1d: {  	s5 =	simm.s32 @p1 $0x1;
	p0 =	seq.s32 s7, s2  }
0x1e: {  	s7 =	smul.u32 @!p0 $0xF7A, s2;
	p2 =	seq.s32 @!p0 s5, $0x0  }
0x1f: {  	s9 =	smul.u32 $0xF7A, s1;
	s8 =	simm.s32 @!p0 $0x1BF5;
	p2 =	por !p2, p0  }
0x20: {  	[sflag:s8] =	ssyncset.s32 @!p0 $0xFFFFF086;
	s6 =	sadd.s32 @!p0 s3, s7;
	s7 =	simm.s32 @!p0 $0x108  }
0x21: {  	s3 =	sadd.s32 s3, s9;
	s6 =	sadd.s32 @!p0 $0x88, s6;
	s7 =	simm.s32 @p2 $0x1082  }
0x22: {  	[simem:s7], [sflag:s8] =	dma.local @!p0 [hbm:s6], $0xF7A  }
0x23: {  	s9 =	sor.u32 $0xD0000000, s2;
	s6 =	simm.s32 $0x108;
	_ =	swait.ge @!p0 [sflag:s8], $0x0  }
0x24: {  	s3 =	sadd.s32 $0x88, s3;
	s6 =	simm.s32 @!p1 $0x1082;
	[sflag:s4] =	ssyncset.s32 $0xFFFFF086  }
0x25: {  	[simem:s6], [sflag:s4] =	dma.local [hbm:s3], $0xF7A  }
0x26: {  	[smem:$0x3F8E] =	sst s1;
	(tag) =	ssettag s2;
	_ =	strace s9  }
0x27: {  	s1 =	sld [smem:$0x3F9E]  }
0x28: {  	s2 =	sld [smem:$0x3F9F]  }
0x29: {  	s4 =	sld [smem:$0x3FA1]  }
0x2a: {  	p0 =	seq.s32 s5, $0x0;
	s5 =	sld [smem:$0x3FA2]  }
0x2b: {  	s6 =	sld [smem:$0x3FA3]  }
0x2c: {  	s7 =	sld [smem:$0x3FA4]  }
0x2d: {  	s3 =	simm.s32 $0x108;
	s8 =	sld [smem:$0x3FA5]  }
0x2e: {  	s3 =	simm.s32 @!p0 $0x1082;
	s9 =	sld [smem:$0x3FA6]  }
0x2f: {  	lr =	sadd.s32 s0, s3;
	s0 =	sld [smem:$0x3F9D]  }
0x30: {  	s3 =	sld [smem:$0x3FA0]  }
0x31: {  	[smem:$0x3FA9] =	sst s10  }
0x32: {  	s10 =	sld [smem:$0x3FA7];
	_ =	sdelay $0x3  }
0x33: {  	p0 =	seq.s32 s10, $0x1;
	s10 =	sld [smem:$0x3FA9];
	_ =	sdelay $0x3  }
0x34: {  	[smem:$0x3FA9] =	sst s10  }
0x35: {  	s10 =	sld [smem:$0x3FA8];
	_ =	sdelay $0x3  }
0x36: {  	p1 =	seq.s32 s10, $0x1;
	s10 =	sld [smem:$0x3FA9];
	_ =	sdelay $0x3  }
0x37: {  	[smem:$0x3FA9] =	sst s10  }
0x38: {  	s10 =	sld [smem:$0x3FAA]  }
0x39: {  	_ = 	snop;
	(pc) =	sbr.ind lr, $3  }
0x3a: {  	_ = 	snop  }
0x3b: {  	_ = 	snop  }
0x3c: {  	p2 =	seq.s32 s10, $0x1;
	s10 =	sld [smem:$0x3FA9]  }
0x3d: {  	_ =	shalt  }
0x3e: {  	_ =	shalt  }
0x3f: {  	_ =	shalt  }
0x40: {  	_ =	shalt  }
0x41: {  	_ =	shalt  }
0x42: {  	_ =	shalt  }
0x43: {  	_ =	shalt  }
0x44: {  	_ =	shalt  }
0x45: {  	_ =	shalt  }
0x46: {  	_ =	shalt  }
0x47: {  	_ =	shalt  }
0x48: {  	_ =	shalt  }
0x49: {  	_ =	shalt  }
0x4a: {  	_ =	shalt  }
0x4b: {  	_ =	shalt  }
0x4c: {  	_ =	shalt  }
0x4d: {  	_ =	shalt  }
0x4e: {  	_ =	shalt  }
0x4f: {  	_ =	shalt  }
0x50: {  	_ =	shalt  }
0x51: {  	_ =	shalt  }
0x52: {  	_ =	shalt  }
0x53: {  	_ =	shalt  }
0x54: {  	_ =	shalt  }
0x55: {  	_ =	shalt  }
0x56: {  	_ =	shalt  }
0x57: {  	_ =	shalt  }
0x58: {  	_ =	shalt  }
0x59: {  	_ =	shalt  }
0x5a: {  	_ =	shalt  }
0x5b: {  	_ =	shalt  }
0x5c: {  	_ =	shalt  }
0x5d: {  	_ =	shalt  }
0x5e: {  	_ =	shalt  }
0x5f: {  	_ =	shalt  }
0x60: {  	_ =	shalt  }
0x61: {  	_ =	shalt  }
0x62: {  	_ =	shalt  }
0x63: {  	_ =	shalt  }
0x64: {  	_ =	shalt  }
0x65: {  	_ =	shalt  }
0x66: {  	_ =	shalt  }
0x67: {  	_ =	shalt  }
0x68: {  	_ =	shalt  }
0x69: {  	_ =	shalt  }
0x6a: {  	_ =	shalt  }
0x6b: {  	_ =	shalt  }
0x6c: {  	_ =	shalt  }
0x6d: {  	_ =	shalt  }
0x6e: {  	_ =	shalt  }
0x6f: {  	_ =	shalt  }
0x70: {  	_ =	shalt  }
0x71: {  	_ =	shalt  }
0x72: {  	_ =	shalt  }
0x73: {  	_ =	shalt  }
0x74: {  	_ =	shalt  }
0x75: {  	_ =	shalt  }
0x76: {  	_ =	shalt  }
0x77: {  	_ =	shalt  }
0x78: {  	_ =	shalt  }
0x79: {  	_ =	shalt  }
0x7a: {  	_ =	shalt  }
0x7b: {  	_ =	shalt  }
0x7c: {  	_ =	shalt  }
0x7d: {  	_ =	shalt  }
0x7e: {  	_ =	shalt  }
0x7f: {  	_ =	shalt  }
0x80: {  	_ =	shalt  }
0x81: {  	_ =	shalt  }
0x82: {  	_ =	shalt  }
0x83: {  	_ =	shalt  }
0x84: {  	_ =	shalt  }
0x85: {  	_ =	shalt  }
0x86: {  	_ =	shalt  }
0x87: {  	_ =	shalt  }
.Lfunc_end0:
.L_simem_size_0:
called_computation.3_lowered:
.L_overlay_start_0:
0x88: {  	s2 =	sld [smem:$0x3FD9]  }
0x89: {  	s3 =	sld [smem:$0x3FFE];
	_ =	sdelay $0x1  }
0x8a: {  	s1 =	srdreg.scid  }
0x8b: {  	s0 =	sand.u32 $0x1, s1  }
0x8c: {  	s17 =	sshll.u32 s0, $0xA;
	s2 =	sadd.s32 s3, s2  }
0x8d: {  	s2 =	sadd.s32 s2, s17  }
0x8e: {  	[smem:$0x3FB5] =	sst s2  }
0x8f: {  	_ = 	snop  }
0x90: {  	(tm) =	ssettm $0x1  }
0x91: {  	s18 =	sld [smem:$0x3FFB];
	_ =	sdelay $0x3  }
0x92: {  	_ =	strace s18  }
0x93: {  	s2 =	sld [smem:$0x3FFC];
	_ =	sdelay $0x3  }
0x94: {  	_ =	strace s2  }
0x95: {  	s2 =	sld [smem:$0x3FFD];
	_ =	sdelay $0x3  }
0x96: {  	_ =	strace s2  }
0x97: {  	_ =	strace $0x8FFFFFFF  }
0x98: {  	s19 =	sld [smem:$0x3FDB];
	_ =	sdelay $0x1  }
0x99: {  	s20 =	simm.s32 $_scs_section_size  }
0x9a: {  	s4 =	simm.s32 $_size__tile_overlayer_lowered;
	s5 =	simm.s32 $_tile_overlayer_lowered  }
0x9b: {  	s6 =	simm.s32 $0x1BFF;
	s21 =	sshll.u32 s5, $0x1;
	s3 =	sadd.s32 s20, s19  }
0x9c: {  	s22 =	simm.s32 $0x0;
	s4 =	sshll.u32 s4, $0x1;
	s5 =	sadd.s32 s21, s3  }
0x9d: {  	[timem:s22], [sflag:s6] =	dma.local [hbm:s5], s4  }
0x9e: {  	_ =	swait.ge [sflag:s6], s4  }
0x9f: {  	s4 =	ssub.s32 $0x0, s4;
	[sflag:s6] =	ssyncset.done $0x0  }
0xa0: {  	[sflag:s6] =	ssyncadd.s32 s4;
	_ =	sdelay $0x1  }
0xa1: {  	s23 =	simm.s32 $0x1B8B  }
0xa2: {  	_ =	swait.ge [sflag:s23], $0x1  }
0xa3: {  	[sflag:s23] =	ssyncset.done $0x0  }
0xa4: {  	[sflag:s23] =	ssyncadd.s32 $0xFFFFFFFF  }
0xa5: {  	s4 =	sld [smem:$0x0]  }
0xa6: {  	s5 =	sand.u32 $0xFFFFFFFE, s1  }
0xa7: {  	p0 =	sne.s32 s1, s5  }
0xa8: {  	s5 =	sshll.u32 @p0 s5, $0xE  }
0xa9: {  	s5 =	sadd.s32 @p0 $0x11B8D, s5;
	s6 =	sshll.u32 @p0 s4, $0x11  }
0xaa: {  	s5 =	sor.u32 @p0 s6, s5  }
0xab: {  	[sflag:s5] =	ssyncadd.remote.s32 @p0 $0x1;
	_ =	sdelay $0x1  }
0xac: {  	s5 =	simm.s32 @p0 $0x1B8D  }
0xad: {  	_ =	swait.eq @p0 [sflag:s5], $0x1  }
0xae: {  	[sflag:s5] =	ssyncadd.s32 @p0 $0xFFFFFFFF  }
0xaf: {  	s6 =	sshll.u32 @!p0 s1, $0xE  }
0xb0: {  	s6 =	sor.u32 @!p0 $0x4000, s6;
	s5 =	simm.s32 @!p0 $0x1B8D  }
0xb1: {  	s4 =	sshll.u32 @!p0 s4, $0x11;
	s6 =	sadd.s32 @!p0 $0x11B8D, s6;
	_ =	swait.eq @!p0 [sflag:s5], $0x1  }
0xb2: {  	s4 =	sor.u32 @!p0 s4, s6;
	[sflag:s5] =	ssyncadd.s32 @!p0 $0xFFFFFFFF  }
0xb3: {  	s25 =	simm.s32 $0x1B8E;
	s24 =	sld [smem:$0x3FFE];
	[sflag:s4] =	ssyncadd.remote.s32 @!p0 $0x1  }
0xb4: {  	s26 =	simm.s32 $execute0_lowered;
	[smem:$0x3FD2] =	sst s25  }
0xb5: {  	s5 =	sshll.u32 s26, $0x1;
	_ =	strace $0x8000004C;
	[dreg:$0x1] =	wrdreg $0xFFFFFFFF  }
0xb6: {  	s28 =	simm.s32 $_size_execute0_lowered;
	s3 =	sadd.s32 s3, s5;
	[dreg:$0x0] =	wrdreg $0x0  }
0xb7: {  	s5 =	sshll.u32 s28, $0x1;
	[dreg:$0x2] =	wrdreg s3  }
0xb8: {  	[dreg:$0x3] =	wrdreg s5  }
0xb9: {  	[dreg:$0x4] =	wrdreg $0xC0  }
0xba: {  	_ =	task [dreg:s22], $0x5FFFF  }
0xbb: {  	[dreg:$0x1] =	wrdreg $0xFFFFFFFF  }
0xbc: {  	[dreg:$0x0] =	wrdreg $0x60  }
0xbd: {  	[dreg:$0x2] =	wrdreg s24  }
0xbe: {  	[dreg:$0x3] =	wrdreg $0xA  }
0xbf: {  	_ =	task.clear_ibuf [dreg:s22], $0x4FFFF;
	_ =	strace $0x9000004C  }
0xc0: {  	s29 =	simm.s32 $0xA;
	_ =	strace $0x8000004E  }
0xc1: {  	_ =	swait.ge [sflag:s29], $0x1  }
0xc2: {  	[sflag:s29] =	ssyncadd.s32 $0xFFFFFFFF  }
0xc3: {  	_ =	strace $0x9000004E  }
0xc4: {  	_ =	sfence  }
0xc5: {  	s30 =	sld [smem:$0x0];
	_ =	sdelay $0x2  }
0xc6: {  	s31 =	sshll.u32 s1, $0xD;
	s1 =	sshrl.u32 s1, $0x2  }
0xc7: {  	s4 =	sand.u32 $0x4000, s31;
	s1 =	sadd.s32 s1, s30  }
0xc8: {  	s0 =	sor.u32 s4, s0;
	s1 =	sshll.u32 s1, $0x11  }
0xc9: {  	s0 =	sor.u32 s1, s0  }
0xca: {  	s0 =	sadd.s32 $0x8F2B, s0  }
0xcb: {  	[sflag:s0] =	ssyncadd.remote.s32 $0x1  }
0xcc: {  	_ =	sfence.sel $0xFFFF  }
0xcd: {  	[dreg:$0x0] =	wrdreg $0xFFFFFFFF;
	(pc) =	sbr.abs _section_cstart, $3  }
0xce: {  	[dreg:$0x1] =	wrdreg $0xFFFFFFFF  }
0xcf: {  	_ =	task.clear_ibuf [dreg:s22], $0x2FFFF;
	_ =	strace $0x9FFFFFFF  }
0xd0: {  	(tm) =	ssettm $0x7FFFFFFF  }
0xd1: {  	_ =	shalt  }
tec
execute0_lowered:
.L_overlay_start_1:
0x0: {  	(tag) =	ssettag $0x1  }
0x1: {  	s0 =	srdreg.scid  }
0x2: {  	s1 =	stileid.u32;
	s4 =	rddreg [dreg:$0x0];
	s9 =	simm.s32 $0x400  }
0x3: {  	s25 =	simm.s32 $0x6400;
	s15 =	simm.s32 $0xC400;
	s11 =	simm.s32 $0x14400  }
0x4: {  	s12 =	simm.s32 $0x14800;
	s13 =	simm.s32 $0x15000;
	s14 =	simm.s32 $0x15400  }
0x5: {  	s16 =	simm.s32 $0x15C00;
	s17 =	simm.s32 $0x16000;
	s18 =	simm.s32 $0x16800  }
0x6: {  	s19 =	simm.s32 $0x16C00;
	s20 =	simm.s32 $0x17400;
	s21 =	simm.s32 $0x17800  }
0x7: {  	s22 =	simm.s32 $0x18000;
	s23 =	simm.s32 $0x1;
	s24 =	simm.s32 $0x2  }
0x8: {  	s26 =	simm.s32 $0x3;
	s28 =	simm.s32 $0x4;
	s29 =	simm.s32 $0x5  }
0x9: {  	s30 =	simm.s32 $0x6;
	s31 =	simm.s32 $0x7;
	s0 =	sand.u32 $0x1, s0  }
0xa: {  	s1 =	sshll.u32 s1, $0xB;
	s3 =	sadd.s32 $0x88200, s4;
	s2 =	sshll.u32 s0, $0xA  }
0xb: {  	s0 =	ssub.s32 $0x2, s0;
	s1 =	sor.u32 s2, s1;
	s2 =	simm.s32 $0x0  }
0xc: {  	s6 =	sshrl.u32 s0, $0x1;
	s1 =	sshrl.u32 s1, $0x3;
	[smem:$0x7FF] =	sst s2  }
.Ltmp0:
0xd: {  	s0 =	ssub.s32 s0, s6;
	s6 =	simm.s32 $0x0;
	(pc) =	sbr.rel .LBB2_1-.Ltmp0, $4  }
0xe: {  	s5 =	smul.u32 $0x180, s1;
	s1 =	sadd.s32 s1, s4;
	s0 =	smax.u32 s0, $0x1  }
0xf: {  	v2 =	vlaneseq.u32;
	_ =	strace $0x8000004D;
	s1 =	sadd.s32 $0x87200, s1;
	[dreg:$0x3] =	wrdreg s0  }
0x10: {  	vm0 =	vmmov $0xffff;
	vm1 =	vmmov $0xff;
	v1 =	vshrl.u32 v2, $0x3;
	s0 =	simm.s32 $0x12400;
	s7 =	sadd.s32 s5, s4;
	[dreg:$0x2] =	wrdreg s1  }
0x11: {  	v0 =	vand.u32 $0x7, v2;
	v2 =	vor.u32 $0x8, v2;
	v1 =	vmul.u32 $0x8, v1;
	s5 =	sadd.s32 $0x88300, s4;
	s1 =	simm.s32 $0x8;
	s7 =	sadd.s32 $0x34A200, s7  }
.LBB2_3:
0x12: {  	_ =	swait.ge [sflag:s30], $0x6000  }
0x13: {  	[sflag:s30] =	ssyncset.done $0x0  }
0x14: {  	[sflag:s30] =	ssyncadd.s32 $0xFFFFA000  }
0x15: {  	_ =	swait.ge [sflag:s31], $0x6000  }
0x16: {  	[sflag:s31] =	ssyncset.done $0x0  }
0x17: {  	[sflag:s31] =	ssyncadd.s32 $0xFFFFA000  }
0x18: {  	_ =	swait.ge [sflag:s1], $0x6000  }
0x19: {  	[sflag:s1] =	ssyncset.done $0x0  }
0x1a: {  	[sflag:s1] =	ssyncadd.s32 $0xFFFFA000  }
.LBB2_5:
0x1b: {  	s6 =	rddreg [dreg:$0x4]  }
0x1c: {  	s4 =	rddreg [dreg:$0x3];
	s6 =	sadd.s32 $0x1, s6  }
0x1d: {  	p0 =	sne.s32 s6, s4  }
.Ltmp1:
0x1e: {  	_ = 	snop;
	(pc) =	sbr.rel @!p0 .LBB2_6-.Ltmp1, $1  }
0x1f: {  	_ =	sdelay $0x3  }
.LBB2_1:
0x20: {  	[dreg:$0x4] =	wrdreg s6  }
0x21: {  	s4 =	rddreg [dreg:$0x2];
	s8 =	simm.s32 $0x9  }
0x22: {  	[tilespmem:s2], [sflag:$0x9] =	stream.linear.gather [hbm4b:s4+s2], $0x400, $0x38;
	[tilespmem:$0x18400] =	vst v63  }
0x23: {  	_ =	swait.ge [sflag:s8], $0x400  }
0x24: {  	[sflag:s8] =	ssyncset.done $0x0  }
0x25: {  	[sflag:s8] =	ssyncadd.s32 $0xFFFFFC00  }
0x26: {  	v3 =	vld [tilespmem:$0x0];
	_ =	sdelay $0x4  }
0x27: {  	v4 =	vshrl.u32 v3, $0x3  }
0x28: {  	v4 =	vmul.u32 $0x18, v4  }
0x29: {  	v3 =	vand.u32 $0x7, v3  }
0x2a: {  	v3 =	vor.u32 v3, v4  }
0x2b: {  	v4 =	vperm.xlane v3, v0;
	_ =	sdelay $0x1  }
0x2c: {  	v4 =	vadd.s32 v1, v4;
	_ =	sdelay $0x1  }
0x2d: {  	v3 =	vperm.xlane v3, v2;
	_ =	sdelay $0x1  }
0x2e: {  	v3 =	vadd.s32 v1, v3  }
0x2f: {  	[tilespmem:s9], [sflag:$0x1] =	stream.indirect_vreg.gather [hbm4b:s3+s2], $0x80, v4, vm0, $0xb8;
	[tilespmem:$0x18400] =	vst v63  }
0x30: {  	s10 =	simm.s32 $0xC00  }
0x31: {  	[tilespmem:s10], [sflag:$0x1] =	stream.indirect_vreg.gather [hbm4b:s5+s2], $0x80, v4, vm1, $0xb8;
	[tilespmem:$0x18400] =	vst v63  }
0x32: {  	s6 =	simm.s32 $0x1000  }
0x33: {  	[tilespmem:s6], [sflag:$0x1] =	stream.indirect_vreg.gather [hbm4b:s3+s2], $0x80, v3, vm0, $0xb8;
	[tilespmem:$0x18400] =	vst v63  }
0x34: {  	s8 =	simm.s32 $0x1800  }
0x35: {  	[tilespmem:s8], [sflag:$0x1] =	stream.indirect_vreg.gather [hbm4b:s5+s2], $0x80, v3, vm1, $0xb8;
	[tilespmem:$0x18400] =	vst v63  }
0x36: {  	v3 =	vld [tilespmem:$0x10];
	_ =	sdelay $0x4  }
0x37: {  	v49 =	vshrl.u32 v3, $0x3  }
0x38: {  	v4 =	vmul.u32 $0x18, v49  }
0x39: {  	v3 =	vand.u32 $0x7, v3  }
0x3a: {  	v3 =	vor.u32 v3, v4  }
0x3b: {  	v4 =	vperm.xlane v3, v0;
	_ =	sdelay $0x1  }
0x3c: {  	v4 =	vadd.s32 v1, v4;
	_ =	sdelay $0x1  }
0x3d: {  	v3 =	vperm.xlane v3, v2;
	_ =	sdelay $0x1  }
0x3e: {  	s10 =	simm.s32 $0x1C00;
	v3 =	vadd.s32 v1, v3  }
0x3f: {  	[tilespmem:s10], [sflag:$0x1] =	stream.indirect_vreg.gather [hbm4b:s3+s2], $0x80, v4, vm0, $0xb8;
	[tilespmem:$0x18400] =	vst v63  }
0x40: {  	s6 =	simm.s32 $0x2400  }
0x41: {  	[tilespmem:s6], [sflag:$0x1] =	stream.indirect_vreg.gather [hbm4b:s5+s2], $0x80, v4, vm1, $0xb8;
	[tilespmem:$0x18400] =	vst v63  }
0x42: {  	s8 =	simm.s32 $0x2800  }
0x43: {  	[tilespmem:s8], [sflag:$0x1] =	stream.indirect_vreg.gather [hbm4b:s3+s2], $0x80, v3, vm0, $0xb8;
	[tilespmem:$0x18400] =	vst v63  }
0x44: {  	s10 =	simm.s32 $0x3000  }
0x45: {  	[tilespmem:s10], [sflag:$0x1] =	stream.indirect_vreg.gather [hbm4b:s5+s2], $0x80, v3, vm1, $0xb8;
	[tilespmem:$0x18400] =	vst v63  }
0x46: {  	v3 =	vld [tilespmem:$0x20];
	_ =	sdelay $0x4  }
0x47: {  	v50 =	vshrl.u32 v3, $0x3  }
0x48: {  	v4 =	vmul.u32 $0x18, v50  }
0x49: {  	v3 =	vand.u32 $0x7, v3  }
0x4a: {  	v3 =	vor.u32 v3, v4  }
0x4b: {  	v4 =	vperm.xlane v3, v0;
	_ =	sdelay $0x1  }
0x4c: {  	v4 =	vadd.s32 v1, v4;
	_ =	sdelay $0x1  }
0x4d: {  	v3 =	vperm.xlane v3, v2;
	_ =	sdelay $0x1  }
0x4e: {  	s6 =	simm.s32 $0x3400;
	v3 =	vadd.s32 v1, v3  }
0x4f: {  	[tilespmem:s6], [sflag:$0x1] =	stream.indirect_vreg.gather [hbm4b:s3+s2], $0x80, v4, vm0, $0xb8;
	[tilespmem:$0x18400] =	vst v63  }
0x50: {  	s8 =	simm.s32 $0x3C00  }
0x51: {  	[tilespmem:s8], [sflag:$0x1] =	stream.indirect_vreg.gather [hbm4b:s5+s2], $0x80, v4, vm1, $0xb8;
	[tilespmem:$0x18400] =	vst v63  }
0x52: {  	s10 =	simm.s32 $0x4000  }
0x53: {  	[tilespmem:s10], [sflag:$0x1] =	stream.indirect_vreg.gather [hbm4b:s3+s2], $0x80, v3, vm0, $0xb8;
	[tilespmem:$0x18400] =	vst v63  }
0x54: {  	s6 =	simm.s32 $0x4800  }
0x55: {  	[tilespmem:s6], [sflag:$0x1] =	stream.indirect_vreg.gather [hbm4b:s5+s2], $0x80, v3, vm1, $0xb8;
	[tilespmem:$0x18400] =	vst v63  }
0x56: {  	v3 =	vld [tilespmem:$0x30];
	_ =	sdelay $0x4  }
0x57: {  	v51 =	vshrl.u32 v3, $0x3  }
0x58: {  	v4 =	vmul.u32 $0x18, v51  }
0x59: {  	v3 =	vand.u32 $0x7, v3  }
0x5a: {  	v3 =	vor.u32 v3, v4  }
0x5b: {  	v4 =	vperm.xlane v3, v0;
	_ =	sdelay $0x1  }
0x5c: {  	v4 =	vadd.s32 v1, v4;
	_ =	sdelay $0x1  }
0x5d: {  	v3 =	vperm.xlane v3, v2;
	_ =	sdelay $0x1  }
0x5e: {  	s8 =	simm.s32 $0x4C00;
	v3 =	vadd.s32 v1, v3  }
0x5f: {  	[tilespmem:s8], [sflag:$0x1] =	stream.indirect_vreg.gather [hbm4b:s3+s2], $0x80, v4, vm0, $0xb8;
	[tilespmem:$0x18400] =	vst v63  }
0x60: {  	s10 =	simm.s32 $0x5400  }
0x61: {  	[tilespmem:s10], [sflag:$0x1] =	stream.indirect_vreg.gather [hbm4b:s5+s2], $0x80, v4, vm1, $0xb8;
	[tilespmem:$0x18400] =	vst v63  }
0x62: {  	s6 =	simm.s32 $0x5800  }
0x63: {  	[tilespmem:s6], [sflag:$0x1] =	stream.indirect_vreg.gather [hbm4b:s3+s2], $0x80, v3, vm0, $0xb8;
	[tilespmem:$0x18400] =	vst v63  }
0x64: {  	s8 =	simm.s32 $0x6000  }
0x65: {  	[tilespmem:s8], [sflag:$0x1] =	stream.indirect_vreg.gather [hbm4b:s5+s2], $0x80, v3, vm1, $0xb8;
	[tilespmem:$0x18400] =	vst v63  }
0x66: {  	v3 =	vld [tilespmem:$0x40];
	_ =	sdelay $0x4  }
0x67: {  	v52 =	vshrl.u32 v3, $0x3  }
0x68: {  	v4 =	vmul.u32 $0x18, v52  }
0x69: {  	v3 =	vand.u32 $0x7, v3  }
0x6a: {  	v3 =	vor.u32 v3, v4  }
0x6b: {  	v4 =	vperm.xlane v3, v0;
	_ =	sdelay $0x1  }
0x6c: {  	v4 =	vadd.s32 v1, v4;
	_ =	sdelay $0x1  }
0x6d: {  	v3 =	vperm.xlane v3, v2;
	_ =	sdelay $0x1  }
0x6e: {  	v3 =	vadd.s32 v1, v3  }
0x6f: {  	[tilespmem:s25], [sflag:$0x2] =	stream.indirect_vreg.gather [hbm4b:s3+s2], $0x80, v4, vm0, $0xb8;
	[tilespmem:$0x18400] =	vst v63  }
0x70: {  	s10 =	simm.s32 $0x6C00  }
0x71: {  	[tilespmem:s10], [sflag:$0x2] =	stream.indirect_vreg.gather [hbm4b:s5+s2], $0x80, v4, vm1, $0xb8;
	[tilespmem:$0x18400] =	vst v63  }
0x72: {  	s6 =	simm.s32 $0x7000  }
0x73: {  	[tilespmem:s6], [sflag:$0x2] =	stream.indirect_vreg.gather [hbm4b:s3+s2], $0x80, v3, vm0, $0xb8;
	[tilespmem:$0x18400] =	vst v63  }
0x74: {  	s8 =	simm.s32 $0x7800  }
0x75: {  	[tilespmem:s8], [sflag:$0x2] =	stream.indirect_vreg.gather [hbm4b:s5+s2], $0x80, v3, vm1, $0xb8;
	[tilespmem:$0x18400] =	vst v63  }
0x76: {  	v3 =	vld [tilespmem:$0x50];
	_ =	sdelay $0x4  }
0x77: {  	v53 =	vshrl.u32 v3, $0x3  }
0x78: {  	v4 =	vmul.u32 $0x18, v53  }
0x79: {  	v3 =	vand.u32 $0x7, v3  }
0x7a: {  	v3 =	vor.u32 v3, v4  }
0x7b: {  	v4 =	vperm.xlane v3, v0;
	_ =	sdelay $0x1  }
0x7c: {  	v4 =	vadd.s32 v1, v4;
	_ =	sdelay $0x1  }
0x7d: {  	v3 =	vperm.xlane v3, v2;
	_ =	sdelay $0x1  }
0x7e: {  	s10 =	simm.s32 $0x7C00;
	v3 =	vadd.s32 v1, v3  }
0x7f: {  	[tilespmem:s10], [sflag:$0x2] =	stream.indirect_vreg.gather [hbm4b:s3+s2], $0x80, v4, vm0, $0xb8;
	[tilespmem:$0x18400] =	vst v63  }
0x80: {  	s6 =	simm.s32 $0x8400  }
0x81: {  	[tilespmem:s6], [sflag:$0x2] =	stream.indirect_vreg.gather [hbm4b:s5+s2], $0x80, v4, vm1, $0xb8;
	[tilespmem:$0x18400] =	vst v63  }
0x82: {  	s8 =	simm.s32 $0x8800  }
0x83: {  	[tilespmem:s8], [sflag:$0x2] =	stream.indirect_vreg.gather [hbm4b:s3+s2], $0x80, v3, vm0, $0xb8;
	[tilespmem:$0x18400] =	vst v63  }
0x84: {  	s10 =	simm.s32 $0x9000  }
0x85: {  	[tilespmem:s10], [sflag:$0x2] =	stream.indirect_vreg.gather [hbm4b:s5+s2], $0x80, v3, vm1, $0xb8;
	[tilespmem:$0x18400] =	vst v63  }
0x86: {  	v3 =	vld [tilespmem:$0x60];
	_ =	sdelay $0x4  }
0x87: {  	v54 =	vshrl.u32 v3, $0x3  }
0x88: {  	v4 =	vmul.u32 $0x18, v54  }
0x89: {  	v3 =	vand.u32 $0x7, v3  }
0x8a: {  	v3 =	vor.u32 v3, v4  }
0x8b: {  	v4 =	vperm.xlane v3, v0;
	_ =	sdelay $0x1  }
0x8c: {  	v4 =	vadd.s32 v1, v4;
	_ =	sdelay $0x1  }
0x8d: {  	v3 =	vperm.xlane v3, v2;
	_ =	sdelay $0x1  }
0x8e: {  	s6 =	simm.s32 $0x9400;
	v3 =	vadd.s32 v1, v3  }
0x8f: {  	[tilespmem:s6], [sflag:$0x2] =	stream.indirect_vreg.gather [hbm4b:s3+s2], $0x80, v4, vm0, $0xb8;
	[tilespmem:$0x18400] =	vst v63  }
0x90: {  	s8 =	simm.s32 $0x9C00  }
0x91: {  	[tilespmem:s8], [sflag:$0x2] =	stream.indirect_vreg.gather [hbm4b:s5+s2], $0x80, v4, vm1, $0xb8;
	[tilespmem:$0x18400] =	vst v63  }
0x92: {  	s10 =	simm.s32 $0xA000  }
0x93: {  	[tilespmem:s10], [sflag:$0x2] =	stream.indirect_vreg.gather [hbm4b:s3+s2], $0x80, v3, vm0, $0xb8;
	[tilespmem:$0x18400] =	vst v63  }
0x94: {  	s6 =	simm.s32 $0xA800  }
0x95: {  	[tilespmem:s6], [sflag:$0x2] =	stream.indirect_vreg.gather [hbm4b:s5+s2], $0x80, v3, vm1, $0xb8;
	[tilespmem:$0x18400] =	vst v63  }
0x96: {  	v3 =	vld [tilespmem:$0x70];
	_ =	sdelay $0x4  }
0x97: {  	v55 =	vshrl.u32 v3, $0x3  }
0x98: {  	v4 =	vmul.u32 $0x18, v55  }
0x99: {  	v3 =	vand.u32 $0x7, v3  }
0x9a: {  	v3 =	vor.u32 v3, v4  }
0x9b: {  	v4 =	vperm.xlane v3, v0;
	_ =	sdelay $0x1  }
0x9c: {  	v4 =	vadd.s32 v1, v4;
	_ =	sdelay $0x1  }
0x9d: {  	v3 =	vperm.xlane v3, v2;
	_ =	sdelay $0x1  }
0x9e: {  	s8 =	simm.s32 $0xAC00;
	v3 =	vadd.s32 v1, v3  }
0x9f: {  	[tilespmem:s8], [sflag:$0x2] =	stream.indirect_vreg.gather [hbm4b:s3+s2], $0x80, v4, vm0, $0xb8;
	[tilespmem:$0x18400] =	vst v63  }
0xa0: {  	s10 =	simm.s32 $0xB400  }
0xa1: {  	[tilespmem:s10], [sflag:$0x2] =	stream.indirect_vreg.gather [hbm4b:s5+s2], $0x80, v4, vm1, $0xb8;
	[tilespmem:$0x18400] =	vst v63  }
0xa2: {  	s6 =	simm.s32 $0xB800  }
0xa3: {  	[tilespmem:s6], [sflag:$0x2] =	stream.indirect_vreg.gather [hbm4b:s3+s2], $0x80, v3, vm0, $0xb8;
	[tilespmem:$0x18400] =	vst v63  }
0xa4: {  	s8 =	simm.s32 $0xC000  }
0xa5: {  	[tilespmem:s8], [sflag:$0x2] =	stream.indirect_vreg.gather [hbm4b:s5+s2], $0x80, v3, vm1, $0xb8;
	[tilespmem:$0x18400] =	vst v63  }
0xa6: {  	v3 =	vld [tilespmem:$0x80];
	_ =	sdelay $0x4  }
0xa7: {  	v56 =	vshrl.u32 v3, $0x3  }
0xa8: {  	v4 =	vmul.u32 $0x18, v56  }
0xa9: {  	v3 =	vand.u32 $0x7, v3  }
0xaa: {  	v3 =	vor.u32 v3, v4  }
0xab: {  	v4 =	vperm.xlane v3, v0;
	_ =	sdelay $0x1  }
0xac: {  	v4 =	vadd.s32 v1, v4;
	_ =	sdelay $0x1  }
0xad: {  	v3 =	vperm.xlane v3, v2;
	_ =	sdelay $0x1  }
0xae: {  	v3 =	vadd.s32 v1, v3  }
0xaf: {  	[tilespmem:s15], [sflag:$0x3] =	stream.indirect_vreg.gather [hbm4b:s3+s2], $0x80, v4, vm0, $0xb8;
	[tilespmem:$0x18400] =	vst v63  }
0xb0: {  	s10 =	simm.s32 $0xCC00  }
0xb1: {  	[tilespmem:s10], [sflag:$0x3] =	stream.indirect_vreg.gather [hbm4b:s5+s2], $0x80, v4, vm1, $0xb8;
	[tilespmem:$0x18400] =	vst v63  }
0xb2: {  	s6 =	simm.s32 $0xD000  }
0xb3: {  	[tilespmem:s6], [sflag:$0x3] =	stream.indirect_vreg.gather [hbm4b:s3+s2], $0x80, v3, vm0, $0xb8;
	[tilespmem:$0x18400] =	vst v63  }
0xb4: {  	s8 =	simm.s32 $0xD800  }
0xb5: {  	[tilespmem:s8], [sflag:$0x3] =	stream.indirect_vreg.gather [hbm4b:s5+s2], $0x80, v3, vm1, $0xb8;
	[tilespmem:$0x18400] =	vst v63  }
0xb6: {  	v3 =	vld [tilespmem:$0x90];
	_ =	sdelay $0x4  }
0xb7: {  	v57 =	vshrl.u32 v3, $0x3  }
0xb8: {  	v4 =	vmul.u32 $0x18, v57  }
0xb9: {  	v3 =	vand.u32 $0x7, v3  }
0xba: {  	v3 =	vor.u32 v3, v4  }
0xbb: {  	v4 =	vperm.xlane v3, v0;
	_ =	sdelay $0x1  }
0xbc: {  	v4 =	vadd.s32 v1, v4;
	_ =	sdelay $0x1  }
0xbd: {  	v3 =	vperm.xlane v3, v2;
	_ =	sdelay $0x1  }
0xbe: {  	s10 =	simm.s32 $0xDC00;
	v3 =	vadd.s32 v1, v3  }
0xbf: {  	[tilespmem:s10], [sflag:$0x3] =	stream.indirect_vreg.gather [hbm4b:s3+s2], $0x80, v4, vm0, $0xb8;
	[tilespmem:$0x18400] =	vst v63  }
0xc0: {  	s6 =	simm.s32 $0xE400  }
0xc1: {  	[tilespmem:s6], [sflag:$0x3] =	stream.indirect_vreg.gather [hbm4b:s5+s2], $0x80, v4, vm1, $0xb8;
	[tilespmem:$0x18400] =	vst v63  }
0xc2: {  	s8 =	simm.s32 $0xE800  }
0xc3: {  	[tilespmem:s8], [sflag:$0x3] =	stream.indirect_vreg.gather [hbm4b:s3+s2], $0x80, v3, vm0, $0xb8;
	[tilespmem:$0x18400] =	vst v63  }
0xc4: {  	s10 =	simm.s32 $0xF000  }
0xc5: {  	[tilespmem:s10], [sflag:$0x3] =	stream.indirect_vreg.gather [hbm4b:s5+s2], $0x80, v3, vm1, $0xb8;
	[tilespmem:$0x18400] =	vst v63  }
0xc6: {  	v3 =	vld [tilespmem:$0xA0];
	_ =	sdelay $0x4  }
0xc7: {  	v58 =	vshrl.u32 v3, $0x3  }
0xc8: {  	v4 =	vmul.u32 $0x18, v58  }
0xc9: {  	v3 =	vand.u32 $0x7, v3  }
0xca: {  	v3 =	vor.u32 v3, v4  }
0xcb: {  	v4 =	vperm.xlane v3, v0;
	_ =	sdelay $0x1  }
0xcc: {  	v4 =	vadd.s32 v1, v4;
	_ =	sdelay $0x1  }
0xcd: {  	v3 =	vperm.xlane v3, v2;
	_ =	sdelay $0x1  }
0xce: {  	s6 =	simm.s32 $0xF400;
	v3 =	vadd.s32 v1, v3  }
0xcf: {  	[tilespmem:s6], [sflag:$0x3] =	stream.indirect_vreg.gather [hbm4b:s3+s2], $0x80, v4, vm0, $0xb8;
	[tilespmem:$0x18400] =	vst v63  }
0xd0: {  	s8 =	simm.s32 $0xFC00  }
0xd1: {  	[tilespmem:s8], [sflag:$0x3] =	stream.indirect_vreg.gather [hbm4b:s5+s2], $0x80, v4, vm1, $0xb8;
	[tilespmem:$0x18400] =	vst v63  }
0xd2: {  	s10 =	simm.s32 $0x10000  }
0xd3: {  	[tilespmem:s10], [sflag:$0x3] =	stream.indirect_vreg.gather [hbm4b:s3+s2], $0x80, v3, vm0, $0xb8;
	[tilespmem:$0x18400] =	vst v63  }
0xd4: {  	s6 =	simm.s32 $0x10800  }
0xd5: {  	[tilespmem:s6], [sflag:$0x3] =	stream.indirect_vreg.gather [hbm4b:s5+s2], $0x80, v3, vm1, $0xb8;
	[tilespmem:$0x18400] =	vst v63  }
0xd6: {  	v3 =	vld [tilespmem:$0xB0];
	_ =	sdelay $0x4  }
0xd7: {  	v59 =	vshrl.u32 v3, $0x3  }
0xd8: {  	v4 =	vmul.u32 $0x18, v59  }
0xd9: {  	v3 =	vand.u32 $0x7, v3  }
0xda: {  	v3 =	vor.u32 v3, v4  }
0xdb: {  	v4 =	vperm.xlane v3, v0;
	_ =	sdelay $0x1  }
0xdc: {  	v4 =	vadd.s32 v1, v4;
	_ =	sdelay $0x1  }
0xdd: {  	v3 =	vperm.xlane v3, v2;
	_ =	sdelay $0x1  }
0xde: {  	s8 =	simm.s32 $0x10C00;
	v3 =	vadd.s32 v1, v3  }
0xdf: {  	[tilespmem:s8], [sflag:$0x3] =	stream.indirect_vreg.gather [hbm4b:s3+s2], $0x80, v4, vm0, $0xb8;
	[tilespmem:$0x18400] =	vst v63  }
0xe0: {  	s10 =	simm.s32 $0x11400  }
0xe1: {  	[tilespmem:s10], [sflag:$0x3] =	stream.indirect_vreg.gather [hbm4b:s5+s2], $0x80, v4, vm1, $0xb8;
	[tilespmem:$0x18400] =	vst v63  }
0xe2: {  	s6 =	simm.s32 $0x11800  }
0xe3: {  	[tilespmem:s6], [sflag:$0x3] =	stream.indirect_vreg.gather [hbm4b:s3+s2], $0x80, v3, vm0, $0xb8;
	[tilespmem:$0x18400] =	vst v63  }
0xe4: {  	s8 =	simm.s32 $0x12000  }
0xe5: {  	[tilespmem:s8], [sflag:$0x3] =	stream.indirect_vreg.gather [hbm4b:s5+s2], $0x80, v3, vm1, $0xb8;
	[tilespmem:$0x18400] =	vst v63  }
0xe6: {  	v3 =	vld [tilespmem:$0xC0];
	_ =	sdelay $0x4  }
0xe7: {  	v60 =	vshrl.u32 v3, $0x3  }
0xe8: {  	v4 =	vmul.u32 $0x18, v60  }
0xe9: {  	v3 =	vand.u32 $0x7, v3  }
0xea: {  	v3 =	vor.u32 v3, v4  }
0xeb: {  	v4 =	vperm.xlane v3, v0;
	_ =	sdelay $0x1  }
0xec: {  	v4 =	vadd.s32 v1, v4;
	_ =	sdelay $0x1  }
0xed: {  	v3 =	vperm.xlane v3, v2;
	_ =	sdelay $0x1  }
0xee: {  	v3 =	vadd.s32 v1, v3  }
0xef: {  	[tilespmem:s0], [sflag:$0x4] =	stream.indirect_vreg.gather [hbm4b:s3+s2], $0x80, v4, vm0, $0xb8;
	[tilespmem:$0x18400] =	vst v63  }
0xf0: {  	s10 =	simm.s32 $0x12C00  }
0xf1: {  	[tilespmem:s10], [sflag:$0x4] =	stream.indirect_vreg.gather [hbm4b:s5+s2], $0x80, v4, vm1, $0xb8;
	[tilespmem:$0x18400] =	vst v63  }
0xf2: {  	s6 =	simm.s32 $0x13000  }
0xf3: {  	[tilespmem:s6], [sflag:$0x4] =	stream.indirect_vreg.gather [hbm4b:s3+s2], $0x80, v3, vm0, $0xb8;
	[tilespmem:$0x18400] =	vst v63  }
0xf4: {  	s8 =	simm.s32 $0x13800  }
0xf5: {  	[tilespmem:s8], [sflag:$0x4] =	stream.indirect_vreg.gather [hbm4b:s5+s2], $0x80, v3, vm1, $0xb8;
	[tilespmem:$0x18400] =	vst v63  }
0xf6: {  	v3 =	vld [tilespmem:$0xD0];
	_ =	sdelay $0x4  }
0xf7: {  	v61 =	vshrl.u32 v3, $0x3  }
0xf8: {  	v4 =	vmul.u32 $0x18, v61  }
0xf9: {  	v3 =	vand.u32 $0x7, v3  }
0xfa: {  	v3 =	vor.u32 v3, v4  }
0xfb: {  	v4 =	vperm.xlane v3, v0;
	_ =	sdelay $0x1  }
0xfc: {  	v4 =	vadd.s32 v1, v4;
	_ =	sdelay $0x1  }
0xfd: {  	v3 =	vperm.xlane v3, v2;
	_ =	sdelay $0x1  }
0xfe: {  	s10 =	simm.s32 $0x13C00;
	v3 =	vadd.s32 v1, v3  }
0xff: {  	[tilespmem:s10], [sflag:$0x4] =	stream.indirect_vreg.gather [hbm4b:s3+s2], $0x80, v4, vm0, $0xb8;
	[tilespmem:$0x18400] =	vst v63  }
0x100: {  	_ = 	snop  }
0x101: {  	[tilespmem:s11], [sflag:$0x4] =	stream.indirect_vreg.gather [hbm4b:s5+s2], $0x80, v4, vm1, $0xb8;
	[tilespmem:$0x18400] =	vst v63  }
0x102: {  	_ = 	snop  }
0x103: {  	[tilespmem:s12], [sflag:$0x4] =	stream.indirect_vreg.gather [hbm4b:s3+s2], $0x80, v3, vm0, $0xb8;
	[tilespmem:$0x18400] =	vst v63  }
0x104: {  	_ = 	snop  }
0x105: {  	[tilespmem:s13], [sflag:$0x4] =	stream.indirect_vreg.gather [hbm4b:s5+s2], $0x80, v3, vm1, $0xb8;
	[tilespmem:$0x18400] =	vst v63  }
0x106: {  	v3 =	vld [tilespmem:$0xE0];
	_ =	sdelay $0x4  }
0x107: {  	v62 =	vshrl.u32 v3, $0x3  }
0x108: {  	v4 =	vmul.u32 $0x18, v62  }
0x109: {  	v3 =	vand.u32 $0x7, v3  }
0x10a: {  	v3 =	vor.u32 v3, v4  }
0x10b: {  	v4 =	vperm.xlane v3, v0;
	_ =	sdelay $0x1  }
0x10c: {  	v4 =	vadd.s32 v1, v4;
	_ =	sdelay $0x1  }
0x10d: {  	v3 =	vperm.xlane v3, v2;
	_ =	sdelay $0x1  }
0x10e: {  	v3 =	vadd.s32 v1, v3  }
0x10f: {  	[tilespmem:s14], [sflag:$0x4] =	stream.indirect_vreg.gather [hbm4b:s3+s2], $0x80, v4, vm0, $0xb8;
	[tilespmem:$0x18400] =	vst v63  }
0x110: {  	_ = 	snop  }
0x111: {  	[tilespmem:s16], [sflag:$0x4] =	stream.indirect_vreg.gather [hbm4b:s5+s2], $0x80, v4, vm1, $0xb8;
	[tilespmem:$0x18400] =	vst v63  }
0x112: {  	_ = 	snop  }
0x113: {  	[tilespmem:s17], [sflag:$0x4] =	stream.indirect_vreg.gather [hbm4b:s3+s2], $0x80, v3, vm0, $0xb8;
	[tilespmem:$0x18400] =	vst v63  }
0x114: {  	_ = 	snop  }
0x115: {  	[tilespmem:s18], [sflag:$0x4] =	stream.indirect_vreg.gather [hbm4b:s5+s2], $0x80, v3, vm1, $0xb8;
	[tilespmem:$0x18400] =	vst v63  }
0x116: {  	v3 =	vld [tilespmem:$0xF0];
	_ =	sdelay $0x4  }
0x117: {  	v63 =	vshrl.u32 v3, $0x3  }
0x118: {  	v4 =	vmul.u32 $0x18, v63  }
0x119: {  	v3 =	vand.u32 $0x7, v3  }
0x11a: {  	v3 =	vor.u32 v3, v4  }
0x11b: {  	v4 =	vperm.xlane v3, v0;
	_ =	sdelay $0x1  }
0x11c: {  	v4 =	vadd.s32 v1, v4;
	_ =	sdelay $0x1  }
0x11d: {  	v3 =	vperm.xlane v3, v2;
	_ =	sdelay $0x1  }
0x11e: {  	v3 =	vadd.s32 v1, v3  }
0x11f: {  	[tilespmem:s19], [sflag:$0x4] =	stream.indirect_vreg.gather [hbm4b:s3+s2], $0x80, v4, vm0, $0xb8;
	[tilespmem:$0x18400] =	vst v63  }
0x120: {  	_ = 	snop  }
0x121: {  	[tilespmem:s20], [sflag:$0x4] =	stream.indirect_vreg.gather [hbm4b:s5+s2], $0x80, v4, vm1, $0xb8;
	[tilespmem:$0x18400] =	vst v63  }
0x122: {  	_ = 	snop  }
0x123: {  	[tilespmem:s21], [sflag:$0x4] =	stream.indirect_vreg.gather [hbm4b:s3+s2], $0x80, v3, vm0, $0xb8;
	[tilespmem:$0x18400] =	vst v63  }
0x124: {  	s4 =	simm.s32 $0x1F0;
	s6 =	simm.s32 $0x0  }
0x125: {  	[tilespmem:s22], [sflag:$0x4] =	stream.indirect_vreg.gather [hbm4b:s5+s2], $0x80, v3, vm1, $0xb8;
	[tilespmem:$0x18400] =	vst v63  }
.LBB2_2:
0x126: {  	_ =	swait.ge [sflag:s23], $0x6000  }
0x127: {  	[sflag:s23] =	ssyncset.done $0x0  }
0x128: {  	s8 =	sadd.s32 s6, s7;
	[sflag:s23] =	ssyncadd.s32 $0xFFFFA000  }
0x129: {  	[hbm4b:s8+s2] =	stream.linear.scatter [tilespmem:s9], [sflag:$0x5], $0x6000, $0x38;
	[tilespmem:$0x18400] =	vst v63  }
0x12a: {  	_ =	swait.ge [sflag:s24], $0x6000  }
0x12b: {  	[sflag:s24] =	ssyncset.done $0x0  }
0x12c: {  	s10 =	sadd.s32 $0xC00, s8;
	[sflag:s24] =	ssyncadd.s32 $0xFFFFA000  }
0x12d: {  	[hbm4b:s10+s2] =	stream.linear.scatter [tilespmem:s25], [sflag:$0x6], $0x6000, $0x38;
	[tilespmem:$0x18400] =	vst v63  }
0x12e: {  	_ =	swait.ge [sflag:s26], $0x6000  }
0x12f: {  	[sflag:s26] =	ssyncset.done $0x0  }
0x130: {  	s10 =	sadd.s32 $0x1800, s8;
	[sflag:s26] =	ssyncadd.s32 $0xFFFFA000  }
0x131: {  	[hbm4b:s10+s2] =	stream.linear.scatter [tilespmem:s15], [sflag:$0x7], $0x6000, $0x38;
	[tilespmem:$0x18400] =	vst v63  }
0x132: {  	_ =	swait.ge [sflag:s28], $0x6000  }
0x133: {  	p0 =	sne.s32 s6, $0x9000;
	[sflag:s28] =	ssyncset.done $0x0  }
.Ltmp2:
0x134: {  	s8 =	sadd.s32 $0x2400, s8;
	[sflag:s28] =	ssyncadd.s32 $0xFFFFA000;
	(pc) =	sbr.rel @!p0 .LBB2_3-.Ltmp2, $4  }
0x135: {  	[hbm4b:s8+s2] =	stream.linear.scatter [tilespmem:s0], [sflag:$0x8], $0x6000, $0x38;
	[tilespmem:$0x18400] =	vst v63  }
0x136: {  	_ =	swait.ge [sflag:s29], $0x6000  }
0x137: {  	[sflag:s29] =	ssyncset.done $0x0  }
0x138: {  	[sflag:s29] =	ssyncadd.s32 $0xFFFFA000  }
0x139: {  	v3 =	vld [tilespmem:s4+$0xFFFFFF10];
	_ =	sdelay $0x4  }
0x13a: {  	v4 =	vshrl.u32 v3, $0x3  }
0x13b: {  	v4 =	vmul.u32 $0x18, v4  }
0x13c: {  	v3 =	vand.u32 $0x7, v3  }
0x13d: {  	v3 =	vor.u32 v3, v4  }
0x13e: {  	v4 =	vperm.xlane v3, v0;
	_ =	sdelay $0x1  }
0x13f: {  	v4 =	vadd.s32 v1, v4;
	_ =	sdelay $0x1  }
0x140: {  	v3 =	vperm.xlane v3, v2;
	_ =	sdelay $0x1  }
0x141: {  	v3 =	vadd.s32 v1, v3  }
0x142: {  	[tilespmem:s9], [sflag:$0x1] =	stream.indirect_vreg.gather [hbm4b:s3+s2], $0x80, v4, vm0, $0xb8;
	[tilespmem:$0x18400] =	vst v63  }
0x143: {  	s8 =	simm.s32 $0xC00  }
0x144: {  	[tilespmem:s8], [sflag:$0x1] =	stream.indirect_vreg.gather [hbm4b:s5+s2], $0x80, v4, vm1, $0xb8;
	[tilespmem:$0x18400] =	vst v63  }
0x145: {  	s10 =	simm.s32 $0x1000  }
0x146: {  	[tilespmem:s10], [sflag:$0x1] =	stream.indirect_vreg.gather [hbm4b:s3+s2], $0x80, v3, vm0, $0xb8;
	[tilespmem:$0x18400] =	vst v63  }
0x147: {  	s10 =	simm.s32 $0x1800  }
0x148: {  	[tilespmem:s10], [sflag:$0x1] =	stream.indirect_vreg.gather [hbm4b:s5+s2], $0x80, v3, vm1, $0xb8;
	[tilespmem:$0x18400] =	vst v63  }
0x149: {  	v3 =	vld [tilespmem:s4+$0xFFFFFF20];
	_ =	sdelay $0x4  }
0x14a: {  	v49 =	vshrl.u32 v3, $0x3  }
0x14b: {  	v4 =	vmul.u32 $0x18, v49  }
0x14c: {  	v3 =	vand.u32 $0x7, v3  }
0x14d: {  	v3 =	vor.u32 v3, v4  }
0x14e: {  	v4 =	vperm.xlane v3, v0;
	_ =	sdelay $0x1  }
0x14f: {  	v4 =	vadd.s32 v1, v4;
	_ =	sdelay $0x1  }
0x150: {  	v3 =	vperm.xlane v3, v2;
	_ =	sdelay $0x1  }
0x151: {  	s10 =	simm.s32 $0x1C00;
	v3 =	vadd.s32 v1, v3  }
0x152: {  	[tilespmem:s10], [sflag:$0x1] =	stream.indirect_vreg.gather [hbm4b:s3+s2], $0x80, v4, vm0, $0xb8;
	[tilespmem:$0x18400] =	vst v63  }
0x153: {  	s10 =	simm.s32 $0x2400  }
0x154: {  	[tilespmem:s10], [sflag:$0x1] =	stream.indirect_vreg.gather [hbm4b:s5+s2], $0x80, v4, vm1, $0xb8;
	[tilespmem:$0x18400] =	vst v63  }
0x155: {  	s10 =	simm.s32 $0x2800  }
0x156: {  	[tilespmem:s10], [sflag:$0x1] =	stream.indirect_vreg.gather [hbm4b:s3+s2], $0x80, v3, vm0, $0xb8;
	[tilespmem:$0x18400] =	vst v63  }
0x157: {  	s10 =	simm.s32 $0x3000  }
0x158: {  	[tilespmem:s10], [sflag:$0x1] =	stream.indirect_vreg.gather [hbm4b:s5+s2], $0x80, v3, vm1, $0xb8;
	[tilespmem:$0x18400] =	vst v63  }
0x159: {  	v3 =	vld [tilespmem:s4+$0xFFFFFF30];
	_ =	sdelay $0x4  }
0x15a: {  	v50 =	vshrl.u32 v3, $0x3  }
0x15b: {  	v4 =	vmul.u32 $0x18, v50  }
0x15c: {  	v3 =	vand.u32 $0x7, v3  }
0x15d: {  	v3 =	vor.u32 v3, v4  }
0x15e: {  	v4 =	vperm.xlane v3, v0;
	_ =	sdelay $0x1  }
0x15f: {  	v4 =	vadd.s32 v1, v4;
	_ =	sdelay $0x1  }
0x160: {  	v3 =	vperm.xlane v3, v2;
	_ =	sdelay $0x1  }
0x161: {  	s10 =	simm.s32 $0x3400;
	v3 =	vadd.s32 v1, v3  }
0x162: {  	[tilespmem:s10], [sflag:$0x1] =	stream.indirect_vreg.gather [hbm4b:s3+s2], $0x80, v4, vm0, $0xb8;
	[tilespmem:$0x18400] =	vst v63  }
0x163: {  	s10 =	simm.s32 $0x3C00  }
0x164: {  	[tilespmem:s10], [sflag:$0x1] =	stream.indirect_vreg.gather [hbm4b:s5+s2], $0x80, v4, vm1, $0xb8;
	[tilespmem:$0x18400] =	vst v63  }
0x165: {  	s10 =	simm.s32 $0x4000  }
0x166: {  	[tilespmem:s10], [sflag:$0x1] =	stream.indirect_vreg.gather [hbm4b:s3+s2], $0x80, v3, vm0, $0xb8;
	[tilespmem:$0x18400] =	vst v63  }
0x167: {  	s10 =	simm.s32 $0x4800  }
0x168: {  	[tilespmem:s10], [sflag:$0x1] =	stream.indirect_vreg.gather [hbm4b:s5+s2], $0x80, v3, vm1, $0xb8;
	[tilespmem:$0x18400] =	vst v63  }
0x169: {  	v3 =	vld [tilespmem:s4+$0xFFFFFF40];
	_ =	sdelay $0x4  }
0x16a: {  	v51 =	vshrl.u32 v3, $0x3  }
0x16b: {  	v4 =	vmul.u32 $0x18, v51  }
0x16c: {  	v3 =	vand.u32 $0x7, v3  }
0x16d: {  	v3 =	vor.u32 v3, v4  }
0x16e: {  	v4 =	vperm.xlane v3, v0;
	_ =	sdelay $0x1  }
0x16f: {  	v4 =	vadd.s32 v1, v4;
	_ =	sdelay $0x1  }
0x170: {  	v3 =	vperm.xlane v3, v2;
	_ =	sdelay $0x1  }
0x171: {  	s10 =	simm.s32 $0x4C00;
	v3 =	vadd.s32 v1, v3  }
0x172: {  	[tilespmem:s10], [sflag:$0x1] =	stream.indirect_vreg.gather [hbm4b:s3+s2], $0x80, v4, vm0, $0xb8;
	[tilespmem:$0x18400] =	vst v63  }
0x173: {  	s10 =	simm.s32 $0x5400  }
0x174: {  	[tilespmem:s10], [sflag:$0x1] =	stream.indirect_vreg.gather [hbm4b:s5+s2], $0x80, v4, vm1, $0xb8;
	[tilespmem:$0x18400] =	vst v63  }
0x175: {  	s10 =	simm.s32 $0x5800  }
0x176: {  	[tilespmem:s10], [sflag:$0x1] =	stream.indirect_vreg.gather [hbm4b:s3+s2], $0x80, v3, vm0, $0xb8;
	[tilespmem:$0x18400] =	vst v63  }
0x177: {  	s10 =	simm.s32 $0x6000  }
0x178: {  	[tilespmem:s10], [sflag:$0x1] =	stream.indirect_vreg.gather [hbm4b:s5+s2], $0x80, v3, vm1, $0xb8;
	[tilespmem:$0x18400] =	vst v63  }
0x179: {  	_ =	swait.ge [sflag:s30], $0x6000  }
0x17a: {  	[sflag:s30] =	ssyncset.done $0x0  }
0x17b: {  	[sflag:s30] =	ssyncadd.s32 $0xFFFFA000  }
0x17c: {  	v3 =	vld [tilespmem:s4+$0xFFFFFF50];
	_ =	sdelay $0x4  }
0x17d: {  	v52 =	vshrl.u32 v3, $0x3  }
0x17e: {  	v4 =	vmul.u32 $0x18, v52  }
0x17f: {  	v3 =	vand.u32 $0x7, v3  }
0x180: {  	v3 =	vor.u32 v3, v4  }
0x181: {  	v4 =	vperm.xlane v3, v0;
	_ =	sdelay $0x1  }
0x182: {  	v4 =	vadd.s32 v1, v4;
	_ =	sdelay $0x1  }
0x183: {  	v3 =	vperm.xlane v3, v2;
	_ =	sdelay $0x1  }
0x184: {  	v3 =	vadd.s32 v1, v3  }
0x185: {  	[tilespmem:s25], [sflag:$0x2] =	stream.indirect_vreg.gather [hbm4b:s3+s2], $0x80, v4, vm0, $0xb8;
	[tilespmem:$0x18400] =	vst v63  }
0x186: {  	s10 =	simm.s32 $0x6C00  }
0x187: {  	[tilespmem:s10], [sflag:$0x2] =	stream.indirect_vreg.gather [hbm4b:s5+s2], $0x80, v4, vm1, $0xb8;
	[tilespmem:$0x18400] =	vst v63  }
0x188: {  	s10 =	simm.s32 $0x7000  }
0x189: {  	[tilespmem:s10], [sflag:$0x2] =	stream.indirect_vreg.gather [hbm4b:s3+s2], $0x80, v3, vm0, $0xb8;
	[tilespmem:$0x18400] =	vst v63  }
0x18a: {  	s10 =	simm.s32 $0x7800  }
0x18b: {  	[tilespmem:s10], [sflag:$0x2] =	stream.indirect_vreg.gather [hbm4b:s5+s2], $0x80, v3, vm1, $0xb8;
	[tilespmem:$0x18400] =	vst v63  }
0x18c: {  	v3 =	vld [tilespmem:s4+$0xFFFFFF60];
	_ =	sdelay $0x4  }
0x18d: {  	v53 =	vshrl.u32 v3, $0x3  }
0x18e: {  	v4 =	vmul.u32 $0x18, v53  }
0x18f: {  	v3 =	vand.u32 $0x7, v3  }
0x190: {  	v3 =	vor.u32 v3, v4  }
0x191: {  	v4 =	vperm.xlane v3, v0;
	_ =	sdelay $0x1  }
0x192: {  	v4 =	vadd.s32 v1, v4;
	_ =	sdelay $0x1  }
0x193: {  	v3 =	vperm.xlane v3, v2;
	_ =	sdelay $0x1  }
0x194: {  	s10 =	simm.s32 $0x7C00;
	v3 =	vadd.s32 v1, v3  }
0x195: {  	[tilespmem:s10], [sflag:$0x2] =	stream.indirect_vreg.gather [hbm4b:s3+s2], $0x80, v4, vm0, $0xb8;
	[tilespmem:$0x18400] =	vst v63  }
0x196: {  	s10 =	simm.s32 $0x8400  }
0x197: {  	[tilespmem:s10], [sflag:$0x2] =	stream.indirect_vreg.gather [hbm4b:s5+s2], $0x80, v4, vm1, $0xb8;
	[tilespmem:$0x18400] =	vst v63  }
0x198: {  	s10 =	simm.s32 $0x8800  }
0x199: {  	[tilespmem:s10], [sflag:$0x2] =	stream.indirect_vreg.gather [hbm4b:s3+s2], $0x80, v3, vm0, $0xb8;
	[tilespmem:$0x18400] =	vst v63  }
0x19a: {  	s10 =	simm.s32 $0x9000  }
0x19b: {  	[tilespmem:s10], [sflag:$0x2] =	stream.indirect_vreg.gather [hbm4b:s5+s2], $0x80, v3, vm1, $0xb8;
	[tilespmem:$0x18400] =	vst v63  }
0x19c: {  	v3 =	vld [tilespmem:s4+$0xFFFFFF70];
	_ =	sdelay $0x4  }
0x19d: {  	v54 =	vshrl.u32 v3, $0x3  }
0x19e: {  	v4 =	vmul.u32 $0x18, v54  }
0x19f: {  	v3 =	vand.u32 $0x7, v3  }
0x1a0: {  	v3 =	vor.u32 v3, v4  }
0x1a1: {  	v4 =	vperm.xlane v3, v0;
	_ =	sdelay $0x1  }
0x1a2: {  	v4 =	vadd.s32 v1, v4;
	_ =	sdelay $0x1  }
0x1a3: {  	v3 =	vperm.xlane v3, v2;
	_ =	sdelay $0x1  }
0x1a4: {  	s10 =	simm.s32 $0x9400;
	v3 =	vadd.s32 v1, v3  }
0x1a5: {  	[tilespmem:s10], [sflag:$0x2] =	stream.indirect_vreg.gather [hbm4b:s3+s2], $0x80, v4, vm0, $0xb8;
	[tilespmem:$0x18400] =	vst v63  }
0x1a6: {  	s10 =	simm.s32 $0x9C00  }
0x1a7: {  	[tilespmem:s10], [sflag:$0x2] =	stream.indirect_vreg.gather [hbm4b:s5+s2], $0x80, v4, vm1, $0xb8;
	[tilespmem:$0x18400] =	vst v63  }
0x1a8: {  	s10 =	simm.s32 $0xA000  }
0x1a9: {  	[tilespmem:s10], [sflag:$0x2] =	stream.indirect_vreg.gather [hbm4b:s3+s2], $0x80, v3, vm0, $0xb8;
	[tilespmem:$0x18400] =	vst v63  }
0x1aa: {  	s10 =	simm.s32 $0xA800  }
0x1ab: {  	[tilespmem:s10], [sflag:$0x2] =	stream.indirect_vreg.gather [hbm4b:s5+s2], $0x80, v3, vm1, $0xb8;
	[tilespmem:$0x18400] =	vst v63  }
0x1ac: {  	v3 =	vld [tilespmem:s4+$0xFFFFFF80];
	_ =	sdelay $0x4  }
0x1ad: {  	v55 =	vshrl.u32 v3, $0x3  }
0x1ae: {  	v4 =	vmul.u32 $0x18, v55  }
0x1af: {  	v3 =	vand.u32 $0x7, v3  }
0x1b0: {  	v3 =	vor.u32 v3, v4  }
0x1b1: {  	v4 =	vperm.xlane v3, v0;
	_ =	sdelay $0x1  }
0x1b2: {  	v4 =	vadd.s32 v1, v4;
	_ =	sdelay $0x1  }
0x1b3: {  	v3 =	vperm.xlane v3, v2;
	_ =	sdelay $0x1  }
0x1b4: {  	s10 =	simm.s32 $0xAC00;
	v3 =	vadd.s32 v1, v3  }
0x1b5: {  	[tilespmem:s10], [sflag:$0x2] =	stream.indirect_vreg.gather [hbm4b:s3+s2], $0x80, v4, vm0, $0xb8;
	[tilespmem:$0x18400] =	vst v63  }
0x1b6: {  	s10 =	simm.s32 $0xB400  }
0x1b7: {  	[tilespmem:s10], [sflag:$0x2] =	stream.indirect_vreg.gather [hbm4b:s5+s2], $0x80, v4, vm1, $0xb8;
	[tilespmem:$0x18400] =	vst v63  }
0x1b8: {  	s10 =	simm.s32 $0xB800  }
0x1b9: {  	[tilespmem:s10], [sflag:$0x2] =	stream.indirect_vreg.gather [hbm4b:s3+s2], $0x80, v3, vm0, $0xb8;
	[tilespmem:$0x18400] =	vst v63  }
0x1ba: {  	s10 =	simm.s32 $0xC000  }
0x1bb: {  	[tilespmem:s10], [sflag:$0x2] =	stream.indirect_vreg.gather [hbm4b:s5+s2], $0x80, v3, vm1, $0xb8;
	[tilespmem:$0x18400] =	vst v63  }
0x1bc: {  	_ =	swait.ge [sflag:s31], $0x6000  }
0x1bd: {  	[sflag:s31] =	ssyncset.done $0x0  }
0x1be: {  	[sflag:s31] =	ssyncadd.s32 $0xFFFFA000  }
0x1bf: {  	v3 =	vld [tilespmem:s4+$0xFFFFFF90];
	_ =	sdelay $0x4  }
0x1c0: {  	v56 =	vshrl.u32 v3, $0x3  }
0x1c1: {  	v4 =	vmul.u32 $0x18, v56  }
0x1c2: {  	v3 =	vand.u32 $0x7, v3  }
0x1c3: {  	v3 =	vor.u32 v3, v4  }
0x1c4: {  	v4 =	vperm.xlane v3, v0;
	_ =	sdelay $0x1  }
0x1c5: {  	v4 =	vadd.s32 v1, v4;
	_ =	sdelay $0x1  }
0x1c6: {  	v3 =	vperm.xlane v3, v2;
	_ =	sdelay $0x1  }
0x1c7: {  	v3 =	vadd.s32 v1, v3  }
0x1c8: {  	[tilespmem:s15], [sflag:$0x3] =	stream.indirect_vreg.gather [hbm4b:s3+s2], $0x80, v4, vm0, $0xb8;
	[tilespmem:$0x18400] =	vst v63  }
0x1c9: {  	s10 =	simm.s32 $0xCC00  }
0x1ca: {  	[tilespmem:s10], [sflag:$0x3] =	stream.indirect_vreg.gather [hbm4b:s5+s2], $0x80, v4, vm1, $0xb8;
	[tilespmem:$0x18400] =	vst v63  }
0x1cb: {  	s10 =	simm.s32 $0xD000  }
0x1cc: {  	[tilespmem:s10], [sflag:$0x3] =	stream.indirect_vreg.gather [hbm4b:s3+s2], $0x80, v3, vm0, $0xb8;
	[tilespmem:$0x18400] =	vst v63  }
0x1cd: {  	s10 =	simm.s32 $0xD800  }
0x1ce: {  	[tilespmem:s10], [sflag:$0x3] =	stream.indirect_vreg.gather [hbm4b:s5+s2], $0x80, v3, vm1, $0xb8;
	[tilespmem:$0x18400] =	vst v63  }
0x1cf: {  	v3 =	vld [tilespmem:s4+$0xFFFFFFA0];
	_ =	sdelay $0x4  }
0x1d0: {  	v57 =	vshrl.u32 v3, $0x3  }
0x1d1: {  	v4 =	vmul.u32 $0x18, v57  }
0x1d2: {  	v3 =	vand.u32 $0x7, v3  }
0x1d3: {  	v3 =	vor.u32 v3, v4  }
0x1d4: {  	v4 =	vperm.xlane v3, v0;
	_ =	sdelay $0x1  }
0x1d5: {  	v4 =	vadd.s32 v1, v4;
	_ =	sdelay $0x1  }
0x1d6: {  	v3 =	vperm.xlane v3, v2;
	_ =	sdelay $0x1  }
0x1d7: {  	s10 =	simm.s32 $0xDC00;
	v3 =	vadd.s32 v1, v3  }
0x1d8: {  	[tilespmem:s10], [sflag:$0x3] =	stream.indirect_vreg.gather [hbm4b:s3+s2], $0x80, v4, vm0, $0xb8;
	[tilespmem:$0x18400] =	vst v63  }
0x1d9: {  	s10 =	simm.s32 $0xE400  }
0x1da: {  	[tilespmem:s10], [sflag:$0x3] =	stream.indirect_vreg.gather [hbm4b:s5+s2], $0x80, v4, vm1, $0xb8;
	[tilespmem:$0x18400] =	vst v63  }
0x1db: {  	s10 =	simm.s32 $0xE800  }
0x1dc: {  	[tilespmem:s10], [sflag:$0x3] =	stream.indirect_vreg.gather [hbm4b:s3+s2], $0x80, v3, vm0, $0xb8;
	[tilespmem:$0x18400] =	vst v63  }
0x1dd: {  	s10 =	simm.s32 $0xF000  }
0x1de: {  	[tilespmem:s10], [sflag:$0x3] =	stream.indirect_vreg.gather [hbm4b:s5+s2], $0x80, v3, vm1, $0xb8;
	[tilespmem:$0x18400] =	vst v63  }
0x1df: {  	v3 =	vld [tilespmem:s4+$0xFFFFFFB0];
	_ =	sdelay $0x4  }
0x1e0: {  	v58 =	vshrl.u32 v3, $0x3  }
0x1e1: {  	v4 =	vmul.u32 $0x18, v58  }
0x1e2: {  	v3 =	vand.u32 $0x7, v3  }
0x1e3: {  	v3 =	vor.u32 v3, v4  }
0x1e4: {  	v4 =	vperm.xlane v3, v0;
	_ =	sdelay $0x1  }
0x1e5: {  	v4 =	vadd.s32 v1, v4;
	_ =	sdelay $0x1  }
0x1e6: {  	v3 =	vperm.xlane v3, v2;
	_ =	sdelay $0x1  }
0x1e7: {  	s10 =	simm.s32 $0xF400;
	v3 =	vadd.s32 v1, v3  }
0x1e8: {  	[tilespmem:s10], [sflag:$0x3] =	stream.indirect_vreg.gather [hbm4b:s3+s2], $0x80, v4, vm0, $0xb8;
	[tilespmem:$0x18400] =	vst v63  }
0x1e9: {  	s10 =	simm.s32 $0xFC00  }
0x1ea: {  	[tilespmem:s10], [sflag:$0x3] =	stream.indirect_vreg.gather [hbm4b:s5+s2], $0x80, v4, vm1, $0xb8;
	[tilespmem:$0x18400] =	vst v63  }
0x1eb: {  	s10 =	simm.s32 $0x10000  }
0x1ec: {  	[tilespmem:s10], [sflag:$0x3] =	stream.indirect_vreg.gather [hbm4b:s3+s2], $0x80, v3, vm0, $0xb8;
	[tilespmem:$0x18400] =	vst v63  }
0x1ed: {  	s10 =	simm.s32 $0x10800  }
0x1ee: {  	[tilespmem:s10], [sflag:$0x3] =	stream.indirect_vreg.gather [hbm4b:s5+s2], $0x80, v3, vm1, $0xb8;
	[tilespmem:$0x18400] =	vst v63  }
0x1ef: {  	v3 =	vld [tilespmem:s4+$0xFFFFFFC0];
	_ =	sdelay $0x4  }
0x1f0: {  	v59 =	vshrl.u32 v3, $0x3  }
0x1f1: {  	v4 =	vmul.u32 $0x18, v59  }
0x1f2: {  	v3 =	vand.u32 $0x7, v3  }
0x1f3: {  	v3 =	vor.u32 v3, v4  }
0x1f4: {  	v4 =	vperm.xlane v3, v0;
	_ =	sdelay $0x1  }
0x1f5: {  	v4 =	vadd.s32 v1, v4;
	_ =	sdelay $0x1  }
0x1f6: {  	v3 =	vperm.xlane v3, v2;
	_ =	sdelay $0x1  }
0x1f7: {  	s10 =	simm.s32 $0x10C00;
	v3 =	vadd.s32 v1, v3  }
0x1f8: {  	[tilespmem:s10], [sflag:$0x3] =	stream.indirect_vreg.gather [hbm4b:s3+s2], $0x80, v4, vm0, $0xb8;
	[tilespmem:$0x18400] =	vst v63  }
0x1f9: {  	s10 =	simm.s32 $0x11400  }
0x1fa: {  	[tilespmem:s10], [sflag:$0x3] =	stream.indirect_vreg.gather [hbm4b:s5+s2], $0x80, v4, vm1, $0xb8;
	[tilespmem:$0x18400] =	vst v63  }
0x1fb: {  	s10 =	simm.s32 $0x11800  }
0x1fc: {  	[tilespmem:s10], [sflag:$0x3] =	stream.indirect_vreg.gather [hbm4b:s3+s2], $0x80, v3, vm0, $0xb8;
	[tilespmem:$0x18400] =	vst v63  }
0x1fd: {  	s10 =	simm.s32 $0x12000  }
0x1fe: {  	[tilespmem:s10], [sflag:$0x3] =	stream.indirect_vreg.gather [hbm4b:s5+s2], $0x80, v3, vm1, $0xb8;
	[tilespmem:$0x18400] =	vst v63  }
0x1ff: {  	_ =	swait.ge [sflag:s1], $0x6000  }
0x200: {  	[sflag:s1] =	ssyncset.done $0x0  }
0x201: {  	[sflag:s1] =	ssyncadd.s32 $0xFFFFA000  }
0x202: {  	v3 =	vld [tilespmem:s4+$0xFFFFFFD0];
	_ =	sdelay $0x4  }
0x203: {  	v60 =	vshrl.u32 v3, $0x3  }
0x204: {  	v4 =	vmul.u32 $0x18, v60  }
0x205: {  	v3 =	vand.u32 $0x7, v3  }
0x206: {  	v3 =	vor.u32 v3, v4  }
0x207: {  	v4 =	vperm.xlane v3, v0;
	_ =	sdelay $0x1  }
0x208: {  	v4 =	vadd.s32 v1, v4;
	_ =	sdelay $0x1  }
0x209: {  	v3 =	vperm.xlane v3, v2;
	_ =	sdelay $0x1  }
0x20a: {  	v3 =	vadd.s32 v1, v3  }
0x20b: {  	[tilespmem:s0], [sflag:$0x4] =	stream.indirect_vreg.gather [hbm4b:s3+s2], $0x80, v4, vm0, $0xb8;
	[tilespmem:$0x18400] =	vst v63  }
0x20c: {  	s10 =	simm.s32 $0x12C00  }
0x20d: {  	[tilespmem:s10], [sflag:$0x4] =	stream.indirect_vreg.gather [hbm4b:s5+s2], $0x80, v4, vm1, $0xb8;
	[tilespmem:$0x18400] =	vst v63  }
0x20e: {  	s10 =	simm.s32 $0x13000  }
0x20f: {  	[tilespmem:s10], [sflag:$0x4] =	stream.indirect_vreg.gather [hbm4b:s3+s2], $0x80, v3, vm0, $0xb8;
	[tilespmem:$0x18400] =	vst v63  }
0x210: {  	s10 =	simm.s32 $0x13800  }
0x211: {  	[tilespmem:s10], [sflag:$0x4] =	stream.indirect_vreg.gather [hbm4b:s5+s2], $0x80, v3, vm1, $0xb8;
	[tilespmem:$0x18400] =	vst v63  }
0x212: {  	v3 =	vld [tilespmem:s4+$0xFFFFFFE0];
	_ =	sdelay $0x4  }
0x213: {  	v61 =	vshrl.u32 v3, $0x3  }
0x214: {  	v4 =	vmul.u32 $0x18, v61  }
0x215: {  	v3 =	vand.u32 $0x7, v3  }
0x216: {  	v3 =	vor.u32 v3, v4  }
0x217: {  	v4 =	vperm.xlane v3, v0;
	_ =	sdelay $0x1  }
0x218: {  	v4 =	vadd.s32 v1, v4;
	_ =	sdelay $0x1  }
0x219: {  	v3 =	vperm.xlane v3, v2;
	_ =	sdelay $0x1  }
0x21a: {  	s10 =	simm.s32 $0x13C00;
	v3 =	vadd.s32 v1, v3  }
0x21b: {  	[tilespmem:s10], [sflag:$0x4] =	stream.indirect_vreg.gather [hbm4b:s3+s2], $0x80, v4, vm0, $0xb8;
	[tilespmem:$0x18400] =	vst v63  }
0x21c: {  	_ = 	snop  }
0x21d: {  	[tilespmem:s11], [sflag:$0x4] =	stream.indirect_vreg.gather [hbm4b:s5+s2], $0x80, v4, vm1, $0xb8;
	[tilespmem:$0x18400] =	vst v63  }
0x21e: {  	_ = 	snop  }
0x21f: {  	[tilespmem:s12], [sflag:$0x4] =	stream.indirect_vreg.gather [hbm4b:s3+s2], $0x80, v3, vm0, $0xb8;
	[tilespmem:$0x18400] =	vst v63  }
0x220: {  	_ = 	snop  }
0x221: {  	[tilespmem:s13], [sflag:$0x4] =	stream.indirect_vreg.gather [hbm4b:s5+s2], $0x80, v3, vm1, $0xb8;
	[tilespmem:$0x18400] =	vst v63  }
0x222: {  	v3 =	vld [tilespmem:s4+$0xFFFFFFF0];
	_ =	sdelay $0x4  }
0x223: {  	v62 =	vshrl.u32 v3, $0x3  }
0x224: {  	v4 =	vmul.u32 $0x18, v62  }
0x225: {  	v3 =	vand.u32 $0x7, v3  }
0x226: {  	v3 =	vor.u32 v3, v4  }
0x227: {  	v4 =	vperm.xlane v3, v0;
	_ =	sdelay $0x1  }
0x228: {  	v4 =	vadd.s32 v1, v4;
	_ =	sdelay $0x1  }
0x229: {  	v3 =	vperm.xlane v3, v2;
	_ =	sdelay $0x1  }
0x22a: {  	v3 =	vadd.s32 v1, v3  }
0x22b: {  	[tilespmem:s14], [sflag:$0x4] =	stream.indirect_vreg.gather [hbm4b:s3+s2], $0x80, v4, vm0, $0xb8;
	[tilespmem:$0x18400] =	vst v63  }
0x22c: {  	_ = 	snop  }
0x22d: {  	[tilespmem:s16], [sflag:$0x4] =	stream.indirect_vreg.gather [hbm4b:s5+s2], $0x80, v4, vm1, $0xb8;
	[tilespmem:$0x18400] =	vst v63  }
0x22e: {  	_ = 	snop  }
0x22f: {  	[tilespmem:s17], [sflag:$0x4] =	stream.indirect_vreg.gather [hbm4b:s3+s2], $0x80, v3, vm0, $0xb8;
	[tilespmem:$0x18400] =	vst v63  }
0x230: {  	_ = 	snop  }
0x231: {  	[tilespmem:s18], [sflag:$0x4] =	stream.indirect_vreg.gather [hbm4b:s5+s2], $0x80, v3, vm1, $0xb8;
	[tilespmem:$0x18400] =	vst v63  }
0x232: {  	v3 =	vld [tilespmem:s4+$0x0];
	_ =	sdelay $0x4  }
0x233: {  	v63 =	vshrl.u32 v3, $0x3  }
0x234: {  	v4 =	vmul.u32 $0x18, v63  }
0x235: {  	v3 =	vand.u32 $0x7, v3  }
0x236: {  	v3 =	vor.u32 v3, v4  }
0x237: {  	v4 =	vperm.xlane v3, v0;
	_ =	sdelay $0x1  }
0x238: {  	v4 =	vadd.s32 v1, v4;
	_ =	sdelay $0x2  }
0x239: {  	v3 =	vperm.xlane v3, v2  }
0x23a: {  	s6 =	sadd.s32 $0x3000, s6  }
0x23b: {  	v3 =	vadd.s32 v1, v3;
	[tilespmem:s19], [sflag:$0x4] =	stream.indirect_vreg.gather [hbm4b:s3+s2], $0x80, v4, vm0, $0xb8;
	[tilespmem:$0x18400] =	vst v63  }
0x23c: {  	p0 =	sne.s32 s6, $0xC000  }
0x23d: {  	[tilespmem:s20], [sflag:$0x4] =	stream.indirect_vreg.gather [hbm4b:s5+s2], $0x80, v4, vm1, $0xb8;
	[tilespmem:$0x18400] =	vst v63  }
.Ltmp3:
0x23e: {  	_ = 	snop;
	(pc) =	sbr.rel @p0 .LBB2_2-.Ltmp3, $4  }
.Ltmp4:
0x23f: {  	_ = 	snop;
	(pc) =	sbr.rel @!p0 .LBB2_5-.Ltmp4, $4  }
0x240: {  	[tilespmem:s21], [sflag:$0x4] =	stream.indirect_vreg.gather [hbm4b:s3+s2], $0x80, v3, vm0, $0xb8;
	[tilespmem:$0x18400] =	vst v63  }
0x241: {  	s4 =	sadd.s32 $0x100, s4  }
0x242: {  	[tilespmem:s22], [sflag:$0x4] =	stream.indirect_vreg.gather [hbm4b:s5+s2], $0x80, v3, vm1, $0xb8;
	[tilespmem:$0x18400] =	vst v63  }
0x243: {  	_ = 	snop  }
.LBB2_6:
0x244: {  	_ =	sfence.sel $0x180000  }
0x245: {  	[bflag:$0x0] =	sbarrier.arrive $0xFFFF  }
0x246: {  	_ =	strace $0x9000004D  }
0x247: {  	s0 =	stileid.u32;
	[bflag:$0x2] =	sbarrier.arrive $0xFFFF  }
0x248: {  	p0 =	sne.s32 s0, $0x0;
	s0 =	rddreg [dreg:$0x1]  }
0x249: {  	s0 =	sadd.s32 @!p0 $0x100000, s0  }
0x24a: {  	[sflag:s0] =	ssyncadd.tile.s32 @!p0 $0x1;
	_ =	shalt  }
.Lfunc_end2:
_tile_overlayer_lowered:
.L_overlay_start_2:
0x24b: {  	(tag) =	ssettag $0x2  }
0x24c: {  	s0 =	rddreg [dreg:$0x0];
	s2 =	stileid.u32  }
0x24d: {  	s1 =	rddreg [dreg:$0x1];
	p0 =	sne.s32 s2, $0x0  }
0x24e: {  	s3 =	rddreg [dreg:$0x2];
	[bflag:$0x3] =	sbarrier.arrive $0xFFFF;
	s2 =	simm.s32 @!p0 $0x1C09  }
0x24f: {  	[timem:s3], [sflag:s2] =	dma.local @!p0 [hbm:s0], s1  }
0x250: {  	s0 =	simm.s32 @!p0 $0x9  }
0x251: {  	_ =	swait.ge @!p0 [sflag:s0], s1  }
0x252: {  	s1 =	ssub.s32 @!p0 $0x0, s1;
	[sflag:s0] =	ssyncset.done @!p0 $0x0  }
0x253: {  	[sflag:s0] =	ssyncadd.s32 @!p0 s1  }
0x254: {  	[bflag:$0x3] =	sbarrier.arrive $0xFFFF  }
0x255: {  	_ =	shalt  }

// kernel: kernel.27.cloned.1.call-start
scs
__scs_entry_jumppad:
0x0: {  	(pc) =	sbr.rel $0x88, $3  }
0x1: {  	(tag) =	ssettag $0x0;
	lr =	simm.s32 $0x1  }
0x2: {  	[smem:$0x3F8E] =	sst lr;
	_ =	strace $0xD0000000  }
0x3: {  	_ = 	snop  }
0x4: {  	_ = 	snop  }
0x5: {  	_ = 	snop  }
0x6: {  	_ = 	snop  }
0x7: {  	_ = 	snop  }
__scs_overlays_trampoline_lowered:
0x8: {  	[smem:$0x3F9D] =	sst s0  }
0x9: {  	[smem:$0x3F9E] =	sst s1  }
0xa: {  	[smem:$0x3F9F] =	sst s2  }
0xb: {  	[smem:$0x3FA0] =	sst s3  }
0xc: {  	[smem:$0x3FA1] =	sst s4  }
0xd: {  	[smem:$0x3FA2] =	sst s5  }
0xe: {  	[smem:$0x3FA3] =	sst s6  }
0xf: {  	[smem:$0x3FA4] =	sst s7  }
0x10: {  	[smem:$0x3FA5] =	sst s8  }
0x11: {  	[smem:$0x3FA6] =	sst s9;
	s0 =	simm.s32 @!p0 $0x0  }
0x12: {  	s1 =	sld [smem:$0x3F8C];
	s0 =	simm.s32 @p0 $0x1  }
0x13: {  	[smem:$0x3FA7] =	sst s0;
	s0 =	simm.s32 @!p1 $0x0  }
0x14: {  	s2 =	sld [smem:$0x3F8B];
	s0 =	simm.s32 @p1 $0x1  }
0x15: {  	[smem:$0x3FA8] =	sst s0;
	s0 =	simm.s32 @!p2 $0x0  }
0x16: {  	s3 =	sld [smem:$0x3FDB];
	s0 =	simm.s32 @p2 $0x1  }
0x17: {  	s4 =	simm.s32 $0x1BF5;
	[smem:$0x3FAA] =	sst s0  }
0x18: {  	s0 =	sld [smem:$0x3F8D];
	_ =	swait.ge [sflag:s4], $0x0  }
0x19: {  	s7 =	sld [smem:$0x3F8E]  }
0x1a: {  	s8 =	sadd.s32 $0xFFFFE003, lr  }
0x1b: {  	s9 =	sadd.s32 $0xFFFFFEF7, lr;
	s5 =	simm.s32 $0xFFFFFFFF;
	p2 =	slt.u32 s8, $0xFFFFF086  }
0x1c: {  	p1 =	slt.u32 s9, $0xF7A;
	s5 =	simm.s32 @!p2 $0x0  }
0x1d: {  	s5 =	simm.s32 @p1 $0x1;
	p0 =	seq.s32 s7, s2  }
0x1e: {  	s7 =	smul.u32 @!p0 $0xF7A, s2;
	p2 =	seq.s32 @!p0 s5, $0x0  }
0x1f: {  	s9 =	smul.u32 $0xF7A, s1;
	s8 =	simm.s32 @!p0 $0x1BF5;
	p2 =	por !p2, p0  }
0x20: {  	[sflag:s8] =	ssyncset.s32 @!p0 $0xFFFFF086;
	s6 =	sadd.s32 @!p0 s3, s7;
	s7 =	simm.s32 @!p0 $0x108  }
0x21: {  	s3 =	sadd.s32 s3, s9;
	s6 =	sadd.s32 @!p0 $0x88, s6;
	s7 =	simm.s32 @p2 $0x1082  }
0x22: {  	[simem:s7], [sflag:s8] =	dma.local @!p0 [hbm:s6], $0xF7A  }
0x23: {  	s9 =	sor.u32 $0xD0000000, s2;
	s6 =	simm.s32 $0x108;
	_ =	swait.ge @!p0 [sflag:s8], $0x0  }
0x24: {  	s3 =	sadd.s32 $0x88, s3;
	s6 =	simm.s32 @!p1 $0x1082;
	[sflag:s4] =	ssyncset.s32 $0xFFFFF086  }
0x25: {  	[simem:s6], [sflag:s4] =	dma.local [hbm:s3], $0xF7A  }
0x26: {  	[smem:$0x3F8E] =	sst s1;
	(tag) =	ssettag s2;
	_ =	strace s9  }
0x27: {  	s1 =	sld [smem:$0x3F9E]  }
0x28: {  	s2 =	sld [smem:$0x3F9F]  }
0x29: {  	s4 =	sld [smem:$0x3FA1]  }
0x2a: {  	p0 =	seq.s32 s5, $0x0;
	s5 =	sld [smem:$0x3FA2]  }
0x2b: {  	s6 =	sld [smem:$0x3FA3]  }
0x2c: {  	s7 =	sld [smem:$0x3FA4]  }
0x2d: {  	s3 =	simm.s32 $0x108;
	s8 =	sld [smem:$0x3FA5]  }
0x2e: {  	s3 =	simm.s32 @!p0 $0x1082;
	s9 =	sld [smem:$0x3FA6]  }
0x2f: {  	lr =	sadd.s32 s0, s3;
	s0 =	sld [smem:$0x3F9D]  }
0x30: {  	s3 =	sld [smem:$0x3FA0]  }
0x31: {  	[smem:$0x3FA9] =	sst s10  }
0x32: {  	s10 =	sld [smem:$0x3FA7];
	_ =	sdelay $0x3  }
0x33: {  	p0 =	seq.s32 s10, $0x1;
	s10 =	sld [smem:$0x3FA9];
	_ =	sdelay $0x3  }
0x34: {  	[smem:$0x3FA9] =	sst s10  }
0x35: {  	s10 =	sld [smem:$0x3FA8];
	_ =	sdelay $0x3  }
0x36: {  	p1 =	seq.s32 s10, $0x1;
	s10 =	sld [smem:$0x3FA9];
	_ =	sdelay $0x3  }
0x37: {  	[smem:$0x3FA9] =	sst s10  }
0x38: {  	s10 =	sld [smem:$0x3FAA]  }
0x39: {  	_ = 	snop;
	(pc) =	sbr.ind lr, $3  }
0x3a: {  	_ = 	snop  }
0x3b: {  	_ = 	snop  }
0x3c: {  	p2 =	seq.s32 s10, $0x1;
	s10 =	sld [smem:$0x3FA9]  }
0x3d: {  	_ =	shalt  }
0x3e: {  	_ =	shalt  }
0x3f: {  	_ =	shalt  }
0x40: {  	_ =	shalt  }
0x41: {  	_ =	shalt  }
0x42: {  	_ =	shalt  }
0x43: {  	_ =	shalt  }
0x44: {  	_ =	shalt  }
0x45: {  	_ =	shalt  }
0x46: {  	_ =	shalt  }
0x47: {  	_ =	shalt  }
0x48: {  	_ =	shalt  }
0x49: {  	_ =	shalt  }
0x4a: {  	_ =	shalt  }
0x4b: {  	_ =	shalt  }
0x4c: {  	_ =	shalt  }
0x4d: {  	_ =	shalt  }
0x4e: {  	_ =	shalt  }
0x4f: {  	_ =	shalt  }
0x50: {  	_ =	shalt  }
0x51: {  	_ =	shalt  }
0x52: {  	_ =	shalt  }
0x53: {  	_ =	shalt  }
0x54: {  	_ =	shalt  }
0x55: {  	_ =	shalt  }
0x56: {  	_ =	shalt  }
0x57: {  	_ =	shalt  }
0x58: {  	_ =	shalt  }
0x59: {  	_ =	shalt  }
0x5a: {  	_ =	shalt  }
0x5b: {  	_ =	shalt  }
0x5c: {  	_ =	shalt  }
0x5d: {  	_ =	shalt  }
0x5e: {  	_ =	shalt  }
0x5f: {  	_ =	shalt  }
0x60: {  	_ =	shalt  }
0x61: {  	_ =	shalt  }
0x62: {  	_ =	shalt  }
0x63: {  	_ =	shalt  }
0x64: {  	_ =	shalt  }
0x65: {  	_ =	shalt  }
0x66: {  	_ =	shalt  }
0x67: {  	_ =	shalt  }
0x68: {  	_ =	shalt  }
0x69: {  	_ =	shalt  }
0x6a: {  	_ =	shalt  }
0x6b: {  	_ =	shalt  }
0x6c: {  	_ =	shalt  }
0x6d: {  	_ =	shalt  }
0x6e: {  	_ =	shalt  }
0x6f: {  	_ =	shalt  }
0x70: {  	_ =	shalt  }
0x71: {  	_ =	shalt  }
0x72: {  	_ =	shalt  }
0x73: {  	_ =	shalt  }
0x74: {  	_ =	shalt  }
0x75: {  	_ =	shalt  }
0x76: {  	_ =	shalt  }
0x77: {  	_ =	shalt  }
0x78: {  	_ =	shalt  }
0x79: {  	_ =	shalt  }
0x7a: {  	_ =	shalt  }
0x7b: {  	_ =	shalt  }
0x7c: {  	_ =	shalt  }
0x7d: {  	_ =	shalt  }
0x7e: {  	_ =	shalt  }
0x7f: {  	_ =	shalt  }
0x80: {  	_ =	shalt  }
0x81: {  	_ =	shalt  }
0x82: {  	_ =	shalt  }
0x83: {  	_ =	shalt  }
0x84: {  	_ =	shalt  }
0x85: {  	_ =	shalt  }
0x86: {  	_ =	shalt  }
0x87: {  	_ =	shalt  }
.Lfunc_end0:
.L_simem_size_0:
called_computation.4_lowered:
.L_overlay_start_0:
0x88: {  	s2 =	sld [smem:$0x3FD9]  }
0x89: {  	s3 =	sld [smem:$0x3FFE];
	_ =	sdelay $0x1  }
0x8a: {  	s1 =	srdreg.scid  }
0x8b: {  	s0 =	sand.u32 $0x1, s1  }
0x8c: {  	s17 =	sshll.u32 s0, $0xA;
	s2 =	sadd.s32 s3, s2  }
0x8d: {  	s2 =	sadd.s32 s2, s17  }
0x8e: {  	[smem:$0x3FB5] =	sst s2  }
0x8f: {  	_ = 	snop  }
0x90: {  	(tm) =	ssettm $0x1  }
0x91: {  	s18 =	sld [smem:$0x3FFB];
	_ =	sdelay $0x3  }
0x92: {  	_ =	strace s18  }
0x93: {  	s2 =	sld [smem:$0x3FFC];
	_ =	sdelay $0x3  }
0x94: {  	_ =	strace s2  }
0x95: {  	s2 =	sld [smem:$0x3FFD];
	_ =	sdelay $0x3  }
0x96: {  	_ =	strace s2  }
0x97: {  	_ =	strace $0x8FFFFFFF  }
0x98: {  	s19 =	sld [smem:$0x3FDB];
	_ =	sdelay $0x1  }
0x99: {  	s20 =	simm.s32 $_scs_section_size  }
0x9a: {  	s4 =	simm.s32 $_size__tile_overlayer_lowered;
	s5 =	simm.s32 $_tile_overlayer_lowered  }
0x9b: {  	s6 =	simm.s32 $0x1BFF;
	s21 =	sshll.u32 s5, $0x1;
	s3 =	sadd.s32 s20, s19  }
0x9c: {  	s22 =	simm.s32 $0x0;
	s4 =	sshll.u32 s4, $0x1;
	s5 =	sadd.s32 s21, s3  }
0x9d: {  	[timem:s22], [sflag:s6] =	dma.local [hbm:s5], s4  }
0x9e: {  	_ =	swait.ge [sflag:s6], s4  }
0x9f: {  	s4 =	ssub.s32 $0x0, s4;
	[sflag:s6] =	ssyncset.done $0x0  }
0xa0: {  	[sflag:s6] =	ssyncadd.s32 s4;
	_ =	sdelay $0x1  }
0xa1: {  	s23 =	simm.s32 $0x1B8B  }
0xa2: {  	_ =	swait.ge [sflag:s23], $0x1  }
0xa3: {  	[sflag:s23] =	ssyncset.done $0x0  }
0xa4: {  	[sflag:s23] =	ssyncadd.s32 $0xFFFFFFFF  }
0xa5: {  	s4 =	sld [smem:$0x0]  }
0xa6: {  	s5 =	sand.u32 $0xFFFFFFFE, s1  }
0xa7: {  	p0 =	sne.s32 s1, s5  }
0xa8: {  	s5 =	sshll.u32 @p0 s5, $0xE  }
0xa9: {  	s5 =	sadd.s32 @p0 $0x11B8D, s5;
	s6 =	sshll.u32 @p0 s4, $0x11  }
0xaa: {  	s5 =	sor.u32 @p0 s6, s5  }
0xab: {  	[sflag:s5] =	ssyncadd.remote.s32 @p0 $0x1;
	_ =	sdelay $0x1  }
0xac: {  	s5 =	simm.s32 @p0 $0x1B8D  }
0xad: {  	_ =	swait.eq @p0 [sflag:s5], $0x1  }
0xae: {  	[sflag:s5] =	ssyncadd.s32 @p0 $0xFFFFFFFF  }
0xaf: {  	s6 =	sshll.u32 @!p0 s1, $0xE  }
0xb0: {  	s6 =	sor.u32 @!p0 $0x4000, s6;
	s5 =	simm.s32 @!p0 $0x1B8D  }
0xb1: {  	s4 =	sshll.u32 @!p0 s4, $0x11;
	s6 =	sadd.s32 @!p0 $0x11B8D, s6;
	_ =	swait.eq @!p0 [sflag:s5], $0x1  }
0xb2: {  	s4 =	sor.u32 @!p0 s4, s6;
	[sflag:s5] =	ssyncadd.s32 @!p0 $0xFFFFFFFF  }
0xb3: {  	s25 =	simm.s32 $0x1B8E;
	s24 =	sld [smem:$0x3FFE];
	[sflag:s4] =	ssyncadd.remote.s32 @!p0 $0x1  }
0xb4: {  	s26 =	simm.s32 $execute0_lowered;
	[smem:$0x3FD2] =	sst s25  }
0xb5: {  	s5 =	sshll.u32 s26, $0x1;
	_ =	strace $0x80000052;
	[dreg:$0x1] =	wrdreg $0xFFFFFFFF  }
0xb6: {  	s28 =	simm.s32 $_size_execute0_lowered;
	s3 =	sadd.s32 s3, s5;
	[dreg:$0x0] =	wrdreg $0x0  }
0xb7: {  	s5 =	sshll.u32 s28, $0x1;
	[dreg:$0x2] =	wrdreg s3  }
0xb8: {  	[dreg:$0x3] =	wrdreg s5  }
0xb9: {  	[dreg:$0x4] =	wrdreg $0xC0  }
0xba: {  	_ =	task [dreg:s22], $0x5FFFF  }
0xbb: {  	[dreg:$0x1] =	wrdreg $0xFFFFFFFF  }
0xbc: {  	[dreg:$0x0] =	wrdreg $0x60  }
0xbd: {  	[dreg:$0x2] =	wrdreg s24  }
0xbe: {  	[dreg:$0x3] =	wrdreg $0xA8000  }
0xbf: {  	[dreg:$0x4] =	wrdreg $0x128000  }
0xc0: {  	[dreg:$0x5] =	wrdreg $0xA  }
0xc1: {  	_ =	task.clear_ibuf [dreg:s22], $0x6FFFF;
	_ =	strace $0x90000052  }
0xc2: {  	s29 =	simm.s32 $0xA;
	_ =	strace $0x80000054  }
0xc3: {  	_ =	swait.ge [sflag:s29], $0x1  }
0xc4: {  	[sflag:s29] =	ssyncadd.s32 $0xFFFFFFFF  }
0xc5: {  	_ =	strace $0x90000054  }
0xc6: {  	_ =	sfence  }
0xc7: {  	s30 =	sld [smem:$0x0];
	_ =	sdelay $0x2  }
0xc8: {  	s31 =	sshll.u32 s1, $0xD;
	s1 =	sshrl.u32 s1, $0x2  }
0xc9: {  	s4 =	sand.u32 $0x4000, s31;
	s1 =	sadd.s32 s1, s30  }
0xca: {  	s0 =	sor.u32 s4, s0;
	s1 =	sshll.u32 s1, $0x11  }
0xcb: {  	s0 =	sor.u32 s1, s0  }
0xcc: {  	s0 =	sadd.s32 $0x8F2B, s0  }
0xcd: {  	[sflag:s0] =	ssyncadd.remote.s32 $0x1  }
0xce: {  	_ =	sfence.sel $0xFFFF  }
0xcf: {  	[dreg:$0x0] =	wrdreg $0xFFFFFFFF;
	(pc) =	sbr.abs _section_cstart, $3  }
0xd0: {  	[dreg:$0x1] =	wrdreg $0xFFFFFFFF  }
0xd1: {  	_ =	task.clear_ibuf [dreg:s22], $0x2FFFF;
	_ =	strace $0x9FFFFFFF  }
0xd2: {  	(tm) =	ssettm $0x7FFFFFFF  }
0xd3: {  	_ =	shalt  }
tec
execute0_lowered:
.L_overlay_start_1:
0x0: {  	(tag) =	ssettag $0x1  }
0x1: {  	s0 =	rddreg [dreg:$0x0]  }
0x2: {  	s1 =	rddreg [dreg:$0x1]  }
0x3: {  	s2 =	rddreg [dreg:$0x2]  }
0x4: {  	s4 =	simm.s32 $0x0;
	s15 =	stileid.u32;
	s7 =	srdreg.scid  }
0x5: {  	s28 =	simm.s32 $0x4800;
	s29 =	simm.s32 $0x6800;
	s30 =	simm.s32 $0x8800  }
0x6: {  	s31 =	simm.s32 $0x1;
	[smem:$0x7FF] =	sst s4;
	s3 =	sadd.s32 $0x209200, s0  }
0x7: {  	s5 =	sadd.s32 $0x289200, s0;
	s6 =	sshll.u32 s15, $0x8;
	s8 =	sadd.s32 $0x5CA200, s0  }
0x8: {  	s7 =	sand.u32 $0x1, s7;
	s24 =	sadd.s32 $0x16B200, s0;
	s10 =	sshll.u32 s15, $0xF  }
0x9: {  	_ =	strace $0x80000053;
	s9 =	sadd.s32 s6, s0;
	[dreg:$0x4] =	wrdreg s24  }
0xa: {  	s11 =	sshll.u32 s7, $0x13;
	s6 =	sadd.s32 $0x16A200, s0;
	s12 =	ssub.s32 $0x2, s7  }
0xb: {  	s14 =	sshll.u32 s7, $0xC;
	s7 =	sshll.u32 s7, $0x12;
	s11 =	sor.u32 s10, s11  }
0xc: {  	s13 =	sshrl.u32 s12, $0x1;
	s9 =	sadd.s32 s14, s9;
	s14 =	sadd.s32 s10, s1  }
0xd: {  	s10 =	sadd.s32 s10, s2;
	s23 =	sadd.s32 s7, s3;
	s24 =	sadd.s32 s7, s5  }
0xe: {  	s11 =	sshrl.u32 s11, $0x3;
	s25 =	ssub.s32 s12, s13;
	[dreg:$0x6] =	wrdreg s14  }
0xf: {  	s9 =	sadd.s32 $0x1AB600, s9;
	[dreg:$0x7] =	wrdreg s10;
	s0 =	sadd.s32 s11, s0  }
0x10: {  	[dreg:$0x5] =	wrdreg s9;
	s9 =	sshll.u32 s15, $0xE;
	s20 =	sadd.s32 $0x309200, s0  }
0x11: {  	s26 =	sor.u32 s9, s7;
	s21 =	sadd.s32 $0x329200, s0;
	s22 =	sadd.s32 $0x349200, s0  }
0x12: {  	s15 =	sadd.s32 s3, s26;
	s16 =	sadd.s32 s5, s26;
	[dreg:$0xc] =	wrdreg s20  }
0x13: {  	s17 =	sor.u32 $0x400, s26;
	[dreg:$0xd] =	wrdreg s21;
	s12 =	sadd.s32 s8, s26  }
0x14: {  	[dreg:$0x10] =	wrdreg s22;
	s20 =	smax.u32 s25, $0x1;
	s25 =	sadd.s32 s7, s8  }
0x15: {  	s21 =	sadd.s32 s9, s23;
	s22 =	sadd.s32 s9, s24;
	[dreg:$0x8] =	wrdreg s15  }
0x16: {  	s24 =	simm.s32 $0x5;
	s7 =	simm.s32 $0x4;
	[dreg:$0x9] =	wrdreg s16  }
0x17: {  	s18 =	sadd.s32 s3, s17;
	s19 =	sadd.s32 s5, s17;
	[dreg:$0xe] =	wrdreg s12  }
0x18: {  	s10 =	sadd.s32 s8, s17;
	s26 =	sadd.s32 s9, s25;
	s25 =	simm.s32 $0x800  }
0x19: {  	s3 =	simm.s32 $0x2;
	s5 =	simm.s32 $0x3;
	[dreg:$0xa] =	wrdreg s18  }
0x1a: {  	s8 =	simm.s32 $0x700;
	s9 =	simm.s32 $0x780;
	[dreg:$0xb] =	wrdreg s19  }
0x1b: {  	[dreg:$0xf] =	wrdreg s10;
	s19 =	sadd.s32 $0x369200, s0;
	s16 =	sadd.s32 $0xC00, s26  }
0x1c: {  	s26 =	simm.s32 $0x2800;
	s0 =	simm.s32 $0x40;
	s10 =	simm.s32 $0x0  }
.LBB2_1:
0x1d: {  	s11 =	rddreg [dreg:$0x5]  }
0x1e: {  	[tilespmem:s4], [sflag:$0x5] =	stream.linear.gather [hbm4b:s11+s4], $0x800, $0x38;
	[tilespmem:$0x1A800] =	vst v63  }
0x1f: {  	_ =	swait.ge [sflag:s24], $0x800  }
0x20: {  	[sflag:s24] =	ssyncset.done $0x0  }
0x21: {  	s13 =	rddreg [dreg:$0x4];
	[sflag:s24] =	ssyncadd.s32 $0xFFFFF800  }
0x22: {  	[tilespmem:s25], [sflag:$0x5] =	stream.linear.gather [hbm4b:s13+s4], $0x2000, $0x38;
	[tilespmem:$0x1A800] =	vst v63  }
0x23: {  	s14 =	stileid.u32;
	_ =	swait.ge [sflag:s24], $0x2000  }
0x24: {  	s11 =	sshll.u32 s14, $0x6;
	[sflag:s24] =	ssyncset.done $0x0;
	s12 =	rddreg [dreg:$0x6]  }
0x25: {  	s11 =	sor.u32 $0x1C05, s11;
	[sflag:s24] =	ssyncadd.s32 $0xFFFFE000;
	s12 =	sshrl.u32 s12, $0x3  }
0x26: {  	[spmem:s12], [sflag:s11] =	dma.local [hbm:s6], $0x1000  }
0x27: {  	_ =	swait.ge [sflag:s24], $0x1000  }
0x28: {  	[sflag:s24] =	ssyncset.done $0x0;
	s13 =	rddreg [dreg:$0x7]  }
0x29: {  	[sflag:s24] =	ssyncadd.s32 $0xFFFFF000;
	s13 =	sshrl.u32 s13, $0x3  }
0x2a: {  	[spmem:s13], [sflag:s11] =	dma.local [hbm:s6], $0x1000  }
0x2b: {  	_ =	swait.ge [sflag:s24], $0x1000  }
0x2c: {  	[sflag:s24] =	ssyncset.done $0x0  }
0x2d: {  	[sflag:s24] =	ssyncadd.s32 $0xFFFFF000  }
0x2e: {  	[bflag:$0x0] =	sbarrier.arrive $0xFFFF  }
0x2f: {  	s14 =	rddreg [dreg:$0x8]  }
0x30: {  	[tilespmem:s26], [sflag:$0x1] =	stream.linear.gather [hbm4b:s14+s4], $0x2000, $0x38;
	[tilespmem:$0x1A800] =	vst v63  }
0x31: {  	s15 =	rddreg [dreg:$0x9]  }
0x32: {  	[tilespmem:s28], [sflag:$0x1] =	stream.linear.gather [hbm4b:s15+s4], $0x2000, $0x38;
	[tilespmem:$0x1A800] =	vst v63  }
0x33: {  	s17 =	rddreg [dreg:$0xa]  }
0x34: {  	[tilespmem:s29], [sflag:$0x2] =	stream.linear.gather [hbm4b:s17+s4], $0x2000, $0x38;
	[tilespmem:$0x1A800] =	vst v63  }
0x35: {  	s18 =	rddreg [dreg:$0xb]  }
0x36: {  	[tilespmem:s30], [sflag:$0x2] =	stream.linear.gather [hbm4b:s18+s4], $0x2000, $0x38;
	[tilespmem:$0x1A800] =	vst v63  }
0x37: {  	_ =	swait.ge [sflag:s31], $0x2000  }
0x38: {  	[sflag:s31] =	ssyncset.done $0x0  }
0x39: {  	[sflag:s31] =	ssyncadd.s32 $0xFFFFE000  }
0x3a: {  	_ =	swait.ge [sflag:s31], $0x2000  }
0x3b: {  	[sflag:s31] =	ssyncset.done $0x0  }
0x3c: {  	s23 =	simm.s32 $0x0;
	[sflag:s31] =	ssyncadd.s32 $0xFFFFE000  }
0x3d: {  	[spmem:s1] =	stream.indirect.scatter.add.f32 [tilespmem:s26], [sflag:$0x3], $0x80, s23, s0, $0xb8;
	[tilespmem:$0x1A800] =	vst v63  }
0x3e: {  	_ = 	snop  }
0x3f: {  	[spmem:s2] =	stream.indirect.scatter.add.f32 [tilespmem:s28], [sflag:$0x3], $0x80, s23, s0, $0xb8;
	[tilespmem:$0x1A800] =	vst v63  }
0x40: {  	_ =	swait.ge [sflag:s3], $0x2000  }
0x41: {  	[sflag:s3] =	ssyncset.done $0x0  }
0x42: {  	[sflag:s3] =	ssyncadd.s32 $0xFFFFE000  }
0x43: {  	_ =	swait.ge [sflag:s3], $0x2000  }
0x44: {  	[sflag:s3] =	ssyncset.done $0x0  }
0x45: {  	s15 =	simm.s32 $0x80;
	[sflag:s3] =	ssyncadd.s32 $0xFFFFE000  }
0x46: {  	[spmem:s1] =	stream.indirect.scatter.add.f32 [tilespmem:s29], [sflag:$0x4], $0x80, s15, s0, $0xb8;
	[tilespmem:$0x1A800] =	vst v63  }
0x47: {  	_ = 	snop  }
0x48: {  	[spmem:s2] =	stream.indirect.scatter.add.f32 [tilespmem:s30], [sflag:$0x4], $0x80, s15, s0, $0xb8;
	[tilespmem:$0x1A800] =	vst v63  }
0x49: {  	_ =	swait.ge [sflag:s5], $0x2000  }
0x4a: {  	[sflag:s5] =	ssyncset.done $0x0  }
0x4b: {  	[sflag:s5] =	ssyncadd.s32 $0xFFFFE000  }
0x4c: {  	_ =	swait.ge [sflag:s5], $0x2000  }
0x4d: {  	s17 =	sadd.s32 $0x0, s21;
	[sflag:s5] =	ssyncset.done $0x0  }
0x4e: {  	s23 =	sadd.s32 $0x0, s22;
	s15 =	sadd.s32 $0x800, s17;
	[sflag:s5] =	ssyncadd.s32 $0xFFFFE000  }
0x4f: {  	[tilespmem:s26], [sflag:$0x1] =	stream.linear.gather [hbm4b:s15+s4], $0x2000, $0x38;
	[tilespmem:$0x1A800] =	vst v63  }
0x50: {  	s18 =	sadd.s32 $0x800, s23  }
0x51: {  	[tilespmem:s28], [sflag:$0x1] =	stream.linear.gather [hbm4b:s18+s4], $0x2000, $0x38;
	[tilespmem:$0x1A800] =	vst v63  }
0x52: {  	_ =	swait.ge [sflag:s7], $0x2000  }
0x53: {  	[sflag:s7] =	ssyncset.done $0x0  }
0x54: {  	[sflag:s7] =	ssyncadd.s32 $0xFFFFE000  }
0x55: {  	_ =	swait.ge [sflag:s7], $0x2000  }
0x56: {  	[sflag:s7] =	ssyncset.done $0x0  }
0x57: {  	s14 =	sadd.s32 $0xC00, s17;
	[sflag:s7] =	ssyncadd.s32 $0xFFFFE000  }
0x58: {  	[tilespmem:s29], [sflag:$0x2] =	stream.linear.gather [hbm4b:s14+s4], $0x2000, $0x38;
	[tilespmem:$0x1A800] =	vst v63  }
0x59: {  	s23 =	sadd.s32 $0xC00, s23;
	s15 =	simm.s32 $0x180;
	s14 =	simm.s32 $0x800  }
.LBB2_2:
0x5a: {  	[tilespmem:s30], [sflag:$0x2] =	stream.linear.gather [hbm4b:s23+s4], $0x2000, $0x38;
	[tilespmem:$0x1A800] =	vst v63  }
0x5b: {  	s23 =	smov.u32 s14  }
0x5c: {  	p0 =	sne.s32 s14, $0x3000;
	s14 =	sadd.s32 $0x800, s14;
	_ =	swait.ge [sflag:s31], $0x2000  }
0x5d: {  	[sflag:s31] =	ssyncset.done $0x0  }
0x5e: {  	[sflag:s31] =	ssyncadd.s32 $0xFFFFE000  }
0x5f: {  	_ =	swait.ge [sflag:s31], $0x2000  }
0x60: {  	[sflag:s31] =	ssyncset.done $0x0  }
0x61: {  	s17 =	sadd.s32 $0xFFFFFF80, s15;
	[sflag:s31] =	ssyncadd.s32 $0xFFFFE000  }
0x62: {  	[spmem:s1] =	stream.indirect.scatter.add.f32 [tilespmem:s26], [sflag:$0x3], $0x80, s17, s0, $0xb8;
	[tilespmem:$0x1A800] =	vst v63  }
0x63: {  	_ = 	snop  }
0x64: {  	[spmem:s2] =	stream.indirect.scatter.add.f32 [tilespmem:s28], [sflag:$0x3], $0x80, s17, s0, $0xb8;
	[tilespmem:$0x1A800] =	vst v63  }
0x65: {  	_ =	swait.ge [sflag:s3], $0x2000  }
0x66: {  	[sflag:s3] =	ssyncset.done $0x0  }
0x67: {  	[sflag:s3] =	ssyncadd.s32 $0xFFFFE000  }
0x68: {  	_ =	swait.ge [sflag:s3], $0x2000  }
0x69: {  	[sflag:s3] =	ssyncset.done $0x0  }
0x6a: {  	[sflag:s3] =	ssyncadd.s32 $0xFFFFE000  }
0x6b: {  	[spmem:s1] =	stream.indirect.scatter.add.f32 [tilespmem:s29], [sflag:$0x4], $0x80, s15, s0, $0xb8;
	[tilespmem:$0x1A800] =	vst v63  }
0x6c: {  	_ = 	snop  }
0x6d: {  	[spmem:s2] =	stream.indirect.scatter.add.f32 [tilespmem:s30], [sflag:$0x4], $0x80, s15, s0, $0xb8;
	[tilespmem:$0x1A800] =	vst v63  }
0x6e: {  	_ =	swait.ge [sflag:s5], $0x2000  }
0x6f: {  	[sflag:s5] =	ssyncset.done $0x0  }
0x70: {  	[sflag:s5] =	ssyncadd.s32 $0xFFFFE000  }
0x71: {  	_ =	swait.ge [sflag:s5], $0x2000  }
0x72: {  	s17 =	sadd.s32 s23, s21;
	[sflag:s5] =	ssyncset.done $0x0  }
0x73: {  	s23 =	sadd.s32 s23, s22;
	s18 =	sadd.s32 $0x800, s17;
	[sflag:s5] =	ssyncadd.s32 $0xFFFFE000  }
0x74: {  	[tilespmem:s26], [sflag:$0x1] =	stream.linear.gather [hbm4b:s18+s4], $0x2000, $0x38;
	[tilespmem:$0x1A800] =	vst v63  }
0x75: {  	s18 =	sadd.s32 $0x800, s23  }
0x76: {  	[tilespmem:s28], [sflag:$0x1] =	stream.linear.gather [hbm4b:s18+s4], $0x2000, $0x38;
	[tilespmem:$0x1A800] =	vst v63  }
0x77: {  	_ =	swait.ge [sflag:s7], $0x2000  }
0x78: {  	[sflag:s7] =	ssyncset.done $0x0  }
0x79: {  	[sflag:s7] =	ssyncadd.s32 $0xFFFFE000  }
.Ltmp0:
0x7a: {  	_ =	swait.ge [sflag:s7], $0x2000;
	(pc) =	sbr.rel @p0 .LBB2_2-.Ltmp0, $4  }
0x7b: {  	[sflag:s7] =	ssyncset.done $0x0  }
0x7c: {  	s17 =	sadd.s32 $0xC00, s17;
	[sflag:s7] =	ssyncadd.s32 $0xFFFFE000  }
0x7d: {  	[tilespmem:s29], [sflag:$0x2] =	stream.linear.gather [hbm4b:s17+s4], $0x2000, $0x38;
	[tilespmem:$0x1A800] =	vst v63  }
0x7e: {  	s15 =	sadd.s32 $0x100, s15;
	s23 =	sadd.s32 $0xC00, s23  }
0x7f: {  	[tilespmem:s30], [sflag:$0x2] =	stream.linear.gather [hbm4b:s23+s4], $0x2000, $0x38;
	[tilespmem:$0x1A800] =	vst v63  }
0x80: {  	_ =	swait.ge [sflag:s31], $0x2000  }
0x81: {  	[sflag:s31] =	ssyncset.done $0x0  }
0x82: {  	[sflag:s31] =	ssyncadd.s32 $0xFFFFE000  }
0x83: {  	_ =	swait.ge [sflag:s31], $0x2000  }
0x84: {  	[sflag:s31] =	ssyncset.done $0x0  }
0x85: {  	[sflag:s31] =	ssyncadd.s32 $0xFFFFE000  }
0x86: {  	[spmem:s1] =	stream.indirect.scatter.add.f32 [tilespmem:s26], [sflag:$0x3], $0x80, s8, s0, $0xb8;
	[tilespmem:$0x1A800] =	vst v63  }
0x87: {  	_ = 	snop  }
0x88: {  	[spmem:s2] =	stream.indirect.scatter.add.f32 [tilespmem:s28], [sflag:$0x3], $0x80, s8, s0, $0xb8;
	[tilespmem:$0x1A800] =	vst v63  }
0x89: {  	_ =	swait.ge [sflag:s3], $0x2000  }
0x8a: {  	[sflag:s3] =	ssyncset.done $0x0  }
0x8b: {  	[sflag:s3] =	ssyncadd.s32 $0xFFFFE000  }
0x8c: {  	_ =	swait.ge [sflag:s3], $0x2000  }
0x8d: {  	[sflag:s3] =	ssyncset.done $0x0  }
0x8e: {  	[sflag:s3] =	ssyncadd.s32 $0xFFFFE000  }
0x8f: {  	[spmem:s1] =	stream.indirect.scatter.add.f32 [tilespmem:s29], [sflag:$0x4], $0x80, s9, s0, $0xb8;
	[tilespmem:$0x1A800] =	vst v63  }
0x90: {  	_ = 	snop  }
0x91: {  	[spmem:s2] =	stream.indirect.scatter.add.f32 [tilespmem:s30], [sflag:$0x4], $0x80, s9, s0, $0xb8;
	[tilespmem:$0x1A800] =	vst v63  }
0x92: {  	_ =	swait.ge [sflag:s5], $0x2000  }
0x93: {  	[sflag:s5] =	ssyncset.done $0x0  }
0x94: {  	[sflag:s5] =	ssyncadd.s32 $0xFFFFE000  }
0x95: {  	_ =	swait.ge [sflag:s5], $0x2000  }
0x96: {  	[sflag:s5] =	ssyncset.done $0x0  }
0x97: {  	[sflag:s5] =	ssyncadd.s32 $0xFFFFE000  }
0x98: {  	_ =	swait.ge [sflag:s7], $0x2000  }
0x99: {  	[sflag:s7] =	ssyncset.done $0x0  }
0x9a: {  	[sflag:s7] =	ssyncadd.s32 $0xFFFFE000  }
0x9b: {  	_ =	swait.ge [sflag:s7], $0x2000  }
0x9c: {  	[sflag:s7] =	ssyncset.done $0x0  }
0x9d: {  	[sflag:s7] =	ssyncadd.s32 $0xFFFFE000  }
0x9e: {  	[bflag:$0x0] =	sbarrier.arrive $0xFFFF  }
0x9f: {  	s14 =	rddreg [dreg:$0xc]  }
0xa0: {  	[hbm:s14], [sflag:s11] =	dma.local [spmem:s12], $0x1000  }
0xa1: {  	_ =	swait.ge [sflag:s24], $0x1000  }
0xa2: {  	[sflag:s24] =	ssyncset.done $0x0  }
0xa3: {  	s17 =	rddreg [dreg:$0xd];
	[sflag:s24] =	ssyncadd.s32 $0xFFFFF000  }
0xa4: {  	[hbm:s17], [sflag:s11] =	dma.local [spmem:s13], $0x1000  }
0xa5: {  	_ =	swait.ge [sflag:s24], $0x1000  }
0xa6: {  	[sflag:s24] =	ssyncset.done $0x0  }
0xa7: {  	[sflag:s24] =	ssyncadd.s32 $0xFFFFF000  }
0xa8: {  	[bflag:$0x0] =	sbarrier.arrive $0xFFFF  }
0xa9: {  	[spmem:s12], [sflag:s11] =	dma.local [hbm:s6], $0x1000  }
0xaa: {  	_ =	swait.ge [sflag:s24], $0x1000  }
0xab: {  	[sflag:s24] =	ssyncset.done $0x0  }
0xac: {  	[sflag:s24] =	ssyncadd.s32 $0xFFFFF000  }
0xad: {  	[spmem:s13], [sflag:s11] =	dma.local [hbm:s6], $0x1000  }
0xae: {  	_ =	swait.ge [sflag:s24], $0x1000  }
0xaf: {  	[sflag:s24] =	ssyncset.done $0x0  }
0xb0: {  	[sflag:s24] =	ssyncadd.s32 $0xFFFFF000  }
0xb1: {  	[bflag:$0x0] =	sbarrier.arrive $0xFFFF  }
0xb2: {  	s18 =	simm.s32 $0x0;
	s15 =	rddreg [dreg:$0xe]  }
0xb3: {  	[tilespmem:s26], [sflag:$0x1] =	stream.linear.gather [hbm4b:s15+s18], $0x2000, $0x38;
	[tilespmem:$0x1A800] =	vst v63  }
0xb4: {  	s23 =	rddreg [dreg:$0xf]  }
0xb5: {  	[tilespmem:s29], [sflag:$0x2] =	stream.linear.gather [hbm4b:s23+s18], $0x2000, $0x38;
	[tilespmem:$0x1A800] =	vst v63  }
0xb6: {  	_ =	swait.ge [sflag:s31], $0x2000  }
0xb7: {  	[sflag:s31] =	ssyncset.done $0x0  }
0xb8: {  	s17 =	simm.s32 $0x0;
	[sflag:s31] =	ssyncadd.s32 $0xFFFFE000  }
0xb9: {  	[spmem:s1] =	stream.indirect.scatter.add.f32 [tilespmem:s26], [sflag:$0x3], $0x80, s17, s0, $0xb8;
	[tilespmem:$0x1A800] =	vst v63  }
0xba: {  	_ = 	snop  }
0xbb: {  	[spmem:s2] =	stream.indirect.scatter.add.f32 [tilespmem:s25], [sflag:$0x3], $0x80, s17, s0, $0xb8;
	[tilespmem:$0x1A800] =	vst v63  }
0xbc: {  	_ =	swait.ge [sflag:s3], $0x2000  }
0xbd: {  	[sflag:s3] =	ssyncset.done $0x0  }
0xbe: {  	s18 =	simm.s32 $0x80;
	[sflag:s3] =	ssyncadd.s32 $0xFFFFE000  }
0xbf: {  	[spmem:s1] =	stream.indirect.scatter.add.f32 [tilespmem:s29], [sflag:$0x4], $0x80, s18, s0, $0xb8;
	[tilespmem:$0x1A800] =	vst v63  }
0xc0: {  	_ = 	snop  }
0xc1: {  	[spmem:s2] =	stream.indirect.scatter.add.f32 [tilespmem:s25], [sflag:$0x4], $0x80, s18, s0, $0xb8;
	[tilespmem:$0x1A800] =	vst v63  }
0xc2: {  	_ =	swait.ge [sflag:s5], $0x2000  }
0xc3: {  	[sflag:s5] =	ssyncset.done $0x0  }
0xc4: {  	[sflag:s5] =	ssyncadd.s32 $0xFFFFE000  }
0xc5: {  	_ =	swait.ge [sflag:s5], $0x2000  }
0xc6: {  	[sflag:s5] =	ssyncset.done $0x0  }
0xc7: {  	s23 =	sadd.s32 $0xFFFFFC00, s16;
	[sflag:s5] =	ssyncadd.s32 $0xFFFFE000  }
0xc8: {  	[tilespmem:s26], [sflag:$0x1] =	stream.linear.gather [hbm4b:s23+s4], $0x2000, $0x38;
	[tilespmem:$0x1A800] =	vst v63  }
0xc9: {  	_ =	swait.ge [sflag:s7], $0x2000  }
0xca: {  	[sflag:s7] =	ssyncset.done $0x0  }
0xcb: {  	[sflag:s7] =	ssyncadd.s32 $0xFFFFE000  }
0xcc: {  	_ =	swait.ge [sflag:s7], $0x2000  }
0xcd: {  	s14 =	simm.s32 $0x400;
	[sflag:s7] =	ssyncset.done $0x0  }
0xce: {  	s15 =	sadd.s32 $0x800, s16;
	s23 =	smov.u32 s16;
	[sflag:s7] =	ssyncadd.s32 $0xFFFFE000  }
.LBB2_4:
0xcf: {  	[tilespmem:s29], [sflag:$0x2] =	stream.linear.gather [hbm4b:s23+s4], $0x2000, $0x38;
	[tilespmem:$0x1A800] =	vst v63  }
0xd0: {  	s17 =	smov.u32 s14;
	s23 =	smov.u32 s15  }
0xd1: {  	p0 =	sne.s32 s14, $0x1800;
	s14 =	sadd.s32 $0x400, s14;
	_ =	swait.ge [sflag:s31], $0x2000  }
0xd2: {  	[sflag:s31] =	ssyncset.done $0x0  }
0xd3: {  	s17 =	sshra.s32 s17, $0x2;
	[sflag:s31] =	ssyncadd.s32 $0xFFFFE000  }
0xd4: {  	[spmem:s1] =	stream.indirect.scatter.add.f32 [tilespmem:s26], [sflag:$0x3], $0x80, s17, s0, $0xb8;
	[tilespmem:$0x1A800] =	vst v63  }
0xd5: {  	_ = 	snop  }
0xd6: {  	[spmem:s2] =	stream.indirect.scatter.add.f32 [tilespmem:s25], [sflag:$0x3], $0x80, s17, s0, $0xb8;
	[tilespmem:$0x1A800] =	vst v63  }
0xd7: {  	_ =	swait.ge [sflag:s3], $0x2000  }
0xd8: {  	[sflag:s3] =	ssyncset.done $0x0  }
0xd9: {  	s17 =	sadd.s32 $0x80, s17;
	[sflag:s3] =	ssyncadd.s32 $0xFFFFE000  }
0xda: {  	[spmem:s1] =	stream.indirect.scatter.add.f32 [tilespmem:s29], [sflag:$0x4], $0x80, s17, s0, $0xb8;
	[tilespmem:$0x1A800] =	vst v63  }
0xdb: {  	_ = 	snop  }
0xdc: {  	[spmem:s2] =	stream.indirect.scatter.add.f32 [tilespmem:s25], [sflag:$0x4], $0x80, s17, s0, $0xb8;
	[tilespmem:$0x1A800] =	vst v63  }
0xdd: {  	_ =	swait.ge [sflag:s5], $0x2000  }
0xde: {  	[sflag:s5] =	ssyncset.done $0x0  }
0xdf: {  	[sflag:s5] =	ssyncadd.s32 $0xFFFFE000  }
0xe0: {  	_ =	swait.ge [sflag:s5], $0x2000  }
0xe1: {  	[sflag:s5] =	ssyncset.done $0x0  }
0xe2: {  	s17 =	sadd.s32 $0xFFFFFC00, s15;
	[sflag:s5] =	ssyncadd.s32 $0xFFFFE000  }
0xe3: {  	[tilespmem:s26], [sflag:$0x1] =	stream.linear.gather [hbm4b:s17+s4], $0x2000, $0x38;
	[tilespmem:$0x1A800] =	vst v63  }
0xe4: {  	_ =	swait.ge [sflag:s7], $0x2000  }
.Ltmp1:
0xe5: {  	[sflag:s7] =	ssyncset.done $0x0;
	(pc) =	sbr.rel @p0 .LBB2_4-.Ltmp1, $4  }
0xe6: {  	[sflag:s7] =	ssyncadd.s32 $0xFFFFE000  }
0xe7: {  	_ =	swait.ge [sflag:s7], $0x2000  }
0xe8: {  	[sflag:s7] =	ssyncset.done $0x0  }
0xe9: {  	s15 =	sadd.s32 $0x800, s15;
	[sflag:s7] =	ssyncadd.s32 $0xFFFFE000  }
0xea: {  	[tilespmem:s29], [sflag:$0x2] =	stream.linear.gather [hbm4b:s23+s4], $0x2000, $0x38;
	[tilespmem:$0x1A800] =	vst v63  }
0xeb: {  	_ =	swait.ge [sflag:s31], $0x2000  }
0xec: {  	[sflag:s31] =	ssyncset.done $0x0  }
0xed: {  	[sflag:s31] =	ssyncadd.s32 $0xFFFFE000  }
0xee: {  	[spmem:s1] =	stream.indirect.scatter.add.f32 [tilespmem:s26], [sflag:$0x3], $0x80, s8, s0, $0xb8;
	[tilespmem:$0x1A800] =	vst v63  }
0xef: {  	_ = 	snop  }
0xf0: {  	[spmem:s2] =	stream.indirect.scatter.add.f32 [tilespmem:s25], [sflag:$0x3], $0x80, s8, s0, $0xb8;
	[tilespmem:$0x1A800] =	vst v63  }
0xf1: {  	_ =	swait.ge [sflag:s3], $0x2000  }
0xf2: {  	[sflag:s3] =	ssyncset.done $0x0  }
0xf3: {  	[sflag:s3] =	ssyncadd.s32 $0xFFFFE000  }
0xf4: {  	[spmem:s1] =	stream.indirect.scatter.add.f32 [tilespmem:s29], [sflag:$0x4], $0x80, s9, s0, $0xb8;
	[tilespmem:$0x1A800] =	vst v63  }
0xf5: {  	_ = 	snop  }
0xf6: {  	[spmem:s2] =	stream.indirect.scatter.add.f32 [tilespmem:s25], [sflag:$0x4], $0x80, s9, s0, $0xb8;
	[tilespmem:$0x1A800] =	vst v63  }
0xf7: {  	_ =	swait.ge [sflag:s5], $0x2000  }
0xf8: {  	[sflag:s5] =	ssyncset.done $0x0  }
0xf9: {  	[sflag:s5] =	ssyncadd.s32 $0xFFFFE000  }
0xfa: {  	_ =	swait.ge [sflag:s5], $0x2000  }
0xfb: {  	[sflag:s5] =	ssyncset.done $0x0  }
0xfc: {  	[sflag:s5] =	ssyncadd.s32 $0xFFFFE000  }
0xfd: {  	_ =	swait.ge [sflag:s7], $0x2000  }
0xfe: {  	[sflag:s7] =	ssyncset.done $0x0  }
0xff: {  	[sflag:s7] =	ssyncadd.s32 $0xFFFFE000  }
0x100: {  	_ =	swait.ge [sflag:s7], $0x2000  }
0x101: {  	[sflag:s7] =	ssyncset.done $0x0  }
0x102: {  	[sflag:s7] =	ssyncadd.s32 $0xFFFFE000  }
0x103: {  	[bflag:$0x0] =	sbarrier.arrive $0xFFFF  }
0x104: {  	s14 =	rddreg [dreg:$0x10]  }
0x105: {  	[hbm:s14], [sflag:s11] =	dma.local [spmem:s12], $0x1000  }
0x106: {  	_ =	swait.ge [sflag:s24], $0x1000  }
0x107: {  	s10 =	sadd.s32 $0x1, s10;
	[sflag:s24] =	ssyncset.done $0x0  }
0x108: {  	p0 =	sne.s32 s10, s20;
	[sflag:s24] =	ssyncadd.s32 $0xFFFFF000  }
0x109: {  	[hbm:s19], [sflag:s11] =	dma.local [spmem:s13], $0x1000  }
.Ltmp2:
0x10a: {  	_ =	swait.ge [sflag:s24], $0x1000;
	(pc) =	sbr.rel @p0 .LBB2_1-.Ltmp2, $3  }
0x10b: {  	[sflag:s24] =	ssyncset.done $0x0  }
0x10c: {  	[sflag:s24] =	ssyncadd.s32 $0xFFFFF000  }
0x10d: {  	[bflag:$0x0] =	sbarrier.arrive $0xFFFF;
	_ =	sdelay $0x1  }
0x10e: {  	_ =	sfence.sel $0x180000  }
0x10f: {  	[bflag:$0x0] =	sbarrier.arrive $0xFFFF  }
0x110: {  	_ =	strace $0x90000053  }
0x111: {  	s0 =	stileid.u32;
	[bflag:$0x2] =	sbarrier.arrive $0xFFFF  }
0x112: {  	p0 =	sne.s32 s0, $0x0;
	s0 =	rddreg [dreg:$0x3]  }
0x113: {  	s0 =	sadd.s32 @!p0 $0x100000, s0  }
0x114: {  	[sflag:s0] =	ssyncadd.tile.s32 @!p0 $0x1;
	_ =	shalt  }
.Lfunc_end2:
_tile_overlayer_lowered:
.L_overlay_start_2:
0x115: {  	(tag) =	ssettag $0x2  }
0x116: {  	s0 =	rddreg [dreg:$0x0];
	s2 =	stileid.u32  }
0x117: {  	s1 =	rddreg [dreg:$0x1];
	p0 =	sne.s32 s2, $0x0  }
0x118: {  	s3 =	rddreg [dreg:$0x2];
	[bflag:$0x3] =	sbarrier.arrive $0xFFFF;
	s2 =	simm.s32 @!p0 $0x1C05  }
0x119: {  	[timem:s3], [sflag:s2] =	dma.local @!p0 [hbm:s0], s1  }
0x11a: {  	s0 =	simm.s32 @!p0 $0x5  }
0x11b: {  	_ =	swait.ge @!p0 [sflag:s0], s1  }
0x11c: {  	s1 =	ssub.s32 @!p0 $0x0, s1;
	[sflag:s0] =	ssyncset.done @!p0 $0x0  }
0x11d: {  	[sflag:s0] =	ssyncadd.s32 @!p0 s1  }
0x11e: {  	[bflag:$0x3] =	sbarrier.arrive $0xFFFF  }
0x11f: {  	_ =	shalt  }

</sc_bundles>
